<compile_context>
chip_gen: v7x
topology: tpu7x:2x2x1
jax: 0.10.2.dev20260603
libtpu: 0.0.44.dev20260713+nightly
codegen_flags: <defaults>
</compile_context>

<pallas_src>
import functools
import math

import jax
import jax.numpy as jnp
import numpy as np
from jax import lax
from jax.experimental import pallas as pl
from jax.experimental.pallas import tpu as pltpu
from jax.experimental.pallas import tpu_sc as plsc

_N = 96
_F = 32
_K = 32
_CUTOFF = 15.0
_NP = _N * _N
_E = _N * (_N - 1)
_NSUB = 32
_APS = _N // _NSUB
_JB = _N // 16
_PR = _NP * _K // 128
_RPB = _N * _K // 128

_LOGBINOM = np.asarray(
    [
        math.lgamma(float(_K)) - math.lgamma(k + 1.0) - math.lgamma(float(_K) - k)
        for k in range(_K)
    ],
    dtype=np.float32,
)
_BINOM = [float(np.float32(np.exp(_LOGBINOM[k]))) for k in range(_K)]

_LN_CLIP_LO = float(np.log(1e-10))

_PPERM = np.zeros((_N, _N), np.float32)
for _jp in range(_N):
    _PPERM[_jp, 4 * (_jp % _RPB) + _jp // _RPB] = 1.0

def _pow_static(base_powers, n):
    acc = None
    for b in range(5):
        if n & (1 << b):
            acc = base_powers[b] if acc is None else acc * base_powers[b]
    return acc


def _sc_body(aux_hbm, basis_hbm, aux_v, buf0_v, buf1_v, sem0, sem1):
    i32 = jnp.int32
    f32 = jnp.float32
    wid = lax.axis_index("c") * 16 + lax.axis_index("s")

    pltpu.sync_copy(aux_hbm, aux_v)

    alpha = plsc.load_gather(aux_v, [jnp.full((16,), 3 * _N, i32)])

    c = 1.0 + jnp.exp(alpha)
    cb = plsc.bitcast(c, i32)
    e2 = ((lax.shift_right_logical(cb, 23) & 255) - 127).astype(f32)
    mant = plsc.bitcast((cb & 0x7FFFFF) | 0x3F800000, f32)
    y = 0.6931472 * e2 + 0.6931472 * (mant - 1.0)
    for _ in range(4):
        y = y - 1.0 + c * jnp.exp(-y)
    sa = jnp.where(alpha > 20.0, alpha, y)

    jiota = lax.broadcasted_iota(i32, (16,), 0)
    rowv = lax.shift_right_logical(jiota * _K, 7)
    colbase = (jiota * _K) & 127
    bufsems = ((buf0_v, sem0), (buf1_v, sem1))

    def _basis_tile(iv, rix, riy, riz, j0, buf):
        jv = jiota + j0
        jv3 = jv * 3
        dx = plsc.load_gather(aux_v, [jv3]) - rix
        dy = plsc.load_gather(aux_v, [jv3 + 1]) - riy
        dz = plsc.load_gather(aux_v, [jv3 + 2]) - riz
        d2 = dx * dx + dy * dy + dz * dz + 1e-12
        ib = 0x5F3759DF - lax.shift_right_logical(plsc.bitcast(d2, i32), 1)
        r = plsc.bitcast(ib, f32)
        for _ in range(3):
            r = r * (1.5 - 0.5 * d2 * r * r)
        d = d2 * r

        lex = jnp.maximum(-sa * d, _LN_CLIP_LO)
        ex = jnp.exp(lex)
        q = 1.0 - ex
        dd = d * d
        fin = (d < _CUTOFF) & (jv != iv)
        fc = jnp.where(fin, jnp.exp(-dd / (_CUTOFF * _CUTOFF - dd + 1e-9)), 0.0)

        ep = [ex]
        qp = [q]
        for _ in range(4):
            ep.append(ep[-1] * ep[-1])
            qp.append(qp[-1] * qp[-1])

        for k in range(_K):
            acc = fc * _BINOM[k]
            pe = _pow_static(ep, k)
            if pe is not None:
                acc = acc * pe
            pq = _pow_static(qp, _K - 1 - k)
            if pq is not None:
                acc = acc * pq
            plsc.store_scatter(buf, [rowv, colbase + k], acc)

    for a in range(_APS):
        i = wid * _APS + a
        i3 = jnp.broadcast_to(i * 3, (16,))
        iv = jnp.broadcast_to(i, (16,))
        rix = plsc.load_gather(aux_v, [i3])
        riy = plsc.load_gather(aux_v, [i3 + 1])
        riz = plsc.load_gather(aux_v, [i3 + 2])

        def hblk_body(h, _, _iv=iv, _rix=rix, _riy=riy, _riz=riz, _a=a, _i=i):
            for t, (buf, sem) in enumerate(bufsems):
                j0 = 32 * h + 16 * t
                if _a == 0:
                    @pl.when(h > 0)
                    def _wait_prev():
                        pltpu.make_async_copy(
                            buf, basis_hbm.at[pl.ds(0, 4)], sem
                        ).wait()
                else:
                    pltpu.make_async_copy(
                        buf, basis_hbm.at[pl.ds(0, 4)], sem
                    ).wait()
                _basis_tile(_iv, _rix, _riy, _riz, j0, buf)
                pltpu.async_copy(
                    buf, basis_hbm.at[pl.ds(_i * _RPB + 8 * h + 4 * t, 4)], sem
                )
            return 0

        lax.fori_loop(0, _JB // 2, hblk_body, 0)

    pltpu.make_async_copy(buf0_v, basis_hbm.at[pl.ds(0, 4)], sem0).wait()
    pltpu.make_async_copy(buf1_v, basis_hbm.at[pl.ds(0, 4)], sem1).wait()


def _blockdiag4(W):
    Wrow = jnp.concatenate([W, W, W, W], axis=1)
    Wbig = jnp.concatenate([Wrow, Wrow, Wrow, Wrow], axis=0)
    a = lax.broadcasted_iota(jnp.int32, (128, 128), 0)
    b = lax.broadcasted_iota(jnp.int32, (128, 128), 1)
    return jnp.where((a // 32) == (b // 32), Wbig, 0.0)


def _tc_body(basis_ref, Z_ref, emb_ref, Wrii_ref, Wrij_ref, W1_ref, W2_ref,
             Wp_ref, Pperm_ref, out_ref):
    f32 = jnp.float32
    basis2 = basis_ref[...]

    W4 = jnp.concatenate(
        [_blockdiag4(Wrii_ref[...]), _blockdiag4(Wrij_ref[...])], axis=1
    )
    g2cat = jnp.dot(basis2, W4, preferred_element_type=f32, precision=lax.Precision.HIGHEST)
    g_ii2 = g2cat[:, 0:128]
    g_ij2 = g2cat[:, 128:256]

    nz = emb_ref.shape[0]
    iotav = lax.broadcasted_iota(jnp.int32, (nz, _N), 0)
    onehotT = (jnp.broadcast_to(Z_ref[...][None, :], (nz, _N)) == iotav).astype(f32)
    x0 = lax.dot_general(
        onehotT, emb_ref[...], (((0,), (0,)), ((), ())),
        preferred_element_type=f32, precision=lax.Precision.HIGHEST,
    )

    Pperm = Pperm_ref[...]
    ri = lax.broadcasted_iota(jnp.int32, (_N, _PR), 0)
    rj = lax.broadcasted_iota(jnp.int32, (_N, _PR), 1)
    Rsel = ((rj >= ri * _RPB) & (rj < (ri + 1) * _RPB)).astype(f32)

    def seg_reduce(x, g2):
        xall = jnp.dot(Pperm, x, preferred_element_type=f32, precision=lax.Precision.HIGHEST)
        xperm = jnp.concatenate(
            [xall[0:24], xall[24:48], xall[48:72], xall[72:96]], axis=1
        )
        xt = jnp.broadcast_to(xperm[None], (_N, _RPB, 128)).reshape(_PR, 128)
        A1 = jnp.dot(Rsel, g2 * xt, preferred_element_type=f32, precision=lax.Precision.HIGHEST)
        return (A1[:, 0:32] + A1[:, 32:64]) + (A1[:, 64:96] + A1[:, 96:128])

    x1 = x0 + seg_reduce(x0, g_ij2)

    t = jnp.dot(x1, W1_ref[...], preferred_element_type=f32, precision=lax.Precision.HIGHEST)
    sw = t / (1.0 + jnp.exp(-t))
    x2 = x1 + jnp.dot(sw, W2_ref[...], preferred_element_type=f32, precision=lax.Precision.HIGHEST)

    out_ref[...] = jnp.dot(
        x2 * seg_reduce(x2, g_ii2), Wp_ref[...], preferred_element_type=f32
    )


@jax.jit
def kernel(R, Z, emb, alpha, W_rii, W_rij, W1, W2, Wp):
    f32 = jnp.float32
    aux = jnp.concatenate([
        jnp.ravel(R).astype(f32),
        jnp.asarray(alpha, f32).reshape(1),
        jnp.zeros((15,), f32),
    ])
    Zc = Z.astype(jnp.int32)

    mesh = plsc.VectorSubcoreMesh(
        core_axis_name="c", subcore_axis_name="s", num_cores=2, num_subcores=16
    )
    sc = functools.partial(
        pl.kernel,
        out_type=jax.ShapeDtypeStruct((_PR, 128), f32),
        mesh=mesh,
        compiler_params=pltpu.CompilerParams(
            needs_layout_passes=False, use_tc_tiling_on_sc=False
        ),
        scratch_types=[
            pltpu.VMEM((3 * _N + 16,), f32),
            pltpu.VMEM((4, 128), f32),
            pltpu.VMEM((4, 128), f32),
            pltpu.SemaphoreType.DMA,
            pltpu.SemaphoreType.DMA,
        ],
    )(_sc_body)
    basis2 = sc(aux)

    rows = pl.pallas_call(
        _tc_body,
        out_shape=jax.ShapeDtypeStruct((_N, _F), f32),
    )(basis2, Zc, emb, W_rii, W_rij, W1, W2, Wp, jnp.asarray(_PPERM))
    return jnp.broadcast_to(rows[:, None, :], (_N, _N - 1, _F)).reshape(_E, _F)

# --- scband reference (transcript-rebuilt; emitter-appended) ---
"""Pipeline reference for scband-neural-network-58188216926509 (READ-ONLY COPY).

The authoritative reference and input builder live on the scoring server;
editing this copy changes nothing except your own understanding.
"""

import jax, jax.numpy as jnp
import numpy as np
from jax.scipy.special import gammaln

N = 96
F = 32
K = 32
CUTOFF = 15.0
ZMAX = 87
E = N * (N - 1)

# dense pair indices (all i != j), same construction as the torch module buffers
_ii = np.repeat(np.arange(N), N)
_jj = np.tile(np.arange(N), N)
_m = _ii != _jj
IDX_I = jnp.asarray(_ii[_m])
IDX_J = jnp.asarray(_jj[_m])

# pair-of-pair indices: pairs sharing the same i but different j (idx_pi/idx_pj buffers)
P = N - 1
_blocks = np.arange(E).reshape(N, P)  # pairs are contiguous blocks per source atom i
_ai = np.broadcast_to(_blocks[:, :, None], (N, P, P))
_aj = np.broadcast_to(_blocks[:, None, :], (N, P, P))
_pm = np.broadcast_to(~np.eye(P, dtype=bool)[None], (N, P, P))
IDX_PI = jnp.asarray(_ai[_pm])
IDX_PJ = jnp.asarray(_aj[_pm])

_k = jnp.arange(K, dtype=jnp.float32)
LOGBINOM = gammaln(float(K)) - gammaln(_k + 1.0) - gammaln(float(K) - _k)


def _swish(v):
    return v * jax.nn.sigmoid(v)


def _exp_bernstein_rbf(d, alpha):
    ex = jnp.clip(jnp.exp(-jax.nn.softplus(alpha) * d), 1e-10, 1.0 - 1e-10)
    logex = jnp.log(ex)[:, None]
    log1mex = jnp.log1p(-ex)[:, None]
    basis = jnp.exp(LOGBINOM[None, :] + _k[None, :] * logex + (float(K) - 1.0 - _k)[None, :] * log1mex)
    fcut = jnp.where(d < CUTOFF, jnp.exp(-d * d / (CUTOFF * CUTOFF - d * d + 1e-9)), 0.0)
    return basis * fcut[:, None]


def setup_inputs(seed: int = 0):
    key = jax.random.key(seed)
    ks = jax.random.split(key, 8)
    R = jax.random.normal(ks[0], (N, 3), dtype=jnp.float32) * 5.0
    Z = jax.random.randint(ks[1], (N,), 1, ZMAX)
    emb = jax.random.normal(ks[2], (ZMAX, F), dtype=jnp.float32) * 0.1
    alpha = jnp.asarray(0.9473, dtype=jnp.float32)
    W_rii = jax.random.normal(ks[3], (K, F), dtype=jnp.float32) / np.sqrt(K)
    W_rij = jax.random.normal(ks[4], (K, F), dtype=jnp.float32) / np.sqrt(K)
    W1 = jax.random.normal(ks[5], (F, F), dtype=jnp.float32) / np.sqrt(F)
    W2 = jax.random.normal(ks[6], (F, F), dtype=jnp.float32) / np.sqrt(F)
    Wp = jax.random.normal(ks[7], (F, F), dtype=jnp.float32) / np.sqrt(F)
    return {"R": R, "Z": Z, "emb": emb, "alpha": alpha, "W_rii": W_rii, "W_rij": W_rij, "W1": W1, "W2": W2, "Wp": Wp}


def reference(R, Z, emb, alpha, W_rii, W_rij, W1, W2, Wp):
    # atomic embedding lookup (gather)
    x = jnp.take(emb, Z, axis=0)
    # pairwise displacements / distances (gather over dense pair list)
    rij = R[IDX_I] - R[IDX_J]
    d = jnp.sqrt(jnp.sum(rij * rij, axis=-1) + 1e-12)
    rbf = _exp_bernstein_rbf(d, alpha)
    g_ii = rbf @ W_rii  # radial_ii
    g_ij = rbf @ W_rij  # radial_ij
    # message passing: gather neighbor features, modulate, scatter-add to center atoms
    msg = jnp.take(x, IDX_J, axis=0) * g_ij
    agg = jax.ops.segment_sum(msg, IDX_I, num_segments=N)
    x = x + agg
    # residual block (swish)
    x = x + _swish(x @ W1) @ W2
    # pair (off-diagonal Hamiltonian block) features
    f_ij = jnp.take(x, IDX_I, axis=0) * jnp.take(x, IDX_J, axis=0) * g_ii
    # pair-of-pair mixing: 857,280-row gather + scatter-add (idx_pi/idx_pj)
    h = jax.ops.segment_sum(jnp.take(f_ij, IDX_PJ, axis=0), IDX_PI, num_segments=E)
    H = (f_ij + h) @ Wp
    return H

if __name__ == "__main__":
    import jax
    _d = setup_inputs()
    print(jax.jit(kernel)(*tuple(_d.values())))

</pallas_src>

<mosaic_0001>
#map = affine_map<(d0, d1) -> (0)>
#map1 = affine_map<(d0, d1) -> (0, 0)>
module attributes {stable_mosaic.version = 14 : i64} {
  func.func @_sc_body(%arg0: i32, %arg1: i32, %arg2: memref<304xf32, #tpu.memory_space<hbm>>, %arg3: memref<2304x128xf32, #tpu.memory_space<hbm>>, %arg4: memref<304xf32, #tpu.memory_space<vmem>>, %arg5: memref<4x128xf32, #tpu.memory_space<vmem>>, %arg6: memref<4x128xf32, #tpu.memory_space<vmem>>, %arg7: memref<!tpu.dma_semaphore, #tpu.memory_space<semaphore_mem>>, %arg8: memref<!tpu.dma_semaphore, #tpu.memory_space<semaphore_mem>>) attributes {dimension_semantics = [#tpu.dimension_semantics<core_parallel>, #tpu.dimension_semantics<subcore_parallel>], iteration_bounds = array<i64: 2, 16>, scalar_prefetch = 0 : i64, scratch_operands = 5 : i64, tpu.core_type = #tpu.core_type<sc_vector_subcore>, window_params = [{transform_indices = #map}, {transform_indices = #map1}]} {
    %mul3A = arith.constant 16 : i32
    %mul3A_0 = arith.muli %arg0, %mul3A : i32
    %add3A = arith.addi %mul3A_0, %arg1 : i32
    "tpu.region"() ({
      %run_scoped3A = tpu.sem_alloc : memref<!tpu.dma_semaphore, #tpu.memory_space<semaphore_mem>>
      tpu.enqueue_dma source(%arg2 : memref<304xf32, #tpu.memory_space<hbm>>) target(%arg4 : memref<304xf32, #tpu.memory_space<vmem>>) target_semaphore(%run_scoped3A : memref<!tpu.dma_semaphore, #tpu.memory_space<semaphore_mem>>)
      tpu.wait_dma2 semaphore(%run_scoped3A : memref<!tpu.dma_semaphore, #tpu.memory_space<semaphore_mem>>) src(%arg2 : memref<304xf32, #tpu.memory_space<hbm>>) dst(%arg4 : memref<304xf32, #tpu.memory_space<vmem>>)
      tpu.yield
    }) : () -> ()
    %broadcast_in_dim3A = arith.constant 288 : i32
    %broadcast_in_dim3A_1 = vector.broadcast %broadcast_in_dim3A : i32 to vector<16xi32>
    %gather3A = tpu.vector_load_idx %arg4[%broadcast_in_dim3A_1] : memref<304xf32, #tpu.memory_space<vmem>>[vector<16xi32>], vector<16xf32>,
    %exp3A = math.exp %gather3A : vector<16xf32>
    %add3A_2 = arith.constant 1.000000e+00 : f32
    %add3A_3 = vector.broadcast %add3A_2 : f32 to vector<16xf32>
    %add3A_4 = arith.addf %add3A_3, %exp3A : vector<16xf32>
    %bitcast3A = vector.bitcast %add3A_4 : vector<16xf32> to vector<16xi32>
    %shift_right_logical3A = arith.constant 23 : i32
    %shift_right_logical3A_5 = vector.broadcast %shift_right_logical3A : i32 to vector<16xi32>
    %shift_right_logical3A_6 = arith.shrui %bitcast3A, %shift_right_logical3A_5 : vector<16xi32>
    %and3A = arith.constant 255 : i32
    %and3A_7 = vector.broadcast %and3A : i32 to vector<16xi32>
    %and3A_8 = arith.andi %shift_right_logical3A_6, %and3A_7 : vector<16xi32>
    %sub3A = arith.constant 127 : i32
    %sub3A_9 = vector.broadcast %sub3A : i32 to vector<16xi32>
    %sub3A_10 = arith.subi %and3A_8, %sub3A_9 : vector<16xi32>
    %convert_element_type3A = arith.sitofp %sub3A_10 : vector<16xi32> to vector<16xf32>
    %and3A_11 = arith.constant 8388607 : i32
    %and3A_12 = vector.broadcast %and3A_11 : i32 to vector<16xi32>
    %and3A_13 = arith.andi %bitcast3A, %and3A_12 : vector<16xi32>
    %or3A = arith.constant 1065353216 : i32
    %or3A_14 = vector.broadcast %or3A : i32 to vector<16xi32>
    %or3A_15 = arith.ori %and3A_13, %or3A_14 : vector<16xi32>
    %bitcast3A_16 = vector.bitcast %or3A_15 : vector<16xi32> to vector<16xf32>
    %mul3A_17 = arith.constant 0.693147182 : f32
    %mul3A_18 = vector.broadcast %mul3A_17 : f32 to vector<16xf32>
    %mul3A_19 = arith.mulf %mul3A_18, %convert_element_type3A : vector<16xf32>
    %sub3A_20 = arith.constant 1.000000e+00 : f32
    %sub3A_21 = vector.broadcast %sub3A_20 : f32 to vector<16xf32>
    %sub3A_22 = arith.subf %bitcast3A_16, %sub3A_21 : vector<16xf32>
    %mul3A_23 = arith.constant 0.693147182 : f32
    %mul3A_24 = vector.broadcast %mul3A_23 : f32 to vector<16xf32>
    %mul3A_25 = arith.mulf %mul3A_24, %sub3A_22 : vector<16xf32>
    %add3A_26 = arith.addf %mul3A_19, %mul3A_25 : vector<16xf32>
    %sub3A_27 = arith.constant 1.000000e+00 : f32
    %sub3A_28 = vector.broadcast %sub3A_27 : f32 to vector<16xf32>
    %sub3A_29 = arith.subf %add3A_26, %sub3A_28 : vector<16xf32>
    %neg3A = arith.constant 0.000000e+00 : f32
    %neg3A_30 = vector.broadcast %neg3A : f32 to vector<16xf32>
    %neg3A_31 = arith.subf %neg3A_30, %add3A_26 : vector<16xf32>
    %exp3A_32 = math.exp %neg3A_31 : vector<16xf32>
    %mul3A_33 = arith.mulf %add3A_4, %exp3A_32 : vector<16xf32>
    %add3A_34 = arith.addf %sub3A_29, %mul3A_33 : vector<16xf32>
    %sub3A_35 = arith.constant 1.000000e+00 : f32
    %sub3A_36 = vector.broadcast %sub3A_35 : f32 to vector<16xf32>
    %sub3A_37 = arith.subf %add3A_34, %sub3A_36 : vector<16xf32>
    %neg3A_38 = arith.constant 0.000000e+00 : f32
    %neg3A_39 = vector.broadcast %neg3A_38 : f32 to vector<16xf32>
    %neg3A_40 = arith.subf %neg3A_39, %add3A_34 : vector<16xf32>
    %exp3A_41 = math.exp %neg3A_40 : vector<16xf32>
    %mul3A_42 = arith.mulf %add3A_4, %exp3A_41 : vector<16xf32>
    %add3A_43 = arith.addf %sub3A_37, %mul3A_42 : vector<16xf32>
    %sub3A_44 = arith.constant 1.000000e+00 : f32
    %sub3A_45 = vector.broadcast %sub3A_44 : f32 to vector<16xf32>
    %sub3A_46 = arith.subf %add3A_43, %sub3A_45 : vector<16xf32>
    %neg3A_47 = arith.constant 0.000000e+00 : f32
    %neg3A_48 = vector.broadcast %neg3A_47 : f32 to vector<16xf32>
    %neg3A_49 = arith.subf %neg3A_48, %add3A_43 : vector<16xf32>
    %exp3A_50 = math.exp %neg3A_49 : vector<16xf32>
    %mul3A_51 = arith.mulf %add3A_4, %exp3A_50 : vector<16xf32>
    %add3A_52 = arith.addf %sub3A_46, %mul3A_51 : vector<16xf32>
    %sub3A_53 = arith.constant 1.000000e+00 : f32
    %sub3A_54 = vector.broadcast %sub3A_53 : f32 to vector<16xf32>
    %sub3A_55 = arith.subf %add3A_52, %sub3A_54 : vector<16xf32>
    %neg3A_56 = arith.constant 0.000000e+00 : f32
    %neg3A_57 = vector.broadcast %neg3A_56 : f32 to vector<16xf32>
    %neg3A_58 = arith.subf %neg3A_57, %add3A_52 : vector<16xf32>
    %exp3A_59 = math.exp %neg3A_58 : vector<16xf32>
    %mul3A_60 = arith.mulf %add3A_4, %exp3A_59 : vector<16xf32>
    %add3A_61 = arith.addf %sub3A_55, %mul3A_60 : vector<16xf32>
    %gt3A = arith.constant 2.000000e+01 : f32
    %gt3A_62 = vector.broadcast %gt3A : f32 to vector<16xf32>
    %gt3A_63 = arith.cmpf ogt, %gather3A, %gt3A_62 : vector<16xf32>
    %select_n3A = arith.select %gt3A_63, %gather3A, %add3A_61 : vector<16xi1>, vector<16xf32>
    %iota3A = tpu.iota {dimensions = array<i32: 0>} : vector<16xi32>
    %mul3A_64 = arith.constant 32 : i32
    %mul3A_65 = vector.broadcast %mul3A_64 : i32 to vector<16xi32>
    %mul3A_66 = arith.muli %iota3A, %mul3A_65 : vector<16xi32>
    %shift_right_logical3A_67 = arith.constant 7 : i32
    %shift_right_logical3A_68 = vector.broadcast %shift_right_logical3A_67 : i32 to vector<16xi32>
    %shift_right_logical3A_69 = arith.shrui %mul3A_66, %shift_right_logical3A_68 : vector<16xi32>
    %mul3A_70 = arith.constant 32 : i32
    %mul3A_71 = vector.broadcast %mul3A_70 : i32 to vector<16xi32>
    %mul3A_72 = arith.muli %iota3A, %mul3A_71 : vector<16xi32>
    %and3A_73 = arith.constant 127 : i32
    %and3A_74 = vector.broadcast %and3A_73 : i32 to vector<16xi32>
    %and3A_75 = arith.andi %mul3A_72, %and3A_74 : vector<16xi32>
    %mul3A_76 = arith.constant 3 : i32
    %mul3A_77 = arith.muli %add3A, %mul3A_76 : i32
    %add3A_78 = arith.constant 0 : i32
    %add3A_79 = arith.addi %mul3A_77, %add3A_78 : i32
    %mul3A_80 = arith.constant 3 : i32
    %mul3A_81 = arith.muli %add3A_79, %mul3A_80 : i32
    %broadcast_in_dim3A_82 = vector.broadcast %mul3A_81 : i32 to vector<16xi32>
    %broadcast_in_dim3A_83 = vector.broadcast %add3A_79 : i32 to vector<16xi32>
    %gather3A_84 = tpu.vector_load_idx %arg4[%broadcast_in_dim3A_82] : memref<304xf32, #tpu.memory_space<vmem>>[vector<16xi32>], vector<16xf32>,
    %add3A_85 = arith.constant 1 : i32
    %add3A_86 = vector.broadcast %add3A_85 : i32 to vector<16xi32>
    %add3A_87 = arith.addi %broadcast_in_dim3A_82, %add3A_86 : vector<16xi32>
    %gather3A_88 = tpu.vector_load_idx %arg4[%add3A_87] : memref<304xf32, #tpu.memory_space<vmem>>[vector<16xi32>], vector<16xf32>,
    %add3A_89 = arith.constant 2 : i32
    %add3A_90 = vector.broadcast %add3A_89 : i32 to vector<16xi32>
    %add3A_91 = arith.addi %broadcast_in_dim3A_82, %add3A_90 : vector<16xi32>
    %gather3A_92 = tpu.vector_load_idx %arg4[%add3A_91] : memref<304xf32, #tpu.memory_space<vmem>>[vector<16xi32>], vector<16xf32>,
    %scan3A = arith.constant 0 : i32
    %scan3A_93 = arith.constant 0 : i32
    %scan3A_94 = arith.constant 3 : i32
    %scan3A_95 = arith.addi %scan3A_93, %scan3A_94 : i32
    %scan3A_96 = arith.constant 1 : i32
    %scan3A_97 = scf.for %scan3A_158 = %scan3A_93 to %scan3A_95 step %scan3A_96 iter_args(%scan3A_159 = %scan3A) -> (i32)  : i32 {
      %mul3A_160 = arith.constant 32 : i32
      %mul3A_161 = arith.muli %mul3A_160, %scan3A_158 : i32
      %add3A_162 = arith.constant 0 : i32
      %add3A_163 = arith.addi %mul3A_161, %add3A_162 : i32
      %gt3A_164 = arith.constant 0 : i32
      %gt3A_165 = arith.cmpi sgt, %scan3A_158, %gt3A_164 : i32
      %convert_element_type3A_166 = arith.extui %gt3A_165 : i1 to i32
      %cond3A = arith.constant 0 : i32
      %cond3A_167 = arith.cmpi ne, %convert_element_type3A_166, %cond3A : i32
      scf.if %cond3A_167 {
        %dma_wait3A_1098 = arith.constant 0 : i32
        %dma_wait3A_1099 = arith.constant 0 : i32
        %dma_wait3A_1100 = tpu.memref_slice %arg3[%dma_wait3A_1098, %dma_wait3A_1099] : memref<2304x128xf32, #tpu.memory_space<hbm>> -> memref<4x128xf32, #tpu.memory_space<hbm>>
        %dma_wait3A_1101 = arith.constant 0 : i32
        %dma_wait3A_1102 = arith.constant 0 : i32
        %dma_wait3A_1103 = tpu.memref_slice %arg3[%dma_wait3A_1101, %dma_wait3A_1102] : memref<2304x128xf32, #tpu.memory_space<hbm>> -> memref<4x128xf32, #tpu.memory_space<hbm>>
        tpu.wait_dma2 semaphore(%arg7 : memref<!tpu.dma_semaphore, #tpu.memory_space<semaphore_mem>>) src(%arg5 : memref<4x128xf32, #tpu.memory_space<vmem>>) dst(%dma_wait3A_1103 : memref<4x128xf32, #tpu.memory_space<hbm>>)
      } else {
      }
      %add3A_168 = vector.broadcast %add3A_163 : i32 to vector<16xi32>
      %add3A_169 = arith.addi %iota3A, %add3A_168 : vector<16xi32>
      %mul3A_170 = arith.constant 3 : i32
      %mul3A_171 = vector.broadcast %mul3A_170 : i32 to vector<16xi32>
      %mul3A_172 = arith.muli %add3A_169, %mul3A_171 : vector<16xi32>
      %gather3A_173 = tpu.vector_load_idx %arg4[%mul3A_172] : memref<304xf32, #tpu.memory_space<vmem>>[vector<16xi32>], vector<16xf32>,
      %sub3A_174 = arith.subf %gather3A_173, %gather3A_84 : vector<16xf32>
      %add3A_175 = arith.constant 1 : i32
      %add3A_176 = vector.broadcast %add3A_175 : i32 to vector<16xi32>
      %add3A_177 = arith.addi %mul3A_172, %add3A_176 : vector<16xi32>
      %gather3A_178 = tpu.vector_load_idx %arg4[%add3A_177] : memref<304xf32, #tpu.memory_space<vmem>>[vector<16xi32>], vector<16xf32>,
      %sub3A_179 = arith.subf %gather3A_178, %gather3A_88 : vector<16xf32>
      %add3A_180 = arith.constant 2 : i32
      %add3A_181 = vector.broadcast %add3A_180 : i32 to vector<16xi32>
      %add3A_182 = arith.addi %mul3A_172, %add3A_181 : vector<16xi32>
      %gather3A_183 = tpu.vector_load_idx %arg4[%add3A_182] : memref<304xf32, #tpu.memory_space<vmem>>[vector<16xi32>], vector<16xf32>,
      %sub3A_184 = arith.subf %gather3A_183, %gather3A_92 : vector<16xf32>
      %mul3A_185 = arith.mulf %sub3A_174, %sub3A_174 : vector<16xf32>
      %mul3A_186 = arith.mulf %sub3A_179, %sub3A_179 : vector<16xf32>
      %add3A_187 = arith.addf %mul3A_185, %mul3A_186 : vector<16xf32>
      %mul3A_188 = arith.mulf %sub3A_184, %sub3A_184 : vector<16xf32>
      %add3A_189 = arith.addf %add3A_187, %mul3A_188 : vector<16xf32>
      %add3A_190 = arith.constant 9.99999996E-13 : f32
      %add3A_191 = vector.broadcast %add3A_190 : f32 to vector<16xf32>
      %add3A_192 = arith.addf %add3A_189, %add3A_191 : vector<16xf32>
      %bitcast3A_193 = vector.bitcast %add3A_192 : vector<16xf32> to vector<16xi32>
      %shift_right_logical3A_194 = arith.constant 1 : i32
      %shift_right_logical3A_195 = vector.broadcast %shift_right_logical3A_194 : i32 to vector<16xi32>
      %shift_right_logical3A_196 = arith.shrui %bitcast3A_193, %shift_right_logical3A_195 : vector<16xi32>
      %sub3A_197 = arith.constant 1597463007 : i32
      %sub3A_198 = vector.broadcast %sub3A_197 : i32 to vector<16xi32>
      %sub3A_199 = arith.subi %sub3A_198, %shift_right_logical3A_196 : vector<16xi32>
      %bitcast3A_200 = vector.bitcast %sub3A_199 : vector<16xi32> to vector<16xf32>
      %mul3A_201 = arith.constant 5.000000e-01 : f32
      %mul3A_202 = vector.broadcast %mul3A_201 : f32 to vector<16xf32>
      %mul3A_203 = arith.mulf %mul3A_202, %add3A_192 : vector<16xf32>
      %mul3A_204 = arith.mulf %mul3A_203, %bitcast3A_200 : vector<16xf32>
      %mul3A_205 = arith.mulf %mul3A_204, %bitcast3A_200 : vector<16xf32>
      %sub3A_206 = arith.constant 1.500000e+00 : f32
      %sub3A_207 = vector.broadcast %sub3A_206 : f32 to vector<16xf32>
      %sub3A_208 = arith.subf %sub3A_207, %mul3A_205 : vector<16xf32>
      %mul3A_209 = arith.mulf %bitcast3A_200, %sub3A_208 : vector<16xf32>
      %mul3A_210 = arith.constant 5.000000e-01 : f32
      %mul3A_211 = vector.broadcast %mul3A_210 : f32 to vector<16xf32>
      %mul3A_212 = arith.mulf %mul3A_211, %add3A_192 : vector<16xf32>
      %mul3A_213 = arith.mulf %mul3A_212, %mul3A_209 : vector<16xf32>
      %mul3A_214 = arith.mulf %mul3A_213, %mul3A_209 : vector<16xf32>
      %sub3A_215 = arith.constant 1.500000e+00 : f32
      %sub3A_216 = vector.broadcast %sub3A_215 : f32 to vector<16xf32>
      %sub3A_217 = arith.subf %sub3A_216, %mul3A_214 : vector<16xf32>
      %mul3A_218 = arith.mulf %mul3A_209, %sub3A_217 : vector<16xf32>
      %mul3A_219 = arith.constant 5.000000e-01 : f32
      %mul3A_220 = vector.broadcast %mul3A_219 : f32 to vector<16xf32>
      %mul3A_221 = arith.mulf %mul3A_220, %add3A_192 : vector<16xf32>
      %mul3A_222 = arith.mulf %mul3A_221, %mul3A_218 : vector<16xf32>
      %mul3A_223 = arith.mulf %mul3A_222, %mul3A_218 : vector<16xf32>
      %sub3A_224 = arith.constant 1.500000e+00 : f32
      %sub3A_225 = vector.broadcast %sub3A_224 : f32 to vector<16xf32>
      %sub3A_226 = arith.subf %sub3A_225, %mul3A_223 : vector<16xf32>
      %mul3A_227 = arith.mulf %mul3A_218, %sub3A_226 : vector<16xf32>
      %mul3A_228 = arith.mulf %add3A_192, %mul3A_227 : vector<16xf32>
      %neg3A_229 = arith.constant 0.000000e+00 : f32
      %neg3A_230 = vector.broadcast %neg3A_229 : f32 to vector<16xf32>
      %neg3A_231 = arith.subf %neg3A_230, %select_n3A : vector<16xf32>
      %mul3A_232 = arith.mulf %neg3A_231, %mul3A_228 : vector<16xf32>
      %max3A = arith.constant -23.0258503 : f32
      %max3A_233 = vector.broadcast %max3A : f32 to vector<16xf32>
      %max3A_234 = arith.maximumf %mul3A_232, %max3A_233 : vector<16xf32>
      %exp3A_235 = math.exp %max3A_234 : vector<16xf32>
      %sub3A_236 = arith.constant 1.000000e+00 : f32
      %sub3A_237 = vector.broadcast %sub3A_236 : f32 to vector<16xf32>
      %sub3A_238 = arith.subf %sub3A_237, %exp3A_235 : vector<16xf32>
      %mul3A_239 = arith.mulf %mul3A_228, %mul3A_228 : vector<16xf32>
      %lt3A = arith.constant 1.500000e+01 : f32
      %lt3A_240 = vector.broadcast %lt3A : f32 to vector<16xf32>
      %lt3A_241 = arith.cmpf olt, %mul3A_228, %lt3A_240 : vector<16xf32>
      %ne3A = arith.cmpi ne, %add3A_169, %broadcast_in_dim3A_83 : vector<16xi32>
      %and3A_242 = arith.andi %lt3A_241, %ne3A : vector<16xi1>
      %neg3A_243 = arith.constant 0.000000e+00 : f32
      %neg3A_244 = vector.broadcast %neg3A_243 : f32 to vector<16xf32>
      %neg3A_245 = arith.subf %neg3A_244, %mul3A_239 : vector<16xf32>
      %sub3A_246 = arith.constant 2.250000e+02 : f32
      %sub3A_247 = vector.broadcast %sub3A_246 : f32 to vector<16xf32>
      %sub3A_248 = arith.subf %sub3A_247, %mul3A_239 : vector<16xf32>
      %add3A_249 = arith.constant 9.99999971E-10 : f32
      %add3A_250 = vector.broadcast %add3A_249 : f32 to vector<16xf32>
      %add3A_251 = arith.addf %sub3A_248, %add3A_250 : vector<16xf32>
      %div3A = arith.divf %neg3A_245, %add3A_251 : vector<16xf32>
      %exp3A_252 = math.exp %div3A : vector<16xf32>
      %jit3A = arith.constant 0.000000e+00 : f32
      %broadcast_in_dim3A_253 = vector.broadcast %jit3A : f32 to vector<16xf32>
      %select_n3A_254 = arith.select %and3A_242, %exp3A_252, %broadcast_in_dim3A_253 : vector<16xi1>, vector<16xf32>
      %mul3A_255 = arith.mulf %exp3A_235, %exp3A_235 : vector<16xf32>
      %mul3A_256 = arith.mulf %sub3A_238, %sub3A_238 : vector<16xf32>
      %mul3A_257 = arith.mulf %mul3A_255, %mul3A_255 : vector<16xf32>
      %mul3A_258 = arith.mulf %mul3A_256, %mul3A_256 : vector<16xf32>
      %mul3A_259 = arith.mulf %mul3A_257, %mul3A_257 : vector<16xf32>
      %mul3A_260 = arith.mulf %mul3A_258, %mul3A_258 : vector<16xf32>
      %mul3A_261 = arith.mulf %mul3A_259, %mul3A_259 : vector<16xf32>
      %mul3A_262 = arith.mulf %mul3A_260, %mul3A_260 : vector<16xf32>
      %mul3A_263 = arith.constant 1.000000e+00 : f32
      %mul3A_264 = vector.broadcast %mul3A_263 : f32 to vector<16xf32>
      %mul3A_265 = arith.mulf %select_n3A_254, %mul3A_264 : vector<16xf32>
      %mul3A_266 = arith.mulf %sub3A_238, %mul3A_256 : vector<16xf32>
      %mul3A_267 = arith.mulf %mul3A_266, %mul3A_258 : vector<16xf32>
      %mul3A_268 = arith.mulf %mul3A_267, %mul3A_260 : vector<16xf32>
      %mul3A_269 = arith.mulf %mul3A_268, %mul3A_262 : vector<16xf32>
      %mul3A_270 = arith.mulf %mul3A_265, %mul3A_269 : vector<16xf32>
      %add3A_271 = arith.constant 0 : i32
      %add3A_272 = vector.broadcast %add3A_271 : i32 to vector<16xi32>
      %add3A_273 = arith.addi %and3A_75, %add3A_272 : vector<16xi32>
      tpu.vector_store_idx %arg5[%shift_right_logical3A_69, %add3A_273], %mul3A_270 : memref<4x128xf32, #tpu.memory_space<vmem>>[vector<16xi32>, vector<16xi32>], vector<16xf32>,
      %mul3A_274 = arith.constant 30.9999962 : f32
      %mul3A_275 = vector.broadcast %mul3A_274 : f32 to vector<16xf32>
      %mul3A_276 = arith.mulf %select_n3A_254, %mul3A_275 : vector<16xf32>
      %mul3A_277 = arith.mulf %mul3A_276, %exp3A_235 : vector<16xf32>
      %mul3A_278 = arith.mulf %mul3A_256, %mul3A_258 : vector<16xf32>
      %mul3A_279 = arith.mulf %mul3A_278, %mul3A_260 : vector<16xf32>
      %mul3A_280 = arith.mulf %mul3A_279, %mul3A_262 : vector<16xf32>
      %mul3A_281 = arith.mulf %mul3A_277, %mul3A_280 : vector<16xf32>
      %add3A_282 = arith.constant 1 : i32
      %add3A_283 = vector.broadcast %add3A_282 : i32 to vector<16xi32>
      %add3A_284 = arith.addi %and3A_75, %add3A_283 : vector<16xi32>
      tpu.vector_store_idx %arg5[%shift_right_logical3A_69, %add3A_284], %mul3A_281 : memref<4x128xf32, #tpu.memory_space<vmem>>[vector<16xi32>, vector<16xi32>], vector<16xf32>,
      %mul3A_285 = arith.constant 4.650000e+02 : f32
      %mul3A_286 = vector.broadcast %mul3A_285 : f32 to vector<16xf32>
      %mul3A_287 = arith.mulf %select_n3A_254, %mul3A_286 : vector<16xf32>
      %mul3A_288 = arith.mulf %mul3A_287, %mul3A_255 : vector<16xf32>
      %mul3A_289 = arith.mulf %sub3A_238, %mul3A_258 : vector<16xf32>
      %mul3A_290 = arith.mulf %mul3A_289, %mul3A_260 : vector<16xf32>
      %mul3A_291 = arith.mulf %mul3A_290, %mul3A_262 : vector<16xf32>
      %mul3A_292 = arith.mulf %mul3A_288, %mul3A_291 : vector<16xf32>
      %add3A_293 = arith.constant 2 : i32
      %add3A_294 = vector.broadcast %add3A_293 : i32 to vector<16xi32>
      %add3A_295 = arith.addi %and3A_75, %add3A_294 : vector<16xi32>
      tpu.vector_store_idx %arg5[%shift_right_logical3A_69, %add3A_295], %mul3A_292 : memref<4x128xf32, #tpu.memory_space<vmem>>[vector<16xi32>, vector<16xi32>], vector<16xf32>,
      %mul3A_296 = arith.constant 4494.99951 : f32
      %mul3A_297 = vector.broadcast %mul3A_296 : f32 to vector<16xf32>
      %mul3A_298 = arith.mulf %select_n3A_254, %mul3A_297 : vector<16xf32>
      %mul3A_299 = arith.mulf %exp3A_235, %mul3A_255 : vector<16xf32>
      %mul3A_300 = arith.mulf %mul3A_298, %mul3A_299 : vector<16xf32>
      %mul3A_301 = arith.mulf %mul3A_258, %mul3A_260 : vector<16xf32>
      %mul3A_302 = arith.mulf %mul3A_301, %mul3A_262 : vector<16xf32>
      %mul3A_303 = arith.mulf %mul3A_300, %mul3A_302 : vector<16xf32>
      %add3A_304 = arith.constant 3 : i32
      %add3A_305 = vector.broadcast %add3A_304 : i32 to vector<16xi32>
      %add3A_306 = arith.addi %and3A_75, %add3A_305 : vector<16xi32>
      tpu.vector_store_idx %arg5[%shift_right_logical3A_69, %add3A_306], %mul3A_303 : memref<4x128xf32, #tpu.memory_space<vmem>>[vector<16xi32>, vector<16xi32>], vector<16xf32>,
      %mul3A_307 = arith.constant 31465.0039 : f32
      %mul3A_308 = vector.broadcast %mul3A_307 : f32 to vector<16xf32>
      %mul3A_309 = arith.mulf %select_n3A_254, %mul3A_308 : vector<16xf32>
      %mul3A_310 = arith.mulf %mul3A_309, %mul3A_257 : vector<16xf32>
      %mul3A_311 = arith.mulf %sub3A_238, %mul3A_256 : vector<16xf32>
      %mul3A_312 = arith.mulf %mul3A_311, %mul3A_260 : vector<16xf32>
      %mul3A_313 = arith.mulf %mul3A_312, %mul3A_262 : vector<16xf32>
      %mul3A_314 = arith.mulf %mul3A_310, %mul3A_313 : vector<16xf32>
      %add3A_315 = arith.constant 4 : i32
      %add3A_316 = vector.broadcast %add3A_315 : i32 to vector<16xi32>
      %add3A_317 = arith.addi %and3A_75, %add3A_316 : vector<16xi32>
      tpu.vector_store_idx %arg5[%shift_right_logical3A_69, %add3A_317], %mul3A_314 : memref<4x128xf32, #tpu.memory_space<vmem>>[vector<16xi32>, vector<16xi32>], vector<16xf32>,
      %mul3A_318 = arith.constant 169910.953 : f32
      %mul3A_319 = vector.broadcast %mul3A_318 : f32 to vector<16xf32>
      %mul3A_320 = arith.mulf %select_n3A_254, %mul3A_319 : vector<16xf32>
      %mul3A_321 = arith.mulf %exp3A_235, %mul3A_257 : vector<16xf32>
      %mul3A_322 = arith.mulf %mul3A_320, %mul3A_321 : vector<16xf32>
      %mul3A_323 = arith.mulf %mul3A_256, %mul3A_260 : vector<16xf32>
      %mul3A_324 = arith.mulf %mul3A_323, %mul3A_262 : vector<16xf32>
      %mul3A_325 = arith.mulf %mul3A_322, %mul3A_324 : vector<16xf32>
      %add3A_326 = arith.constant 5 : i32
      %add3A_327 = vector.broadcast %add3A_326 : i32 to vector<16xi32>
      %add3A_328 = arith.addi %and3A_75, %add3A_327 : vector<16xi32>
      tpu.vector_store_idx %arg5[%shift_right_logical3A_69, %add3A_328], %mul3A_325 : memref<4x128xf32, #tpu.memory_space<vmem>>[vector<16xi32>, vector<16xi32>], vector<16xf32>,
      %mul3A_329 = arith.constant 736280.875 : f32
      %mul3A_330 = vector.broadcast %mul3A_329 : f32 to vector<16xf32>
      %mul3A_331 = arith.mulf %select_n3A_254, %mul3A_330 : vector<16xf32>
      %mul3A_332 = arith.mulf %mul3A_255, %mul3A_257 : vector<16xf32>
      %mul3A_333 = arith.mulf %mul3A_331, %mul3A_332 : vector<16xf32>
      %mul3A_334 = arith.mulf %sub3A_238, %mul3A_260 : vector<16xf32>
      %mul3A_335 = arith.mulf %mul3A_334, %mul3A_262 : vector<16xf32>
      %mul3A_336 = arith.mulf %mul3A_333, %mul3A_335 : vector<16xf32>
      %add3A_337 = arith.constant 6 : i32
      %add3A_338 = vector.broadcast %add3A_337 : i32 to vector<16xi32>
      %add3A_339 = arith.addi %and3A_75, %add3A_338 : vector<16xi32>
      tpu.vector_store_idx %arg5[%shift_right_logical3A_69, %add3A_339], %mul3A_336 : memref<4x128xf32, #tpu.memory_space<vmem>>[vector<16xi32>, vector<16xi32>], vector<16xf32>,
      %mul3A_340 = arith.constant 0x4A207F18 : f32
      %mul3A_341 = vector.broadcast %mul3A_340 : f32 to vector<16xf32>
      %mul3A_342 = arith.mulf %select_n3A_254, %mul3A_341 : vector<16xf32>
      %mul3A_343 = arith.mulf %exp3A_235, %mul3A_255 : vector<16xf32>
      %mul3A_344 = arith.mulf %mul3A_343, %mul3A_257 : vector<16xf32>
      %mul3A_345 = arith.mulf %mul3A_342, %mul3A_344 : vector<16xf32>
      %mul3A_346 = arith.mulf %mul3A_260, %mul3A_262 : vector<16xf32>
      %mul3A_347 = arith.mulf %mul3A_345, %mul3A_346 : vector<16xf32>
      %add3A_348 = arith.constant 7 : i32
      %add3A_349 = vector.broadcast %add3A_348 : i32 to vector<16xi32>
      %add3A_350 = arith.addi %and3A_75, %add3A_349 : vector<16xi32>
      tpu.vector_store_idx %arg5[%shift_right_logical3A_69, %add3A_350], %mul3A_347 : memref<4x128xf32, #tpu.memory_space<vmem>>[vector<16xi32>, vector<16xi32>], vector<16xf32>,
      %mul3A_351 = arith.constant 7888725.5 : f32
      %mul3A_352 = vector.broadcast %mul3A_351 : f32 to vector<16xf32>
      %mul3A_353 = arith.mulf %select_n3A_254, %mul3A_352 : vector<16xf32>
      %mul3A_354 = arith.mulf %mul3A_353, %mul3A_259 : vector<16xf32>
      %mul3A_355 = arith.mulf %sub3A_238, %mul3A_256 : vector<16xf32>
      %mul3A_356 = arith.mulf %mul3A_355, %mul3A_258 : vector<16xf32>
      %mul3A_357 = arith.mulf %mul3A_356, %mul3A_262 : vector<16xf32>
      %mul3A_358 = arith.mulf %mul3A_354, %mul3A_357 : vector<16xf32>
      %add3A_359 = arith.constant 8 : i32
      %add3A_360 = vector.broadcast %add3A_359 : i32 to vector<16xi32>
      %add3A_361 = arith.addi %and3A_75, %add3A_360 : vector<16xi32>
      tpu.vector_store_idx %arg5[%shift_right_logical3A_69, %add3A_361], %mul3A_358 : memref<4x128xf32, #tpu.memory_space<vmem>>[vector<16xi32>, vector<16xi32>], vector<16xf32>,
      %mul3A_362 = arith.constant 0x4B99CF1D : f32
      %mul3A_363 = vector.broadcast %mul3A_362 : f32 to vector<16xf32>
      %mul3A_364 = arith.mulf %select_n3A_254, %mul3A_363 : vector<16xf32>
      %mul3A_365 = arith.mulf %exp3A_235, %mul3A_259 : vector<16xf32>
      %mul3A_366 = arith.mulf %mul3A_364, %mul3A_365 : vector<16xf32>
      %mul3A_367 = arith.mulf %mul3A_256, %mul3A_258 : vector<16xf32>
      %mul3A_368 = arith.mulf %mul3A_367, %mul3A_262 : vector<16xf32>
      %mul3A_369 = arith.mulf %mul3A_366, %mul3A_368 : vector<16xf32>
      %add3A_370 = arith.constant 9 : i32
      %add3A_371 = vector.broadcast %add3A_370 : i32 to vector<16xi32>
      %add3A_372 = arith.addi %and3A_75, %add3A_371 : vector<16xi32>
      tpu.vector_store_idx %arg5[%shift_right_logical3A_69, %add3A_372], %mul3A_369 : memref<4x128xf32, #tpu.memory_space<vmem>>[vector<16xi32>, vector<16xi32>], vector<16xf32>,
      %mul3A_373 = arith.constant 0x4C2930A5 : f32
      %mul3A_374 = vector.broadcast %mul3A_373 : f32 to vector<16xf32>
      %mul3A_375 = arith.mulf %select_n3A_254, %mul3A_374 : vector<16xf32>
      %mul3A_376 = arith.mulf %mul3A_255, %mul3A_259 : vector<16xf32>
      %mul3A_377 = arith.mulf %mul3A_375, %mul3A_376 : vector<16xf32>
      %mul3A_378 = arith.mulf %sub3A_238, %mul3A_258 : vector<16xf32>
      %mul3A_379 = arith.mulf %mul3A_378, %mul3A_262 : vector<16xf32>
      %mul3A_380 = arith.mulf %mul3A_377, %mul3A_379 : vector<16xf32>
      %add3A_381 = arith.constant 10 : i32
      %add3A_382 = vector.broadcast %add3A_381 : i32 to vector<16xi32>
      %add3A_383 = arith.addi %and3A_75, %add3A_382 : vector<16xi32>
      tpu.vector_store_idx %arg5[%shift_right_logical3A_69, %add3A_383], %mul3A_380 : memref<4x128xf32, #tpu.memory_space<vmem>>[vector<16xi32>, vector<16xi32>], vector<16xf32>,
      %mul3A_384 = arith.constant 0x4CA17FE7 : f32
      %mul3A_385 = vector.broadcast %mul3A_384 : f32 to vector<16xf32>
      %mul3A_386 = arith.mulf %select_n3A_254, %mul3A_385 : vector<16xf32>
      %mul3A_387 = arith.mulf %exp3A_235, %mul3A_255 : vector<16xf32>
      %mul3A_388 = arith.mulf %mul3A_387, %mul3A_259 : vector<16xf32>
      %mul3A_389 = arith.mulf %mul3A_386, %mul3A_388 : vector<16xf32>
      %mul3A_390 = arith.mulf %mul3A_258, %mul3A_262 : vector<16xf32>
      %mul3A_391 = arith.mulf %mul3A_389, %mul3A_390 : vector<16xf32>
      %add3A_392 = arith.constant 11 : i32
      %add3A_393 = vector.broadcast %add3A_392 : i32 to vector<16xi32>
      %add3A_394 = arith.addi %and3A_75, %add3A_393 : vector<16xi32>
      tpu.vector_store_idx %arg5[%shift_right_logical3A_69, %add3A_394], %mul3A_391 : memref<4x128xf32, #tpu.memory_space<vmem>>[vector<16xi32>, vector<16xi32>], vector<16xf32>,
      %mul3A_395 = arith.constant 0x4D069545 : f32
      %mul3A_396 = vector.broadcast %mul3A_395 : f32 to vector<16xf32>
      %mul3A_397 = arith.mulf %select_n3A_254, %mul3A_396 : vector<16xf32>
      %mul3A_398 = arith.mulf %mul3A_257, %mul3A_259 : vector<16xf32>
      %mul3A_399 = arith.mulf %mul3A_397, %mul3A_398 : vector<16xf32>
      %mul3A_400 = arith.mulf %sub3A_238, %mul3A_256 : vector<16xf32>
      %mul3A_401 = arith.mulf %mul3A_400, %mul3A_262 : vector<16xf32>
      %mul3A_402 = arith.mulf %mul3A_399, %mul3A_401 : vector<16xf32>
      %add3A_403 = arith.constant 12 : i32
      %add3A_404 = vector.broadcast %add3A_403 : i32 to vector<16xi32>
      %add3A_405 = arith.addi %and3A_75, %add3A_404 : vector<16xi32>
      tpu.vector_store_idx %arg5[%shift_right_logical3A_69, %add3A_405], %mul3A_402 : memref<4x128xf32, #tpu.memory_space<vmem>>[vector<16xi32>, vector<16xi32>], vector<16xf32>,
      %mul3A_406 = arith.constant 0x4D44B2CA : f32
      %mul3A_407 = vector.broadcast %mul3A_406 : f32 to vector<16xf32>
      %mul3A_408 = arith.mulf %select_n3A_254, %mul3A_407 : vector<16xf32>
      %mul3A_409 = arith.mulf %exp3A_235, %mul3A_257 : vector<16xf32>
      %mul3A_410 = arith.mulf %mul3A_409, %mul3A_259 : vector<16xf32>
      %mul3A_411 = arith.mulf %mul3A_408, %mul3A_410 : vector<16xf32>
      %mul3A_412 = arith.mulf %mul3A_256, %mul3A_262 : vector<16xf32>
      %mul3A_413 = arith.mulf %mul3A_411, %mul3A_412 : vector<16xf32>
      %add3A_414 = arith.constant 13 : i32
      %add3A_415 = vector.broadcast %add3A_414 : i32 to vector<16xi32>
      %add3A_416 = arith.addi %and3A_75, %add3A_415 : vector<16xi32>
      tpu.vector_store_idx %arg5[%shift_right_logical3A_69, %add3A_416], %mul3A_413 : memref<4x128xf32, #tpu.memory_space<vmem>>[vector<16xi32>, vector<16xi32>], vector<16xf32>,
      %mul3A_417 = arith.constant 0x4D7CE5DB : f32
      %mul3A_418 = vector.broadcast %mul3A_417 : f32 to vector<16xf32>
      %mul3A_419 = arith.mulf %select_n3A_254, %mul3A_418 : vector<16xf32>
      %mul3A_420 = arith.mulf %mul3A_255, %mul3A_257 : vector<16xf32>
      %mul3A_421 = arith.mulf %mul3A_420, %mul3A_259 : vector<16xf32>
      %mul3A_422 = arith.mulf %mul3A_419, %mul3A_421 : vector<16xf32>
      %mul3A_423 = arith.mulf %sub3A_238, %mul3A_262 : vector<16xf32>
      %mul3A_424 = arith.mulf %mul3A_422, %mul3A_423 : vector<16xf32>
      %add3A_425 = arith.constant 14 : i32
      %add3A_426 = vector.broadcast %add3A_425 : i32 to vector<16xi32>
      %add3A_427 = arith.addi %and3A_75, %add3A_426 : vector<16xi32>
      tpu.vector_store_idx %arg5[%shift_right_logical3A_69, %add3A_427], %mul3A_424 : memref<4x128xf32, #tpu.memory_space<vmem>>[vector<16xi32>, vector<16xi32>], vector<16xf32>,
      %mul3A_428 = arith.constant 0x4D8F4F04 : f32
      %mul3A_429 = vector.broadcast %mul3A_428 : f32 to vector<16xf32>
      %mul3A_430 = arith.mulf %select_n3A_254, %mul3A_429 : vector<16xf32>
      %mul3A_431 = arith.mulf %exp3A_235, %mul3A_255 : vector<16xf32>
      %mul3A_432 = arith.mulf %mul3A_431, %mul3A_257 : vector<16xf32>
      %mul3A_433 = arith.mulf %mul3A_432, %mul3A_259 : vector<16xf32>
      %mul3A_434 = arith.mulf %mul3A_430, %mul3A_433 : vector<16xf32>
      %mul3A_435 = arith.mulf %mul3A_434, %mul3A_262 : vector<16xf32>
      %add3A_436 = arith.constant 15 : i32
      %add3A_437 = vector.broadcast %add3A_436 : i32 to vector<16xi32>
      %add3A_438 = arith.addi %and3A_75, %add3A_437 : vector<16xi32>
      tpu.vector_store_idx %arg5[%shift_right_logical3A_69, %add3A_438], %mul3A_435 : memref<4x128xf32, #tpu.memory_space<vmem>>[vector<16xi32>, vector<16xi32>], vector<16xf32>,
      %mul3A_439 = arith.constant 0x4D8F4F04 : f32
      %mul3A_440 = vector.broadcast %mul3A_439 : f32 to vector<16xf32>
      %mul3A_441 = arith.mulf %select_n3A_254, %mul3A_440 : vector<16xf32>
      %mul3A_442 = arith.mulf %mul3A_441, %mul3A_261 : vector<16xf32>
      %mul3A_443 = arith.mulf %sub3A_238, %mul3A_256 : vector<16xf32>
      %mul3A_444 = arith.mulf %mul3A_443, %mul3A_258 : vector<16xf32>
      %mul3A_445 = arith.mulf %mul3A_444, %mul3A_260 : vector<16xf32>
      %mul3A_446 = arith.mulf %mul3A_442, %mul3A_445 : vector<16xf32>
      %add3A_447 = arith.constant 16 : i32
      %add3A_448 = vector.broadcast %add3A_447 : i32 to vector<16xi32>
      %add3A_449 = arith.addi %and3A_75, %add3A_448 : vector<16xi32>
      tpu.vector_store_idx %arg5[%shift_right_logical3A_69, %add3A_449], %mul3A_446 : memref<4x128xf32, #tpu.memory_space<vmem>>[vector<16xi32>, vector<16xi32>], vector<16xf32>,
      %mul3A_450 = arith.constant 0x4D7CE5DB : f32
      %mul3A_451 = vector.broadcast %mul3A_450 : f32 to vector<16xf32>
      %mul3A_452 = arith.mulf %select_n3A_254, %mul3A_451 : vector<16xf32>
      %mul3A_453 = arith.mulf %exp3A_235, %mul3A_261 : vector<16xf32>
      %mul3A_454 = arith.mulf %mul3A_452, %mul3A_453 : vector<16xf32>
      %mul3A_455 = arith.mulf %mul3A_256, %mul3A_258 : vector<16xf32>
      %mul3A_456 = arith.mulf %mul3A_455, %mul3A_260 : vector<16xf32>
      %mul3A_457 = arith.mulf %mul3A_454, %mul3A_456 : vector<16xf32>
      %add3A_458 = arith.constant 17 : i32
      %add3A_459 = vector.broadcast %add3A_458 : i32 to vector<16xi32>
      %add3A_460 = arith.addi %and3A_75, %add3A_459 : vector<16xi32>
      tpu.vector_store_idx %arg5[%shift_right_logical3A_69, %add3A_460], %mul3A_457 : memref<4x128xf32, #tpu.memory_space<vmem>>[vector<16xi32>, vector<16xi32>], vector<16xf32>,
      %mul3A_461 = arith.constant 0x4D44B2CA : f32
      %mul3A_462 = vector.broadcast %mul3A_461 : f32 to vector<16xf32>
      %mul3A_463 = arith.mulf %select_n3A_254, %mul3A_462 : vector<16xf32>
      %mul3A_464 = arith.mulf %mul3A_255, %mul3A_261 : vector<16xf32>
      %mul3A_465 = arith.mulf %mul3A_463, %mul3A_464 : vector<16xf32>
      %mul3A_466 = arith.mulf %sub3A_238, %mul3A_258 : vector<16xf32>
      %mul3A_467 = arith.mulf %mul3A_466, %mul3A_260 : vector<16xf32>
      %mul3A_468 = arith.mulf %mul3A_465, %mul3A_467 : vector<16xf32>
      %add3A_469 = arith.constant 18 : i32
      %add3A_470 = vector.broadcast %add3A_469 : i32 to vector<16xi32>
      %add3A_471 = arith.addi %and3A_75, %add3A_470 : vector<16xi32>
      tpu.vector_store_idx %arg5[%shift_right_logical3A_69, %add3A_471], %mul3A_468 : memref<4x128xf32, #tpu.memory_space<vmem>>[vector<16xi32>, vector<16xi32>], vector<16xf32>,
      %mul3A_472 = arith.constant 0x4D069545 : f32
      %mul3A_473 = vector.broadcast %mul3A_472 : f32 to vector<16xf32>
      %mul3A_474 = arith.mulf %select_n3A_254, %mul3A_473 : vector<16xf32>
      %mul3A_475 = arith.mulf %exp3A_235, %mul3A_255 : vector<16xf32>
      %mul3A_476 = arith.mulf %mul3A_475, %mul3A_261 : vector<16xf32>
      %mul3A_477 = arith.mulf %mul3A_474, %mul3A_476 : vector<16xf32>
      %mul3A_478 = arith.mulf %mul3A_258, %mul3A_260 : vector<16xf32>
      %mul3A_479 = arith.mulf %mul3A_477, %mul3A_478 : vector<16xf32>
      %add3A_480 = arith.constant 19 : i32
      %add3A_481 = vector.broadcast %add3A_480 : i32 to vector<16xi32>
      %add3A_482 = arith.addi %and3A_75, %add3A_481 : vector<16xi32>
      tpu.vector_store_idx %arg5[%shift_right_logical3A_69, %add3A_482], %mul3A_479 : memref<4x128xf32, #tpu.memory_space<vmem>>[vector<16xi32>, vector<16xi32>], vector<16xf32>,
      %mul3A_483 = arith.constant 0x4CA17FE7 : f32
      %mul3A_484 = vector.broadcast %mul3A_483 : f32 to vector<16xf32>
      %mul3A_485 = arith.mulf %select_n3A_254, %mul3A_484 : vector<16xf32>
      %mul3A_486 = arith.mulf %mul3A_257, %mul3A_261 : vector<16xf32>
      %mul3A_487 = arith.mulf %mul3A_485, %mul3A_486 : vector<16xf32>
      %mul3A_488 = arith.mulf %sub3A_238, %mul3A_256 : vector<16xf32>
      %mul3A_489 = arith.mulf %mul3A_488, %mul3A_260 : vector<16xf32>
      %mul3A_490 = arith.mulf %mul3A_487, %mul3A_489 : vector<16xf32>
      %add3A_491 = arith.constant 20 : i32
      %add3A_492 = vector.broadcast %add3A_491 : i32 to vector<16xi32>
      %add3A_493 = arith.addi %and3A_75, %add3A_492 : vector<16xi32>
      tpu.vector_store_idx %arg5[%shift_right_logical3A_69, %add3A_493], %mul3A_490 : memref<4x128xf32, #tpu.memory_space<vmem>>[vector<16xi32>, vector<16xi32>], vector<16xf32>,
      %mul3A_494 = arith.constant 0x4C2930A5 : f32
      %mul3A_495 = vector.broadcast %mul3A_494 : f32 to vector<16xf32>
      %mul3A_496 = arith.mulf %select_n3A_254, %mul3A_495 : vector<16xf32>
      %mul3A_497 = arith.mulf %exp3A_235, %mul3A_257 : vector<16xf32>
      %mul3A_498 = arith.mulf %mul3A_497, %mul3A_261 : vector<16xf32>
      %mul3A_499 = arith.mulf %mul3A_496, %mul3A_498 : vector<16xf32>
      %mul3A_500 = arith.mulf %mul3A_256, %mul3A_260 : vector<16xf32>
      %mul3A_501 = arith.mulf %mul3A_499, %mul3A_500 : vector<16xf32>
      %add3A_502 = arith.constant 21 : i32
      %add3A_503 = vector.broadcast %add3A_502 : i32 to vector<16xi32>
      %add3A_504 = arith.addi %and3A_75, %add3A_503 : vector<16xi32>
      tpu.vector_store_idx %arg5[%shift_right_logical3A_69, %add3A_504], %mul3A_501 : memref<4x128xf32, #tpu.memory_space<vmem>>[vector<16xi32>, vector<16xi32>], vector<16xf32>,
      %mul3A_505 = arith.constant 0x4B99CF1D : f32
      %mul3A_506 = vector.broadcast %mul3A_505 : f32 to vector<16xf32>
      %mul3A_507 = arith.mulf %select_n3A_254, %mul3A_506 : vector<16xf32>
      %mul3A_508 = arith.mulf %mul3A_255, %mul3A_257 : vector<16xf32>
      %mul3A_509 = arith.mulf %mul3A_508, %mul3A_261 : vector<16xf32>
      %mul3A_510 = arith.mulf %mul3A_507, %mul3A_509 : vector<16xf32>
      %mul3A_511 = arith.mulf %sub3A_238, %mul3A_260 : vector<16xf32>
      %mul3A_512 = arith.mulf %mul3A_510, %mul3A_511 : vector<16xf32>
      %add3A_513 = arith.constant 22 : i32
      %add3A_514 = vector.broadcast %add3A_513 : i32 to vector<16xi32>
      %add3A_515 = arith.addi %and3A_75, %add3A_514 : vector<16xi32>
      tpu.vector_store_idx %arg5[%shift_right_logical3A_69, %add3A_515], %mul3A_512 : memref<4x128xf32, #tpu.memory_space<vmem>>[vector<16xi32>, vector<16xi32>], vector<16xf32>,
      %mul3A_516 = arith.constant 7888725.5 : f32
      %mul3A_517 = vector.broadcast %mul3A_516 : f32 to vector<16xf32>
      %mul3A_518 = arith.mulf %select_n3A_254, %mul3A_517 : vector<16xf32>
      %mul3A_519 = arith.mulf %exp3A_235, %mul3A_255 : vector<16xf32>
      %mul3A_520 = arith.mulf %mul3A_519, %mul3A_257 : vector<16xf32>
      %mul3A_521 = arith.mulf %mul3A_520, %mul3A_261 : vector<16xf32>
      %mul3A_522 = arith.mulf %mul3A_518, %mul3A_521 : vector<16xf32>
      %mul3A_523 = arith.mulf %mul3A_522, %mul3A_260 : vector<16xf32>
      %add3A_524 = arith.constant 23 : i32
      %add3A_525 = vector.broadcast %add3A_524 : i32 to vector<16xi32>
      %add3A_526 = arith.addi %and3A_75, %add3A_525 : vector<16xi32>
      tpu.vector_store_idx %arg5[%shift_right_logical3A_69, %add3A_526], %mul3A_523 : memref<4x128xf32, #tpu.memory_space<vmem>>[vector<16xi32>, vector<16xi32>], vector<16xf32>,
      %mul3A_527 = arith.constant 0x4A207F18 : f32
      %mul3A_528 = vector.broadcast %mul3A_527 : f32 to vector<16xf32>
      %mul3A_529 = arith.mulf %select_n3A_254, %mul3A_528 : vector<16xf32>
      %mul3A_530 = arith.mulf %mul3A_259, %mul3A_261 : vector<16xf32>
      %mul3A_531 = arith.mulf %mul3A_529, %mul3A_530 : vector<16xf32>
      %mul3A_532 = arith.mulf %sub3A_238, %mul3A_256 : vector<16xf32>
      %mul3A_533 = arith.mulf %mul3A_532, %mul3A_258 : vector<16xf32>
      %mul3A_534 = arith.mulf %mul3A_531, %mul3A_533 : vector<16xf32>
      %add3A_535 = arith.constant 24 : i32
      %add3A_536 = vector.broadcast %add3A_535 : i32 to vector<16xi32>
      %add3A_537 = arith.addi %and3A_75, %add3A_536 : vector<16xi32>
      tpu.vector_store_idx %arg5[%shift_right_logical3A_69, %add3A_537], %mul3A_534 : memref<4x128xf32, #tpu.memory_space<vmem>>[vector<16xi32>, vector<16xi32>], vector<16xf32>,
      %mul3A_538 = arith.constant 736280.875 : f32
      %mul3A_539 = vector.broadcast %mul3A_538 : f32 to vector<16xf32>
      %mul3A_540 = arith.mulf %select_n3A_254, %mul3A_539 : vector<16xf32>
      %mul3A_541 = arith.mulf %exp3A_235, %mul3A_259 : vector<16xf32>
      %mul3A_542 = arith.mulf %mul3A_541, %mul3A_261 : vector<16xf32>
      %mul3A_543 = arith.mulf %mul3A_540, %mul3A_542 : vector<16xf32>
      %mul3A_544 = arith.mulf %mul3A_256, %mul3A_258 : vector<16xf32>
      %mul3A_545 = arith.mulf %mul3A_543, %mul3A_544 : vector<16xf32>
      %add3A_546 = arith.constant 25 : i32
      %add3A_547 = vector.broadcast %add3A_546 : i32 to vector<16xi32>
      %add3A_548 = arith.addi %and3A_75, %add3A_547 : vector<16xi32>
      tpu.vector_store_idx %arg5[%shift_right_logical3A_69, %add3A_548], %mul3A_545 : memref<4x128xf32, #tpu.memory_space<vmem>>[vector<16xi32>, vector<16xi32>], vector<16xf32>,
      %mul3A_549 = arith.constant 169910.953 : f32
      %mul3A_550 = vector.broadcast %mul3A_549 : f32 to vector<16xf32>
      %mul3A_551 = arith.mulf %select_n3A_254, %mul3A_550 : vector<16xf32>
      %mul3A_552 = arith.mulf %mul3A_255, %mul3A_259 : vector<16xf32>
      %mul3A_553 = arith.mulf %mul3A_552, %mul3A_261 : vector<16xf32>
      %mul3A_554 = arith.mulf %mul3A_551, %mul3A_553 : vector<16xf32>
      %mul3A_555 = arith.mulf %sub3A_238, %mul3A_258 : vector<16xf32>
      %mul3A_556 = arith.mulf %mul3A_554, %mul3A_555 : vector<16xf32>
      %add3A_557 = arith.constant 26 : i32
      %add3A_558 = vector.broadcast %add3A_557 : i32 to vector<16xi32>
      %add3A_559 = arith.addi %and3A_75, %add3A_558 : vector<16xi32>
      tpu.vector_store_idx %arg5[%shift_right_logical3A_69, %add3A_559], %mul3A_556 : memref<4x128xf32, #tpu.memory_space<vmem>>[vector<16xi32>, vector<16xi32>], vector<16xf32>,
      %mul3A_560 = arith.constant 31465.0039 : f32
      %mul3A_561 = vector.broadcast %mul3A_560 : f32 to vector<16xf32>
      %mul3A_562 = arith.mulf %select_n3A_254, %mul3A_561 : vector<16xf32>
      %mul3A_563 = arith.mulf %exp3A_235, %mul3A_255 : vector<16xf32>
      %mul3A_564 = arith.mulf %mul3A_563, %mul3A_259 : vector<16xf32>
      %mul3A_565 = arith.mulf %mul3A_564, %mul3A_261 : vector<16xf32>
      %mul3A_566 = arith.mulf %mul3A_562, %mul3A_565 : vector<16xf32>
      %mul3A_567 = arith.mulf %mul3A_566, %mul3A_258 : vector<16xf32>
      %add3A_568 = arith.constant 27 : i32
      %add3A_569 = vector.broadcast %add3A_568 : i32 to vector<16xi32>
      %add3A_570 = arith.addi %and3A_75, %add3A_569 : vector<16xi32>
      tpu.vector_store_idx %arg5[%shift_right_logical3A_69, %add3A_570], %mul3A_567 : memref<4x128xf32, #tpu.memory_space<vmem>>[vector<16xi32>, vector<16xi32>], vector<16xf32>,
      %mul3A_571 = arith.constant 4494.99951 : f32
      %mul3A_572 = vector.broadcast %mul3A_571 : f32 to vector<16xf32>
      %mul3A_573 = arith.mulf %select_n3A_254, %mul3A_572 : vector<16xf32>
      %mul3A_574 = arith.mulf %mul3A_257, %mul3A_259 : vector<16xf32>
      %mul3A_575 = arith.mulf %mul3A_574, %mul3A_261 : vector<16xf32>
      %mul3A_576 = arith.mulf %mul3A_573, %mul3A_575 : vector<16xf32>
      %mul3A_577 = arith.mulf %sub3A_238, %mul3A_256 : vector<16xf32>
      %mul3A_578 = arith.mulf %mul3A_576, %mul3A_577 : vector<16xf32>
      %add3A_579 = arith.constant 28 : i32
      %add3A_580 = vector.broadcast %add3A_579 : i32 to vector<16xi32>
      %add3A_581 = arith.addi %and3A_75, %add3A_580 : vector<16xi32>
      tpu.vector_store_idx %arg5[%shift_right_logical3A_69, %add3A_581], %mul3A_578 : memref<4x128xf32, #tpu.memory_space<vmem>>[vector<16xi32>, vector<16xi32>], vector<16xf32>,
      %mul3A_582 = arith.constant 4.650000e+02 : f32
      %mul3A_583 = vector.broadcast %mul3A_582 : f32 to vector<16xf32>
      %mul3A_584 = arith.mulf %select_n3A_254, %mul3A_583 : vector<16xf32>
      %mul3A_585 = arith.mulf %exp3A_235, %mul3A_257 : vector<16xf32>
      %mul3A_586 = arith.mulf %mul3A_585, %mul3A_259 : vector<16xf32>
      %mul3A_587 = arith.mulf %mul3A_586, %mul3A_261 : vector<16xf32>
      %mul3A_588 = arith.mulf %mul3A_584, %mul3A_587 : vector<16xf32>
      %mul3A_589 = arith.mulf %mul3A_588, %mul3A_256 : vector<16xf32>
      %add3A_590 = arith.constant 29 : i32
      %add3A_591 = vector.broadcast %add3A_590 : i32 to vector<16xi32>
      %add3A_592 = arith.addi %and3A_75, %add3A_591 : vector<16xi32>
      tpu.vector_store_idx %arg5[%shift_right_logical3A_69, %add3A_592], %mul3A_589 : memref<4x128xf32, #tpu.memory_space<vmem>>[vector<16xi32>, vector<16xi32>], vector<16xf32>,
      %mul3A_593 = arith.constant 30.9999962 : f32
      %mul3A_594 = vector.broadcast %mul3A_593 : f32 to vector<16xf32>
      %mul3A_595 = arith.mulf %select_n3A_254, %mul3A_594 : vector<16xf32>
      %mul3A_596 = arith.mulf %mul3A_255, %mul3A_257 : vector<16xf32>
      %mul3A_597 = arith.mulf %mul3A_596, %mul3A_259 : vector<16xf32>
      %mul3A_598 = arith.mulf %mul3A_597, %mul3A_261 : vector<16xf32>
      %mul3A_599 = arith.mulf %mul3A_595, %mul3A_598 : vector<16xf32>
      %mul3A_600 = arith.mulf %mul3A_599, %sub3A_238 : vector<16xf32>
      %add3A_601 = arith.constant 30 : i32
      %add3A_602 = vector.broadcast %add3A_601 : i32 to vector<16xi32>
      %add3A_603 = arith.addi %and3A_75, %add3A_602 : vector<16xi32>
      tpu.vector_store_idx %arg5[%shift_right_logical3A_69, %add3A_603], %mul3A_600 : memref<4x128xf32, #tpu.memory_space<vmem>>[vector<16xi32>, vector<16xi32>], vector<16xf32>,
      %mul3A_604 = arith.constant 1.000000e+00 : f32
      %mul3A_605 = vector.broadcast %mul3A_604 : f32 to vector<16xf32>
      %mul3A_606 = arith.mulf %select_n3A_254, %mul3A_605 : vector<16xf32>
      %mul3A_607 = arith.mulf %exp3A_235, %mul3A_255 : vector<16xf32>
      %mul3A_608 = arith.mulf %mul3A_607, %mul3A_257 : vector<16xf32>
      %mul3A_609 = arith.mulf %mul3A_608, %mul3A_259 : vector<16xf32>
      %mul3A_610 = arith.mulf %mul3A_609, %mul3A_261 : vector<16xf32>
      %mul3A_611 = arith.mulf %mul3A_606, %mul3A_610 : vector<16xf32>
      %add3A_612 = arith.constant 31 : i32
      %add3A_613 = vector.broadcast %add3A_612 : i32 to vector<16xi32>
      %add3A_614 = arith.addi %and3A_75, %add3A_613 : vector<16xi32>
      tpu.vector_store_idx %arg5[%shift_right_logical3A_69, %add3A_614], %mul3A_611 : memref<4x128xf32, #tpu.memory_space<vmem>>[vector<16xi32>, vector<16xi32>], vector<16xf32>,
      %mul3A_615 = arith.constant 24 : i32
      %mul3A_616 = arith.muli %add3A_79, %mul3A_615 : i32
      %mul3A_617 = arith.constant 8 : i32
      %mul3A_618 = arith.muli %mul3A_617, %scan3A_158 : i32
      %add3A_619 = arith.addi %mul3A_616, %mul3A_618 : i32
      %add3A_620 = arith.constant 0 : i32
      %add3A_621 = arith.addi %add3A_619, %add3A_620 : i32
      %dma_start3A = arith.constant 0 : i32
      %dma_start3A_622 = tpu.memref_slice %arg3[%add3A_621, %dma_start3A] : memref<2304x128xf32, #tpu.memory_space<hbm>> -> memref<4x128xf32, #tpu.memory_space<hbm>>
      %dma_start3A_623 = arith.constant 0 : i32
      %dma_start3A_624 = tpu.memref_slice %arg3[%add3A_621, %dma_start3A_623] : memref<2304x128xf32, #tpu.memory_space<hbm>> -> memref<4x128xf32, #tpu.memory_space<hbm>>
      tpu.enqueue_dma source(%arg5 : memref<4x128xf32, #tpu.memory_space<vmem>>) target(%dma_start3A_624 : memref<4x128xf32, #tpu.memory_space<hbm>>) target_semaphore(%arg7 : memref<!tpu.dma_semaphore, #tpu.memory_space<semaphore_mem>>)
      %mul3A_625 = arith.constant 32 : i32
      %mul3A_626 = arith.muli %mul3A_625, %scan3A_158 : i32
      %add3A_627 = arith.constant 16 : i32
      %add3A_628 = arith.addi %mul3A_626, %add3A_627 : i32
      %gt3A_629 = arith.constant 0 : i32
      %gt3A_630 = arith.cmpi sgt, %scan3A_158, %gt3A_629 : i32
      %convert_element_type3A_631 = arith.extui %gt3A_630 : i1 to i32
      %cond3A_632 = arith.constant 0 : i32
      %cond3A_633 = arith.cmpi ne, %convert_element_type3A_631, %cond3A_632 : i32
      scf.if %cond3A_633 {
        %dma_wait3A_1098 = arith.constant 0 : i32
        %dma_wait3A_1099 = arith.constant 0 : i32
        %dma_wait3A_1100 = tpu.memref_slice %arg3[%dma_wait3A_1098, %dma_wait3A_1099] : memref<2304x128xf32, #tpu.memory_space<hbm>> -> memref<4x128xf32, #tpu.memory_space<hbm>>
        %dma_wait3A_1101 = arith.constant 0 : i32
        %dma_wait3A_1102 = arith.constant 0 : i32
        %dma_wait3A_1103 = tpu.memref_slice %arg3[%dma_wait3A_1101, %dma_wait3A_1102] : memref<2304x128xf32, #tpu.memory_space<hbm>> -> memref<4x128xf32, #tpu.memory_space<hbm>>
        tpu.wait_dma2 semaphore(%arg8 : memref<!tpu.dma_semaphore, #tpu.memory_space<semaphore_mem>>) src(%arg6 : memref<4x128xf32, #tpu.memory_space<vmem>>) dst(%dma_wait3A_1103 : memref<4x128xf32, #tpu.memory_space<hbm>>)
      } else {
      }
      %add3A_634 = vector.broadcast %add3A_628 : i32 to vector<16xi32>
      %add3A_635 = arith.addi %iota3A, %add3A_634 : vector<16xi32>
      %mul3A_636 = arith.constant 3 : i32
      %mul3A_637 = vector.broadcast %mul3A_636 : i32 to vector<16xi32>
      %mul3A_638 = arith.muli %add3A_635, %mul3A_637 : vector<16xi32>
      %gather3A_639 = tpu.vector_load_idx %arg4[%mul3A_638] : memref<304xf32, #tpu.memory_space<vmem>>[vector<16xi32>], vector<16xf32>,
      %sub3A_640 = arith.subf %gather3A_639, %gather3A_84 : vector<16xf32>
      %add3A_641 = arith.constant 1 : i32
      %add3A_642 = vector.broadcast %add3A_641 : i32 to vector<16xi32>
      %add3A_643 = arith.addi %mul3A_638, %add3A_642 : vector<16xi32>
      %gather3A_644 = tpu.vector_load_idx %arg4[%add3A_643] : memref<304xf32, #tpu.memory_space<vmem>>[vector<16xi32>], vector<16xf32>,
      %sub3A_645 = arith.subf %gather3A_644, %gather3A_88 : vector<16xf32>
      %add3A_646 = arith.constant 2 : i32
      %add3A_647 = vector.broadcast %add3A_646 : i32 to vector<16xi32>
      %add3A_648 = arith.addi %mul3A_638, %add3A_647 : vector<16xi32>
      %gather3A_649 = tpu.vector_load_idx %arg4[%add3A_648] : memref<304xf32, #tpu.memory_space<vmem>>[vector<16xi32>], vector<16xf32>,
      %sub3A_650 = arith.subf %gather3A_649, %gather3A_92 : vector<16xf32>
      %mul3A_651 = arith.mulf %sub3A_640, %sub3A_640 : vector<16xf32>
      %mul3A_652 = arith.mulf %sub3A_645, %sub3A_645 : vector<16xf32>
      %add3A_653 = arith.addf %mul3A_651, %mul3A_652 : vector<16xf32>
      %mul3A_654 = arith.mulf %sub3A_650, %sub3A_650 : vector<16xf32>
      %add3A_655 = arith.addf %add3A_653, %mul3A_654 : vector<16xf32>
      %add3A_656 = arith.constant 9.99999996E-13 : f32
      %add3A_657 = vector.broadcast %add3A_656 : f32 to vector<16xf32>
      %add3A_658 = arith.addf %add3A_655, %add3A_657 : vector<16xf32>
      %bitcast3A_659 = vector.bitcast %add3A_658 : vector<16xf32> to vector<16xi32>
      %shift_right_logical3A_660 = arith.constant 1 : i32
      %shift_right_logical3A_661 = vector.broadcast %shift_right_logical3A_660 : i32 to vector<16xi32>
      %shift_right_logical3A_662 = arith.shrui %bitcast3A_659, %shift_right_logical3A_661 : vector<16xi32>
      %sub3A_663 = arith.constant 1597463007 : i32
      %sub3A_664 = vector.broadcast %sub3A_663 : i32 to vector<16xi32>
      %sub3A_665 = arith.subi %sub3A_664, %shift_right_logical3A_662 : vector<16xi32>
      %bitcast3A_666 = vector.bitcast %sub3A_665 : vector<16xi32> to vector<16xf32>
      %mul3A_667 = arith.constant 5.000000e-01 : f32
      %mul3A_668 = vector.broadcast %mul3A_667 : f32 to vector<16xf32>
      %mul3A_669 = arith.mulf %mul3A_668, %add3A_658 : vector<16xf32>
      %mul3A_670 = arith.mulf %mul3A_669, %bitcast3A_666 : vector<16xf32>
      %mul3A_671 = arith.mulf %mul3A_670, %bitcast3A_666 : vector<16xf32>
      %sub3A_672 = arith.constant 1.500000e+00 : f32
      %sub3A_673 = vector.broadcast %sub3A_672 : f32 to vector<16xf32>
      %sub3A_674 = arith.subf %sub3A_673, %mul3A_671 : vector<16xf32>
      %mul3A_675 = arith.mulf %bitcast3A_666, %sub3A_674 : vector<16xf32>
      %mul3A_676 = arith.constant 5.000000e-01 : f32
      %mul3A_677 = vector.broadcast %mul3A_676 : f32 to vector<16xf32>
      %mul3A_678 = arith.mulf %mul3A_677, %add3A_658 : vector<16xf32>
      %mul3A_679 = arith.mulf %mul3A_678, %mul3A_675 : vector<16xf32>
      %mul3A_680 = arith.mulf %mul3A_679, %mul3A_675 : vector<16xf32>
      %sub3A_681 = arith.constant 1.500000e+00 : f32
      %sub3A_682 = vector.broadcast %sub3A_681 : f32 to vector<16xf32>
      %sub3A_683 = arith.subf %sub3A_682, %mul3A_680 : vector<16xf32>
      %mul3A_684 = arith.mulf %mul3A_675, %sub3A_683 : vector<16xf32>
      %mul3A_685 = arith.constant 5.000000e-01 : f32
      %mul3A_686 = vector.broadcast %mul3A_685 : f32 to vector<16xf32>
      %mul3A_687 = arith.mulf %mul3A_686, %add3A_658 : vector<16xf32>
      %mul3A_688 = arith.mulf %mul3A_687, %mul3A_684 : vector<16xf32>
      %mul3A_689 = arith.mulf %mul3A_688, %mul3A_684 : vector<16xf32>
      %sub3A_690 = arith.constant 1.500000e+00 : f32
      %sub3A_691 = vector.broadcast %sub3A_690 : f32 to vector<16xf32>
      %sub3A_692 = arith.subf %sub3A_691, %mul3A_689 : vector<16xf32>
      %mul3A_693 = arith.mulf %mul3A_684, %sub3A_692 : vector<16xf32>
      %mul3A_694 = arith.mulf %add3A_658, %mul3A_693 : vector<16xf32>
      %neg3A_695 = arith.constant 0.000000e+00 : f32
      %neg3A_696 = vector.broadcast %neg3A_695 : f32 to vector<16xf32>
      %neg3A_697 = arith.subf %neg3A_696, %select_n3A : vector<16xf32>
      %mul3A_698 = arith.mulf %neg3A_697, %mul3A_694 : vector<16xf32>
      %max3A_699 = arith.constant -23.0258503 : f32
      %max3A_700 = vector.broadcast %max3A_699 : f32 to vector<16xf32>
      %max3A_701 = arith.maximumf %mul3A_698, %max3A_700 : vector<16xf32>
      %exp3A_702 = math.exp %max3A_701 : vector<16xf32>
      %sub3A_703 = arith.constant 1.000000e+00 : f32
      %sub3A_704 = vector.broadcast %sub3A_703 : f32 to vector<16xf32>
      %sub3A_705 = arith.subf %sub3A_704, %exp3A_702 : vector<16xf32>
      %mul3A_706 = arith.mulf %mul3A_694, %mul3A_694 : vector<16xf32>
      %lt3A_707 = arith.constant 1.500000e+01 : f32
      %lt3A_708 = vector.broadcast %lt3A_707 : f32 to vector<16xf32>
      %lt3A_709 = arith.cmpf olt, %mul3A_694, %lt3A_708 : vector<16xf32>
      %ne3A_710 = arith.cmpi ne, %add3A_635, %broadcast_in_dim3A_83 : vector<16xi32>
      %and3A_711 = arith.andi %lt3A_709, %ne3A_710 : vector<16xi1>
      %neg3A_712 = arith.constant 0.000000e+00 : f32
      %neg3A_713 = vector.broadcast %neg3A_712 : f32 to vector<16xf32>
      %neg3A_714 = arith.subf %neg3A_713, %mul3A_706 : vector<16xf32>
      %sub3A_715 = arith.constant 2.250000e+02 : f32
      %sub3A_716 = vector.broadcast %sub3A_715 : f32 to vector<16xf32>
      %sub3A_717 = arith.subf %sub3A_716, %mul3A_706 : vector<16xf32>
      %add3A_718 = arith.constant 9.99999971E-10 : f32
      %add3A_719 = vector.broadcast %add3A_718 : f32 to vector<16xf32>
      %add3A_720 = arith.addf %sub3A_717, %add3A_719 : vector<16xf32>
      %div3A_721 = arith.divf %neg3A_714, %add3A_720 : vector<16xf32>
      %exp3A_722 = math.exp %div3A_721 : vector<16xf32>
      %jit3A_723 = arith.constant 0.000000e+00 : f32
      %broadcast_in_dim3A_724 = vector.broadcast %jit3A_723 : f32 to vector<16xf32>
      %select_n3A_725 = arith.select %and3A_711, %exp3A_722, %broadcast_in_dim3A_724 : vector<16xi1>, vector<16xf32>
      %mul3A_726 = arith.mulf %exp3A_702, %exp3A_702 : vector<16xf32>
      %mul3A_727 = arith.mulf %sub3A_705, %sub3A_705 : vector<16xf32>
      %mul3A_728 = arith.mulf %mul3A_726, %mul3A_726 : vector<16xf32>
      %mul3A_729 = arith.mulf %mul3A_727, %mul3A_727 : vector<16xf32>
      %mul3A_730 = arith.mulf %mul3A_728, %mul3A_728 : vector<16xf32>
      %mul3A_731 = arith.mulf %mul3A_729, %mul3A_729 : vector<16xf32>
      %mul3A_732 = arith.mulf %mul3A_730, %mul3A_730 : vector<16xf32>
      %mul3A_733 = arith.mulf %mul3A_731, %mul3A_731 : vector<16xf32>
      %mul3A_734 = arith.constant 1.000000e+00 : f32
      %mul3A_735 = vector.broadcast %mul3A_734 : f32 to vector<16xf32>
      %mul3A_736 = arith.mulf %select_n3A_725, %mul3A_735 : vector<16xf32>
      %mul3A_737 = arith.mulf %sub3A_705, %mul3A_727 : vector<16xf32>
      %mul3A_738 = arith.mulf %mul3A_737, %mul3A_729 : vector<16xf32>
      %mul3A_739 = arith.mulf %mul3A_738, %mul3A_731 : vector<16xf32>
      %mul3A_740 = arith.mulf %mul3A_739, %mul3A_733 : vector<16xf32>
      %mul3A_741 = arith.mulf %mul3A_736, %mul3A_740 : vector<16xf32>
      %add3A_742 = arith.constant 0 : i32
      %add3A_743 = vector.broadcast %add3A_742 : i32 to vector<16xi32>
      %add3A_744 = arith.addi %and3A_75, %add3A_743 : vector<16xi32>
      tpu.vector_store_idx %arg6[%shift_right_logical3A_69, %add3A_744], %mul3A_741 : memref<4x128xf32, #tpu.memory_space<vmem>>[vector<16xi32>, vector<16xi32>], vector<16xf32>,
      %mul3A_745 = arith.constant 30.9999962 : f32
      %mul3A_746 = vector.broadcast %mul3A_745 : f32 to vector<16xf32>
      %mul3A_747 = arith.mulf %select_n3A_725, %mul3A_746 : vector<16xf32>
      %mul3A_748 = arith.mulf %mul3A_747, %exp3A_702 : vector<16xf32>
      %mul3A_749 = arith.mulf %mul3A_727, %mul3A_729 : vector<16xf32>
      %mul3A_750 = arith.mulf %mul3A_749, %mul3A_731 : vector<16xf32>
      %mul3A_751 = arith.mulf %mul3A_750, %mul3A_733 : vector<16xf32>
      %mul3A_752 = arith.mulf %mul3A_748, %mul3A_751 : vector<16xf32>
      %add3A_753 = arith.constant 1 : i32
      %add3A_754 = vector.broadcast %add3A_753 : i32 to vector<16xi32>
      %add3A_755 = arith.addi %and3A_75, %add3A_754 : vector<16xi32>
      tpu.vector_store_idx %arg6[%shift_right_logical3A_69, %add3A_755], %mul3A_752 : memref<4x128xf32, #tpu.memory_space<vmem>>[vector<16xi32>, vector<16xi32>], vector<16xf32>,
      %mul3A_756 = arith.constant 4.650000e+02 : f32
      %mul3A_757 = vector.broadcast %mul3A_756 : f32 to vector<16xf32>
      %mul3A_758 = arith.mulf %select_n3A_725, %mul3A_757 : vector<16xf32>
      %mul3A_759 = arith.mulf %mul3A_758, %mul3A_726 : vector<16xf32>
      %mul3A_760 = arith.mulf %sub3A_705, %mul3A_729 : vector<16xf32>
      %mul3A_761 = arith.mulf %mul3A_760, %mul3A_731 : vector<16xf32>
      %mul3A_762 = arith.mulf %mul3A_761, %mul3A_733 : vector<16xf32>
      %mul3A_763 = arith.mulf %mul3A_759, %mul3A_762 : vector<16xf32>
      %add3A_764 = arith.constant 2 : i32
      %add3A_765 = vector.broadcast %add3A_764 : i32 to vector<16xi32>
      %add3A_766 = arith.addi %and3A_75, %add3A_765 : vector<16xi32>
      tpu.vector_store_idx %arg6[%shift_right_logical3A_69, %add3A_766], %mul3A_763 : memref<4x128xf32, #tpu.memory_space<vmem>>[vector<16xi32>, vector<16xi32>], vector<16xf32>,
      %mul3A_767 = arith.constant 4494.99951 : f32
      %mul3A_768 = vector.broadcast %mul3A_767 : f32 to vector<16xf32>
      %mul3A_769 = arith.mulf %select_n3A_725, %mul3A_768 : vector<16xf32>
      %mul3A_770 = arith.mulf %exp3A_702, %mul3A_726 : vector<16xf32>
      %mul3A_771 = arith.mulf %mul3A_769, %mul3A_770 : vector<16xf32>
      %mul3A_772 = arith.mulf %mul3A_729, %mul3A_731 : vector<16xf32>
      %mul3A_773 = arith.mulf %mul3A_772, %mul3A_733 : vector<16xf32>
      %mul3A_774 = arith.mulf %mul3A_771, %mul3A_773 : vector<16xf32>
      %add3A_775 = arith.constant 3 : i32
      %add3A_776 = vector.broadcast %add3A_775 : i32 to vector<16xi32>
      %add3A_777 = arith.addi %and3A_75, %add3A_776 : vector<16xi32>
      tpu.vector_store_idx %arg6[%shift_right_logical3A_69, %add3A_777], %mul3A_774 : memref<4x128xf32, #tpu.memory_space<vmem>>[vector<16xi32>, vector<16xi32>], vector<16xf32>,
      %mul3A_778 = arith.constant 31465.0039 : f32
      %mul3A_779 = vector.broadcast %mul3A_778 : f32 to vector<16xf32>
      %mul3A_780 = arith.mulf %select_n3A_725, %mul3A_779 : vector<16xf32>
      %mul3A_781 = arith.mulf %mul3A_780, %mul3A_728 : vector<16xf32>
      %mul3A_782 = arith.mulf %sub3A_705, %mul3A_727 : vector<16xf32>
      %mul3A_783 = arith.mulf %mul3A_782, %mul3A_731 : vector<16xf32>
      %mul3A_784 = arith.mulf %mul3A_783, %mul3A_733 : vector<16xf32>
      %mul3A_785 = arith.mulf %mul3A_781, %mul3A_784 : vector<16xf32>
      %add3A_786 = arith.constant 4 : i32
      %add3A_787 = vector.broadcast %add3A_786 : i32 to vector<16xi32>
      %add3A_788 = arith.addi %and3A_75, %add3A_787 : vector<16xi32>
      tpu.vector_store_idx %arg6[%shift_right_logical3A_69, %add3A_788], %mul3A_785 : memref<4x128xf32, #tpu.memory_space<vmem>>[vector<16xi32>, vector<16xi32>], vector<16xf32>,
      %mul3A_789 = arith.constant 169910.953 : f32
      %mul3A_790 = vector.broadcast %mul3A_789 : f32 to vector<16xf32>
      %mul3A_791 = arith.mulf %select_n3A_725, %mul3A_790 : vector<16xf32>
      %mul3A_792 = arith.mulf %exp3A_702, %mul3A_728 : vector<16xf32>
      %mul3A_793 = arith.mulf %mul3A_791, %mul3A_792 : vector<16xf32>
      %mul3A_794 = arith.mulf %mul3A_727, %mul3A_731 : vector<16xf32>
      %mul3A_795 = arith.mulf %mul3A_794, %mul3A_733 : vector<16xf32>
      %mul3A_796 = arith.mulf %mul3A_793, %mul3A_795 : vector<16xf32>
      %add3A_797 = arith.constant 5 : i32
      %add3A_798 = vector.broadcast %add3A_797 : i32 to vector<16xi32>
      %add3A_799 = arith.addi %and3A_75, %add3A_798 : vector<16xi32>
      tpu.vector_store_idx %arg6[%shift_right_logical3A_69, %add3A_799], %mul3A_796 : memref<4x128xf32, #tpu.memory_space<vmem>>[vector<16xi32>, vector<16xi32>], vector<16xf32>,
      %mul3A_800 = arith.constant 736280.875 : f32
      %mul3A_801 = vector.broadcast %mul3A_800 : f32 to vector<16xf32>
      %mul3A_802 = arith.mulf %select_n3A_725, %mul3A_801 : vector<16xf32>
      %mul3A_803 = arith.mulf %mul3A_726, %mul3A_728 : vector<16xf32>
      %mul3A_804 = arith.mulf %mul3A_802, %mul3A_803 : vector<16xf32>
      %mul3A_805 = arith.mulf %sub3A_705, %mul3A_731 : vector<16xf32>
      %mul3A_806 = arith.mulf %mul3A_805, %mul3A_733 : vector<16xf32>
      %mul3A_807 = arith.mulf %mul3A_804, %mul3A_806 : vector<16xf32>
      %add3A_808 = arith.constant 6 : i32
      %add3A_809 = vector.broadcast %add3A_808 : i32 to vector<16xi32>
      %add3A_810 = arith.addi %and3A_75, %add3A_809 : vector<16xi32>
      tpu.vector_store_idx %arg6[%shift_right_logical3A_69, %add3A_810], %mul3A_807 : memref<4x128xf32, #tpu.memory_space<vmem>>[vector<16xi32>, vector<16xi32>], vector<16xf32>,
      %mul3A_811 = arith.constant 0x4A207F18 : f32
      %mul3A_812 = vector.broadcast %mul3A_811 : f32 to vector<16xf32>
      %mul3A_813 = arith.mulf %select_n3A_725, %mul3A_812 : vector<16xf32>
      %mul3A_814 = arith.mulf %exp3A_702, %mul3A_726 : vector<16xf32>
      %mul3A_815 = arith.mulf %mul3A_814, %mul3A_728 : vector<16xf32>
      %mul3A_816 = arith.mulf %mul3A_813, %mul3A_815 : vector<16xf32>
      %mul3A_817 = arith.mulf %mul3A_731, %mul3A_733 : vector<16xf32>
      %mul3A_818 = arith.mulf %mul3A_816, %mul3A_817 : vector<16xf32>
      %add3A_819 = arith.constant 7 : i32
      %add3A_820 = vector.broadcast %add3A_819 : i32 to vector<16xi32>
      %add3A_821 = arith.addi %and3A_75, %add3A_820 : vector<16xi32>
      tpu.vector_store_idx %arg6[%shift_right_logical3A_69, %add3A_821], %mul3A_818 : memref<4x128xf32, #tpu.memory_space<vmem>>[vector<16xi32>, vector<16xi32>], vector<16xf32>,
      %mul3A_822 = arith.constant 7888725.5 : f32
      %mul3A_823 = vector.broadcast %mul3A_822 : f32 to vector<16xf32>
      %mul3A_824 = arith.mulf %select_n3A_725, %mul3A_823 : vector<16xf32>
      %mul3A_825 = arith.mulf %mul3A_824, %mul3A_730 : vector<16xf32>
      %mul3A_826 = arith.mulf %sub3A_705, %mul3A_727 : vector<16xf32>
      %mul3A_827 = arith.mulf %mul3A_826, %mul3A_729 : vector<16xf32>
      %mul3A_828 = arith.mulf %mul3A_827, %mul3A_733 : vector<16xf32>
      %mul3A_829 = arith.mulf %mul3A_825, %mul3A_828 : vector<16xf32>
      %add3A_830 = arith.constant 8 : i32
      %add3A_831 = vector.broadcast %add3A_830 : i32 to vector<16xi32>
      %add3A_832 = arith.addi %and3A_75, %add3A_831 : vector<16xi32>
      tpu.vector_store_idx %arg6[%shift_right_logical3A_69, %add3A_832], %mul3A_829 : memref<4x128xf32, #tpu.memory_space<vmem>>[vector<16xi32>, vector<16xi32>], vector<16xf32>,
      %mul3A_833 = arith.constant 0x4B99CF1D : f32
      %mul3A_834 = vector.broadcast %mul3A_833 : f32 to vector<16xf32>
      %mul3A_835 = arith.mulf %select_n3A_725, %mul3A_834 : vector<16xf32>
      %mul3A_836 = arith.mulf %exp3A_702, %mul3A_730 : vector<16xf32>
      %mul3A_837 = arith.mulf %mul3A_835, %mul3A_836 : vector<16xf32>
      %mul3A_838 = arith.mulf %mul3A_727, %mul3A_729 : vector<16xf32>
      %mul3A_839 = arith.mulf %mul3A_838, %mul3A_733 : vector<16xf32>
      %mul3A_840 = arith.mulf %mul3A_837, %mul3A_839 : vector<16xf32>
      %add3A_841 = arith.constant 9 : i32
      %add3A_842 = vector.broadcast %add3A_841 : i32 to vector<16xi32>
      %add3A_843 = arith.addi %and3A_75, %add3A_842 : vector<16xi32>
      tpu.vector_store_idx %arg6[%shift_right_logical3A_69, %add3A_843], %mul3A_840 : memref<4x128xf32, #tpu.memory_space<vmem>>[vector<16xi32>, vector<16xi32>], vector<16xf32>,
      %mul3A_844 = arith.constant 0x4C2930A5 : f32
      %mul3A_845 = vector.broadcast %mul3A_844 : f32 to vector<16xf32>
      %mul3A_846 = arith.mulf %select_n3A_725, %mul3A_845 : vector<16xf32>
      %mul3A_847 = arith.mulf %mul3A_726, %mul3A_730 : vector<16xf32>
      %mul3A_848 = arith.mulf %mul3A_846, %mul3A_847 : vector<16xf32>
      %mul3A_849 = arith.mulf %sub3A_705, %mul3A_729 : vector<16xf32>
      %mul3A_850 = arith.mulf %mul3A_849, %mul3A_733 : vector<16xf32>
      %mul3A_851 = arith.mulf %mul3A_848, %mul3A_850 : vector<16xf32>
      %add3A_852 = arith.constant 10 : i32
      %add3A_853 = vector.broadcast %add3A_852 : i32 to vector<16xi32>
      %add3A_854 = arith.addi %and3A_75, %add3A_853 : vector<16xi32>
      tpu.vector_store_idx %arg6[%shift_right_logical3A_69, %add3A_854], %mul3A_851 : memref<4x128xf32, #tpu.memory_space<vmem>>[vector<16xi32>, vector<16xi32>], vector<16xf32>,
      %mul3A_855 = arith.constant 0x4CA17FE7 : f32
      %mul3A_856 = vector.broadcast %mul3A_855 : f32 to vector<16xf32>
      %mul3A_857 = arith.mulf %select_n3A_725, %mul3A_856 : vector<16xf32>
      %mul3A_858 = arith.mulf %exp3A_702, %mul3A_726 : vector<16xf32>
      %mul3A_859 = arith.mulf %mul3A_858, %mul3A_730 : vector<16xf32>
      %mul3A_860 = arith.mulf %mul3A_857, %mul3A_859 : vector<16xf32>
      %mul3A_861 = arith.mulf %mul3A_729, %mul3A_733 : vector<16xf32>
      %mul3A_862 = arith.mulf %mul3A_860, %mul3A_861 : vector<16xf32>
      %add3A_863 = arith.constant 11 : i32
      %add3A_864 = vector.broadcast %add3A_863 : i32 to vector<16xi32>
      %add3A_865 = arith.addi %and3A_75, %add3A_864 : vector<16xi32>
      tpu.vector_store_idx %arg6[%shift_right_logical3A_69, %add3A_865], %mul3A_862 : memref<4x128xf32, #tpu.memory_space<vmem>>[vector<16xi32>, vector<16xi32>], vector<16xf32>,
      %mul3A_866 = arith.constant 0x4D069545 : f32
      %mul3A_867 = vector.broadcast %mul3A_866 : f32 to vector<16xf32>
      %mul3A_868 = arith.mulf %select_n3A_725, %mul3A_867 : vector<16xf32>
      %mul3A_869 = arith.mulf %mul3A_728, %mul3A_730 : vector<16xf32>
      %mul3A_870 = arith.mulf %mul3A_868, %mul3A_869 : vector<16xf32>
      %mul3A_871 = arith.mulf %sub3A_705, %mul3A_727 : vector<16xf32>
      %mul3A_872 = arith.mulf %mul3A_871, %mul3A_733 : vector<16xf32>
      %mul3A_873 = arith.mulf %mul3A_870, %mul3A_872 : vector<16xf32>
      %add3A_874 = arith.constant 12 : i32
      %add3A_875 = vector.broadcast %add3A_874 : i32 to vector<16xi32>
      %add3A_876 = arith.addi %and3A_75, %add3A_875 : vector<16xi32>
      tpu.vector_store_idx %arg6[%shift_right_logical3A_69, %add3A_876], %mul3A_873 : memref<4x128xf32, #tpu.memory_space<vmem>>[vector<16xi32>, vector<16xi32>], vector<16xf32>,
      %mul3A_877 = arith.constant 0x4D44B2CA : f32
      %mul3A_878 = vector.broadcast %mul3A_877 : f32 to vector<16xf32>
      %mul3A_879 = arith.mulf %select_n3A_725, %mul3A_878 : vector<16xf32>
      %mul3A_880 = arith.mulf %exp3A_702, %mul3A_728 : vector<16xf32>
      %mul3A_881 = arith.mulf %mul3A_880, %mul3A_730 : vector<16xf32>
      %mul3A_882 = arith.mulf %mul3A_879, %mul3A_881 : vector<16xf32>
      %mul3A_883 = arith.mulf %mul3A_727, %mul3A_733 : vector<16xf32>
      %mul3A_884 = arith.mulf %mul3A_882, %mul3A_883 : vector<16xf32>
      %add3A_885 = arith.constant 13 : i32
      %add3A_886 = vector.broadcast %add3A_885 : i32 to vector<16xi32>
      %add3A_887 = arith.addi %and3A_75, %add3A_886 : vector<16xi32>
      tpu.vector_store_idx %arg6[%shift_right_logical3A_69, %add3A_887], %mul3A_884 : memref<4x128xf32, #tpu.memory_space<vmem>>[vector<16xi32>, vector<16xi32>], vector<16xf32>,
      %mul3A_888 = arith.constant 0x4D7CE5DB : f32
      %mul3A_889 = vector.broadcast %mul3A_888 : f32 to vector<16xf32>
      %mul3A_890 = arith.mulf %select_n3A_725, %mul3A_889 : vector<16xf32>
      %mul3A_891 = arith.mulf %mul3A_726, %mul3A_728 : vector<16xf32>
      %mul3A_892 = arith.mulf %mul3A_891, %mul3A_730 : vector<16xf32>
      %mul3A_893 = arith.mulf %mul3A_890, %mul3A_892 : vector<16xf32>
      %mul3A_894 = arith.mulf %sub3A_705, %mul3A_733 : vector<16xf32>
      %mul3A_895 = arith.mulf %mul3A_893, %mul3A_894 : vector<16xf32>
      %add3A_896 = arith.constant 14 : i32
      %add3A_897 = vector.broadcast %add3A_896 : i32 to vector<16xi32>
      %add3A_898 = arith.addi %and3A_75, %add3A_897 : vector<16xi32>
      tpu.vector_store_idx %arg6[%shift_right_logical3A_69, %add3A_898], %mul3A_895 : memref<4x128xf32, #tpu.memory_space<vmem>>[vector<16xi32>, vector<16xi32>], vector<16xf32>,
      %mul3A_899 = arith.constant 0x4D8F4F04 : f32
      %mul3A_900 = vector.broadcast %mul3A_899 : f32 to vector<16xf32>
      %mul3A_901 = arith.mulf %select_n3A_725, %mul3A_900 : vector<16xf32>
      %mul3A_902 = arith.mulf %exp3A_702, %mul3A_726 : vector<16xf32>
      %mul3A_903 = arith.mulf %mul3A_902, %mul3A_728 : vector<16xf32>
      %mul3A_904 = arith.mulf %mul3A_903, %mul3A_730 : vector<16xf32>
      %mul3A_905 = arith.mulf %mul3A_901, %mul3A_904 : vector<16xf32>
      %mul3A_906 = arith.mulf %mul3A_905, %mul3A_733 : vector<16xf32>
      %add3A_907 = arith.constant 15 : i32
      %add3A_908 = vector.broadcast %add3A_907 : i32 to vector<16xi32>
      %add3A_909 = arith.addi %and3A_75, %add3A_908 : vector<16xi32>
      tpu.vector_store_idx %arg6[%shift_right_logical3A_69, %add3A_909], %mul3A_906 : memref<4x128xf32, #tpu.memory_space<vmem>>[vector<16xi32>, vector<16xi32>], vector<16xf32>,
      %mul3A_910 = arith.constant 0x4D8F4F04 : f32
      %mul3A_911 = vector.broadcast %mul3A_910 : f32 to vector<16xf32>
      %mul3A_912 = arith.mulf %select_n3A_725, %mul3A_911 : vector<16xf32>
      %mul3A_913 = arith.mulf %mul3A_912, %mul3A_732 : vector<16xf32>
      %mul3A_914 = arith.mulf %sub3A_705, %mul3A_727 : vector<16xf32>
      %mul3A_915 = arith.mulf %mul3A_914, %mul3A_729 : vector<16xf32>
      %mul3A_916 = arith.mulf %mul3A_915, %mul3A_731 : vector<16xf32>
      %mul3A_917 = arith.mulf %mul3A_913, %mul3A_916 : vector<16xf32>
      %add3A_918 = arith.constant 16 : i32
      %add3A_919 = vector.broadcast %add3A_918 : i32 to vector<16xi32>
      %add3A_920 = arith.addi %and3A_75, %add3A_919 : vector<16xi32>
      tpu.vector_store_idx %arg6[%shift_right_logical3A_69, %add3A_920], %mul3A_917 : memref<4x128xf32, #tpu.memory_space<vmem>>[vector<16xi32>, vector<16xi32>], vector<16xf32>,
      %mul3A_921 = arith.constant 0x4D7CE5DB : f32
      %mul3A_922 = vector.broadcast %mul3A_921 : f32 to vector<16xf32>
      %mul3A_923 = arith.mulf %select_n3A_725, %mul3A_922 : vector<16xf32>
      %mul3A_924 = arith.mulf %exp3A_702, %mul3A_732 : vector<16xf32>
      %mul3A_925 = arith.mulf %mul3A_923, %mul3A_924 : vector<16xf32>
      %mul3A_926 = arith.mulf %mul3A_727, %mul3A_729 : vector<16xf32>
      %mul3A_927 = arith.mulf %mul3A_926, %mul3A_731 : vector<16xf32>
      %mul3A_928 = arith.mulf %mul3A_925, %mul3A_927 : vector<16xf32>
      %add3A_929 = arith.constant 17 : i32
      %add3A_930 = vector.broadcast %add3A_929 : i32 to vector<16xi32>
      %add3A_931 = arith.addi %and3A_75, %add3A_930 : vector<16xi32>
      tpu.vector_store_idx %arg6[%shift_right_logical3A_69, %add3A_931], %mul3A_928 : memref<4x128xf32, #tpu.memory_space<vmem>>[vector<16xi32>, vector<16xi32>], vector<16xf32>,
      %mul3A_932 = arith.constant 0x4D44B2CA : f32
      %mul3A_933 = vector.broadcast %mul3A_932 : f32 to vector<16xf32>
      %mul3A_934 = arith.mulf %select_n3A_725, %mul3A_933 : vector<16xf32>
      %mul3A_935 = arith.mulf %mul3A_726, %mul3A_732 : vector<16xf32>
      %mul3A_936 = arith.mulf %mul3A_934, %mul3A_935 : vector<16xf32>
      %mul3A_937 = arith.mulf %sub3A_705, %mul3A_729 : vector<16xf32>
      %mul3A_938 = arith.mulf %mul3A_937, %mul3A_731 : vector<16xf32>
      %mul3A_939 = arith.mulf %mul3A_936, %mul3A_938 : vector<16xf32>
      %add3A_940 = arith.constant 18 : i32
      %add3A_941 = vector.broadcast %add3A_940 : i32 to vector<16xi32>
      %add3A_942 = arith.addi %and3A_75, %add3A_941 : vector<16xi32>
      tpu.vector_store_idx %arg6[%shift_right_logical3A_69, %add3A_942], %mul3A_939 : memref<4x128xf32, #tpu.memory_space<vmem>>[vector<16xi32>, vector<16xi32>], vector<16xf32>,
      %mul3A_943 = arith.constant 0x4D069545 : f32
      %mul3A_944 = vector.broadcast %mul3A_943 : f32 to vector<16xf32>
      %mul3A_945 = arith.mulf %select_n3A_725, %mul3A_944 : vector<16xf32>
      %mul3A_946 = arith.mulf %exp3A_702, %mul3A_726 : vector<16xf32>
      %mul3A_947 = arith.mulf %mul3A_946, %mul3A_732 : vector<16xf32>
      %mul3A_948 = arith.mulf %mul3A_945, %mul3A_947 : vector<16xf32>
      %mul3A_949 = arith.mulf %mul3A_729, %mul3A_731 : vector<16xf32>
      %mul3A_950 = arith.mulf %mul3A_948, %mul3A_949 : vector<16xf32>
      %add3A_951 = arith.constant 19 : i32
      %add3A_952 = vector.broadcast %add3A_951 : i32 to vector<16xi32>
      %add3A_953 = arith.addi %and3A_75, %add3A_952 : vector<16xi32>
      tpu.vector_store_idx %arg6[%shift_right_logical3A_69, %add3A_953], %mul3A_950 : memref<4x128xf32, #tpu.memory_space<vmem>>[vector<16xi32>, vector<16xi32>], vector<16xf32>,
      %mul3A_954 = arith.constant 0x4CA17FE7 : f32
      %mul3A_955 = vector.broadcast %mul3A_954 : f32 to vector<16xf32>
      %mul3A_956 = arith.mulf %select_n3A_725, %mul3A_955 : vector<16xf32>
      %mul3A_957 = arith.mulf %mul3A_728, %mul3A_732 : vector<16xf32>
      %mul3A_958 = arith.mulf %mul3A_956, %mul3A_957 : vector<16xf32>
      %mul3A_959 = arith.mulf %sub3A_705, %mul3A_727 : vector<16xf32>
      %mul3A_960 = arith.mulf %mul3A_959, %mul3A_731 : vector<16xf32>
      %mul3A_961 = arith.mulf %mul3A_958, %mul3A_960 : vector<16xf32>
      %add3A_962 = arith.constant 20 : i32
      %add3A_963 = vector.broadcast %add3A_962 : i32 to vector<16xi32>
      %add3A_964 = arith.addi %and3A_75, %add3A_963 : vector<16xi32>
      tpu.vector_store_idx %arg6[%shift_right_logical3A_69, %add3A_964], %mul3A_961 : memref<4x128xf32, #tpu.memory_space<vmem>>[vector<16xi32>, vector<16xi32>], vector<16xf32>,
      %mul3A_965 = arith.constant 0x4C2930A5 : f32
      %mul3A_966 = vector.broadcast %mul3A_965 : f32 to vector<16xf32>
      %mul3A_967 = arith.mulf %select_n3A_725, %mul3A_966 : vector<16xf32>
      %mul3A_968 = arith.mulf %exp3A_702, %mul3A_728 : vector<16xf32>
      %mul3A_969 = arith.mulf %mul3A_968, %mul3A_732 : vector<16xf32>
      %mul3A_970 = arith.mulf %mul3A_967, %mul3A_969 : vector<16xf32>
      %mul3A_971 = arith.mulf %mul3A_727, %mul3A_731 : vector<16xf32>
      %mul3A_972 = arith.mulf %mul3A_970, %mul3A_971 : vector<16xf32>
      %add3A_973 = arith.constant 21 : i32
      %add3A_974 = vector.broadcast %add3A_973 : i32 to vector<16xi32>
      %add3A_975 = arith.addi %and3A_75, %add3A_974 : vector<16xi32>
      tpu.vector_store_idx %arg6[%shift_right_logical3A_69, %add3A_975], %mul3A_972 : memref<4x128xf32, #tpu.memory_space<vmem>>[vector<16xi32>, vector<16xi32>], vector<16xf32>,
      %mul3A_976 = arith.constant 0x4B99CF1D : f32
      %mul3A_977 = vector.broadcast %mul3A_976 : f32 to vector<16xf32>
      %mul3A_978 = arith.mulf %select_n3A_725, %mul3A_977 : vector<16xf32>
      %mul3A_979 = arith.mulf %mul3A_726, %mul3A_728 : vector<16xf32>
      %mul3A_980 = arith.mulf %mul3A_979, %mul3A_732 : vector<16xf32>
      %mul3A_981 = arith.mulf %mul3A_978, %mul3A_980 : vector<16xf32>
      %mul3A_982 = arith.mulf %sub3A_705, %mul3A_731 : vector<16xf32>
      %mul3A_983 = arith.mulf %mul3A_981, %mul3A_982 : vector<16xf32>
      %add3A_984 = arith.constant 22 : i32
      %add3A_985 = vector.broadcast %add3A_984 : i32 to vector<16xi32>
      %add3A_986 = arith.addi %and3A_75, %add3A_985 : vector<16xi32>
      tpu.vector_store_idx %arg6[%shift_right_logical3A_69, %add3A_986], %mul3A_983 : memref<4x128xf32, #tpu.memory_space<vmem>>[vector<16xi32>, vector<16xi32>], vector<16xf32>,
      %mul3A_987 = arith.constant 7888725.5 : f32
      %mul3A_988 = vector.broadcast %mul3A_987 : f32 to vector<16xf32>
      %mul3A_989 = arith.mulf %select_n3A_725, %mul3A_988 : vector<16xf32>
      %mul3A_990 = arith.mulf %exp3A_702, %mul3A_726 : vector<16xf32>
      %mul3A_991 = arith.mulf %mul3A_990, %mul3A_728 : vector<16xf32>
      %mul3A_992 = arith.mulf %mul3A_991, %mul3A_732 : vector<16xf32>
      %mul3A_993 = arith.mulf %mul3A_989, %mul3A_992 : vector<16xf32>
      %mul3A_994 = arith.mulf %mul3A_993, %mul3A_731 : vector<16xf32>
      %add3A_995 = arith.constant 23 : i32
      %add3A_996 = vector.broadcast %add3A_995 : i32 to vector<16xi32>
      %add3A_997 = arith.addi %and3A_75, %add3A_996 : vector<16xi32>
      tpu.vector_store_idx %arg6[%shift_right_logical3A_69, %add3A_997], %mul3A_994 : memref<4x128xf32, #tpu.memory_space<vmem>>[vector<16xi32>, vector<16xi32>], vector<16xf32>,
      %mul3A_998 = arith.constant 0x4A207F18 : f32
      %mul3A_999 = vector.broadcast %mul3A_998 : f32 to vector<16xf32>
      %mul3A_1000 = arith.mulf %select_n3A_725, %mul3A_999 : vector<16xf32>
      %mul3A_1001 = arith.mulf %mul3A_730, %mul3A_732 : vector<16xf32>
      %mul3A_1002 = arith.mulf %mul3A_1000, %mul3A_1001 : vector<16xf32>
      %mul3A_1003 = arith.mulf %sub3A_705, %mul3A_727 : vector<16xf32>
      %mul3A_1004 = arith.mulf %mul3A_1003, %mul3A_729 : vector<16xf32>
      %mul3A_1005 = arith.mulf %mul3A_1002, %mul3A_1004 : vector<16xf32>
      %add3A_1006 = arith.constant 24 : i32
      %add3A_1007 = vector.broadcast %add3A_1006 : i32 to vector<16xi32>
      %add3A_1008 = arith.addi %and3A_75, %add3A_1007 : vector<16xi32>
      tpu.vector_store_idx %arg6[%shift_right_logical3A_69, %add3A_1008], %mul3A_1005 : memref<4x128xf32, #tpu.memory_space<vmem>>[vector<16xi32>, vector<16xi32>], vector<16xf32>,
      %mul3A_1009 = arith.constant 736280.875 : f32
      %mul3A_1010 = vector.broadcast %mul3A_1009 : f32 to vector<16xf32>
      %mul3A_1011 = arith.mulf %select_n3A_725, %mul3A_1010 : vector<16xf32>
      %mul3A_1012 = arith.mulf %exp3A_702, %mul3A_730 : vector<16xf32>
      %mul3A_1013 = arith.mulf %mul3A_1012, %mul3A_732 : vector<16xf32>
      %mul3A_1014 = arith.mulf %mul3A_1011, %mul3A_1013 : vector<16xf32>
      %mul3A_1015 = arith.mulf %mul3A_727, %mul3A_729 : vector<16xf32>
      %mul3A_1016 = arith.mulf %mul3A_1014, %mul3A_1015 : vector<16xf32>
      %add3A_1017 = arith.constant 25 : i32
      %add3A_1018 = vector.broadcast %add3A_1017 : i32 to vector<16xi32>
      %add3A_1019 = arith.addi %and3A_75, %add3A_1018 : vector<16xi32>
      tpu.vector_store_idx %arg6[%shift_right_logical3A_69, %add3A_1019], %mul3A_1016 : memref<4x128xf32, #tpu.memory_space<vmem>>[vector<16xi32>, vector<16xi32>], vector<16xf32>,
      %mul3A_1020 = arith.constant 169910.953 : f32
      %mul3A_1021 = vector.broadcast %mul3A_1020 : f32 to vector<16xf32>
      %mul3A_1022 = arith.mulf %select_n3A_725, %mul3A_1021 : vector<16xf32>
      %mul3A_1023 = arith.mulf %mul3A_726, %mul3A_730 : vector<16xf32>
      %mul3A_1024 = arith.mulf %mul3A_1023, %mul3A_732 : vector<16xf32>
      %mul3A_1025 = arith.mulf %mul3A_1022, %mul3A_1024 : vector<16xf32>
      %mul3A_1026 = arith.mulf %sub3A_705, %mul3A_729 : vector<16xf32>
      %mul3A_1027 = arith.mulf %mul3A_1025, %mul3A_1026 : vector<16xf32>
      %add3A_1028 = arith.constant 26 : i32
      %add3A_1029 = vector.broadcast %add3A_1028 : i32 to vector<16xi32>
      %add3A_1030 = arith.addi %and3A_75, %add3A_1029 : vector<16xi32>
      tpu.vector_store_idx %arg6[%shift_right_logical3A_69, %add3A_1030], %mul3A_1027 : memref<4x128xf32, #tpu.memory_space<vmem>>[vector<16xi32>, vector<16xi32>], vector<16xf32>,
      %mul3A_1031 = arith.constant 31465.0039 : f32
      %mul3A_1032 = vector.broadcast %mul3A_1031 : f32 to vector<16xf32>
      %mul3A_1033 = arith.mulf %select_n3A_725, %mul3A_1032 : vector<16xf32>
      %mul3A_1034 = arith.mulf %exp3A_702, %mul3A_726 : vector<16xf32>
      %mul3A_1035 = arith.mulf %mul3A_1034, %mul3A_730 : vector<16xf32>
      %mul3A_1036 = arith.mulf %mul3A_1035, %mul3A_732 : vector<16xf32>
      %mul3A_1037 = arith.mulf %mul3A_1033, %mul3A_1036 : vector<16xf32>
      %mul3A_1038 = arith.mulf %mul3A_1037, %mul3A_729 : vector<16xf32>
      %add3A_1039 = arith.constant 27 : i32
      %add3A_1040 = vector.broadcast %add3A_1039 : i32 to vector<16xi32>
      %add3A_1041 = arith.addi %and3A_75, %add3A_1040 : vector<16xi32>
      tpu.vector_store_idx %arg6[%shift_right_logical3A_69, %add3A_1041], %mul3A_1038 : memref<4x128xf32, #tpu.memory_space<vmem>>[vector<16xi32>, vector<16xi32>], vector<16xf32>,
      %mul3A_1042 = arith.constant 4494.99951 : f32
      %mul3A_1043 = vector.broadcast %mul3A_1042 : f32 to vector<16xf32>
      %mul3A_1044 = arith.mulf %select_n3A_725, %mul3A_1043 : vector<16xf32>
      %mul3A_1045 = arith.mulf %mul3A_728, %mul3A_730 : vector<16xf32>
      %mul3A_1046 = arith.mulf %mul3A_1045, %mul3A_732 : vector<16xf32>
      %mul3A_1047 = arith.mulf %mul3A_1044, %mul3A_1046 : vector<16xf32>
      %mul3A_1048 = arith.mulf %sub3A_705, %mul3A_727 : vector<16xf32>
      %mul3A_1049 = arith.mulf %mul3A_1047, %mul3A_1048 : vector<16xf32>
      %add3A_1050 = arith.constant 28 : i32
      %add3A_1051 = vector.broadcast %add3A_1050 : i32 to vector<16xi32>
      %add3A_1052 = arith.addi %and3A_75, %add3A_1051 : vector<16xi32>
      tpu.vector_store_idx %arg6[%shift_right_logical3A_69, %add3A_1052], %mul3A_1049 : memref<4x128xf32, #tpu.memory_space<vmem>>[vector<16xi32>, vector<16xi32>], vector<16xf32>,
      %mul3A_1053 = arith.constant 4.650000e+02 : f32
      %mul3A_1054 = vector.broadcast %mul3A_1053 : f32 to vector<16xf32>
      %mul3A_1055 = arith.mulf %select_n3A_725, %mul3A_1054 : vector<16xf32>
      %mul3A_1056 = arith.mulf %exp3A_702, %mul3A_728 : vector<16xf32>
      %mul3A_1057 = arith.mulf %mul3A_1056, %mul3A_730 : vector<16xf32>
      %mul3A_1058 = arith.mulf %mul3A_1057, %mul3A_732 : vector<16xf32>
      %mul3A_1059 = arith.mulf %mul3A_1055, %mul3A_1058 : vector<16xf32>
      %mul3A_1060 = arith.mulf %mul3A_1059, %mul3A_727 : vector<16xf32>
      %add3A_1061 = arith.constant 29 : i32
      %add3A_1062 = vector.broadcast %add3A_1061 : i32 to vector<16xi32>
      %add3A_1063 = arith.addi %and3A_75, %add3A_1062 : vector<16xi32>
      tpu.vector_store_idx %arg6[%shift_right_logical3A_69, %add3A_1063], %mul3A_1060 : memref<4x128xf32, #tpu.memory_space<vmem>>[vector<16xi32>, vector<16xi32>], vector<16xf32>,
      %mul3A_1064 = arith.constant 30.9999962 : f32
      %mul3A_1065 = vector.broadcast %mul3A_1064 : f32 to vector<16xf32>
      %mul3A_1066 = arith.mulf %select_n3A_725, %mul3A_1065 : vector<16xf32>
      %mul3A_1067 = arith.mulf %mul3A_726, %mul3A_728 : vector<16xf32>
      %mul3A_1068 = arith.mulf %mul3A_1067, %mul3A_730 : vector<16xf32>
      %mul3A_1069 = arith.mulf %mul3A_1068, %mul3A_732 : vector<16xf32>
      %mul3A_1070 = arith.mulf %mul3A_1066, %mul3A_1069 : vector<16xf32>
      %mul3A_1071 = arith.mulf %mul3A_1070, %sub3A_705 : vector<16xf32>
      %add3A_1072 = arith.constant 30 : i32
      %add3A_1073 = vector.broadcast %add3A_1072 : i32 to vector<16xi32>
      %add3A_1074 = arith.addi %and3A_75, %add3A_1073 : vector<16xi32>
      tpu.vector_store_idx %arg6[%shift_right_logical3A_69, %add3A_1074], %mul3A_1071 : memref<4x128xf32, #tpu.memory_space<vmem>>[vector<16xi32>, vector<16xi32>], vector<16xf32>,
      %mul3A_1075 = arith.constant 1.000000e+00 : f32
      %mul3A_1076 = vector.broadcast %mul3A_1075 : f32 to vector<16xf32>
      %mul3A_1077 = arith.mulf %select_n3A_725, %mul3A_1076 : vector<16xf32>
      %mul3A_1078 = arith.mulf %exp3A_702, %mul3A_726 : vector<16xf32>
      %mul3A_1079 = arith.mulf %mul3A_1078, %mul3A_728 : vector<16xf32>
      %mul3A_1080 = arith.mulf %mul3A_1079, %mul3A_730 : vector<16xf32>
      %mul3A_1081 = arith.mulf %mul3A_1080, %mul3A_732 : vector<16xf32>
      %mul3A_1082 = arith.mulf %mul3A_1077, %mul3A_1081 : vector<16xf32>
      %add3A_1083 = arith.constant 31 : i32
      %add3A_1084 = vector.broadcast %add3A_1083 : i32 to vector<16xi32>
      %add3A_1085 = arith.addi %and3A_75, %add3A_1084 : vector<16xi32>
      tpu.vector_store_idx %arg6[%shift_right_logical3A_69, %add3A_1085], %mul3A_1082 : memref<4x128xf32, #tpu.memory_space<vmem>>[vector<16xi32>, vector<16xi32>], vector<16xf32>,
      %mul3A_1086 = arith.constant 24 : i32
      %mul3A_1087 = arith.muli %add3A_79, %mul3A_1086 : i32
      %mul3A_1088 = arith.constant 8 : i32
      %mul3A_1089 = arith.muli %mul3A_1088, %scan3A_158 : i32
      %add3A_1090 = arith.addi %mul3A_1087, %mul3A_1089 : i32
      %add3A_1091 = arith.constant 4 : i32
      %add3A_1092 = arith.addi %add3A_1090, %add3A_1091 : i32
      %dma_start3A_1093 = arith.constant 0 : i32
      %dma_start3A_1094 = tpu.memref_slice %arg3[%add3A_1092, %dma_start3A_1093] : memref<2304x128xf32, #tpu.memory_space<hbm>> -> memref<4x128xf32, #tpu.memory_space<hbm>>
      %dma_start3A_1095 = arith.constant 0 : i32
      %dma_start3A_1096 = tpu.memref_slice %arg3[%add3A_1092, %dma_start3A_1095] : memref<2304x128xf32, #tpu.memory_space<hbm>> -> memref<4x128xf32, #tpu.memory_space<hbm>>
      tpu.enqueue_dma source(%arg6 : memref<4x128xf32, #tpu.memory_space<vmem>>) target(%dma_start3A_1096 : memref<4x128xf32, #tpu.memory_space<hbm>>) target_semaphore(%arg8 : memref<!tpu.dma_semaphore, #tpu.memory_space<semaphore_mem>>)
      %scan3A_1097 = arith.constant 0 : i32
      scf.yield %scan3A_1097 : i32
    }
    %scan3A_98 = arith.constant 3 : i32
    %mul3A_99 = arith.constant 3 : i32
    %mul3A_100 = arith.muli %add3A, %mul3A_99 : i32
    %add3A_101 = arith.constant 1 : i32
    %add3A_102 = arith.addi %mul3A_100, %add3A_101 : i32
    %mul3A_103 = arith.constant 3 : i32
    %mul3A_104 = arith.muli %add3A_102, %mul3A_103 : i32
    %broadcast_in_dim3A_105 = vector.broadcast %mul3A_104 : i32 to vector<16xi32>
    %broadcast_in_dim3A_106 = vector.broadcast %add3A_102 : i32 to vector<16xi32>
    %gather3A_107 = tpu.vector_load_idx %arg4[%broadcast_in_dim3A_105] : memref<304xf32, #tpu.memory_space<vmem>>[vector<16xi32>], vector<16xf32>,
    %add3A_108 = arith.constant 1 : i32
    %add3A_109 = vector.broadcast %add3A_108 : i32 to vector<16xi32>
    %add3A_110 = arith.addi %broadcast_in_dim3A_105, %add3A_109 : vector<16xi32>
    %gather3A_111 = tpu.vector_load_idx %arg4[%add3A_110] : memref<304xf32, #tpu.memory_space<vmem>>[vector<16xi32>], vector<16xf32>,
    %add3A_112 = arith.constant 2 : i32
    %add3A_113 = vector.broadcast %add3A_112 : i32 to vector<16xi32>
    %add3A_114 = arith.addi %broadcast_in_dim3A_105, %add3A_113 : vector<16xi32>
    %gather3A_115 = tpu.vector_load_idx %arg4[%add3A_114] : memref<304xf32, #tpu.memory_space<vmem>>[vector<16xi32>], vector<16xf32>,
    %scan3A_116 = arith.constant 0 : i32
    %scan3A_117 = arith.constant 0 : i32
    %scan3A_118 = arith.constant 3 : i32
    %scan3A_119 = arith.addi %scan3A_117, %scan3A_118 : i32
    %scan3A_120 = arith.constant 1 : i32
    %scan3A_121 = scf.for %scan3A_158 = %scan3A_117 to %scan3A_119 step %scan3A_120 iter_args(%scan3A_159 = %scan3A_116) -> (i32)  : i32 {
      %mul3A_160 = arith.constant 32 : i32
      %mul3A_161 = arith.muli %mul3A_160, %scan3A_158 : i32
      %add3A_162 = arith.constant 0 : i32
      %add3A_163 = arith.addi %mul3A_161, %add3A_162 : i32
      %dma_wait3A_164 = arith.constant 0 : i32
      %dma_wait3A_165 = arith.constant 0 : i32
      %dma_wait3A_166 = tpu.memref_slice %arg3[%dma_wait3A_164, %dma_wait3A_165] : memref<2304x128xf32, #tpu.memory_space<hbm>> -> memref<4x128xf32, #tpu.memory_space<hbm>>
      %dma_wait3A_167 = arith.constant 0 : i32
      %dma_wait3A_168 = arith.constant 0 : i32
      %dma_wait3A_169 = tpu.memref_slice %arg3[%dma_wait3A_167, %dma_wait3A_168] : memref<2304x128xf32, #tpu.memory_space<hbm>> -> memref<4x128xf32, #tpu.memory_space<hbm>>
      tpu.wait_dma2 semaphore(%arg7 : memref<!tpu.dma_semaphore, #tpu.memory_space<semaphore_mem>>) src(%arg5 : memref<4x128xf32, #tpu.memory_space<vmem>>) dst(%dma_wait3A_169 : memref<4x128xf32, #tpu.memory_space<hbm>>)
      %add3A_170 = vector.broadcast %add3A_163 : i32 to vector<16xi32>
      %add3A_171 = arith.addi %iota3A, %add3A_170 : vector<16xi32>
      %mul3A_172 = arith.constant 3 : i32
      %mul3A_173 = vector.broadcast %mul3A_172 : i32 to vector<16xi32>
      %mul3A_174 = arith.muli %add3A_171, %mul3A_173 : vector<16xi32>
      %gather3A_175 = tpu.vector_load_idx %arg4[%mul3A_174] : memref<304xf32, #tpu.memory_space<vmem>>[vector<16xi32>], vector<16xf32>,
      %sub3A_176 = arith.subf %gather3A_175, %gather3A_107 : vector<16xf32>
      %add3A_177 = arith.constant 1 : i32
      %add3A_178 = vector.broadcast %add3A_177 : i32 to vector<16xi32>
      %add3A_179 = arith.addi %mul3A_174, %add3A_178 : vector<16xi32>
      %gather3A_180 = tpu.vector_load_idx %arg4[%add3A_179] : memref<304xf32, #tpu.memory_space<vmem>>[vector<16xi32>], vector<16xf32>,
      %sub3A_181 = arith.subf %gather3A_180, %gather3A_111 : vector<16xf32>
      %add3A_182 = arith.constant 2 : i32
      %add3A_183 = vector.broadcast %add3A_182 : i32 to vector<16xi32>
      %add3A_184 = arith.addi %mul3A_174, %add3A_183 : vector<16xi32>
      %gather3A_185 = tpu.vector_load_idx %arg4[%add3A_184] : memref<304xf32, #tpu.memory_space<vmem>>[vector<16xi32>], vector<16xf32>,
      %sub3A_186 = arith.subf %gather3A_185, %gather3A_115 : vector<16xf32>
      %mul3A_187 = arith.mulf %sub3A_176, %sub3A_176 : vector<16xf32>
      %mul3A_188 = arith.mulf %sub3A_181, %sub3A_181 : vector<16xf32>
      %add3A_189 = arith.addf %mul3A_187, %mul3A_188 : vector<16xf32>
      %mul3A_190 = arith.mulf %sub3A_186, %sub3A_186 : vector<16xf32>
      %add3A_191 = arith.addf %add3A_189, %mul3A_190 : vector<16xf32>
      %add3A_192 = arith.constant 9.99999996E-13 : f32
      %add3A_193 = vector.broadcast %add3A_192 : f32 to vector<16xf32>
      %add3A_194 = arith.addf %add3A_191, %add3A_193 : vector<16xf32>
      %bitcast3A_195 = vector.bitcast %add3A_194 : vector<16xf32> to vector<16xi32>
      %shift_right_logical3A_196 = arith.constant 1 : i32
      %shift_right_logical3A_197 = vector.broadcast %shift_right_logical3A_196 : i32 to vector<16xi32>
      %shift_right_logical3A_198 = arith.shrui %bitcast3A_195, %shift_right_logical3A_197 : vector<16xi32>
      %sub3A_199 = arith.constant 1597463007 : i32
      %sub3A_200 = vector.broadcast %sub3A_199 : i32 to vector<16xi32>
      %sub3A_201 = arith.subi %sub3A_200, %shift_right_logical3A_198 : vector<16xi32>
      %bitcast3A_202 = vector.bitcast %sub3A_201 : vector<16xi32> to vector<16xf32>
      %mul3A_203 = arith.constant 5.000000e-01 : f32
      %mul3A_204 = vector.broadcast %mul3A_203 : f32 to vector<16xf32>
      %mul3A_205 = arith.mulf %mul3A_204, %add3A_194 : vector<16xf32>
      %mul3A_206 = arith.mulf %mul3A_205, %bitcast3A_202 : vector<16xf32>
      %mul3A_207 = arith.mulf %mul3A_206, %bitcast3A_202 : vector<16xf32>
      %sub3A_208 = arith.constant 1.500000e+00 : f32
      %sub3A_209 = vector.broadcast %sub3A_208 : f32 to vector<16xf32>
      %sub3A_210 = arith.subf %sub3A_209, %mul3A_207 : vector<16xf32>
      %mul3A_211 = arith.mulf %bitcast3A_202, %sub3A_210 : vector<16xf32>
      %mul3A_212 = arith.constant 5.000000e-01 : f32
      %mul3A_213 = vector.broadcast %mul3A_212 : f32 to vector<16xf32>
      %mul3A_214 = arith.mulf %mul3A_213, %add3A_194 : vector<16xf32>
      %mul3A_215 = arith.mulf %mul3A_214, %mul3A_211 : vector<16xf32>
      %mul3A_216 = arith.mulf %mul3A_215, %mul3A_211 : vector<16xf32>
      %sub3A_217 = arith.constant 1.500000e+00 : f32
      %sub3A_218 = vector.broadcast %sub3A_217 : f32 to vector<16xf32>
      %sub3A_219 = arith.subf %sub3A_218, %mul3A_216 : vector<16xf32>
      %mul3A_220 = arith.mulf %mul3A_211, %sub3A_219 : vector<16xf32>
      %mul3A_221 = arith.constant 5.000000e-01 : f32
      %mul3A_222 = vector.broadcast %mul3A_221 : f32 to vector<16xf32>
      %mul3A_223 = arith.mulf %mul3A_222, %add3A_194 : vector<16xf32>
      %mul3A_224 = arith.mulf %mul3A_223, %mul3A_220 : vector<16xf32>
      %mul3A_225 = arith.mulf %mul3A_224, %mul3A_220 : vector<16xf32>
      %sub3A_226 = arith.constant 1.500000e+00 : f32
      %sub3A_227 = vector.broadcast %sub3A_226 : f32 to vector<16xf32>
      %sub3A_228 = arith.subf %sub3A_227, %mul3A_225 : vector<16xf32>
      %mul3A_229 = arith.mulf %mul3A_220, %sub3A_228 : vector<16xf32>
      %mul3A_230 = arith.mulf %add3A_194, %mul3A_229 : vector<16xf32>
      %neg3A_231 = arith.constant 0.000000e+00 : f32
      %neg3A_232 = vector.broadcast %neg3A_231 : f32 to vector<16xf32>
      %neg3A_233 = arith.subf %neg3A_232, %select_n3A : vector<16xf32>
      %mul3A_234 = arith.mulf %neg3A_233, %mul3A_230 : vector<16xf32>
      %max3A = arith.constant -23.0258503 : f32
      %max3A_235 = vector.broadcast %max3A : f32 to vector<16xf32>
      %max3A_236 = arith.maximumf %mul3A_234, %max3A_235 : vector<16xf32>
      %exp3A_237 = math.exp %max3A_236 : vector<16xf32>
      %sub3A_238 = arith.constant 1.000000e+00 : f32
      %sub3A_239 = vector.broadcast %sub3A_238 : f32 to vector<16xf32>
      %sub3A_240 = arith.subf %sub3A_239, %exp3A_237 : vector<16xf32>
      %mul3A_241 = arith.mulf %mul3A_230, %mul3A_230 : vector<16xf32>
      %lt3A = arith.constant 1.500000e+01 : f32
      %lt3A_242 = vector.broadcast %lt3A : f32 to vector<16xf32>
      %lt3A_243 = arith.cmpf olt, %mul3A_230, %lt3A_242 : vector<16xf32>
      %ne3A = arith.cmpi ne, %add3A_171, %broadcast_in_dim3A_106 : vector<16xi32>
      %and3A_244 = arith.andi %lt3A_243, %ne3A : vector<16xi1>
      %neg3A_245 = arith.constant 0.000000e+00 : f32
      %neg3A_246 = vector.broadcast %neg3A_245 : f32 to vector<16xf32>
      %neg3A_247 = arith.subf %neg3A_246, %mul3A_241 : vector<16xf32>
      %sub3A_248 = arith.constant 2.250000e+02 : f32
      %sub3A_249 = vector.broadcast %sub3A_248 : f32 to vector<16xf32>
      %sub3A_250 = arith.subf %sub3A_249, %mul3A_241 : vector<16xf32>
      %add3A_251 = arith.constant 9.99999971E-10 : f32
      %add3A_252 = vector.broadcast %add3A_251 : f32 to vector<16xf32>
      %add3A_253 = arith.addf %sub3A_250, %add3A_252 : vector<16xf32>
      %div3A = arith.divf %neg3A_247, %add3A_253 : vector<16xf32>
      %exp3A_254 = math.exp %div3A : vector<16xf32>
      %jit3A = arith.constant 0.000000e+00 : f32
      %broadcast_in_dim3A_255 = vector.broadcast %jit3A : f32 to vector<16xf32>
      %select_n3A_256 = arith.select %and3A_244, %exp3A_254, %broadcast_in_dim3A_255 : vector<16xi1>, vector<16xf32>
      %mul3A_257 = arith.mulf %exp3A_237, %exp3A_237 : vector<16xf32>
      %mul3A_258 = arith.mulf %sub3A_240, %sub3A_240 : vector<16xf32>
      %mul3A_259 = arith.mulf %mul3A_257, %mul3A_257 : vector<16xf32>
      %mul3A_260 = arith.mulf %mul3A_258, %mul3A_258 : vector<16xf32>
      %mul3A_261 = arith.mulf %mul3A_259, %mul3A_259 : vector<16xf32>
      %mul3A_262 = arith.mulf %mul3A_260, %mul3A_260 : vector<16xf32>
      %mul3A_263 = arith.mulf %mul3A_261, %mul3A_261 : vector<16xf32>
      %mul3A_264 = arith.mulf %mul3A_262, %mul3A_262 : vector<16xf32>
      %mul3A_265 = arith.constant 1.000000e+00 : f32
      %mul3A_266 = vector.broadcast %mul3A_265 : f32 to vector<16xf32>
      %mul3A_267 = arith.mulf %select_n3A_256, %mul3A_266 : vector<16xf32>
      %mul3A_268 = arith.mulf %sub3A_240, %mul3A_258 : vector<16xf32>
      %mul3A_269 = arith.mulf %mul3A_268, %mul3A_260 : vector<16xf32>
      %mul3A_270 = arith.mulf %mul3A_269, %mul3A_262 : vector<16xf32>
      %mul3A_271 = arith.mulf %mul3A_270, %mul3A_264 : vector<16xf32>
      %mul3A_272 = arith.mulf %mul3A_267, %mul3A_271 : vector<16xf32>
      %add3A_273 = arith.constant 0 : i32
      %add3A_274 = vector.broadcast %add3A_273 : i32 to vector<16xi32>
      %add3A_275 = arith.addi %and3A_75, %add3A_274 : vector<16xi32>
      tpu.vector_store_idx %arg5[%shift_right_logical3A_69, %add3A_275], %mul3A_272 : memref<4x128xf32, #tpu.memory_space<vmem>>[vector<16xi32>, vector<16xi32>], vector<16xf32>,
      %mul3A_276 = arith.constant 30.9999962 : f32
      %mul3A_277 = vector.broadcast %mul3A_276 : f32 to vector<16xf32>
      %mul3A_278 = arith.mulf %select_n3A_256, %mul3A_277 : vector<16xf32>
      %mul3A_279 = arith.mulf %mul3A_278, %exp3A_237 : vector<16xf32>
      %mul3A_280 = arith.mulf %mul3A_258, %mul3A_260 : vector<16xf32>
      %mul3A_281 = arith.mulf %mul3A_280, %mul3A_262 : vector<16xf32>
      %mul3A_282 = arith.mulf %mul3A_281, %mul3A_264 : vector<16xf32>
      %mul3A_283 = arith.mulf %mul3A_279, %mul3A_282 : vector<16xf32>
      %add3A_284 = arith.constant 1 : i32
      %add3A_285 = vector.broadcast %add3A_284 : i32 to vector<16xi32>
      %add3A_286 = arith.addi %and3A_75, %add3A_285 : vector<16xi32>
      tpu.vector_store_idx %arg5[%shift_right_logical3A_69, %add3A_286], %mul3A_283 : memref<4x128xf32, #tpu.memory_space<vmem>>[vector<16xi32>, vector<16xi32>], vector<16xf32>,
      %mul3A_287 = arith.constant 4.650000e+02 : f32
      %mul3A_288 = vector.broadcast %mul3A_287 : f32 to vector<16xf32>
      %mul3A_289 = arith.mulf %select_n3A_256, %mul3A_288 : vector<16xf32>
      %mul3A_290 = arith.mulf %mul3A_289, %mul3A_257 : vector<16xf32>
      %mul3A_291 = arith.mulf %sub3A_240, %mul3A_260 : vector<16xf32>
      %mul3A_292 = arith.mulf %mul3A_291, %mul3A_262 : vector<16xf32>
      %mul3A_293 = arith.mulf %mul3A_292, %mul3A_264 : vector<16xf32>
      %mul3A_294 = arith.mulf %mul3A_290, %mul3A_293 : vector<16xf32>
      %add3A_295 = arith.constant 2 : i32
      %add3A_296 = vector.broadcast %add3A_295 : i32 to vector<16xi32>
      %add3A_297 = arith.addi %and3A_75, %add3A_296 : vector<16xi32>
      tpu.vector_store_idx %arg5[%shift_right_logical3A_69, %add3A_297], %mul3A_294 : memref<4x128xf32, #tpu.memory_space<vmem>>[vector<16xi32>, vector<16xi32>], vector<16xf32>,
      %mul3A_298 = arith.constant 4494.99951 : f32
      %mul3A_299 = vector.broadcast %mul3A_298 : f32 to vector<16xf32>
      %mul3A_300 = arith.mulf %select_n3A_256, %mul3A_299 : vector<16xf32>
      %mul3A_301 = arith.mulf %exp3A_237, %mul3A_257 : vector<16xf32>
      %mul3A_302 = arith.mulf %mul3A_300, %mul3A_301 : vector<16xf32>
      %mul3A_303 = arith.mulf %mul3A_260, %mul3A_262 : vector<16xf32>
      %mul3A_304 = arith.mulf %mul3A_303, %mul3A_264 : vector<16xf32>
      %mul3A_305 = arith.mulf %mul3A_302, %mul3A_304 : vector<16xf32>
      %add3A_306 = arith.constant 3 : i32
      %add3A_307 = vector.broadcast %add3A_306 : i32 to vector<16xi32>
      %add3A_308 = arith.addi %and3A_75, %add3A_307 : vector<16xi32>
      tpu.vector_store_idx %arg5[%shift_right_logical3A_69, %add3A_308], %mul3A_305 : memref<4x128xf32, #tpu.memory_space<vmem>>[vector<16xi32>, vector<16xi32>], vector<16xf32>,
      %mul3A_309 = arith.constant 31465.0039 : f32
      %mul3A_310 = vector.broadcast %mul3A_309 : f32 to vector<16xf32>
      %mul3A_311 = arith.mulf %select_n3A_256, %mul3A_310 : vector<16xf32>
      %mul3A_312 = arith.mulf %mul3A_311, %mul3A_259 : vector<16xf32>
      %mul3A_313 = arith.mulf %sub3A_240, %mul3A_258 : vector<16xf32>
      %mul3A_314 = arith.mulf %mul3A_313, %mul3A_262 : vector<16xf32>
      %mul3A_315 = arith.mulf %mul3A_314, %mul3A_264 : vector<16xf32>
      %mul3A_316 = arith.mulf %mul3A_312, %mul3A_315 : vector<16xf32>
      %add3A_317 = arith.constant 4 : i32
      %add3A_318 = vector.broadcast %add3A_317 : i32 to vector<16xi32>
      %add3A_319 = arith.addi %and3A_75, %add3A_318 : vector<16xi32>
      tpu.vector_store_idx %arg5[%shift_right_logical3A_69, %add3A_319], %mul3A_316 : memref<4x128xf32, #tpu.memory_space<vmem>>[vector<16xi32>, vector<16xi32>], vector<16xf32>,
      %mul3A_320 = arith.constant 169910.953 : f32
      %mul3A_321 = vector.broadcast %mul3A_320 : f32 to vector<16xf32>
      %mul3A_322 = arith.mulf %select_n3A_256, %mul3A_321 : vector<16xf32>
      %mul3A_323 = arith.mulf %exp3A_237, %mul3A_259 : vector<16xf32>
      %mul3A_324 = arith.mulf %mul3A_322, %mul3A_323 : vector<16xf32>
      %mul3A_325 = arith.mulf %mul3A_258, %mul3A_262 : vector<16xf32>
      %mul3A_326 = arith.mulf %mul3A_325, %mul3A_264 : vector<16xf32>
      %mul3A_327 = arith.mulf %mul3A_324, %mul3A_326 : vector<16xf32>
      %add3A_328 = arith.constant 5 : i32
      %add3A_329 = vector.broadcast %add3A_328 : i32 to vector<16xi32>
      %add3A_330 = arith.addi %and3A_75, %add3A_329 : vector<16xi32>
      tpu.vector_store_idx %arg5[%shift_right_logical3A_69, %add3A_330], %mul3A_327 : memref<4x128xf32, #tpu.memory_space<vmem>>[vector<16xi32>, vector<16xi32>], vector<16xf32>,
      %mul3A_331 = arith.constant 736280.875 : f32
      %mul3A_332 = vector.broadcast %mul3A_331 : f32 to vector<16xf32>
      %mul3A_333 = arith.mulf %select_n3A_256, %mul3A_332 : vector<16xf32>
      %mul3A_334 = arith.mulf %mul3A_257, %mul3A_259 : vector<16xf32>
      %mul3A_335 = arith.mulf %mul3A_333, %mul3A_334 : vector<16xf32>
      %mul3A_336 = arith.mulf %sub3A_240, %mul3A_262 : vector<16xf32>
      %mul3A_337 = arith.mulf %mul3A_336, %mul3A_264 : vector<16xf32>
      %mul3A_338 = arith.mulf %mul3A_335, %mul3A_337 : vector<16xf32>
      %add3A_339 = arith.constant 6 : i32
      %add3A_340 = vector.broadcast %add3A_339 : i32 to vector<16xi32>
      %add3A_341 = arith.addi %and3A_75, %add3A_340 : vector<16xi32>
      tpu.vector_store_idx %arg5[%shift_right_logical3A_69, %add3A_341], %mul3A_338 : memref<4x128xf32, #tpu.memory_space<vmem>>[vector<16xi32>, vector<16xi32>], vector<16xf32>,
      %mul3A_342 = arith.constant 0x4A207F18 : f32
      %mul3A_343 = vector.broadcast %mul3A_342 : f32 to vector<16xf32>
      %mul3A_344 = arith.mulf %select_n3A_256, %mul3A_343 : vector<16xf32>
      %mul3A_345 = arith.mulf %exp3A_237, %mul3A_257 : vector<16xf32>
      %mul3A_346 = arith.mulf %mul3A_345, %mul3A_259 : vector<16xf32>
      %mul3A_347 = arith.mulf %mul3A_344, %mul3A_346 : vector<16xf32>
      %mul3A_348 = arith.mulf %mul3A_262, %mul3A_264 : vector<16xf32>
      %mul3A_349 = arith.mulf %mul3A_347, %mul3A_348 : vector<16xf32>
      %add3A_350 = arith.constant 7 : i32
      %add3A_351 = vector.broadcast %add3A_350 : i32 to vector<16xi32>
      %add3A_352 = arith.addi %and3A_75, %add3A_351 : vector<16xi32>
      tpu.vector_store_idx %arg5[%shift_right_logical3A_69, %add3A_352], %mul3A_349 : memref<4x128xf32, #tpu.memory_space<vmem>>[vector<16xi32>, vector<16xi32>], vector<16xf32>,
      %mul3A_353 = arith.constant 7888725.5 : f32
      %mul3A_354 = vector.broadcast %mul3A_353 : f32 to vector<16xf32>
      %mul3A_355 = arith.mulf %select_n3A_256, %mul3A_354 : vector<16xf32>
      %mul3A_356 = arith.mulf %mul3A_355, %mul3A_261 : vector<16xf32>
      %mul3A_357 = arith.mulf %sub3A_240, %mul3A_258 : vector<16xf32>
      %mul3A_358 = arith.mulf %mul3A_357, %mul3A_260 : vector<16xf32>
      %mul3A_359 = arith.mulf %mul3A_358, %mul3A_264 : vector<16xf32>
      %mul3A_360 = arith.mulf %mul3A_356, %mul3A_359 : vector<16xf32>
      %add3A_361 = arith.constant 8 : i32
      %add3A_362 = vector.broadcast %add3A_361 : i32 to vector<16xi32>
      %add3A_363 = arith.addi %and3A_75, %add3A_362 : vector<16xi32>
      tpu.vector_store_idx %arg5[%shift_right_logical3A_69, %add3A_363], %mul3A_360 : memref<4x128xf32, #tpu.memory_space<vmem>>[vector<16xi32>, vector<16xi32>], vector<16xf32>,
      %mul3A_364 = arith.constant 0x4B99CF1D : f32
      %mul3A_365 = vector.broadcast %mul3A_364 : f32 to vector<16xf32>
      %mul3A_366 = arith.mulf %select_n3A_256, %mul3A_365 : vector<16xf32>
      %mul3A_367 = arith.mulf %exp3A_237, %mul3A_261 : vector<16xf32>
      %mul3A_368 = arith.mulf %mul3A_366, %mul3A_367 : vector<16xf32>
      %mul3A_369 = arith.mulf %mul3A_258, %mul3A_260 : vector<16xf32>
      %mul3A_370 = arith.mulf %mul3A_369, %mul3A_264 : vector<16xf32>
      %mul3A_371 = arith.mulf %mul3A_368, %mul3A_370 : vector<16xf32>
      %add3A_372 = arith.constant 9 : i32
      %add3A_373 = vector.broadcast %add3A_372 : i32 to vector<16xi32>
      %add3A_374 = arith.addi %and3A_75, %add3A_373 : vector<16xi32>
      tpu.vector_store_idx %arg5[%shift_right_logical3A_69, %add3A_374], %mul3A_371 : memref<4x128xf32, #tpu.memory_space<vmem>>[vector<16xi32>, vector<16xi32>], vector<16xf32>,
      %mul3A_375 = arith.constant 0x4C2930A5 : f32
      %mul3A_376 = vector.broadcast %mul3A_375 : f32 to vector<16xf32>
      %mul3A_377 = arith.mulf %select_n3A_256, %mul3A_376 : vector<16xf32>
      %mul3A_378 = arith.mulf %mul3A_257, %mul3A_261 : vector<16xf32>
      %mul3A_379 = arith.mulf %mul3A_377, %mul3A_378 : vector<16xf32>
      %mul3A_380 = arith.mulf %sub3A_240, %mul3A_260 : vector<16xf32>
      %mul3A_381 = arith.mulf %mul3A_380, %mul3A_264 : vector<16xf32>
      %mul3A_382 = arith.mulf %mul3A_379, %mul3A_381 : vector<16xf32>
      %add3A_383 = arith.constant 10 : i32
      %add3A_384 = vector.broadcast %add3A_383 : i32 to vector<16xi32>
      %add3A_385 = arith.addi %and3A_75, %add3A_384 : vector<16xi32>
      tpu.vector_store_idx %arg5[%shift_right_logical3A_69, %add3A_385], %mul3A_382 : memref<4x128xf32, #tpu.memory_space<vmem>>[vector<16xi32>, vector<16xi32>], vector<16xf32>,
      %mul3A_386 = arith.constant 0x4CA17FE7 : f32
      %mul3A_387 = vector.broadcast %mul3A_386 : f32 to vector<16xf32>
      %mul3A_388 = arith.mulf %select_n3A_256, %mul3A_387 : vector<16xf32>
      %mul3A_389 = arith.mulf %exp3A_237, %mul3A_257 : vector<16xf32>
      %mul3A_390 = arith.mulf %mul3A_389, %mul3A_261 : vector<16xf32>
      %mul3A_391 = arith.mulf %mul3A_388, %mul3A_390 : vector<16xf32>
      %mul3A_392 = arith.mulf %mul3A_260, %mul3A_264 : vector<16xf32>
      %mul3A_393 = arith.mulf %mul3A_391, %mul3A_392 : vector<16xf32>
      %add3A_394 = arith.constant 11 : i32
      %add3A_395 = vector.broadcast %add3A_394 : i32 to vector<16xi32>
      %add3A_396 = arith.addi %and3A_75, %add3A_395 : vector<16xi32>
      tpu.vector_store_idx %arg5[%shift_right_logical3A_69, %add3A_396], %mul3A_393 : memref<4x128xf32, #tpu.memory_space<vmem>>[vector<16xi32>, vector<16xi32>], vector<16xf32>,
      %mul3A_397 = arith.constant 0x4D069545 : f32
      %mul3A_398 = vector.broadcast %mul3A_397 : f32 to vector<16xf32>
      %mul3A_399 = arith.mulf %select_n3A_256, %mul3A_398 : vector<16xf32>
      %mul3A_400 = arith.mulf %mul3A_259, %mul3A_261 : vector<16xf32>
      %mul3A_401 = arith.mulf %mul3A_399, %mul3A_400 : vector<16xf32>
      %mul3A_402 = arith.mulf %sub3A_240, %mul3A_258 : vector<16xf32>
      %mul3A_403 = arith.mulf %mul3A_402, %mul3A_264 : vector<16xf32>
      %mul3A_404 = arith.mulf %mul3A_401, %mul3A_403 : vector<16xf32>
      %add3A_405 = arith.constant 12 : i32
      %add3A_406 = vector.broadcast %add3A_405 : i32 to vector<16xi32>
      %add3A_407 = arith.addi %and3A_75, %add3A_406 : vector<16xi32>
      tpu.vector_store_idx %arg5[%shift_right_logical3A_69, %add3A_407], %mul3A_404 : memref<4x128xf32, #tpu.memory_space<vmem>>[vector<16xi32>, vector<16xi32>], vector<16xf32>,
      %mul3A_408 = arith.constant 0x4D44B2CA : f32
      %mul3A_409 = vector.broadcast %mul3A_408 : f32 to vector<16xf32>
      %mul3A_410 = arith.mulf %select_n3A_256, %mul3A_409 : vector<16xf32>
      %mul3A_411 = arith.mulf %exp3A_237, %mul3A_259 : vector<16xf32>
      %mul3A_412 = arith.mulf %mul3A_411, %mul3A_261 : vector<16xf32>
      %mul3A_413 = arith.mulf %mul3A_410, %mul3A_412 : vector<16xf32>
      %mul3A_414 = arith.mulf %mul3A_258, %mul3A_264 : vector<16xf32>
      %mul3A_415 = arith.mulf %mul3A_413, %mul3A_414 : vector<16xf32>
      %add3A_416 = arith.constant 13 : i32
      %add3A_417 = vector.broadcast %add3A_416 : i32 to vector<16xi32>
      %add3A_418 = arith.addi %and3A_75, %add3A_417 : vector<16xi32>
      tpu.vector_store_idx %arg5[%shift_right_logical3A_69, %add3A_418], %mul3A_415 : memref<4x128xf32, #tpu.memory_space<vmem>>[vector<16xi32>, vector<16xi32>], vector<16xf32>,
      %mul3A_419 = arith.constant 0x4D7CE5DB : f32
      %mul3A_420 = vector.broadcast %mul3A_419 : f32 to vector<16xf32>
      %mul3A_421 = arith.mulf %select_n3A_256, %mul3A_420 : vector<16xf32>
      %mul3A_422 = arith.mulf %mul3A_257, %mul3A_259 : vector<16xf32>
      %mul3A_423 = arith.mulf %mul3A_422, %mul3A_261 : vector<16xf32>
      %mul3A_424 = arith.mulf %mul3A_421, %mul3A_423 : vector<16xf32>
      %mul3A_425 = arith.mulf %sub3A_240, %mul3A_264 : vector<16xf32>
      %mul3A_426 = arith.mulf %mul3A_424, %mul3A_425 : vector<16xf32>
      %add3A_427 = arith.constant 14 : i32
      %add3A_428 = vector.broadcast %add3A_427 : i32 to vector<16xi32>
      %add3A_429 = arith.addi %and3A_75, %add3A_428 : vector<16xi32>
      tpu.vector_store_idx %arg5[%shift_right_logical3A_69, %add3A_429], %mul3A_426 : memref<4x128xf32, #tpu.memory_space<vmem>>[vector<16xi32>, vector<16xi32>], vector<16xf32>,
      %mul3A_430 = arith.constant 0x4D8F4F04 : f32
      %mul3A_431 = vector.broadcast %mul3A_430 : f32 to vector<16xf32>
      %mul3A_432 = arith.mulf %select_n3A_256, %mul3A_431 : vector<16xf32>
      %mul3A_433 = arith.mulf %exp3A_237, %mul3A_257 : vector<16xf32>
      %mul3A_434 = arith.mulf %mul3A_433, %mul3A_259 : vector<16xf32>
      %mul3A_435 = arith.mulf %mul3A_434, %mul3A_261 : vector<16xf32>
      %mul3A_436 = arith.mulf %mul3A_432, %mul3A_435 : vector<16xf32>
      %mul3A_437 = arith.mulf %mul3A_436, %mul3A_264 : vector<16xf32>
      %add3A_438 = arith.constant 15 : i32
      %add3A_439 = vector.broadcast %add3A_438 : i32 to vector<16xi32>
      %add3A_440 = arith.addi %and3A_75, %add3A_439 : vector<16xi32>
      tpu.vector_store_idx %arg5[%shift_right_logical3A_69, %add3A_440], %mul3A_437 : memref<4x128xf32, #tpu.memory_space<vmem>>[vector<16xi32>, vector<16xi32>], vector<16xf32>,
      %mul3A_441 = arith.constant 0x4D8F4F04 : f32
      %mul3A_442 = vector.broadcast %mul3A_441 : f32 to vector<16xf32>
      %mul3A_443 = arith.mulf %select_n3A_256, %mul3A_442 : vector<16xf32>
      %mul3A_444 = arith.mulf %mul3A_443, %mul3A_263 : vector<16xf32>
      %mul3A_445 = arith.mulf %sub3A_240, %mul3A_258 : vector<16xf32>
      %mul3A_446 = arith.mulf %mul3A_445, %mul3A_260 : vector<16xf32>
      %mul3A_447 = arith.mulf %mul3A_446, %mul3A_262 : vector<16xf32>
      %mul3A_448 = arith.mulf %mul3A_444, %mul3A_447 : vector<16xf32>
      %add3A_449 = arith.constant 16 : i32
      %add3A_450 = vector.broadcast %add3A_449 : i32 to vector<16xi32>
      %add3A_451 = arith.addi %and3A_75, %add3A_450 : vector<16xi32>
      tpu.vector_store_idx %arg5[%shift_right_logical3A_69, %add3A_451], %mul3A_448 : memref<4x128xf32, #tpu.memory_space<vmem>>[vector<16xi32>, vector<16xi32>], vector<16xf32>,
      %mul3A_452 = arith.constant 0x4D7CE5DB : f32
      %mul3A_453 = vector.broadcast %mul3A_452 : f32 to vector<16xf32>
      %mul3A_454 = arith.mulf %select_n3A_256, %mul3A_453 : vector<16xf32>
      %mul3A_455 = arith.mulf %exp3A_237, %mul3A_263 : vector<16xf32>
      %mul3A_456 = arith.mulf %mul3A_454, %mul3A_455 : vector<16xf32>
      %mul3A_457 = arith.mulf %mul3A_258, %mul3A_260 : vector<16xf32>
      %mul3A_458 = arith.mulf %mul3A_457, %mul3A_262 : vector<16xf32>
      %mul3A_459 = arith.mulf %mul3A_456, %mul3A_458 : vector<16xf32>
      %add3A_460 = arith.constant 17 : i32
      %add3A_461 = vector.broadcast %add3A_460 : i32 to vector<16xi32>
      %add3A_462 = arith.addi %and3A_75, %add3A_461 : vector<16xi32>
      tpu.vector_store_idx %arg5[%shift_right_logical3A_69, %add3A_462], %mul3A_459 : memref<4x128xf32, #tpu.memory_space<vmem>>[vector<16xi32>, vector<16xi32>], vector<16xf32>,
      %mul3A_463 = arith.constant 0x4D44B2CA : f32
      %mul3A_464 = vector.broadcast %mul3A_463 : f32 to vector<16xf32>
      %mul3A_465 = arith.mulf %select_n3A_256, %mul3A_464 : vector<16xf32>
      %mul3A_466 = arith.mulf %mul3A_257, %mul3A_263 : vector<16xf32>
      %mul3A_467 = arith.mulf %mul3A_465, %mul3A_466 : vector<16xf32>
      %mul3A_468 = arith.mulf %sub3A_240, %mul3A_260 : vector<16xf32>
      %mul3A_469 = arith.mulf %mul3A_468, %mul3A_262 : vector<16xf32>
      %mul3A_470 = arith.mulf %mul3A_467, %mul3A_469 : vector<16xf32>
      %add3A_471 = arith.constant 18 : i32
      %add3A_472 = vector.broadcast %add3A_471 : i32 to vector<16xi32>
      %add3A_473 = arith.addi %and3A_75, %add3A_472 : vector<16xi32>
      tpu.vector_store_idx %arg5[%shift_right_logical3A_69, %add3A_473], %mul3A_470 : memref<4x128xf32, #tpu.memory_space<vmem>>[vector<16xi32>, vector<16xi32>], vector<16xf32>,
      %mul3A_474 = arith.constant 0x4D069545 : f32
      %mul3A_475 = vector.broadcast %mul3A_474 : f32 to vector<16xf32>
      %mul3A_476 = arith.mulf %select_n3A_256, %mul3A_475 : vector<16xf32>
      %mul3A_477 = arith.mulf %exp3A_237, %mul3A_257 : vector<16xf32>
      %mul3A_478 = arith.mulf %mul3A_477, %mul3A_263 : vector<16xf32>
      %mul3A_479 = arith.mulf %mul3A_476, %mul3A_478 : vector<16xf32>
      %mul3A_480 = arith.mulf %mul3A_260, %mul3A_262 : vector<16xf32>
      %mul3A_481 = arith.mulf %mul3A_479, %mul3A_480 : vector<16xf32>
      %add3A_482 = arith.constant 19 : i32
      %add3A_483 = vector.broadcast %add3A_482 : i32 to vector<16xi32>
      %add3A_484 = arith.addi %and3A_75, %add3A_483 : vector<16xi32>
      tpu.vector_store_idx %arg5[%shift_right_logical3A_69, %add3A_484], %mul3A_481 : memref<4x128xf32, #tpu.memory_space<vmem>>[vector<16xi32>, vector<16xi32>], vector<16xf32>,
      %mul3A_485 = arith.constant 0x4CA17FE7 : f32
      %mul3A_486 = vector.broadcast %mul3A_485 : f32 to vector<16xf32>
      %mul3A_487 = arith.mulf %select_n3A_256, %mul3A_486 : vector<16xf32>
      %mul3A_488 = arith.mulf %mul3A_259, %mul3A_263 : vector<16xf32>
      %mul3A_489 = arith.mulf %mul3A_487, %mul3A_488 : vector<16xf32>
      %mul3A_490 = arith.mulf %sub3A_240, %mul3A_258 : vector<16xf32>
      %mul3A_491 = arith.mulf %mul3A_490, %mul3A_262 : vector<16xf32>
      %mul3A_492 = arith.mulf %mul3A_489, %mul3A_491 : vector<16xf32>
      %add3A_493 = arith.constant 20 : i32
      %add3A_494 = vector.broadcast %add3A_493 : i32 to vector<16xi32>
      %add3A_495 = arith.addi %and3A_75, %add3A_494 : vector<16xi32>
      tpu.vector_store_idx %arg5[%shift_right_logical3A_69, %add3A_495], %mul3A_492 : memref<4x128xf32, #tpu.memory_space<vmem>>[vector<16xi32>, vector<16xi32>], vector<16xf32>,
      %mul3A_496 = arith.constant 0x4C2930A5 : f32
      %mul3A_497 = vector.broadcast %mul3A_496 : f32 to vector<16xf32>
      %mul3A_498 = arith.mulf %select_n3A_256, %mul3A_497 : vector<16xf32>
      %mul3A_499 = arith.mulf %exp3A_237, %mul3A_259 : vector<16xf32>
      %mul3A_500 = arith.mulf %mul3A_499, %mul3A_263 : vector<16xf32>
      %mul3A_501 = arith.mulf %mul3A_498, %mul3A_500 : vector<16xf32>
      %mul3A_502 = arith.mulf %mul3A_258, %mul3A_262 : vector<16xf32>
      %mul3A_503 = arith.mulf %mul3A_501, %mul3A_502 : vector<16xf32>
      %add3A_504 = arith.constant 21 : i32
      %add3A_505 = vector.broadcast %add3A_504 : i32 to vector<16xi32>
      %add3A_506 = arith.addi %and3A_75, %add3A_505 : vector<16xi32>
      tpu.vector_store_idx %arg5[%shift_right_logical3A_69, %add3A_506], %mul3A_503 : memref<4x128xf32, #tpu.memory_space<vmem>>[vector<16xi32>, vector<16xi32>], vector<16xf32>,
      %mul3A_507 = arith.constant 0x4B99CF1D : f32
      %mul3A_508 = vector.broadcast %mul3A_507 : f32 to vector<16xf32>
      %mul3A_509 = arith.mulf %select_n3A_256, %mul3A_508 : vector<16xf32>
      %mul3A_510 = arith.mulf %mul3A_257, %mul3A_259 : vector<16xf32>
      %mul3A_511 = arith.mulf %mul3A_510, %mul3A_263 : vector<16xf32>
      %mul3A_512 = arith.mulf %mul3A_509, %mul3A_511 : vector<16xf32>
      %mul3A_513 = arith.mulf %sub3A_240, %mul3A_262 : vector<16xf32>
      %mul3A_514 = arith.mulf %mul3A_512, %mul3A_513 : vector<16xf32>
      %add3A_515 = arith.constant 22 : i32
      %add3A_516 = vector.broadcast %add3A_515 : i32 to vector<16xi32>
      %add3A_517 = arith.addi %and3A_75, %add3A_516 : vector<16xi32>
      tpu.vector_store_idx %arg5[%shift_right_logical3A_69, %add3A_517], %mul3A_514 : memref<4x128xf32, #tpu.memory_space<vmem>>[vector<16xi32>, vector<16xi32>], vector<16xf32>,
      %mul3A_518 = arith.constant 7888725.5 : f32
      %mul3A_519 = vector.broadcast %mul3A_518 : f32 to vector<16xf32>
      %mul3A_520 = arith.mulf %select_n3A_256, %mul3A_519 : vector<16xf32>
      %mul3A_521 = arith.mulf %exp3A_237, %mul3A_257 : vector<16xf32>
      %mul3A_522 = arith.mulf %mul3A_521, %mul3A_259 : vector<16xf32>
      %mul3A_523 = arith.mulf %mul3A_522, %mul3A_263 : vector<16xf32>
      %mul3A_524 = arith.mulf %mul3A_520, %mul3A_523 : vector<16xf32>
      %mul3A_525 = arith.mulf %mul3A_524, %mul3A_262 : vector<16xf32>
      %add3A_526 = arith.constant 23 : i32
      %add3A_527 = vector.broadcast %add3A_526 : i32 to vector<16xi32>
      %add3A_528 = arith.addi %and3A_75, %add3A_527 : vector<16xi32>
      tpu.vector_store_idx %arg5[%shift_right_logical3A_69, %add3A_528], %mul3A_525 : memref<4x128xf32, #tpu.memory_space<vmem>>[vector<16xi32>, vector<16xi32>], vector<16xf32>,
      %mul3A_529 = arith.constant 0x4A207F18 : f32
      %mul3A_530 = vector.broadcast %mul3A_529 : f32 to vector<16xf32>
      %mul3A_531 = arith.mulf %select_n3A_256, %mul3A_530 : vector<16xf32>
      %mul3A_532 = arith.mulf %mul3A_261, %mul3A_263 : vector<16xf32>
      %mul3A_533 = arith.mulf %mul3A_531, %mul3A_532 : vector<16xf32>
      %mul3A_534 = arith.mulf %sub3A_240, %mul3A_258 : vector<16xf32>
      %mul3A_535 = arith.mulf %mul3A_534, %mul3A_260 : vector<16xf32>
      %mul3A_536 = arith.mulf %mul3A_533, %mul3A_535 : vector<16xf32>
      %add3A_537 = arith.constant 24 : i32
      %add3A_538 = vector.broadcast %add3A_537 : i32 to vector<16xi32>
      %add3A_539 = arith.addi %and3A_75, %add3A_538 : vector<16xi32>
      tpu.vector_store_idx %arg5[%shift_right_logical3A_69, %add3A_539], %mul3A_536 : memref<4x128xf32, #tpu.memory_space<vmem>>[vector<16xi32>, vector<16xi32>], vector<16xf32>,
      %mul3A_540 = arith.constant 736280.875 : f32
      %mul3A_541 = vector.broadcast %mul3A_540 : f32 to vector<16xf32>
      %mul3A_542 = arith.mulf %select_n3A_256, %mul3A_541 : vector<16xf32>
      %mul3A_543 = arith.mulf %exp3A_237, %mul3A_261 : vector<16xf32>
      %mul3A_544 = arith.mulf %mul3A_543, %mul3A_263 : vector<16xf32>
      %mul3A_545 = arith.mulf %mul3A_542, %mul3A_544 : vector<16xf32>
      %mul3A_546 = arith.mulf %mul3A_258, %mul3A_260 : vector<16xf32>
      %mul3A_547 = arith.mulf %mul3A_545, %mul3A_546 : vector<16xf32>
      %add3A_548 = arith.constant 25 : i32
      %add3A_549 = vector.broadcast %add3A_548 : i32 to vector<16xi32>
      %add3A_550 = arith.addi %and3A_75, %add3A_549 : vector<16xi32>
      tpu.vector_store_idx %arg5[%shift_right_logical3A_69, %add3A_550], %mul3A_547 : memref<4x128xf32, #tpu.memory_space<vmem>>[vector<16xi32>, vector<16xi32>], vector<16xf32>,
      %mul3A_551 = arith.constant 169910.953 : f32
      %mul3A_552 = vector.broadcast %mul3A_551 : f32 to vector<16xf32>
      %mul3A_553 = arith.mulf %select_n3A_256, %mul3A_552 : vector<16xf32>
      %mul3A_554 = arith.mulf %mul3A_257, %mul3A_261 : vector<16xf32>
      %mul3A_555 = arith.mulf %mul3A_554, %mul3A_263 : vector<16xf32>
      %mul3A_556 = arith.mulf %mul3A_553, %mul3A_555 : vector<16xf32>
      %mul3A_557 = arith.mulf %sub3A_240, %mul3A_260 : vector<16xf32>
      %mul3A_558 = arith.mulf %mul3A_556, %mul3A_557 : vector<16xf32>
      %add3A_559 = arith.constant 26 : i32
      %add3A_560 = vector.broadcast %add3A_559 : i32 to vector<16xi32>
      %add3A_561 = arith.addi %and3A_75, %add3A_560 : vector<16xi32>
      tpu.vector_store_idx %arg5[%shift_right_logical3A_69, %add3A_561], %mul3A_558 : memref<4x128xf32, #tpu.memory_space<vmem>>[vector<16xi32>, vector<16xi32>], vector<16xf32>,
      %mul3A_562 = arith.constant 31465.0039 : f32
      %mul3A_563 = vector.broadcast %mul3A_562 : f32 to vector<16xf32>
      %mul3A_564 = arith.mulf %select_n3A_256, %mul3A_563 : vector<16xf32>
      %mul3A_565 = arith.mulf %exp3A_237, %mul3A_257 : vector<16xf32>
      %mul3A_566 = arith.mulf %mul3A_565, %mul3A_261 : vector<16xf32>
      %mul3A_567 = arith.mulf %mul3A_566, %mul3A_263 : vector<16xf32>
      %mul3A_568 = arith.mulf %mul3A_564, %mul3A_567 : vector<16xf32>
      %mul3A_569 = arith.mulf %mul3A_568, %mul3A_260 : vector<16xf32>
      %add3A_570 = arith.constant 27 : i32
      %add3A_571 = vector.broadcast %add3A_570 : i32 to vector<16xi32>
      %add3A_572 = arith.addi %and3A_75, %add3A_571 : vector<16xi32>
      tpu.vector_store_idx %arg5[%shift_right_logical3A_69, %add3A_572], %mul3A_569 : memref<4x128xf32, #tpu.memory_space<vmem>>[vector<16xi32>, vector<16xi32>], vector<16xf32>,
      %mul3A_573 = arith.constant 4494.99951 : f32
      %mul3A_574 = vector.broadcast %mul3A_573 : f32 to vector<16xf32>
      %mul3A_575 = arith.mulf %select_n3A_256, %mul3A_574 : vector<16xf32>
      %mul3A_576 = arith.mulf %mul3A_259, %mul3A_261 : vector<16xf32>
      %mul3A_577 = arith.mulf %mul3A_576, %mul3A_263 : vector<16xf32>
      %mul3A_578 = arith.mulf %mul3A_575, %mul3A_577 : vector<16xf32>
      %mul3A_579 = arith.mulf %sub3A_240, %mul3A_258 : vector<16xf32>
      %mul3A_580 = arith.mulf %mul3A_578, %mul3A_579 : vector<16xf32>
      %add3A_581 = arith.constant 28 : i32
      %add3A_582 = vector.broadcast %add3A_581 : i32 to vector<16xi32>
      %add3A_583 = arith.addi %and3A_75, %add3A_582 : vector<16xi32>
      tpu.vector_store_idx %arg5[%shift_right_logical3A_69, %add3A_583], %mul3A_580 : memref<4x128xf32, #tpu.memory_space<vmem>>[vector<16xi32>, vector<16xi32>], vector<16xf32>,
      %mul3A_584 = arith.constant 4.650000e+02 : f32
      %mul3A_585 = vector.broadcast %mul3A_584 : f32 to vector<16xf32>
      %mul3A_586 = arith.mulf %select_n3A_256, %mul3A_585 : vector<16xf32>
      %mul3A_587 = arith.mulf %exp3A_237, %mul3A_259 : vector<16xf32>
      %mul3A_588 = arith.mulf %mul3A_587, %mul3A_261 : vector<16xf32>
      %mul3A_589 = arith.mulf %mul3A_588, %mul3A_263 : vector<16xf32>
      %mul3A_590 = arith.mulf %mul3A_586, %mul3A_589 : vector<16xf32>
      %mul3A_591 = arith.mulf %mul3A_590, %mul3A_258 : vector<16xf32>
      %add3A_592 = arith.constant 29 : i32
      %add3A_593 = vector.broadcast %add3A_592 : i32 to vector<16xi32>
      %add3A_594 = arith.addi %and3A_75, %add3A_593 : vector<16xi32>
      tpu.vector_store_idx %arg5[%shift_right_logical3A_69, %add3A_594], %mul3A_591 : memref<4x128xf32, #tpu.memory_space<vmem>>[vector<16xi32>, vector<16xi32>], vector<16xf32>,
      %mul3A_595 = arith.constant 30.9999962 : f32
      %mul3A_596 = vector.broadcast %mul3A_595 : f32 to vector<16xf32>
      %mul3A_597 = arith.mulf %select_n3A_256, %mul3A_596 : vector<16xf32>
      %mul3A_598 = arith.mulf %mul3A_257, %mul3A_259 : vector<16xf32>
      %mul3A_599 = arith.mulf %mul3A_598, %mul3A_261 : vector<16xf32>
      %mul3A_600 = arith.mulf %mul3A_599, %mul3A_263 : vector<16xf32>
      %mul3A_601 = arith.mulf %mul3A_597, %mul3A_600 : vector<16xf32>
      %mul3A_602 = arith.mulf %mul3A_601, %sub3A_240 : vector<16xf32>
      %add3A_603 = arith.constant 30 : i32
      %add3A_604 = vector.broadcast %add3A_603 : i32 to vector<16xi32>
      %add3A_605 = arith.addi %and3A_75, %add3A_604 : vector<16xi32>
      tpu.vector_store_idx %arg5[%shift_right_logical3A_69, %add3A_605], %mul3A_602 : memref<4x128xf32, #tpu.memory_space<vmem>>[vector<16xi32>, vector<16xi32>], vector<16xf32>,
      %mul3A_606 = arith.constant 1.000000e+00 : f32
      %mul3A_607 = vector.broadcast %mul3A_606 : f32 to vector<16xf32>
      %mul3A_608 = arith.mulf %select_n3A_256, %mul3A_607 : vector<16xf32>
      %mul3A_609 = arith.mulf %exp3A_237, %mul3A_257 : vector<16xf32>
      %mul3A_610 = arith.mulf %mul3A_609, %mul3A_259 : vector<16xf32>
      %mul3A_611 = arith.mulf %mul3A_610, %mul3A_261 : vector<16xf32>
      %mul3A_612 = arith.mulf %mul3A_611, %mul3A_263 : vector<16xf32>
      %mul3A_613 = arith.mulf %mul3A_608, %mul3A_612 : vector<16xf32>
      %add3A_614 = arith.constant 31 : i32
      %add3A_615 = vector.broadcast %add3A_614 : i32 to vector<16xi32>
      %add3A_616 = arith.addi %and3A_75, %add3A_615 : vector<16xi32>
      tpu.vector_store_idx %arg5[%shift_right_logical3A_69, %add3A_616], %mul3A_613 : memref<4x128xf32, #tpu.memory_space<vmem>>[vector<16xi32>, vector<16xi32>], vector<16xf32>,
      %mul3A_617 = arith.constant 24 : i32
      %mul3A_618 = arith.muli %add3A_102, %mul3A_617 : i32
      %mul3A_619 = arith.constant 8 : i32
      %mul3A_620 = arith.muli %mul3A_619, %scan3A_158 : i32
      %add3A_621 = arith.addi %mul3A_618, %mul3A_620 : i32
      %add3A_622 = arith.constant 0 : i32
      %add3A_623 = arith.addi %add3A_621, %add3A_622 : i32
      %dma_start3A = arith.constant 0 : i32
      %dma_start3A_624 = tpu.memref_slice %arg3[%add3A_623, %dma_start3A] : memref<2304x128xf32, #tpu.memory_space<hbm>> -> memref<4x128xf32, #tpu.memory_space<hbm>>
      %dma_start3A_625 = arith.constant 0 : i32
      %dma_start3A_626 = tpu.memref_slice %arg3[%add3A_623, %dma_start3A_625] : memref<2304x128xf32, #tpu.memory_space<hbm>> -> memref<4x128xf32, #tpu.memory_space<hbm>>
      tpu.enqueue_dma source(%arg5 : memref<4x128xf32, #tpu.memory_space<vmem>>) target(%dma_start3A_626 : memref<4x128xf32, #tpu.memory_space<hbm>>) target_semaphore(%arg7 : memref<!tpu.dma_semaphore, #tpu.memory_space<semaphore_mem>>)
      %mul3A_627 = arith.constant 32 : i32
      %mul3A_628 = arith.muli %mul3A_627, %scan3A_158 : i32
      %add3A_629 = arith.constant 16 : i32
      %add3A_630 = arith.addi %mul3A_628, %add3A_629 : i32
      %dma_wait3A_631 = arith.constant 0 : i32
      %dma_wait3A_632 = arith.constant 0 : i32
      %dma_wait3A_633 = tpu.memref_slice %arg3[%dma_wait3A_631, %dma_wait3A_632] : memref<2304x128xf32, #tpu.memory_space<hbm>> -> memref<4x128xf32, #tpu.memory_space<hbm>>
      %dma_wait3A_634 = arith.constant 0 : i32
      %dma_wait3A_635 = arith.constant 0 : i32
      %dma_wait3A_636 = tpu.memref_slice %arg3[%dma_wait3A_634, %dma_wait3A_635] : memref<2304x128xf32, #tpu.memory_space<hbm>> -> memref<4x128xf32, #tpu.memory_space<hbm>>
      tpu.wait_dma2 semaphore(%arg8 : memref<!tpu.dma_semaphore, #tpu.memory_space<semaphore_mem>>) src(%arg6 : memref<4x128xf32, #tpu.memory_space<vmem>>) dst(%dma_wait3A_636 : memref<4x128xf32, #tpu.memory_space<hbm>>)
      %add3A_637 = vector.broadcast %add3A_630 : i32 to vector<16xi32>
      %add3A_638 = arith.addi %iota3A, %add3A_637 : vector<16xi32>
      %mul3A_639 = arith.constant 3 : i32
      %mul3A_640 = vector.broadcast %mul3A_639 : i32 to vector<16xi32>
      %mul3A_641 = arith.muli %add3A_638, %mul3A_640 : vector<16xi32>
      %gather3A_642 = tpu.vector_load_idx %arg4[%mul3A_641] : memref<304xf32, #tpu.memory_space<vmem>>[vector<16xi32>], vector<16xf32>,
      %sub3A_643 = arith.subf %gather3A_642, %gather3A_107 : vector<16xf32>
      %add3A_644 = arith.constant 1 : i32
      %add3A_645 = vector.broadcast %add3A_644 : i32 to vector<16xi32>
      %add3A_646 = arith.addi %mul3A_641, %add3A_645 : vector<16xi32>
      %gather3A_647 = tpu.vector_load_idx %arg4[%add3A_646] : memref<304xf32, #tpu.memory_space<vmem>>[vector<16xi32>], vector<16xf32>,
      %sub3A_648 = arith.subf %gather3A_647, %gather3A_111 : vector<16xf32>
      %add3A_649 = arith.constant 2 : i32
      %add3A_650 = vector.broadcast %add3A_649 : i32 to vector<16xi32>
      %add3A_651 = arith.addi %mul3A_641, %add3A_650 : vector<16xi32>
      %gather3A_652 = tpu.vector_load_idx %arg4[%add3A_651] : memref<304xf32, #tpu.memory_space<vmem>>[vector<16xi32>], vector<16xf32>,
      %sub3A_653 = arith.subf %gather3A_652, %gather3A_115 : vector<16xf32>
      %mul3A_654 = arith.mulf %sub3A_643, %sub3A_643 : vector<16xf32>
      %mul3A_655 = arith.mulf %sub3A_648, %sub3A_648 : vector<16xf32>
      %add3A_656 = arith.addf %mul3A_654, %mul3A_655 : vector<16xf32>
      %mul3A_657 = arith.mulf %sub3A_653, %sub3A_653 : vector<16xf32>
      %add3A_658 = arith.addf %add3A_656, %mul3A_657 : vector<16xf32>
      %add3A_659 = arith.constant 9.99999996E-13 : f32
      %add3A_660 = vector.broadcast %add3A_659 : f32 to vector<16xf32>
      %add3A_661 = arith.addf %add3A_658, %add3A_660 : vector<16xf32>
      %bitcast3A_662 = vector.bitcast %add3A_661 : vector<16xf32> to vector<16xi32>
      %shift_right_logical3A_663 = arith.constant 1 : i32
      %shift_right_logical3A_664 = vector.broadcast %shift_right_logical3A_663 : i32 to vector<16xi32>
      %shift_right_logical3A_665 = arith.shrui %bitcast3A_662, %shift_right_logical3A_664 : vector<16xi32>
      %sub3A_666 = arith.constant 1597463007 : i32
      %sub3A_667 = vector.broadcast %sub3A_666 : i32 to vector<16xi32>
      %sub3A_668 = arith.subi %sub3A_667, %shift_right_logical3A_665 : vector<16xi32>
      %bitcast3A_669 = vector.bitcast %sub3A_668 : vector<16xi32> to vector<16xf32>
      %mul3A_670 = arith.constant 5.000000e-01 : f32
      %mul3A_671 = vector.broadcast %mul3A_670 : f32 to vector<16xf32>
      %mul3A_672 = arith.mulf %mul3A_671, %add3A_661 : vector<16xf32>
      %mul3A_673 = arith.mulf %mul3A_672, %bitcast3A_669 : vector<16xf32>
      %mul3A_674 = arith.mulf %mul3A_673, %bitcast3A_669 : vector<16xf32>
      %sub3A_675 = arith.constant 1.500000e+00 : f32
      %sub3A_676 = vector.broadcast %sub3A_675 : f32 to vector<16xf32>
      %sub3A_677 = arith.subf %sub3A_676, %mul3A_674 : vector<16xf32>
      %mul3A_678 = arith.mulf %bitcast3A_669, %sub3A_677 : vector<16xf32>
      %mul3A_679 = arith.constant 5.000000e-01 : f32
      %mul3A_680 = vector.broadcast %mul3A_679 : f32 to vector<16xf32>
      %mul3A_681 = arith.mulf %mul3A_680, %add3A_661 : vector<16xf32>
      %mul3A_682 = arith.mulf %mul3A_681, %mul3A_678 : vector<16xf32>
      %mul3A_683 = arith.mulf %mul3A_682, %mul3A_678 : vector<16xf32>
      %sub3A_684 = arith.constant 1.500000e+00 : f32
      %sub3A_685 = vector.broadcast %sub3A_684 : f32 to vector<16xf32>
      %sub3A_686 = arith.subf %sub3A_685, %mul3A_683 : vector<16xf32>
      %mul3A_687 = arith.mulf %mul3A_678, %sub3A_686 : vector<16xf32>
      %mul3A_688 = arith.constant 5.000000e-01 : f32
      %mul3A_689 = vector.broadcast %mul3A_688 : f32 to vector<16xf32>
      %mul3A_690 = arith.mulf %mul3A_689, %add3A_661 : vector<16xf32>
      %mul3A_691 = arith.mulf %mul3A_690, %mul3A_687 : vector<16xf32>
      %mul3A_692 = arith.mulf %mul3A_691, %mul3A_687 : vector<16xf32>
      %sub3A_693 = arith.constant 1.500000e+00 : f32
      %sub3A_694 = vector.broadcast %sub3A_693 : f32 to vector<16xf32>
      %sub3A_695 = arith.subf %sub3A_694, %mul3A_692 : vector<16xf32>
      %mul3A_696 = arith.mulf %mul3A_687, %sub3A_695 : vector<16xf32>
      %mul3A_697 = arith.mulf %add3A_661, %mul3A_696 : vector<16xf32>
      %neg3A_698 = arith.constant 0.000000e+00 : f32
      %neg3A_699 = vector.broadcast %neg3A_698 : f32 to vector<16xf32>
      %neg3A_700 = arith.subf %neg3A_699, %select_n3A : vector<16xf32>
      %mul3A_701 = arith.mulf %neg3A_700, %mul3A_697 : vector<16xf32>
      %max3A_702 = arith.constant -23.0258503 : f32
      %max3A_703 = vector.broadcast %max3A_702 : f32 to vector<16xf32>
      %max3A_704 = arith.maximumf %mul3A_701, %max3A_703 : vector<16xf32>
      %exp3A_705 = math.exp %max3A_704 : vector<16xf32>
      %sub3A_706 = arith.constant 1.000000e+00 : f32
      %sub3A_707 = vector.broadcast %sub3A_706 : f32 to vector<16xf32>
      %sub3A_708 = arith.subf %sub3A_707, %exp3A_705 : vector<16xf32>
      %mul3A_709 = arith.mulf %mul3A_697, %mul3A_697 : vector<16xf32>
      %lt3A_710 = arith.constant 1.500000e+01 : f32
      %lt3A_711 = vector.broadcast %lt3A_710 : f32 to vector<16xf32>
      %lt3A_712 = arith.cmpf olt, %mul3A_697, %lt3A_711 : vector<16xf32>
      %ne3A_713 = arith.cmpi ne, %add3A_638, %broadcast_in_dim3A_106 : vector<16xi32>
      %and3A_714 = arith.andi %lt3A_712, %ne3A_713 : vector<16xi1>
      %neg3A_715 = arith.constant 0.000000e+00 : f32
      %neg3A_716 = vector.broadcast %neg3A_715 : f32 to vector<16xf32>
      %neg3A_717 = arith.subf %neg3A_716, %mul3A_709 : vector<16xf32>
      %sub3A_718 = arith.constant 2.250000e+02 : f32
      %sub3A_719 = vector.broadcast %sub3A_718 : f32 to vector<16xf32>
      %sub3A_720 = arith.subf %sub3A_719, %mul3A_709 : vector<16xf32>
      %add3A_721 = arith.constant 9.99999971E-10 : f32
      %add3A_722 = vector.broadcast %add3A_721 : f32 to vector<16xf32>
      %add3A_723 = arith.addf %sub3A_720, %add3A_722 : vector<16xf32>
      %div3A_724 = arith.divf %neg3A_717, %add3A_723 : vector<16xf32>
      %exp3A_725 = math.exp %div3A_724 : vector<16xf32>
      %jit3A_726 = arith.constant 0.000000e+00 : f32
      %broadcast_in_dim3A_727 = vector.broadcast %jit3A_726 : f32 to vector<16xf32>
      %select_n3A_728 = arith.select %and3A_714, %exp3A_725, %broadcast_in_dim3A_727 : vector<16xi1>, vector<16xf32>
      %mul3A_729 = arith.mulf %exp3A_705, %exp3A_705 : vector<16xf32>
      %mul3A_730 = arith.mulf %sub3A_708, %sub3A_708 : vector<16xf32>
      %mul3A_731 = arith.mulf %mul3A_729, %mul3A_729 : vector<16xf32>
      %mul3A_732 = arith.mulf %mul3A_730, %mul3A_730 : vector<16xf32>
      %mul3A_733 = arith.mulf %mul3A_731, %mul3A_731 : vector<16xf32>
      %mul3A_734 = arith.mulf %mul3A_732, %mul3A_732 : vector<16xf32>
      %mul3A_735 = arith.mulf %mul3A_733, %mul3A_733 : vector<16xf32>
      %mul3A_736 = arith.mulf %mul3A_734, %mul3A_734 : vector<16xf32>
      %mul3A_737 = arith.constant 1.000000e+00 : f32
      %mul3A_738 = vector.broadcast %mul3A_737 : f32 to vector<16xf32>
      %mul3A_739 = arith.mulf %select_n3A_728, %mul3A_738 : vector<16xf32>
      %mul3A_740 = arith.mulf %sub3A_708, %mul3A_730 : vector<16xf32>
      %mul3A_741 = arith.mulf %mul3A_740, %mul3A_732 : vector<16xf32>
      %mul3A_742 = arith.mulf %mul3A_741, %mul3A_734 : vector<16xf32>
      %mul3A_743 = arith.mulf %mul3A_742, %mul3A_736 : vector<16xf32>
      %mul3A_744 = arith.mulf %mul3A_739, %mul3A_743 : vector<16xf32>
      %add3A_745 = arith.constant 0 : i32
      %add3A_746 = vector.broadcast %add3A_745 : i32 to vector<16xi32>
      %add3A_747 = arith.addi %and3A_75, %add3A_746 : vector<16xi32>
      tpu.vector_store_idx %arg6[%shift_right_logical3A_69, %add3A_747], %mul3A_744 : memref<4x128xf32, #tpu.memory_space<vmem>>[vector<16xi32>, vector<16xi32>], vector<16xf32>,
      %mul3A_748 = arith.constant 30.9999962 : f32
      %mul3A_749 = vector.broadcast %mul3A_748 : f32 to vector<16xf32>
      %mul3A_750 = arith.mulf %select_n3A_728, %mul3A_749 : vector<16xf32>
      %mul3A_751 = arith.mulf %mul3A_750, %exp3A_705 : vector<16xf32>
      %mul3A_752 = arith.mulf %mul3A_730, %mul3A_732 : vector<16xf32>
      %mul3A_753 = arith.mulf %mul3A_752, %mul3A_734 : vector<16xf32>
      %mul3A_754 = arith.mulf %mul3A_753, %mul3A_736 : vector<16xf32>
      %mul3A_755 = arith.mulf %mul3A_751, %mul3A_754 : vector<16xf32>
      %add3A_756 = arith.constant 1 : i32
      %add3A_757 = vector.broadcast %add3A_756 : i32 to vector<16xi32>
      %add3A_758 = arith.addi %and3A_75, %add3A_757 : vector<16xi32>
      tpu.vector_store_idx %arg6[%shift_right_logical3A_69, %add3A_758], %mul3A_755 : memref<4x128xf32, #tpu.memory_space<vmem>>[vector<16xi32>, vector<16xi32>], vector<16xf32>,
      %mul3A_759 = arith.constant 4.650000e+02 : f32
      %mul3A_760 = vector.broadcast %mul3A_759 : f32 to vector<16xf32>
      %mul3A_761 = arith.mulf %select_n3A_728, %mul3A_760 : vector<16xf32>
      %mul3A_762 = arith.mulf %mul3A_761, %mul3A_729 : vector<16xf32>
      %mul3A_763 = arith.mulf %sub3A_708, %mul3A_732 : vector<16xf32>
      %mul3A_764 = arith.mulf %mul3A_763, %mul3A_734 : vector<16xf32>
      %mul3A_765 = arith.mulf %mul3A_764, %mul3A_736 : vector<16xf32>
      %mul3A_766 = arith.mulf %mul3A_762, %mul3A_765 : vector<16xf32>
      %add3A_767 = arith.constant 2 : i32
      %add3A_768 = vector.broadcast %add3A_767 : i32 to vector<16xi32>
      %add3A_769 = arith.addi %and3A_75, %add3A_768 : vector<16xi32>
      tpu.vector_store_idx %arg6[%shift_right_logical3A_69, %add3A_769], %mul3A_766 : memref<4x128xf32, #tpu.memory_space<vmem>>[vector<16xi32>, vector<16xi32>], vector<16xf32>,
      %mul3A_770 = arith.constant 4494.99951 : f32
      %mul3A_771 = vector.broadcast %mul3A_770 : f32 to vector<16xf32>
      %mul3A_772 = arith.mulf %select_n3A_728, %mul3A_771 : vector<16xf32>
      %mul3A_773 = arith.mulf %exp3A_705, %mul3A_729 : vector<16xf32>
      %mul3A_774 = arith.mulf %mul3A_772, %mul3A_773 : vector<16xf32>
      %mul3A_775 = arith.mulf %mul3A_732, %mul3A_734 : vector<16xf32>
      %mul3A_776 = arith.mulf %mul3A_775, %mul3A_736 : vector<16xf32>
      %mul3A_777 = arith.mulf %mul3A_774, %mul3A_776 : vector<16xf32>
      %add3A_778 = arith.constant 3 : i32
      %add3A_779 = vector.broadcast %add3A_778 : i32 to vector<16xi32>
      %add3A_780 = arith.addi %and3A_75, %add3A_779 : vector<16xi32>
      tpu.vector_store_idx %arg6[%shift_right_logical3A_69, %add3A_780], %mul3A_777 : memref<4x128xf32, #tpu.memory_space<vmem>>[vector<16xi32>, vector<16xi32>], vector<16xf32>,
      %mul3A_781 = arith.constant 31465.0039 : f32
      %mul3A_782 = vector.broadcast %mul3A_781 : f32 to vector<16xf32>
      %mul3A_783 = arith.mulf %select_n3A_728, %mul3A_782 : vector<16xf32>
      %mul3A_784 = arith.mulf %mul3A_783, %mul3A_731 : vector<16xf32>
      %mul3A_785 = arith.mulf %sub3A_708, %mul3A_730 : vector<16xf32>
      %mul3A_786 = arith.mulf %mul3A_785, %mul3A_734 : vector<16xf32>
      %mul3A_787 = arith.mulf %mul3A_786, %mul3A_736 : vector<16xf32>
      %mul3A_788 = arith.mulf %mul3A_784, %mul3A_787 : vector<16xf32>
      %add3A_789 = arith.constant 4 : i32
      %add3A_790 = vector.broadcast %add3A_789 : i32 to vector<16xi32>
      %add3A_791 = arith.addi %and3A_75, %add3A_790 : vector<16xi32>
      tpu.vector_store_idx %arg6[%shift_right_logical3A_69, %add3A_791], %mul3A_788 : memref<4x128xf32, #tpu.memory_space<vmem>>[vector<16xi32>, vector<16xi32>], vector<16xf32>,
      %mul3A_792 = arith.constant 169910.953 : f32
      %mul3A_793 = vector.broadcast %mul3A_792 : f32 to vector<16xf32>
      %mul3A_794 = arith.mulf %select_n3A_728, %mul3A_793 : vector<16xf32>
      %mul3A_795 = arith.mulf %exp3A_705, %mul3A_731 : vector<16xf32>
      %mul3A_796 = arith.mulf %mul3A_794, %mul3A_795 : vector<16xf32>
      %mul3A_797 = arith.mulf %mul3A_730, %mul3A_734 : vector<16xf32>
      %mul3A_798 = arith.mulf %mul3A_797, %mul3A_736 : vector<16xf32>
      %mul3A_799 = arith.mulf %mul3A_796, %mul3A_798 : vector<16xf32>
      %add3A_800 = arith.constant 5 : i32
      %add3A_801 = vector.broadcast %add3A_800 : i32 to vector<16xi32>
      %add3A_802 = arith.addi %and3A_75, %add3A_801 : vector<16xi32>
      tpu.vector_store_idx %arg6[%shift_right_logical3A_69, %add3A_802], %mul3A_799 : memref<4x128xf32, #tpu.memory_space<vmem>>[vector<16xi32>, vector<16xi32>], vector<16xf32>,
      %mul3A_803 = arith.constant 736280.875 : f32
      %mul3A_804 = vector.broadcast %mul3A_803 : f32 to vector<16xf32>
      %mul3A_805 = arith.mulf %select_n3A_728, %mul3A_804 : vector<16xf32>
      %mul3A_806 = arith.mulf %mul3A_729, %mul3A_731 : vector<16xf32>
      %mul3A_807 = arith.mulf %mul3A_805, %mul3A_806 : vector<16xf32>
      %mul3A_808 = arith.mulf %sub3A_708, %mul3A_734 : vector<16xf32>
      %mul3A_809 = arith.mulf %mul3A_808, %mul3A_736 : vector<16xf32>
      %mul3A_810 = arith.mulf %mul3A_807, %mul3A_809 : vector<16xf32>
      %add3A_811 = arith.constant 6 : i32
      %add3A_812 = vector.broadcast %add3A_811 : i32 to vector<16xi32>
      %add3A_813 = arith.addi %and3A_75, %add3A_812 : vector<16xi32>
      tpu.vector_store_idx %arg6[%shift_right_logical3A_69, %add3A_813], %mul3A_810 : memref<4x128xf32, #tpu.memory_space<vmem>>[vector<16xi32>, vector<16xi32>], vector<16xf32>,
      %mul3A_814 = arith.constant 0x4A207F18 : f32
      %mul3A_815 = vector.broadcast %mul3A_814 : f32 to vector<16xf32>
      %mul3A_816 = arith.mulf %select_n3A_728, %mul3A_815 : vector<16xf32>
      %mul3A_817 = arith.mulf %exp3A_705, %mul3A_729 : vector<16xf32>
      %mul3A_818 = arith.mulf %mul3A_817, %mul3A_731 : vector<16xf32>
      %mul3A_819 = arith.mulf %mul3A_816, %mul3A_818 : vector<16xf32>
      %mul3A_820 = arith.mulf %mul3A_734, %mul3A_736 : vector<16xf32>
      %mul3A_821 = arith.mulf %mul3A_819, %mul3A_820 : vector<16xf32>
      %add3A_822 = arith.constant 7 : i32
      %add3A_823 = vector.broadcast %add3A_822 : i32 to vector<16xi32>
      %add3A_824 = arith.addi %and3A_75, %add3A_823 : vector<16xi32>
      tpu.vector_store_idx %arg6[%shift_right_logical3A_69, %add3A_824], %mul3A_821 : memref<4x128xf32, #tpu.memory_space<vmem>>[vector<16xi32>, vector<16xi32>], vector<16xf32>,
      %mul3A_825 = arith.constant 7888725.5 : f32
      %mul3A_826 = vector.broadcast %mul3A_825 : f32 to vector<16xf32>
      %mul3A_827 = arith.mulf %select_n3A_728, %mul3A_826 : vector<16xf32>
      %mul3A_828 = arith.mulf %mul3A_827, %mul3A_733 : vector<16xf32>
      %mul3A_829 = arith.mulf %sub3A_708, %mul3A_730 : vector<16xf32>
      %mul3A_830 = arith.mulf %mul3A_829, %mul3A_732 : vector<16xf32>
      %mul3A_831 = arith.mulf %mul3A_830, %mul3A_736 : vector<16xf32>
      %mul3A_832 = arith.mulf %mul3A_828, %mul3A_831 : vector<16xf32>
      %add3A_833 = arith.constant 8 : i32
      %add3A_834 = vector.broadcast %add3A_833 : i32 to vector<16xi32>
      %add3A_835 = arith.addi %and3A_75, %add3A_834 : vector<16xi32>
      tpu.vector_store_idx %arg6[%shift_right_logical3A_69, %add3A_835], %mul3A_832 : memref<4x128xf32, #tpu.memory_space<vmem>>[vector<16xi32>, vector<16xi32>], vector<16xf32>,
      %mul3A_836 = arith.constant 0x4B99CF1D : f32
      %mul3A_837 = vector.broadcast %mul3A_836 : f32 to vector<16xf32>
      %mul3A_838 = arith.mulf %select_n3A_728, %mul3A_837 : vector<16xf32>
      %mul3A_839 = arith.mulf %exp3A_705, %mul3A_733 : vector<16xf32>
      %mul3A_840 = arith.mulf %mul3A_838, %mul3A_839 : vector<16xf32>
      %mul3A_841 = arith.mulf %mul3A_730, %mul3A_732 : vector<16xf32>
      %mul3A_842 = arith.mulf %mul3A_841, %mul3A_736 : vector<16xf32>
      %mul3A_843 = arith.mulf %mul3A_840, %mul3A_842 : vector<16xf32>
      %add3A_844 = arith.constant 9 : i32
      %add3A_845 = vector.broadcast %add3A_844 : i32 to vector<16xi32>
      %add3A_846 = arith.addi %and3A_75, %add3A_845 : vector<16xi32>
      tpu.vector_store_idx %arg6[%shift_right_logical3A_69, %add3A_846], %mul3A_843 : memref<4x128xf32, #tpu.memory_space<vmem>>[vector<16xi32>, vector<16xi32>], vector<16xf32>,
      %mul3A_847 = arith.constant 0x4C2930A5 : f32
      %mul3A_848 = vector.broadcast %mul3A_847 : f32 to vector<16xf32>
      %mul3A_849 = arith.mulf %select_n3A_728, %mul3A_848 : vector<16xf32>
      %mul3A_850 = arith.mulf %mul3A_729, %mul3A_733 : vector<16xf32>
      %mul3A_851 = arith.mulf %mul3A_849, %mul3A_850 : vector<16xf32>
      %mul3A_852 = arith.mulf %sub3A_708, %mul3A_732 : vector<16xf32>
      %mul3A_853 = arith.mulf %mul3A_852, %mul3A_736 : vector<16xf32>
      %mul3A_854 = arith.mulf %mul3A_851, %mul3A_853 : vector<16xf32>
      %add3A_855 = arith.constant 10 : i32
      %add3A_856 = vector.broadcast %add3A_855 : i32 to vector<16xi32>
      %add3A_857 = arith.addi %and3A_75, %add3A_856 : vector<16xi32>
      tpu.vector_store_idx %arg6[%shift_right_logical3A_69, %add3A_857], %mul3A_854 : memref<4x128xf32, #tpu.memory_space<vmem>>[vector<16xi32>, vector<16xi32>], vector<16xf32>,
      %mul3A_858 = arith.constant 0x4CA17FE7 : f32
      %mul3A_859 = vector.broadcast %mul3A_858 : f32 to vector<16xf32>
      %mul3A_860 = arith.mulf %select_n3A_728, %mul3A_859 : vector<16xf32>
      %mul3A_861 = arith.mulf %exp3A_705, %mul3A_729 : vector<16xf32>
      %mul3A_862 = arith.mulf %mul3A_861, %mul3A_733 : vector<16xf32>
      %mul3A_863 = arith.mulf %mul3A_860, %mul3A_862 : vector<16xf32>
      %mul3A_864 = arith.mulf %mul3A_732, %mul3A_736 : vector<16xf32>
      %mul3A_865 = arith.mulf %mul3A_863, %mul3A_864 : vector<16xf32>
      %add3A_866 = arith.constant 11 : i32
      %add3A_867 = vector.broadcast %add3A_866 : i32 to vector<16xi32>
      %add3A_868 = arith.addi %and3A_75, %add3A_867 : vector<16xi32>
      tpu.vector_store_idx %arg6[%shift_right_logical3A_69, %add3A_868], %mul3A_865 : memref<4x128xf32, #tpu.memory_space<vmem>>[vector<16xi32>, vector<16xi32>], vector<16xf32>,
      %mul3A_869 = arith.constant 0x4D069545 : f32
      %mul3A_870 = vector.broadcast %mul3A_869 : f32 to vector<16xf32>
      %mul3A_871 = arith.mulf %select_n3A_728, %mul3A_870 : vector<16xf32>
      %mul3A_872 = arith.mulf %mul3A_731, %mul3A_733 : vector<16xf32>
      %mul3A_873 = arith.mulf %mul3A_871, %mul3A_872 : vector<16xf32>
      %mul3A_874 = arith.mulf %sub3A_708, %mul3A_730 : vector<16xf32>
      %mul3A_875 = arith.mulf %mul3A_874, %mul3A_736 : vector<16xf32>
      %mul3A_876 = arith.mulf %mul3A_873, %mul3A_875 : vector<16xf32>
      %add3A_877 = arith.constant 12 : i32
      %add3A_878 = vector.broadcast %add3A_877 : i32 to vector<16xi32>
      %add3A_879 = arith.addi %and3A_75, %add3A_878 : vector<16xi32>
      tpu.vector_store_idx %arg6[%shift_right_logical3A_69, %add3A_879], %mul3A_876 : memref<4x128xf32, #tpu.memory_space<vmem>>[vector<16xi32>, vector<16xi32>], vector<16xf32>,
      %mul3A_880 = arith.constant 0x4D44B2CA : f32
      %mul3A_881 = vector.broadcast %mul3A_880 : f32 to vector<16xf32>
      %mul3A_882 = arith.mulf %select_n3A_728, %mul3A_881 : vector<16xf32>
      %mul3A_883 = arith.mulf %exp3A_705, %mul3A_731 : vector<16xf32>
      %mul3A_884 = arith.mulf %mul3A_883, %mul3A_733 : vector<16xf32>
      %mul3A_885 = arith.mulf %mul3A_882, %mul3A_884 : vector<16xf32>
      %mul3A_886 = arith.mulf %mul3A_730, %mul3A_736 : vector<16xf32>
      %mul3A_887 = arith.mulf %mul3A_885, %mul3A_886 : vector<16xf32>
      %add3A_888 = arith.constant 13 : i32
      %add3A_889 = vector.broadcast %add3A_888 : i32 to vector<16xi32>
      %add3A_890 = arith.addi %and3A_75, %add3A_889 : vector<16xi32>
      tpu.vector_store_idx %arg6[%shift_right_logical3A_69, %add3A_890], %mul3A_887 : memref<4x128xf32, #tpu.memory_space<vmem>>[vector<16xi32>, vector<16xi32>], vector<16xf32>,
      %mul3A_891 = arith.constant 0x4D7CE5DB : f32
      %mul3A_892 = vector.broadcast %mul3A_891 : f32 to vector<16xf32>
      %mul3A_893 = arith.mulf %select_n3A_728, %mul3A_892 : vector<16xf32>
      %mul3A_894 = arith.mulf %mul3A_729, %mul3A_731 : vector<16xf32>
      %mul3A_895 = arith.mulf %mul3A_894, %mul3A_733 : vector<16xf32>
      %mul3A_896 = arith.mulf %mul3A_893, %mul3A_895 : vector<16xf32>
      %mul3A_897 = arith.mulf %sub3A_708, %mul3A_736 : vector<16xf32>
      %mul3A_898 = arith.mulf %mul3A_896, %mul3A_897 : vector<16xf32>
      %add3A_899 = arith.constant 14 : i32
      %add3A_900 = vector.broadcast %add3A_899 : i32 to vector<16xi32>
      %add3A_901 = arith.addi %and3A_75, %add3A_900 : vector<16xi32>
      tpu.vector_store_idx %arg6[%shift_right_logical3A_69, %add3A_901], %mul3A_898 : memref<4x128xf32, #tpu.memory_space<vmem>>[vector<16xi32>, vector<16xi32>], vector<16xf32>,
      %mul3A_902 = arith.constant 0x4D8F4F04 : f32
      %mul3A_903 = vector.broadcast %mul3A_902 : f32 to vector<16xf32>
      %mul3A_904 = arith.mulf %select_n3A_728, %mul3A_903 : vector<16xf32>
      %mul3A_905 = arith.mulf %exp3A_705, %mul3A_729 : vector<16xf32>
      %mul3A_906 = arith.mulf %mul3A_905, %mul3A_731 : vector<16xf32>
      %mul3A_907 = arith.mulf %mul3A_906, %mul3A_733 : vector<16xf32>
      %mul3A_908 = arith.mulf %mul3A_904, %mul3A_907 : vector<16xf32>
      %mul3A_909 = arith.mulf %mul3A_908, %mul3A_736 : vector<16xf32>
      %add3A_910 = arith.constant 15 : i32
      %add3A_911 = vector.broadcast %add3A_910 : i32 to vector<16xi32>
      %add3A_912 = arith.addi %and3A_75, %add3A_911 : vector<16xi32>
      tpu.vector_store_idx %arg6[%shift_right_logical3A_69, %add3A_912], %mul3A_909 : memref<4x128xf32, #tpu.memory_space<vmem>>[vector<16xi32>, vector<16xi32>], vector<16xf32>,
      %mul3A_913 = arith.constant 0x4D8F4F04 : f32
      %mul3A_914 = vector.broadcast %mul3A_913 : f32 to vector<16xf32>
      %mul3A_915 = arith.mulf %select_n3A_728, %mul3A_914 : vector<16xf32>
      %mul3A_916 = arith.mulf %mul3A_915, %mul3A_735 : vector<16xf32>
      %mul3A_917 = arith.mulf %sub3A_708, %mul3A_730 : vector<16xf32>
      %mul3A_918 = arith.mulf %mul3A_917, %mul3A_732 : vector<16xf32>
      %mul3A_919 = arith.mulf %mul3A_918, %mul3A_734 : vector<16xf32>
      %mul3A_920 = arith.mulf %mul3A_916, %mul3A_919 : vector<16xf32>
      %add3A_921 = arith.constant 16 : i32
      %add3A_922 = vector.broadcast %add3A_921 : i32 to vector<16xi32>
      %add3A_923 = arith.addi %and3A_75, %add3A_922 : vector<16xi32>
      tpu.vector_store_idx %arg6[%shift_right_logical3A_69, %add3A_923], %mul3A_920 : memref<4x128xf32, #tpu.memory_space<vmem>>[vector<16xi32>, vector<16xi32>], vector<16xf32>,
      %mul3A_924 = arith.constant 0x4D7CE5DB : f32
      %mul3A_925 = vector.broadcast %mul3A_924 : f32 to vector<16xf32>
      %mul3A_926 = arith.mulf %select_n3A_728, %mul3A_925 : vector<16xf32>
      %mul3A_927 = arith.mulf %exp3A_705, %mul3A_735 : vector<16xf32>
      %mul3A_928 = arith.mulf %mul3A_926, %mul3A_927 : vector<16xf32>
      %mul3A_929 = arith.mulf %mul3A_730, %mul3A_732 : vector<16xf32>
      %mul3A_930 = arith.mulf %mul3A_929, %mul3A_734 : vector<16xf32>
      %mul3A_931 = arith.mulf %mul3A_928, %mul3A_930 : vector<16xf32>
      %add3A_932 = arith.constant 17 : i32
      %add3A_933 = vector.broadcast %add3A_932 : i32 to vector<16xi32>
      %add3A_934 = arith.addi %and3A_75, %add3A_933 : vector<16xi32>
      tpu.vector_store_idx %arg6[%shift_right_logical3A_69, %add3A_934], %mul3A_931 : memref<4x128xf32, #tpu.memory_space<vmem>>[vector<16xi32>, vector<16xi32>], vector<16xf32>,
      %mul3A_935 = arith.constant 0x4D44B2CA : f32
      %mul3A_936 = vector.broadcast %mul3A_935 : f32 to vector<16xf32>
      %mul3A_937 = arith.mulf %select_n3A_728, %mul3A_936 : vector<16xf32>
      %mul3A_938 = arith.mulf %mul3A_729, %mul3A_735 : vector<16xf32>
      %mul3A_939 = arith.mulf %mul3A_937, %mul3A_938 : vector<16xf32>
      %mul3A_940 = arith.mulf %sub3A_708, %mul3A_732 : vector<16xf32>
      %mul3A_941 = arith.mulf %mul3A_940, %mul3A_734 : vector<16xf32>
      %mul3A_942 = arith.mulf %mul3A_939, %mul3A_941 : vector<16xf32>
      %add3A_943 = arith.constant 18 : i32
      %add3A_944 = vector.broadcast %add3A_943 : i32 to vector<16xi32>
      %add3A_945 = arith.addi %and3A_75, %add3A_944 : vector<16xi32>
      tpu.vector_store_idx %arg6[%shift_right_logical3A_69, %add3A_945], %mul3A_942 : memref<4x128xf32, #tpu.memory_space<vmem>>[vector<16xi32>, vector<16xi32>], vector<16xf32>,
      %mul3A_946 = arith.constant 0x4D069545 : f32
      %mul3A_947 = vector.broadcast %mul3A_946 : f32 to vector<16xf32>
      %mul3A_948 = arith.mulf %select_n3A_728, %mul3A_947 : vector<16xf32>
      %mul3A_949 = arith.mulf %exp3A_705, %mul3A_729 : vector<16xf32>
      %mul3A_950 = arith.mulf %mul3A_949, %mul3A_735 : vector<16xf32>
      %mul3A_951 = arith.mulf %mul3A_948, %mul3A_950 : vector<16xf32>
      %mul3A_952 = arith.mulf %mul3A_732, %mul3A_734 : vector<16xf32>
      %mul3A_953 = arith.mulf %mul3A_951, %mul3A_952 : vector<16xf32>
      %add3A_954 = arith.constant 19 : i32
      %add3A_955 = vector.broadcast %add3A_954 : i32 to vector<16xi32>
      %add3A_956 = arith.addi %and3A_75, %add3A_955 : vector<16xi32>
      tpu.vector_store_idx %arg6[%shift_right_logical3A_69, %add3A_956], %mul3A_953 : memref<4x128xf32, #tpu.memory_space<vmem>>[vector<16xi32>, vector<16xi32>], vector<16xf32>,
      %mul3A_957 = arith.constant 0x4CA17FE7 : f32
      %mul3A_958 = vector.broadcast %mul3A_957 : f32 to vector<16xf32>
      %mul3A_959 = arith.mulf %select_n3A_728, %mul3A_958 : vector<16xf32>
      %mul3A_960 = arith.mulf %mul3A_731, %mul3A_735 : vector<16xf32>
      %mul3A_961 = arith.mulf %mul3A_959, %mul3A_960 : vector<16xf32>
      %mul3A_962 = arith.mulf %sub3A_708, %mul3A_730 : vector<16xf32>
      %mul3A_963 = arith.mulf %mul3A_962, %mul3A_734 : vector<16xf32>
      %mul3A_964 = arith.mulf %mul3A_961, %mul3A_963 : vector<16xf32>
      %add3A_965 = arith.constant 20 : i32
      %add3A_966 = vector.broadcast %add3A_965 : i32 to vector<16xi32>
      %add3A_967 = arith.addi %and3A_75, %add3A_966 : vector<16xi32>
      tpu.vector_store_idx %arg6[%shift_right_logical3A_69, %add3A_967], %mul3A_964 : memref<4x128xf32, #tpu.memory_space<vmem>>[vector<16xi32>, vector<16xi32>], vector<16xf32>,
      %mul3A_968 = arith.constant 0x4C2930A5 : f32
      %mul3A_969 = vector.broadcast %mul3A_968 : f32 to vector<16xf32>
      %mul3A_970 = arith.mulf %select_n3A_728, %mul3A_969 : vector<16xf32>
      %mul3A_971 = arith.mulf %exp3A_705, %mul3A_731 : vector<16xf32>
      %mul3A_972 = arith.mulf %mul3A_971, %mul3A_735 : vector<16xf32>
      %mul3A_973 = arith.mulf %mul3A_970, %mul3A_972 : vector<16xf32>
      %mul3A_974 = arith.mulf %mul3A_730, %mul3A_734 : vector<16xf32>
      %mul3A_975 = arith.mulf %mul3A_973, %mul3A_974 : vector<16xf32>
      %add3A_976 = arith.constant 21 : i32
      %add3A_977 = vector.broadcast %add3A_976 : i32 to vector<16xi32>
      %add3A_978 = arith.addi %and3A_75, %add3A_977 : vector<16xi32>
      tpu.vector_store_idx %arg6[%shift_right_logical3A_69, %add3A_978], %mul3A_975 : memref<4x128xf32, #tpu.memory_space<vmem>>[vector<16xi32>, vector<16xi32>], vector<16xf32>,
      %mul3A_979 = arith.constant 0x4B99CF1D : f32
      %mul3A_980 = vector.broadcast %mul3A_979 : f32 to vector<16xf32>
      %mul3A_981 = arith.mulf %select_n3A_728, %mul3A_980 : vector<16xf32>
      %mul3A_982 = arith.mulf %mul3A_729, %mul3A_731 : vector<16xf32>
      %mul3A_983 = arith.mulf %mul3A_982, %mul3A_735 : vector<16xf32>
      %mul3A_984 = arith.mulf %mul3A_981, %mul3A_983 : vector<16xf32>
      %mul3A_985 = arith.mulf %sub3A_708, %mul3A_734 : vector<16xf32>
      %mul3A_986 = arith.mulf %mul3A_984, %mul3A_985 : vector<16xf32>
      %add3A_987 = arith.constant 22 : i32
      %add3A_988 = vector.broadcast %add3A_987 : i32 to vector<16xi32>
      %add3A_989 = arith.addi %and3A_75, %add3A_988 : vector<16xi32>
      tpu.vector_store_idx %arg6[%shift_right_logical3A_69, %add3A_989], %mul3A_986 : memref<4x128xf32, #tpu.memory_space<vmem>>[vector<16xi32>, vector<16xi32>], vector<16xf32>,
      %mul3A_990 = arith.constant 7888725.5 : f32
      %mul3A_991 = vector.broadcast %mul3A_990 : f32 to vector<16xf32>
      %mul3A_992 = arith.mulf %select_n3A_728, %mul3A_991 : vector<16xf32>
      %mul3A_993 = arith.mulf %exp3A_705, %mul3A_729 : vector<16xf32>
      %mul3A_994 = arith.mulf %mul3A_993, %mul3A_731 : vector<16xf32>
      %mul3A_995 = arith.mulf %mul3A_994, %mul3A_735 : vector<16xf32>
      %mul3A_996 = arith.mulf %mul3A_992, %mul3A_995 : vector<16xf32>
      %mul3A_997 = arith.mulf %mul3A_996, %mul3A_734 : vector<16xf32>
      %add3A_998 = arith.constant 23 : i32
      %add3A_999 = vector.broadcast %add3A_998 : i32 to vector<16xi32>
      %add3A_1000 = arith.addi %and3A_75, %add3A_999 : vector<16xi32>
      tpu.vector_store_idx %arg6[%shift_right_logical3A_69, %add3A_1000], %mul3A_997 : memref<4x128xf32, #tpu.memory_space<vmem>>[vector<16xi32>, vector<16xi32>], vector<16xf32>,
      %mul3A_1001 = arith.constant 0x4A207F18 : f32
      %mul3A_1002 = vector.broadcast %mul3A_1001 : f32 to vector<16xf32>
      %mul3A_1003 = arith.mulf %select_n3A_728, %mul3A_1002 : vector<16xf32>
      %mul3A_1004 = arith.mulf %mul3A_733, %mul3A_735 : vector<16xf32>
      %mul3A_1005 = arith.mulf %mul3A_1003, %mul3A_1004 : vector<16xf32>
      %mul3A_1006 = arith.mulf %sub3A_708, %mul3A_730 : vector<16xf32>
      %mul3A_1007 = arith.mulf %mul3A_1006, %mul3A_732 : vector<16xf32>
      %mul3A_1008 = arith.mulf %mul3A_1005, %mul3A_1007 : vector<16xf32>
      %add3A_1009 = arith.constant 24 : i32
      %add3A_1010 = vector.broadcast %add3A_1009 : i32 to vector<16xi32>
      %add3A_1011 = arith.addi %and3A_75, %add3A_1010 : vector<16xi32>
      tpu.vector_store_idx %arg6[%shift_right_logical3A_69, %add3A_1011], %mul3A_1008 : memref<4x128xf32, #tpu.memory_space<vmem>>[vector<16xi32>, vector<16xi32>], vector<16xf32>,
      %mul3A_1012 = arith.constant 736280.875 : f32
      %mul3A_1013 = vector.broadcast %mul3A_1012 : f32 to vector<16xf32>
      %mul3A_1014 = arith.mulf %select_n3A_728, %mul3A_1013 : vector<16xf32>
      %mul3A_1015 = arith.mulf %exp3A_705, %mul3A_733 : vector<16xf32>
      %mul3A_1016 = arith.mulf %mul3A_1015, %mul3A_735 : vector<16xf32>
      %mul3A_1017 = arith.mulf %mul3A_1014, %mul3A_1016 : vector<16xf32>
      %mul3A_1018 = arith.mulf %mul3A_730, %mul3A_732 : vector<16xf32>
      %mul3A_1019 = arith.mulf %mul3A_1017, %mul3A_1018 : vector<16xf32>
      %add3A_1020 = arith.constant 25 : i32
      %add3A_1021 = vector.broadcast %add3A_1020 : i32 to vector<16xi32>
      %add3A_1022 = arith.addi %and3A_75, %add3A_1021 : vector<16xi32>
      tpu.vector_store_idx %arg6[%shift_right_logical3A_69, %add3A_1022], %mul3A_1019 : memref<4x128xf32, #tpu.memory_space<vmem>>[vector<16xi32>, vector<16xi32>], vector<16xf32>,
      %mul3A_1023 = arith.constant 169910.953 : f32
      %mul3A_1024 = vector.broadcast %mul3A_1023 : f32 to vector<16xf32>
      %mul3A_1025 = arith.mulf %select_n3A_728, %mul3A_1024 : vector<16xf32>
      %mul3A_1026 = arith.mulf %mul3A_729, %mul3A_733 : vector<16xf32>
      %mul3A_1027 = arith.mulf %mul3A_1026, %mul3A_735 : vector<16xf32>
      %mul3A_1028 = arith.mulf %mul3A_1025, %mul3A_1027 : vector<16xf32>
      %mul3A_1029 = arith.mulf %sub3A_708, %mul3A_732 : vector<16xf32>
      %mul3A_1030 = arith.mulf %mul3A_1028, %mul3A_1029 : vector<16xf32>
      %add3A_1031 = arith.constant 26 : i32
      %add3A_1032 = vector.broadcast %add3A_1031 : i32 to vector<16xi32>
      %add3A_1033 = arith.addi %and3A_75, %add3A_1032 : vector<16xi32>
      tpu.vector_store_idx %arg6[%shift_right_logical3A_69, %add3A_1033], %mul3A_1030 : memref<4x128xf32, #tpu.memory_space<vmem>>[vector<16xi32>, vector<16xi32>], vector<16xf32>,
      %mul3A_1034 = arith.constant 31465.0039 : f32
      %mul3A_1035 = vector.broadcast %mul3A_1034 : f32 to vector<16xf32>
      %mul3A_1036 = arith.mulf %select_n3A_728, %mul3A_1035 : vector<16xf32>
      %mul3A_1037 = arith.mulf %exp3A_705, %mul3A_729 : vector<16xf32>
      %mul3A_1038 = arith.mulf %mul3A_1037, %mul3A_733 : vector<16xf32>
      %mul3A_1039 = arith.mulf %mul3A_1038, %mul3A_735 : vector<16xf32>
      %mul3A_1040 = arith.mulf %mul3A_1036, %mul3A_1039 : vector<16xf32>
      %mul3A_1041 = arith.mulf %mul3A_1040, %mul3A_732 : vector<16xf32>
      %add3A_1042 = arith.constant 27 : i32
      %add3A_1043 = vector.broadcast %add3A_1042 : i32 to vector<16xi32>
      %add3A_1044 = arith.addi %and3A_75, %add3A_1043 : vector<16xi32>
      tpu.vector_store_idx %arg6[%shift_right_logical3A_69, %add3A_1044], %mul3A_1041 : memref<4x128xf32, #tpu.memory_space<vmem>>[vector<16xi32>, vector<16xi32>], vector<16xf32>,
      %mul3A_1045 = arith.constant 4494.99951 : f32
      %mul3A_1046 = vector.broadcast %mul3A_1045 : f32 to vector<16xf32>
      %mul3A_1047 = arith.mulf %select_n3A_728, %mul3A_1046 : vector<16xf32>
      %mul3A_1048 = arith.mulf %mul3A_731, %mul3A_733 : vector<16xf32>
      %mul3A_1049 = arith.mulf %mul3A_1048, %mul3A_735 : vector<16xf32>
      %mul3A_1050 = arith.mulf %mul3A_1047, %mul3A_1049 : vector<16xf32>
      %mul3A_1051 = arith.mulf %sub3A_708, %mul3A_730 : vector<16xf32>
      %mul3A_1052 = arith.mulf %mul3A_1050, %mul3A_1051 : vector<16xf32>
      %add3A_1053 = arith.constant 28 : i32
      %add3A_1054 = vector.broadcast %add3A_1053 : i32 to vector<16xi32>
      %add3A_1055 = arith.addi %and3A_75, %add3A_1054 : vector<16xi32>
      tpu.vector_store_idx %arg6[%shift_right_logical3A_69, %add3A_1055], %mul3A_1052 : memref<4x128xf32, #tpu.memory_space<vmem>>[vector<16xi32>, vector<16xi32>], vector<16xf32>,
      %mul3A_1056 = arith.constant 4.650000e+02 : f32
      %mul3A_1057 = vector.broadcast %mul3A_1056 : f32 to vector<16xf32>
      %mul3A_1058 = arith.mulf %select_n3A_728, %mul3A_1057 : vector<16xf32>
      %mul3A_1059 = arith.mulf %exp3A_705, %mul3A_731 : vector<16xf32>
      %mul3A_1060 = arith.mulf %mul3A_1059, %mul3A_733 : vector<16xf32>
      %mul3A_1061 = arith.mulf %mul3A_1060, %mul3A_735 : vector<16xf32>
      %mul3A_1062 = arith.mulf %mul3A_1058, %mul3A_1061 : vector<16xf32>
      %mul3A_1063 = arith.mulf %mul3A_1062, %mul3A_730 : vector<16xf32>
      %add3A_1064 = arith.constant 29 : i32
      %add3A_1065 = vector.broadcast %add3A_1064 : i32 to vector<16xi32>
      %add3A_1066 = arith.addi %and3A_75, %add3A_1065 : vector<16xi32>
      tpu.vector_store_idx %arg6[%shift_right_logical3A_69, %add3A_1066], %mul3A_1063 : memref<4x128xf32, #tpu.memory_space<vmem>>[vector<16xi32>, vector<16xi32>], vector<16xf32>,
      %mul3A_1067 = arith.constant 30.9999962 : f32
      %mul3A_1068 = vector.broadcast %mul3A_1067 : f32 to vector<16xf32>
      %mul3A_1069 = arith.mulf %select_n3A_728, %mul3A_1068 : vector<16xf32>
      %mul3A_1070 = arith.mulf %mul3A_729, %mul3A_731 : vector<16xf32>
      %mul3A_1071 = arith.mulf %mul3A_1070, %mul3A_733 : vector<16xf32>
      %mul3A_1072 = arith.mulf %mul3A_1071, %mul3A_735 : vector<16xf32>
      %mul3A_1073 = arith.mulf %mul3A_1069, %mul3A_1072 : vector<16xf32>
      %mul3A_1074 = arith.mulf %mul3A_1073, %sub3A_708 : vector<16xf32>
      %add3A_1075 = arith.constant 30 : i32
      %add3A_1076 = vector.broadcast %add3A_1075 : i32 to vector<16xi32>
      %add3A_1077 = arith.addi %and3A_75, %add3A_1076 : vector<16xi32>
      tpu.vector_store_idx %arg6[%shift_right_logical3A_69, %add3A_1077], %mul3A_1074 : memref<4x128xf32, #tpu.memory_space<vmem>>[vector<16xi32>, vector<16xi32>], vector<16xf32>,
      %mul3A_1078 = arith.constant 1.000000e+00 : f32
      %mul3A_1079 = vector.broadcast %mul3A_1078 : f32 to vector<16xf32>
      %mul3A_1080 = arith.mulf %select_n3A_728, %mul3A_1079 : vector<16xf32>
      %mul3A_1081 = arith.mulf %exp3A_705, %mul3A_729 : vector<16xf32>
      %mul3A_1082 = arith.mulf %mul3A_1081, %mul3A_731 : vector<16xf32>
      %mul3A_1083 = arith.mulf %mul3A_1082, %mul3A_733 : vector<16xf32>
      %mul3A_1084 = arith.mulf %mul3A_1083, %mul3A_735 : vector<16xf32>
      %mul3A_1085 = arith.mulf %mul3A_1080, %mul3A_1084 : vector<16xf32>
      %add3A_1086 = arith.constant 31 : i32
      %add3A_1087 = vector.broadcast %add3A_1086 : i32 to vector<16xi32>
      %add3A_1088 = arith.addi %and3A_75, %add3A_1087 : vector<16xi32>
      tpu.vector_store_idx %arg6[%shift_right_logical3A_69, %add3A_1088], %mul3A_1085 : memref<4x128xf32, #tpu.memory_space<vmem>>[vector<16xi32>, vector<16xi32>], vector<16xf32>,
      %mul3A_1089 = arith.constant 24 : i32
      %mul3A_1090 = arith.muli %add3A_102, %mul3A_1089 : i32
      %mul3A_1091 = arith.constant 8 : i32
      %mul3A_1092 = arith.muli %mul3A_1091, %scan3A_158 : i32
      %add3A_1093 = arith.addi %mul3A_1090, %mul3A_1092 : i32
      %add3A_1094 = arith.constant 4 : i32
      %add3A_1095 = arith.addi %add3A_1093, %add3A_1094 : i32
      %dma_start3A_1096 = arith.constant 0 : i32
      %dma_start3A_1097 = tpu.memref_slice %arg3[%add3A_1095, %dma_start3A_1096] : memref<2304x128xf32, #tpu.memory_space<hbm>> -> memref<4x128xf32, #tpu.memory_space<hbm>>
      %dma_start3A_1098 = arith.constant 0 : i32
      %dma_start3A_1099 = tpu.memref_slice %arg3[%add3A_1095, %dma_start3A_1098] : memref<2304x128xf32, #tpu.memory_space<hbm>> -> memref<4x128xf32, #tpu.memory_space<hbm>>
      tpu.enqueue_dma source(%arg6 : memref<4x128xf32, #tpu.memory_space<vmem>>) target(%dma_start3A_1099 : memref<4x128xf32, #tpu.memory_space<hbm>>) target_semaphore(%arg8 : memref<!tpu.dma_semaphore, #tpu.memory_space<semaphore_mem>>)
      %scan3A_1100 = arith.constant 0 : i32
      scf.yield %scan3A_1100 : i32
    }
    %scan3A_122 = arith.constant 3 : i32
    %mul3A_123 = arith.constant 3 : i32
    %mul3A_124 = arith.muli %add3A, %mul3A_123 : i32
    %add3A_125 = arith.constant 2 : i32
    %add3A_126 = arith.addi %mul3A_124, %add3A_125 : i32
    %mul3A_127 = arith.constant 3 : i32
    %mul3A_128 = arith.muli %add3A_126, %mul3A_127 : i32
    %broadcast_in_dim3A_129 = vector.broadcast %mul3A_128 : i32 to vector<16xi32>
    %broadcast_in_dim3A_130 = vector.broadcast %add3A_126 : i32 to vector<16xi32>
    %gather3A_131 = tpu.vector_load_idx %arg4[%broadcast_in_dim3A_129] : memref<304xf32, #tpu.memory_space<vmem>>[vector<16xi32>], vector<16xf32>,
    %add3A_132 = arith.constant 1 : i32
    %add3A_133 = vector.broadcast %add3A_132 : i32 to vector<16xi32>
    %add3A_134 = arith.addi %broadcast_in_dim3A_129, %add3A_133 : vector<16xi32>
    %gather3A_135 = tpu.vector_load_idx %arg4[%add3A_134] : memref<304xf32, #tpu.memory_space<vmem>>[vector<16xi32>], vector<16xf32>,
    %add3A_136 = arith.constant 2 : i32
    %add3A_137 = vector.broadcast %add3A_136 : i32 to vector<16xi32>
    %add3A_138 = arith.addi %broadcast_in_dim3A_129, %add3A_137 : vector<16xi32>
    %gather3A_139 = tpu.vector_load_idx %arg4[%add3A_138] : memref<304xf32, #tpu.memory_space<vmem>>[vector<16xi32>], vector<16xf32>,
    %scan3A_140 = arith.constant 0 : i32
    %scan3A_141 = arith.constant 0 : i32
    %scan3A_142 = arith.constant 3 : i32
    %scan3A_143 = arith.addi %scan3A_141, %scan3A_142 : i32
    %scan3A_144 = arith.constant 1 : i32
    %scan3A_145 = scf.for %scan3A_158 = %scan3A_141 to %scan3A_143 step %scan3A_144 iter_args(%scan3A_159 = %scan3A_140) -> (i32)  : i32 {
      %mul3A_160 = arith.constant 32 : i32
      %mul3A_161 = arith.muli %mul3A_160, %scan3A_158 : i32
      %add3A_162 = arith.constant 0 : i32
      %add3A_163 = arith.addi %mul3A_161, %add3A_162 : i32
      %dma_wait3A_164 = arith.constant 0 : i32
      %dma_wait3A_165 = arith.constant 0 : i32
      %dma_wait3A_166 = tpu.memref_slice %arg3[%dma_wait3A_164, %dma_wait3A_165] : memref<2304x128xf32, #tpu.memory_space<hbm>> -> memref<4x128xf32, #tpu.memory_space<hbm>>
      %dma_wait3A_167 = arith.constant 0 : i32
      %dma_wait3A_168 = arith.constant 0 : i32
      %dma_wait3A_169 = tpu.memref_slice %arg3[%dma_wait3A_167, %dma_wait3A_168] : memref<2304x128xf32, #tpu.memory_space<hbm>> -> memref<4x128xf32, #tpu.memory_space<hbm>>
      tpu.wait_dma2 semaphore(%arg7 : memref<!tpu.dma_semaphore, #tpu.memory_space<semaphore_mem>>) src(%arg5 : memref<4x128xf32, #tpu.memory_space<vmem>>) dst(%dma_wait3A_169 : memref<4x128xf32, #tpu.memory_space<hbm>>)
      %add3A_170 = vector.broadcast %add3A_163 : i32 to vector<16xi32>
      %add3A_171 = arith.addi %iota3A, %add3A_170 : vector<16xi32>
      %mul3A_172 = arith.constant 3 : i32
      %mul3A_173 = vector.broadcast %mul3A_172 : i32 to vector<16xi32>
      %mul3A_174 = arith.muli %add3A_171, %mul3A_173 : vector<16xi32>
      %gather3A_175 = tpu.vector_load_idx %arg4[%mul3A_174] : memref<304xf32, #tpu.memory_space<vmem>>[vector<16xi32>], vector<16xf32>,
      %sub3A_176 = arith.subf %gather3A_175, %gather3A_131 : vector<16xf32>
      %add3A_177 = arith.constant 1 : i32
      %add3A_178 = vector.broadcast %add3A_177 : i32 to vector<16xi32>
      %add3A_179 = arith.addi %mul3A_174, %add3A_178 : vector<16xi32>
      %gather3A_180 = tpu.vector_load_idx %arg4[%add3A_179] : memref<304xf32, #tpu.memory_space<vmem>>[vector<16xi32>], vector<16xf32>,
      %sub3A_181 = arith.subf %gather3A_180, %gather3A_135 : vector<16xf32>
      %add3A_182 = arith.constant 2 : i32
      %add3A_183 = vector.broadcast %add3A_182 : i32 to vector<16xi32>
      %add3A_184 = arith.addi %mul3A_174, %add3A_183 : vector<16xi32>
      %gather3A_185 = tpu.vector_load_idx %arg4[%add3A_184] : memref<304xf32, #tpu.memory_space<vmem>>[vector<16xi32>], vector<16xf32>,
      %sub3A_186 = arith.subf %gather3A_185, %gather3A_139 : vector<16xf32>
      %mul3A_187 = arith.mulf %sub3A_176, %sub3A_176 : vector<16xf32>
      %mul3A_188 = arith.mulf %sub3A_181, %sub3A_181 : vector<16xf32>
      %add3A_189 = arith.addf %mul3A_187, %mul3A_188 : vector<16xf32>
      %mul3A_190 = arith.mulf %sub3A_186, %sub3A_186 : vector<16xf32>
      %add3A_191 = arith.addf %add3A_189, %mul3A_190 : vector<16xf32>
      %add3A_192 = arith.constant 9.99999996E-13 : f32
      %add3A_193 = vector.broadcast %add3A_192 : f32 to vector<16xf32>
      %add3A_194 = arith.addf %add3A_191, %add3A_193 : vector<16xf32>
      %bitcast3A_195 = vector.bitcast %add3A_194 : vector<16xf32> to vector<16xi32>
      %shift_right_logical3A_196 = arith.constant 1 : i32
      %shift_right_logical3A_197 = vector.broadcast %shift_right_logical3A_196 : i32 to vector<16xi32>
      %shift_right_logical3A_198 = arith.shrui %bitcast3A_195, %shift_right_logical3A_197 : vector<16xi32>
      %sub3A_199 = arith.constant 1597463007 : i32
      %sub3A_200 = vector.broadcast %sub3A_199 : i32 to vector<16xi32>
      %sub3A_201 = arith.subi %sub3A_200, %shift_right_logical3A_198 : vector<16xi32>
      %bitcast3A_202 = vector.bitcast %sub3A_201 : vector<16xi32> to vector<16xf32>
      %mul3A_203 = arith.constant 5.000000e-01 : f32
      %mul3A_204 = vector.broadcast %mul3A_203 : f32 to vector<16xf32>
      %mul3A_205 = arith.mulf %mul3A_204, %add3A_194 : vector<16xf32>
      %mul3A_206 = arith.mulf %mul3A_205, %bitcast3A_202 : vector<16xf32>
      %mul3A_207 = arith.mulf %mul3A_206, %bitcast3A_202 : vector<16xf32>
      %sub3A_208 = arith.constant 1.500000e+00 : f32
      %sub3A_209 = vector.broadcast %sub3A_208 : f32 to vector<16xf32>
      %sub3A_210 = arith.subf %sub3A_209, %mul3A_207 : vector<16xf32>
      %mul3A_211 = arith.mulf %bitcast3A_202, %sub3A_210 : vector<16xf32>
      %mul3A_212 = arith.constant 5.000000e-01 : f32
      %mul3A_213 = vector.broadcast %mul3A_212 : f32 to vector<16xf32>
      %mul3A_214 = arith.mulf %mul3A_213, %add3A_194 : vector<16xf32>
      %mul3A_215 = arith.mulf %mul3A_214, %mul3A_211 : vector<16xf32>
      %mul3A_216 = arith.mulf %mul3A_215, %mul3A_211 : vector<16xf32>
      %sub3A_217 = arith.constant 1.500000e+00 : f32
      %sub3A_218 = vector.broadcast %sub3A_217 : f32 to vector<16xf32>
      %sub3A_219 = arith.subf %sub3A_218, %mul3A_216 : vector<16xf32>
      %mul3A_220 = arith.mulf %mul3A_211, %sub3A_219 : vector<16xf32>
      %mul3A_221 = arith.constant 5.000000e-01 : f32
      %mul3A_222 = vector.broadcast %mul3A_221 : f32 to vector<16xf32>
      %mul3A_223 = arith.mulf %mul3A_222, %add3A_194 : vector<16xf32>
      %mul3A_224 = arith.mulf %mul3A_223, %mul3A_220 : vector<16xf32>
      %mul3A_225 = arith.mulf %mul3A_224, %mul3A_220 : vector<16xf32>
      %sub3A_226 = arith.constant 1.500000e+00 : f32
      %sub3A_227 = vector.broadcast %sub3A_226 : f32 to vector<16xf32>
      %sub3A_228 = arith.subf %sub3A_227, %mul3A_225 : vector<16xf32>
      %mul3A_229 = arith.mulf %mul3A_220, %sub3A_228 : vector<16xf32>
      %mul3A_230 = arith.mulf %add3A_194, %mul3A_229 : vector<16xf32>
      %neg3A_231 = arith.constant 0.000000e+00 : f32
      %neg3A_232 = vector.broadcast %neg3A_231 : f32 to vector<16xf32>
      %neg3A_233 = arith.subf %neg3A_232, %select_n3A : vector<16xf32>
      %mul3A_234 = arith.mulf %neg3A_233, %mul3A_230 : vector<16xf32>
      %max3A = arith.constant -23.0258503 : f32
      %max3A_235 = vector.broadcast %max3A : f32 to vector<16xf32>
      %max3A_236 = arith.maximumf %mul3A_234, %max3A_235 : vector<16xf32>
      %exp3A_237 = math.exp %max3A_236 : vector<16xf32>
      %sub3A_238 = arith.constant 1.000000e+00 : f32
      %sub3A_239 = vector.broadcast %sub3A_238 : f32 to vector<16xf32>
      %sub3A_240 = arith.subf %sub3A_239, %exp3A_237 : vector<16xf32>
      %mul3A_241 = arith.mulf %mul3A_230, %mul3A_230 : vector<16xf32>
      %lt3A = arith.constant 1.500000e+01 : f32
      %lt3A_242 = vector.broadcast %lt3A : f32 to vector<16xf32>
      %lt3A_243 = arith.cmpf olt, %mul3A_230, %lt3A_242 : vector<16xf32>
      %ne3A = arith.cmpi ne, %add3A_171, %broadcast_in_dim3A_130 : vector<16xi32>
      %and3A_244 = arith.andi %lt3A_243, %ne3A : vector<16xi1>
      %neg3A_245 = arith.constant 0.000000e+00 : f32
      %neg3A_246 = vector.broadcast %neg3A_245 : f32 to vector<16xf32>
      %neg3A_247 = arith.subf %neg3A_246, %mul3A_241 : vector<16xf32>
      %sub3A_248 = arith.constant 2.250000e+02 : f32
      %sub3A_249 = vector.broadcast %sub3A_248 : f32 to vector<16xf32>
      %sub3A_250 = arith.subf %sub3A_249, %mul3A_241 : vector<16xf32>
      %add3A_251 = arith.constant 9.99999971E-10 : f32
      %add3A_252 = vector.broadcast %add3A_251 : f32 to vector<16xf32>
      %add3A_253 = arith.addf %sub3A_250, %add3A_252 : vector<16xf32>
      %div3A = arith.divf %neg3A_247, %add3A_253 : vector<16xf32>
      %exp3A_254 = math.exp %div3A : vector<16xf32>
      %jit3A = arith.constant 0.000000e+00 : f32
      %broadcast_in_dim3A_255 = vector.broadcast %jit3A : f32 to vector<16xf32>
      %select_n3A_256 = arith.select %and3A_244, %exp3A_254, %broadcast_in_dim3A_255 : vector<16xi1>, vector<16xf32>
      %mul3A_257 = arith.mulf %exp3A_237, %exp3A_237 : vector<16xf32>
      %mul3A_258 = arith.mulf %sub3A_240, %sub3A_240 : vector<16xf32>
      %mul3A_259 = arith.mulf %mul3A_257, %mul3A_257 : vector<16xf32>
      %mul3A_260 = arith.mulf %mul3A_258, %mul3A_258 : vector<16xf32>
      %mul3A_261 = arith.mulf %mul3A_259, %mul3A_259 : vector<16xf32>
      %mul3A_262 = arith.mulf %mul3A_260, %mul3A_260 : vector<16xf32>
      %mul3A_263 = arith.mulf %mul3A_261, %mul3A_261 : vector<16xf32>
      %mul3A_264 = arith.mulf %mul3A_262, %mul3A_262 : vector<16xf32>
      %mul3A_265 = arith.constant 1.000000e+00 : f32
      %mul3A_266 = vector.broadcast %mul3A_265 : f32 to vector<16xf32>
      %mul3A_267 = arith.mulf %select_n3A_256, %mul3A_266 : vector<16xf32>
      %mul3A_268 = arith.mulf %sub3A_240, %mul3A_258 : vector<16xf32>
      %mul3A_269 = arith.mulf %mul3A_268, %mul3A_260 : vector<16xf32>
      %mul3A_270 = arith.mulf %mul3A_269, %mul3A_262 : vector<16xf32>
      %mul3A_271 = arith.mulf %mul3A_270, %mul3A_264 : vector<16xf32>
      %mul3A_272 = arith.mulf %mul3A_267, %mul3A_271 : vector<16xf32>
      %add3A_273 = arith.constant 0 : i32
      %add3A_274 = vector.broadcast %add3A_273 : i32 to vector<16xi32>
      %add3A_275 = arith.addi %and3A_75, %add3A_274 : vector<16xi32>
      tpu.vector_store_idx %arg5[%shift_right_logical3A_69, %add3A_275], %mul3A_272 : memref<4x128xf32, #tpu.memory_space<vmem>>[vector<16xi32>, vector<16xi32>], vector<16xf32>,
      %mul3A_276 = arith.constant 30.9999962 : f32
      %mul3A_277 = vector.broadcast %mul3A_276 : f32 to vector<16xf32>
      %mul3A_278 = arith.mulf %select_n3A_256, %mul3A_277 : vector<16xf32>
      %mul3A_279 = arith.mulf %mul3A_278, %exp3A_237 : vector<16xf32>
      %mul3A_280 = arith.mulf %mul3A_258, %mul3A_260 : vector<16xf32>
      %mul3A_281 = arith.mulf %mul3A_280, %mul3A_262 : vector<16xf32>
      %mul3A_282 = arith.mulf %mul3A_281, %mul3A_264 : vector<16xf32>
      %mul3A_283 = arith.mulf %mul3A_279, %mul3A_282 : vector<16xf32>
      %add3A_284 = arith.constant 1 : i32
      %add3A_285 = vector.broadcast %add3A_284 : i32 to vector<16xi32>
      %add3A_286 = arith.addi %and3A_75, %add3A_285 : vector<16xi32>
      tpu.vector_store_idx %arg5[%shift_right_logical3A_69, %add3A_286], %mul3A_283 : memref<4x128xf32, #tpu.memory_space<vmem>>[vector<16xi32>, vector<16xi32>], vector<16xf32>,
      %mul3A_287 = arith.constant 4.650000e+02 : f32
      %mul3A_288 = vector.broadcast %mul3A_287 : f32 to vector<16xf32>
      %mul3A_289 = arith.mulf %select_n3A_256, %mul3A_288 : vector<16xf32>
      %mul3A_290 = arith.mulf %mul3A_289, %mul3A_257 : vector<16xf32>
      %mul3A_291 = arith.mulf %sub3A_240, %mul3A_260 : vector<16xf32>
      %mul3A_292 = arith.mulf %mul3A_291, %mul3A_262 : vector<16xf32>
      %mul3A_293 = arith.mulf %mul3A_292, %mul3A_264 : vector<16xf32>
      %mul3A_294 = arith.mulf %mul3A_290, %mul3A_293 : vector<16xf32>
      %add3A_295 = arith.constant 2 : i32
      %add3A_296 = vector.broadcast %add3A_295 : i32 to vector<16xi32>
      %add3A_297 = arith.addi %and3A_75, %add3A_296 : vector<16xi32>
      tpu.vector_store_idx %arg5[%shift_right_logical3A_69, %add3A_297], %mul3A_294 : memref<4x128xf32, #tpu.memory_space<vmem>>[vector<16xi32>, vector<16xi32>], vector<16xf32>,
      %mul3A_298 = arith.constant 4494.99951 : f32
      %mul3A_299 = vector.broadcast %mul3A_298 : f32 to vector<16xf32>
      %mul3A_300 = arith.mulf %select_n3A_256, %mul3A_299 : vector<16xf32>
      %mul3A_301 = arith.mulf %exp3A_237, %mul3A_257 : vector<16xf32>
      %mul3A_302 = arith.mulf %mul3A_300, %mul3A_301 : vector<16xf32>
      %mul3A_303 = arith.mulf %mul3A_260, %mul3A_262 : vector<16xf32>
      %mul3A_304 = arith.mulf %mul3A_303, %mul3A_264 : vector<16xf32>
      %mul3A_305 = arith.mulf %mul3A_302, %mul3A_304 : vector<16xf32>
      %add3A_306 = arith.constant 3 : i32
      %add3A_307 = vector.broadcast %add3A_306 : i32 to vector<16xi32>
      %add3A_308 = arith.addi %and3A_75, %add3A_307 : vector<16xi32>
      tpu.vector_store_idx %arg5[%shift_right_logical3A_69, %add3A_308], %mul3A_305 : memref<4x128xf32, #tpu.memory_space<vmem>>[vector<16xi32>, vector<16xi32>], vector<16xf32>,
      %mul3A_309 = arith.constant 31465.0039 : f32
      %mul3A_310 = vector.broadcast %mul3A_309 : f32 to vector<16xf32>
      %mul3A_311 = arith.mulf %select_n3A_256, %mul3A_310 : vector<16xf32>
      %mul3A_312 = arith.mulf %mul3A_311, %mul3A_259 : vector<16xf32>
      %mul3A_313 = arith.mulf %sub3A_240, %mul3A_258 : vector<16xf32>
      %mul3A_314 = arith.mulf %mul3A_313, %mul3A_262 : vector<16xf32>
      %mul3A_315 = arith.mulf %mul3A_314, %mul3A_264 : vector<16xf32>
      %mul3A_316 = arith.mulf %mul3A_312, %mul3A_315 : vector<16xf32>
      %add3A_317 = arith.constant 4 : i32
      %add3A_318 = vector.broadcast %add3A_317 : i32 to vector<16xi32>
      %add3A_319 = arith.addi %and3A_75, %add3A_318 : vector<16xi32>
      tpu.vector_store_idx %arg5[%shift_right_logical3A_69, %add3A_319], %mul3A_316 : memref<4x128xf32, #tpu.memory_space<vmem>>[vector<16xi32>, vector<16xi32>], vector<16xf32>,
      %mul3A_320 = arith.constant 169910.953 : f32
      %mul3A_321 = vector.broadcast %mul3A_320 : f32 to vector<16xf32>
      %mul3A_322 = arith.mulf %select_n3A_256, %mul3A_321 : vector<16xf32>
      %mul3A_323 = arith.mulf %exp3A_237, %mul3A_259 : vector<16xf32>
      %mul3A_324 = arith.mulf %mul3A_322, %mul3A_323 : vector<16xf32>
      %mul3A_325 = arith.mulf %mul3A_258, %mul3A_262 : vector<16xf32>
      %mul3A_326 = arith.mulf %mul3A_325, %mul3A_264 : vector<16xf32>
      %mul3A_327 = arith.mulf %mul3A_324, %mul3A_326 : vector<16xf32>
      %add3A_328 = arith.constant 5 : i32
      %add3A_329 = vector.broadcast %add3A_328 : i32 to vector<16xi32>
      %add3A_330 = arith.addi %and3A_75, %add3A_329 : vector<16xi32>
      tpu.vector_store_idx %arg5[%shift_right_logical3A_69, %add3A_330], %mul3A_327 : memref<4x128xf32, #tpu.memory_space<vmem>>[vector<16xi32>, vector<16xi32>], vector<16xf32>,
      %mul3A_331 = arith.constant 736280.875 : f32
      %mul3A_332 = vector.broadcast %mul3A_331 : f32 to vector<16xf32>
      %mul3A_333 = arith.mulf %select_n3A_256, %mul3A_332 : vector<16xf32>
      %mul3A_334 = arith.mulf %mul3A_257, %mul3A_259 : vector<16xf32>
      %mul3A_335 = arith.mulf %mul3A_333, %mul3A_334 : vector<16xf32>
      %mul3A_336 = arith.mulf %sub3A_240, %mul3A_262 : vector<16xf32>
      %mul3A_337 = arith.mulf %mul3A_336, %mul3A_264 : vector<16xf32>
      %mul3A_338 = arith.mulf %mul3A_335, %mul3A_337 : vector<16xf32>
      %add3A_339 = arith.constant 6 : i32
      %add3A_340 = vector.broadcast %add3A_339 : i32 to vector<16xi32>
      %add3A_341 = arith.addi %and3A_75, %add3A_340 : vector<16xi32>
      tpu.vector_store_idx %arg5[%shift_right_logical3A_69, %add3A_341], %mul3A_338 : memref<4x128xf32, #tpu.memory_space<vmem>>[vector<16xi32>, vector<16xi32>], vector<16xf32>,
      %mul3A_342 = arith.constant 0x4A207F18 : f32
      %mul3A_343 = vector.broadcast %mul3A_342 : f32 to vector<16xf32>
      %mul3A_344 = arith.mulf %select_n3A_256, %mul3A_343 : vector<16xf32>
      %mul3A_345 = arith.mulf %exp3A_237, %mul3A_257 : vector<16xf32>
      %mul3A_346 = arith.mulf %mul3A_345, %mul3A_259 : vector<16xf32>
      %mul3A_347 = arith.mulf %mul3A_344, %mul3A_346 : vector<16xf32>
      %mul3A_348 = arith.mulf %mul3A_262, %mul3A_264 : vector<16xf32>
      %mul3A_349 = arith.mulf %mul3A_347, %mul3A_348 : vector<16xf32>
      %add3A_350 = arith.constant 7 : i32
      %add3A_351 = vector.broadcast %add3A_350 : i32 to vector<16xi32>
      %add3A_352 = arith.addi %and3A_75, %add3A_351 : vector<16xi32>
      tpu.vector_store_idx %arg5[%shift_right_logical3A_69, %add3A_352], %mul3A_349 : memref<4x128xf32, #tpu.memory_space<vmem>>[vector<16xi32>, vector<16xi32>], vector<16xf32>,
      %mul3A_353 = arith.constant 7888725.5 : f32
      %mul3A_354 = vector.broadcast %mul3A_353 : f32 to vector<16xf32>
      %mul3A_355 = arith.mulf %select_n3A_256, %mul3A_354 : vector<16xf32>
      %mul3A_356 = arith.mulf %mul3A_355, %mul3A_261 : vector<16xf32>
      %mul3A_357 = arith.mulf %sub3A_240, %mul3A_258 : vector<16xf32>
      %mul3A_358 = arith.mulf %mul3A_357, %mul3A_260 : vector<16xf32>
      %mul3A_359 = arith.mulf %mul3A_358, %mul3A_264 : vector<16xf32>
      %mul3A_360 = arith.mulf %mul3A_356, %mul3A_359 : vector<16xf32>
      %add3A_361 = arith.constant 8 : i32
      %add3A_362 = vector.broadcast %add3A_361 : i32 to vector<16xi32>
      %add3A_363 = arith.addi %and3A_75, %add3A_362 : vector<16xi32>
      tpu.vector_store_idx %arg5[%shift_right_logical3A_69, %add3A_363], %mul3A_360 : memref<4x128xf32, #tpu.memory_space<vmem>>[vector<16xi32>, vector<16xi32>], vector<16xf32>,
      %mul3A_364 = arith.constant 0x4B99CF1D : f32
      %mul3A_365 = vector.broadcast %mul3A_364 : f32 to vector<16xf32>
      %mul3A_366 = arith.mulf %select_n3A_256, %mul3A_365 : vector<16xf32>
      %mul3A_367 = arith.mulf %exp3A_237, %mul3A_261 : vector<16xf32>
      %mul3A_368 = arith.mulf %mul3A_366, %mul3A_367 : vector<16xf32>
      %mul3A_369 = arith.mulf %mul3A_258, %mul3A_260 : vector<16xf32>
      %mul3A_370 = arith.mulf %mul3A_369, %mul3A_264 : vector<16xf32>
      %mul3A_371 = arith.mulf %mul3A_368, %mul3A_370 : vector<16xf32>
      %add3A_372 = arith.constant 9 : i32
      %add3A_373 = vector.broadcast %add3A_372 : i32 to vector<16xi32>
      %add3A_374 = arith.addi %and3A_75, %add3A_373 : vector<16xi32>
      tpu.vector_store_idx %arg5[%shift_right_logical3A_69, %add3A_374], %mul3A_371 : memref<4x128xf32, #tpu.memory_space<vmem>>[vector<16xi32>, vector<16xi32>], vector<16xf32>,
      %mul3A_375 = arith.constant 0x4C2930A5 : f32
      %mul3A_376 = vector.broadcast %mul3A_375 : f32 to vector<16xf32>
      %mul3A_377 = arith.mulf %select_n3A_256, %mul3A_376 : vector<16xf32>
      %mul3A_378 = arith.mulf %mul3A_257, %mul3A_261 : vector<16xf32>
      %mul3A_379 = arith.mulf %mul3A_377, %mul3A_378 : vector<16xf32>
      %mul3A_380 = arith.mulf %sub3A_240, %mul3A_260 : vector<16xf32>
      %mul3A_381 = arith.mulf %mul3A_380, %mul3A_264 : vector<16xf32>
      %mul3A_382 = arith.mulf %mul3A_379, %mul3A_381 : vector<16xf32>
      %add3A_383 = arith.constant 10 : i32
      %add3A_384 = vector.broadcast %add3A_383 : i32 to vector<16xi32>
      %add3A_385 = arith.addi %and3A_75, %add3A_384 : vector<16xi32>
      tpu.vector_store_idx %arg5[%shift_right_logical3A_69, %add3A_385], %mul3A_382 : memref<4x128xf32, #tpu.memory_space<vmem>>[vector<16xi32>, vector<16xi32>], vector<16xf32>,
      %mul3A_386 = arith.constant 0x4CA17FE7 : f32
      %mul3A_387 = vector.broadcast %mul3A_386 : f32 to vector<16xf32>
      %mul3A_388 = arith.mulf %select_n3A_256, %mul3A_387 : vector<16xf32>
      %mul3A_389 = arith.mulf %exp3A_237, %mul3A_257 : vector<16xf32>
      %mul3A_390 = arith.mulf %mul3A_389, %mul3A_261 : vector<16xf32>
      %mul3A_391 = arith.mulf %mul3A_388, %mul3A_390 : vector<16xf32>
      %mul3A_392 = arith.mulf %mul3A_260, %mul3A_264 : vector<16xf32>
      %mul3A_393 = arith.mulf %mul3A_391, %mul3A_392 : vector<16xf32>
      %add3A_394 = arith.constant 11 : i32
      %add3A_395 = vector.broadcast %add3A_394 : i32 to vector<16xi32>
      %add3A_396 = arith.addi %and3A_75, %add3A_395 : vector<16xi32>
      tpu.vector_store_idx %arg5[%shift_right_logical3A_69, %add3A_396], %mul3A_393 : memref<4x128xf32, #tpu.memory_space<vmem>>[vector<16xi32>, vector<16xi32>], vector<16xf32>,
      %mul3A_397 = arith.constant 0x4D069545 : f32
      %mul3A_398 = vector.broadcast %mul3A_397 : f32 to vector<16xf32>
      %mul3A_399 = arith.mulf %select_n3A_256, %mul3A_398 : vector<16xf32>
      %mul3A_400 = arith.mulf %mul3A_259, %mul3A_261 : vector<16xf32>
      %mul3A_401 = arith.mulf %mul3A_399, %mul3A_400 : vector<16xf32>
      %mul3A_402 = arith.mulf %sub3A_240, %mul3A_258 : vector<16xf32>
      %mul3A_403 = arith.mulf %mul3A_402, %mul3A_264 : vector<16xf32>
      %mul3A_404 = arith.mulf %mul3A_401, %mul3A_403 : vector<16xf32>
      %add3A_405 = arith.constant 12 : i32
      %add3A_406 = vector.broadcast %add3A_405 : i32 to vector<16xi32>
      %add3A_407 = arith.addi %and3A_75, %add3A_406 : vector<16xi32>
      tpu.vector_store_idx %arg5[%shift_right_logical3A_69, %add3A_407], %mul3A_404 : memref<4x128xf32, #tpu.memory_space<vmem>>[vector<16xi32>, vector<16xi32>], vector<16xf32>,
      %mul3A_408 = arith.constant 0x4D44B2CA : f32
      %mul3A_409 = vector.broadcast %mul3A_408 : f32 to vector<16xf32>
      %mul3A_410 = arith.mulf %select_n3A_256, %mul3A_409 : vector<16xf32>
      %mul3A_411 = arith.mulf %exp3A_237, %mul3A_259 : vector<16xf32>
      %mul3A_412 = arith.mulf %mul3A_411, %mul3A_261 : vector<16xf32>
      %mul3A_413 = arith.mulf %mul3A_410, %mul3A_412 : vector<16xf32>
      %mul3A_414 = arith.mulf %mul3A_258, %mul3A_264 : vector<16xf32>
      %mul3A_415 = arith.mulf %mul3A_413, %mul3A_414 : vector<16xf32>
      %add3A_416 = arith.constant 13 : i32
      %add3A_417 = vector.broadcast %add3A_416 : i32 to vector<16xi32>
      %add3A_418 = arith.addi %and3A_75, %add3A_417 : vector<16xi32>
      tpu.vector_store_idx %arg5[%shift_right_logical3A_69, %add3A_418], %mul3A_415 : memref<4x128xf32, #tpu.memory_space<vmem>>[vector<16xi32>, vector<16xi32>], vector<16xf32>,
      %mul3A_419 = arith.constant 0x4D7CE5DB : f32
      %mul3A_420 = vector.broadcast %mul3A_419 : f32 to vector<16xf32>
      %mul3A_421 = arith.mulf %select_n3A_256, %mul3A_420 : vector<16xf32>
      %mul3A_422 = arith.mulf %mul3A_257, %mul3A_259 : vector<16xf32>
      %mul3A_423 = arith.mulf %mul3A_422, %mul3A_261 : vector<16xf32>
      %mul3A_424 = arith.mulf %mul3A_421, %mul3A_423 : vector<16xf32>
      %mul3A_425 = arith.mulf %sub3A_240, %mul3A_264 : vector<16xf32>
      %mul3A_426 = arith.mulf %mul3A_424, %mul3A_425 : vector<16xf32>
      %add3A_427 = arith.constant 14 : i32
      %add3A_428 = vector.broadcast %add3A_427 : i32 to vector<16xi32>
      %add3A_429 = arith.addi %and3A_75, %add3A_428 : vector<16xi32>
      tpu.vector_store_idx %arg5[%shift_right_logical3A_69, %add3A_429], %mul3A_426 : memref<4x128xf32, #tpu.memory_space<vmem>>[vector<16xi32>, vector<16xi32>], vector<16xf32>,
      %mul3A_430 = arith.constant 0x4D8F4F04 : f32
      %mul3A_431 = vector.broadcast %mul3A_430 : f32 to vector<16xf32>
      %mul3A_432 = arith.mulf %select_n3A_256, %mul3A_431 : vector<16xf32>
      %mul3A_433 = arith.mulf %exp3A_237, %mul3A_257 : vector<16xf32>
      %mul3A_434 = arith.mulf %mul3A_433, %mul3A_259 : vector<16xf32>
      %mul3A_435 = arith.mulf %mul3A_434, %mul3A_261 : vector<16xf32>
      %mul3A_436 = arith.mulf %mul3A_432, %mul3A_435 : vector<16xf32>
      %mul3A_437 = arith.mulf %mul3A_436, %mul3A_264 : vector<16xf32>
      %add3A_438 = arith.constant 15 : i32
      %add3A_439 = vector.broadcast %add3A_438 : i32 to vector<16xi32>
      %add3A_440 = arith.addi %and3A_75, %add3A_439 : vector<16xi32>
      tpu.vector_store_idx %arg5[%shift_right_logical3A_69, %add3A_440], %mul3A_437 : memref<4x128xf32, #tpu.memory_space<vmem>>[vector<16xi32>, vector<16xi32>], vector<16xf32>,
      %mul3A_441 = arith.constant 0x4D8F4F04 : f32
      %mul3A_442 = vector.broadcast %mul3A_441 : f32 to vector<16xf32>
      %mul3A_443 = arith.mulf %select_n3A_256, %mul3A_442 : vector<16xf32>
      %mul3A_444 = arith.mulf %mul3A_443, %mul3A_263 : vector<16xf32>
      %mul3A_445 = arith.mulf %sub3A_240, %mul3A_258 : vector<16xf32>
      %mul3A_446 = arith.mulf %mul3A_445, %mul3A_260 : vector<16xf32>
      %mul3A_447 = arith.mulf %mul3A_446, %mul3A_262 : vector<16xf32>
      %mul3A_448 = arith.mulf %mul3A_444, %mul3A_447 : vector<16xf32>
      %add3A_449 = arith.constant 16 : i32
      %add3A_450 = vector.broadcast %add3A_449 : i32 to vector<16xi32>
      %add3A_451 = arith.addi %and3A_75, %add3A_450 : vector<16xi32>
      tpu.vector_store_idx %arg5[%shift_right_logical3A_69, %add3A_451], %mul3A_448 : memref<4x128xf32, #tpu.memory_space<vmem>>[vector<16xi32>, vector<16xi32>], vector<16xf32>,
      %mul3A_452 = arith.constant 0x4D7CE5DB : f32
      %mul3A_453 = vector.broadcast %mul3A_452 : f32 to vector<16xf32>
      %mul3A_454 = arith.mulf %select_n3A_256, %mul3A_453 : vector<16xf32>
      %mul3A_455 = arith.mulf %exp3A_237, %mul3A_263 : vector<16xf32>
      %mul3A_456 = arith.mulf %mul3A_454, %mul3A_455 : vector<16xf32>
      %mul3A_457 = arith.mulf %mul3A_258, %mul3A_260 : vector<16xf32>
      %mul3A_458 = arith.mulf %mul3A_457, %mul3A_262 : vector<16xf32>
      %mul3A_459 = arith.mulf %mul3A_456, %mul3A_458 : vector<16xf32>
      %add3A_460 = arith.constant 17 : i32
      %add3A_461 = vector.broadcast %add3A_460 : i32 to vector<16xi32>
      %add3A_462 = arith.addi %and3A_75, %add3A_461 : vector<16xi32>
      tpu.vector_store_idx %arg5[%shift_right_logical3A_69, %add3A_462], %mul3A_459 : memref<4x128xf32, #tpu.memory_space<vmem>>[vector<16xi32>, vector<16xi32>], vector<16xf32>,
      %mul3A_463 = arith.constant 0x4D44B2CA : f32
      %mul3A_464 = vector.broadcast %mul3A_463 : f32 to vector<16xf32>
      %mul3A_465 = arith.mulf %select_n3A_256, %mul3A_464 : vector<16xf32>
      %mul3A_466 = arith.mulf %mul3A_257, %mul3A_263 : vector<16xf32>
      %mul3A_467 = arith.mulf %mul3A_465, %mul3A_466 : vector<16xf32>
      %mul3A_468 = arith.mulf %sub3A_240, %mul3A_260 : vector<16xf32>
      %mul3A_469 = arith.mulf %mul3A_468, %mul3A_262 : vector<16xf32>
      %mul3A_470 = arith.mulf %mul3A_467, %mul3A_469 : vector<16xf32>
      %add3A_471 = arith.constant 18 : i32
      %add3A_472 = vector.broadcast %add3A_471 : i32 to vector<16xi32>
      %add3A_473 = arith.addi %and3A_75, %add3A_472 : vector<16xi32>
      tpu.vector_store_idx %arg5[%shift_right_logical3A_69, %add3A_473], %mul3A_470 : memref<4x128xf32, #tpu.memory_space<vmem>>[vector<16xi32>, vector<16xi32>], vector<16xf32>,
      %mul3A_474 = arith.constant 0x4D069545 : f32
      %mul3A_475 = vector.broadcast %mul3A_474 : f32 to vector<16xf32>
      %mul3A_476 = arith.mulf %select_n3A_256, %mul3A_475 : vector<16xf32>
      %mul3A_477 = arith.mulf %exp3A_237, %mul3A_257 : vector<16xf32>
      %mul3A_478 = arith.mulf %mul3A_477, %mul3A_263 : vector<16xf32>
      %mul3A_479 = arith.mulf %mul3A_476, %mul3A_478 : vector<16xf32>
      %mul3A_480 = arith.mulf %mul3A_260, %mul3A_262 : vector<16xf32>
      %mul3A_481 = arith.mulf %mul3A_479, %mul3A_480 : vector<16xf32>
      %add3A_482 = arith.constant 19 : i32
      %add3A_483 = vector.broadcast %add3A_482 : i32 to vector<16xi32>
      %add3A_484 = arith.addi %and3A_75, %add3A_483 : vector<16xi32>
      tpu.vector_store_idx %arg5[%shift_right_logical3A_69, %add3A_484], %mul3A_481 : memref<4x128xf32, #tpu.memory_space<vmem>>[vector<16xi32>, vector<16xi32>], vector<16xf32>,
      %mul3A_485 = arith.constant 0x4CA17FE7 : f32
      %mul3A_486 = vector.broadcast %mul3A_485 : f32 to vector<16xf32>
      %mul3A_487 = arith.mulf %select_n3A_256, %mul3A_486 : vector<16xf32>
      %mul3A_488 = arith.mulf %mul3A_259, %mul3A_263 : vector<16xf32>
      %mul3A_489 = arith.mulf %mul3A_487, %mul3A_488 : vector<16xf32>
      %mul3A_490 = arith.mulf %sub3A_240, %mul3A_258 : vector<16xf32>
      %mul3A_491 = arith.mulf %mul3A_490, %mul3A_262 : vector<16xf32>
      %mul3A_492 = arith.mulf %mul3A_489, %mul3A_491 : vector<16xf32>
      %add3A_493 = arith.constant 20 : i32
      %add3A_494 = vector.broadcast %add3A_493 : i32 to vector<16xi32>
      %add3A_495 = arith.addi %and3A_75, %add3A_494 : vector<16xi32>
      tpu.vector_store_idx %arg5[%shift_right_logical3A_69, %add3A_495], %mul3A_492 : memref<4x128xf32, #tpu.memory_space<vmem>>[vector<16xi32>, vector<16xi32>], vector<16xf32>,
      %mul3A_496 = arith.constant 0x4C2930A5 : f32
      %mul3A_497 = vector.broadcast %mul3A_496 : f32 to vector<16xf32>
      %mul3A_498 = arith.mulf %select_n3A_256, %mul3A_497 : vector<16xf32>
      %mul3A_499 = arith.mulf %exp3A_237, %mul3A_259 : vector<16xf32>
      %mul3A_500 = arith.mulf %mul3A_499, %mul3A_263 : vector<16xf32>
      %mul3A_501 = arith.mulf %mul3A_498, %mul3A_500 : vector<16xf32>
      %mul3A_502 = arith.mulf %mul3A_258, %mul3A_262 : vector<16xf32>
      %mul3A_503 = arith.mulf %mul3A_501, %mul3A_502 : vector<16xf32>
      %add3A_504 = arith.constant 21 : i32
      %add3A_505 = vector.broadcast %add3A_504 : i32 to vector<16xi32>
      %add3A_506 = arith.addi %and3A_75, %add3A_505 : vector<16xi32>
      tpu.vector_store_idx %arg5[%shift_right_logical3A_69, %add3A_506], %mul3A_503 : memref<4x128xf32, #tpu.memory_space<vmem>>[vector<16xi32>, vector<16xi32>], vector<16xf32>,
      %mul3A_507 = arith.constant 0x4B99CF1D : f32
      %mul3A_508 = vector.broadcast %mul3A_507 : f32 to vector<16xf32>
      %mul3A_509 = arith.mulf %select_n3A_256, %mul3A_508 : vector<16xf32>
      %mul3A_510 = arith.mulf %mul3A_257, %mul3A_259 : vector<16xf32>
      %mul3A_511 = arith.mulf %mul3A_510, %mul3A_263 : vector<16xf32>
      %mul3A_512 = arith.mulf %mul3A_509, %mul3A_511 : vector<16xf32>
      %mul3A_513 = arith.mulf %sub3A_240, %mul3A_262 : vector<16xf32>
      %mul3A_514 = arith.mulf %mul3A_512, %mul3A_513 : vector<16xf32>
      %add3A_515 = arith.constant 22 : i32
      %add3A_516 = vector.broadcast %add3A_515 : i32 to vector<16xi32>
      %add3A_517 = arith.addi %and3A_75, %add3A_516 : vector<16xi32>
      tpu.vector_store_idx %arg5[%shift_right_logical3A_69, %add3A_517], %mul3A_514 : memref<4x128xf32, #tpu.memory_space<vmem>>[vector<16xi32>, vector<16xi32>], vector<16xf32>,
      %mul3A_518 = arith.constant 7888725.5 : f32
      %mul3A_519 = vector.broadcast %mul3A_518 : f32 to vector<16xf32>
      %mul3A_520 = arith.mulf %select_n3A_256, %mul3A_519 : vector<16xf32>
      %mul3A_521 = arith.mulf %exp3A_237, %mul3A_257 : vector<16xf32>
      %mul3A_522 = arith.mulf %mul3A_521, %mul3A_259 : vector<16xf32>
      %mul3A_523 = arith.mulf %mul3A_522, %mul3A_263 : vector<16xf32>
      %mul3A_524 = arith.mulf %mul3A_520, %mul3A_523 : vector<16xf32>
      %mul3A_525 = arith.mulf %mul3A_524, %mul3A_262 : vector<16xf32>
      %add3A_526 = arith.constant 23 : i32
      %add3A_527 = vector.broadcast %add3A_526 : i32 to vector<16xi32>
      %add3A_528 = arith.addi %and3A_75, %add3A_527 : vector<16xi32>
      tpu.vector_store_idx %arg5[%shift_right_logical3A_69, %add3A_528], %mul3A_525 : memref<4x128xf32, #tpu.memory_space<vmem>>[vector<16xi32>, vector<16xi32>], vector<16xf32>,
      %mul3A_529 = arith.constant 0x4A207F18 : f32
      %mul3A_530 = vector.broadcast %mul3A_529 : f32 to vector<16xf32>
      %mul3A_531 = arith.mulf %select_n3A_256, %mul3A_530 : vector<16xf32>
      %mul3A_532 = arith.mulf %mul3A_261, %mul3A_263 : vector<16xf32>
      %mul3A_533 = arith.mulf %mul3A_531, %mul3A_532 : vector<16xf32>
      %mul3A_534 = arith.mulf %sub3A_240, %mul3A_258 : vector<16xf32>
      %mul3A_535 = arith.mulf %mul3A_534, %mul3A_260 : vector<16xf32>
      %mul3A_536 = arith.mulf %mul3A_533, %mul3A_535 : vector<16xf32>
      %add3A_537 = arith.constant 24 : i32
      %add3A_538 = vector.broadcast %add3A_537 : i32 to vector<16xi32>
      %add3A_539 = arith.addi %and3A_75, %add3A_538 : vector<16xi32>
      tpu.vector_store_idx %arg5[%shift_right_logical3A_69, %add3A_539], %mul3A_536 : memref<4x128xf32, #tpu.memory_space<vmem>>[vector<16xi32>, vector<16xi32>], vector<16xf32>,
      %mul3A_540 = arith.constant 736280.875 : f32
      %mul3A_541 = vector.broadcast %mul3A_540 : f32 to vector<16xf32>
      %mul3A_542 = arith.mulf %select_n3A_256, %mul3A_541 : vector<16xf32>
      %mul3A_543 = arith.mulf %exp3A_237, %mul3A_261 : vector<16xf32>
      %mul3A_544 = arith.mulf %mul3A_543, %mul3A_263 : vector<16xf32>
      %mul3A_545 = arith.mulf %mul3A_542, %mul3A_544 : vector<16xf32>
      %mul3A_546 = arith.mulf %mul3A_258, %mul3A_260 : vector<16xf32>
      %mul3A_547 = arith.mulf %mul3A_545, %mul3A_546 : vector<16xf32>
      %add3A_548 = arith.constant 25 : i32
      %add3A_549 = vector.broadcast %add3A_548 : i32 to vector<16xi32>
      %add3A_550 = arith.addi %and3A_75, %add3A_549 : vector<16xi32>
      tpu.vector_store_idx %arg5[%shift_right_logical3A_69, %add3A_550], %mul3A_547 : memref<4x128xf32, #tpu.memory_space<vmem>>[vector<16xi32>, vector<16xi32>], vector<16xf32>,
      %mul3A_551 = arith.constant 169910.953 : f32
      %mul3A_552 = vector.broadcast %mul3A_551 : f32 to vector<16xf32>
      %mul3A_553 = arith.mulf %select_n3A_256, %mul3A_552 : vector<16xf32>
      %mul3A_554 = arith.mulf %mul3A_257, %mul3A_261 : vector<16xf32>
      %mul3A_555 = arith.mulf %mul3A_554, %mul3A_263 : vector<16xf32>
      %mul3A_556 = arith.mulf %mul3A_553, %mul3A_555 : vector<16xf32>
      %mul3A_557 = arith.mulf %sub3A_240, %mul3A_260 : vector<16xf32>
      %mul3A_558 = arith.mulf %mul3A_556, %mul3A_557 : vector<16xf32>
      %add3A_559 = arith.constant 26 : i32
      %add3A_560 = vector.broadcast %add3A_559 : i32 to vector<16xi32>
      %add3A_561 = arith.addi %and3A_75, %add3A_560 : vector<16xi32>
      tpu.vector_store_idx %arg5[%shift_right_logical3A_69, %add3A_561], %mul3A_558 : memref<4x128xf32, #tpu.memory_space<vmem>>[vector<16xi32>, vector<16xi32>], vector<16xf32>,
      %mul3A_562 = arith.constant 31465.0039 : f32
      %mul3A_563 = vector.broadcast %mul3A_562 : f32 to vector<16xf32>
      %mul3A_564 = arith.mulf %select_n3A_256, %mul3A_563 : vector<16xf32>
      %mul3A_565 = arith.mulf %exp3A_237, %mul3A_257 : vector<16xf32>
      %mul3A_566 = arith.mulf %mul3A_565, %mul3A_261 : vector<16xf32>
      %mul3A_567 = arith.mulf %mul3A_566, %mul3A_263 : vector<16xf32>
      %mul3A_568 = arith.mulf %mul3A_564, %mul3A_567 : vector<16xf32>
      %mul3A_569 = arith.mulf %mul3A_568, %mul3A_260 : vector<16xf32>
      %add3A_570 = arith.constant 27 : i32
      %add3A_571 = vector.broadcast %add3A_570 : i32 to vector<16xi32>
      %add3A_572 = arith.addi %and3A_75, %add3A_571 : vector<16xi32>
      tpu.vector_store_idx %arg5[%shift_right_logical3A_69, %add3A_572], %mul3A_569 : memref<4x128xf32, #tpu.memory_space<vmem>>[vector<16xi32>, vector<16xi32>], vector<16xf32>,
      %mul3A_573 = arith.constant 4494.99951 : f32
      %mul3A_574 = vector.broadcast %mul3A_573 : f32 to vector<16xf32>
      %mul3A_575 = arith.mulf %select_n3A_256, %mul3A_574 : vector<16xf32>
      %mul3A_576 = arith.mulf %mul3A_259, %mul3A_261 : vector<16xf32>
      %mul3A_577 = arith.mulf %mul3A_576, %mul3A_263 : vector<16xf32>
      %mul3A_578 = arith.mulf %mul3A_575, %mul3A_577 : vector<16xf32>
      %mul3A_579 = arith.mulf %sub3A_240, %mul3A_258 : vector<16xf32>
      %mul3A_580 = arith.mulf %mul3A_578, %mul3A_579 : vector<16xf32>
      %add3A_581 = arith.constant 28 : i32
      %add3A_582 = vector.broadcast %add3A_581 : i32 to vector<16xi32>
      %add3A_583 = arith.addi %and3A_75, %add3A_582 : vector<16xi32>
      tpu.vector_store_idx %arg5[%shift_right_logical3A_69, %add3A_583], %mul3A_580 : memref<4x128xf32, #tpu.memory_space<vmem>>[vector<16xi32>, vector<16xi32>], vector<16xf32>,
      %mul3A_584 = arith.constant 4.650000e+02 : f32
      %mul3A_585 = vector.broadcast %mul3A_584 : f32 to vector<16xf32>
      %mul3A_586 = arith.mulf %select_n3A_256, %mul3A_585 : vector<16xf32>
      %mul3A_587 = arith.mulf %exp3A_237, %mul3A_259 : vector<16xf32>
      %mul3A_588 = arith.mulf %mul3A_587, %mul3A_261 : vector<16xf32>
      %mul3A_589 = arith.mulf %mul3A_588, %mul3A_263 : vector<16xf32>
      %mul3A_590 = arith.mulf %mul3A_586, %mul3A_589 : vector<16xf32>
      %mul3A_591 = arith.mulf %mul3A_590, %mul3A_258 : vector<16xf32>
      %add3A_592 = arith.constant 29 : i32
      %add3A_593 = vector.broadcast %add3A_592 : i32 to vector<16xi32>
      %add3A_594 = arith.addi %and3A_75, %add3A_593 : vector<16xi32>
      tpu.vector_store_idx %arg5[%shift_right_logical3A_69, %add3A_594], %mul3A_591 : memref<4x128xf32, #tpu.memory_space<vmem>>[vector<16xi32>, vector<16xi32>], vector<16xf32>,
      %mul3A_595 = arith.constant 30.9999962 : f32
      %mul3A_596 = vector.broadcast %mul3A_595 : f32 to vector<16xf32>
      %mul3A_597 = arith.mulf %select_n3A_256, %mul3A_596 : vector<16xf32>
      %mul3A_598 = arith.mulf %mul3A_257, %mul3A_259 : vector<16xf32>
      %mul3A_599 = arith.mulf %mul3A_598, %mul3A_261 : vector<16xf32>
      %mul3A_600 = arith.mulf %mul3A_599, %mul3A_263 : vector<16xf32>
      %mul3A_601 = arith.mulf %mul3A_597, %mul3A_600 : vector<16xf32>
      %mul3A_602 = arith.mulf %mul3A_601, %sub3A_240 : vector<16xf32>
      %add3A_603 = arith.constant 30 : i32
      %add3A_604 = vector.broadcast %add3A_603 : i32 to vector<16xi32>
      %add3A_605 = arith.addi %and3A_75, %add3A_604 : vector<16xi32>
      tpu.vector_store_idx %arg5[%shift_right_logical3A_69, %add3A_605], %mul3A_602 : memref<4x128xf32, #tpu.memory_space<vmem>>[vector<16xi32>, vector<16xi32>], vector<16xf32>,
      %mul3A_606 = arith.constant 1.000000e+00 : f32
      %mul3A_607 = vector.broadcast %mul3A_606 : f32 to vector<16xf32>
      %mul3A_608 = arith.mulf %select_n3A_256, %mul3A_607 : vector<16xf32>
      %mul3A_609 = arith.mulf %exp3A_237, %mul3A_257 : vector<16xf32>
      %mul3A_610 = arith.mulf %mul3A_609, %mul3A_259 : vector<16xf32>
      %mul3A_611 = arith.mulf %mul3A_610, %mul3A_261 : vector<16xf32>
      %mul3A_612 = arith.mulf %mul3A_611, %mul3A_263 : vector<16xf32>
      %mul3A_613 = arith.mulf %mul3A_608, %mul3A_612 : vector<16xf32>
      %add3A_614 = arith.constant 31 : i32
      %add3A_615 = vector.broadcast %add3A_614 : i32 to vector<16xi32>
      %add3A_616 = arith.addi %and3A_75, %add3A_615 : vector<16xi32>
      tpu.vector_store_idx %arg5[%shift_right_logical3A_69, %add3A_616], %mul3A_613 : memref<4x128xf32, #tpu.memory_space<vmem>>[vector<16xi32>, vector<16xi32>], vector<16xf32>,
      %mul3A_617 = arith.constant 24 : i32
      %mul3A_618 = arith.muli %add3A_126, %mul3A_617 : i32
      %mul3A_619 = arith.constant 8 : i32
      %mul3A_620 = arith.muli %mul3A_619, %scan3A_158 : i32
      %add3A_621 = arith.addi %mul3A_618, %mul3A_620 : i32
      %add3A_622 = arith.constant 0 : i32
      %add3A_623 = arith.addi %add3A_621, %add3A_622 : i32
      %dma_start3A = arith.constant 0 : i32
      %dma_start3A_624 = tpu.memref_slice %arg3[%add3A_623, %dma_start3A] : memref<2304x128xf32, #tpu.memory_space<hbm>> -> memref<4x128xf32, #tpu.memory_space<hbm>>
      %dma_start3A_625 = arith.constant 0 : i32
      %dma_start3A_626 = tpu.memref_slice %arg3[%add3A_623, %dma_start3A_625] : memref<2304x128xf32, #tpu.memory_space<hbm>> -> memref<4x128xf32, #tpu.memory_space<hbm>>
      tpu.enqueue_dma source(%arg5 : memref<4x128xf32, #tpu.memory_space<vmem>>) target(%dma_start3A_626 : memref<4x128xf32, #tpu.memory_space<hbm>>) target_semaphore(%arg7 : memref<!tpu.dma_semaphore, #tpu.memory_space<semaphore_mem>>)
      %mul3A_627 = arith.constant 32 : i32
      %mul3A_628 = arith.muli %mul3A_627, %scan3A_158 : i32
      %add3A_629 = arith.constant 16 : i32
      %add3A_630 = arith.addi %mul3A_628, %add3A_629 : i32
      %dma_wait3A_631 = arith.constant 0 : i32
      %dma_wait3A_632 = arith.constant 0 : i32
      %dma_wait3A_633 = tpu.memref_slice %arg3[%dma_wait3A_631, %dma_wait3A_632] : memref<2304x128xf32, #tpu.memory_space<hbm>> -> memref<4x128xf32, #tpu.memory_space<hbm>>
      %dma_wait3A_634 = arith.constant 0 : i32
      %dma_wait3A_635 = arith.constant 0 : i32
      %dma_wait3A_636 = tpu.memref_slice %arg3[%dma_wait3A_634, %dma_wait3A_635] : memref<2304x128xf32, #tpu.memory_space<hbm>> -> memref<4x128xf32, #tpu.memory_space<hbm>>
      tpu.wait_dma2 semaphore(%arg8 : memref<!tpu.dma_semaphore, #tpu.memory_space<semaphore_mem>>) src(%arg6 : memref<4x128xf32, #tpu.memory_space<vmem>>) dst(%dma_wait3A_636 : memref<4x128xf32, #tpu.memory_space<hbm>>)
      %add3A_637 = vector.broadcast %add3A_630 : i32 to vector<16xi32>
      %add3A_638 = arith.addi %iota3A, %add3A_637 : vector<16xi32>
      %mul3A_639 = arith.constant 3 : i32
      %mul3A_640 = vector.broadcast %mul3A_639 : i32 to vector<16xi32>
      %mul3A_641 = arith.muli %add3A_638, %mul3A_640 : vector<16xi32>
      %gather3A_642 = tpu.vector_load_idx %arg4[%mul3A_641] : memref<304xf32, #tpu.memory_space<vmem>>[vector<16xi32>], vector<16xf32>,
      %sub3A_643 = arith.subf %gather3A_642, %gather3A_131 : vector<16xf32>
      %add3A_644 = arith.constant 1 : i32
      %add3A_645 = vector.broadcast %add3A_644 : i32 to vector<16xi32>
      %add3A_646 = arith.addi %mul3A_641, %add3A_645 : vector<16xi32>
      %gather3A_647 = tpu.vector_load_idx %arg4[%add3A_646] : memref<304xf32, #tpu.memory_space<vmem>>[vector<16xi32>], vector<16xf32>,
      %sub3A_648 = arith.subf %gather3A_647, %gather3A_135 : vector<16xf32>
      %add3A_649 = arith.constant 2 : i32
      %add3A_650 = vector.broadcast %add3A_649 : i32 to vector<16xi32>
      %add3A_651 = arith.addi %mul3A_641, %add3A_650 : vector<16xi32>
      %gather3A_652 = tpu.vector_load_idx %arg4[%add3A_651] : memref<304xf32, #tpu.memory_space<vmem>>[vector<16xi32>], vector<16xf32>,
      %sub3A_653 = arith.subf %gather3A_652, %gather3A_139 : vector<16xf32>
      %mul3A_654 = arith.mulf %sub3A_643, %sub3A_643 : vector<16xf32>
      %mul3A_655 = arith.mulf %sub3A_648, %sub3A_648 : vector<16xf32>
      %add3A_656 = arith.addf %mul3A_654, %mul3A_655 : vector<16xf32>
      %mul3A_657 = arith.mulf %sub3A_653, %sub3A_653 : vector<16xf32>
      %add3A_658 = arith.addf %add3A_656, %mul3A_657 : vector<16xf32>
      %add3A_659 = arith.constant 9.99999996E-13 : f32
      %add3A_660 = vector.broadcast %add3A_659 : f32 to vector<16xf32>
      %add3A_661 = arith.addf %add3A_658, %add3A_660 : vector<16xf32>
      %bitcast3A_662 = vector.bitcast %add3A_661 : vector<16xf32> to vector<16xi32>
      %shift_right_logical3A_663 = arith.constant 1 : i32
      %shift_right_logical3A_664 = vector.broadcast %shift_right_logical3A_663 : i32 to vector<16xi32>
      %shift_right_logical3A_665 = arith.shrui %bitcast3A_662, %shift_right_logical3A_664 : vector<16xi32>
      %sub3A_666 = arith.constant 1597463007 : i32
      %sub3A_667 = vector.broadcast %sub3A_666 : i32 to vector<16xi32>
      %sub3A_668 = arith.subi %sub3A_667, %shift_right_logical3A_665 : vector<16xi32>
      %bitcast3A_669 = vector.bitcast %sub3A_668 : vector<16xi32> to vector<16xf32>
      %mul3A_670 = arith.constant 5.000000e-01 : f32
      %mul3A_671 = vector.broadcast %mul3A_670 : f32 to vector<16xf32>
      %mul3A_672 = arith.mulf %mul3A_671, %add3A_661 : vector<16xf32>
      %mul3A_673 = arith.mulf %mul3A_672, %bitcast3A_669 : vector<16xf32>
      %mul3A_674 = arith.mulf %mul3A_673, %bitcast3A_669 : vector<16xf32>
      %sub3A_675 = arith.constant 1.500000e+00 : f32
      %sub3A_676 = vector.broadcast %sub3A_675 : f32 to vector<16xf32>
      %sub3A_677 = arith.subf %sub3A_676, %mul3A_674 : vector<16xf32>
      %mul3A_678 = arith.mulf %bitcast3A_669, %sub3A_677 : vector<16xf32>
      %mul3A_679 = arith.constant 5.000000e-01 : f32
      %mul3A_680 = vector.broadcast %mul3A_679 : f32 to vector<16xf32>
      %mul3A_681 = arith.mulf %mul3A_680, %add3A_661 : vector<16xf32>
      %mul3A_682 = arith.mulf %mul3A_681, %mul3A_678 : vector<16xf32>
      %mul3A_683 = arith.mulf %mul3A_682, %mul3A_678 : vector<16xf32>
      %sub3A_684 = arith.constant 1.500000e+00 : f32
      %sub3A_685 = vector.broadcast %sub3A_684 : f32 to vector<16xf32>
      %sub3A_686 = arith.subf %sub3A_685, %mul3A_683 : vector<16xf32>
      %mul3A_687 = arith.mulf %mul3A_678, %sub3A_686 : vector<16xf32>
      %mul3A_688 = arith.constant 5.000000e-01 : f32
      %mul3A_689 = vector.broadcast %mul3A_688 : f32 to vector<16xf32>
      %mul3A_690 = arith.mulf %mul3A_689, %add3A_661 : vector<16xf32>
      %mul3A_691 = arith.mulf %mul3A_690, %mul3A_687 : vector<16xf32>
      %mul3A_692 = arith.mulf %mul3A_691, %mul3A_687 : vector<16xf32>
      %sub3A_693 = arith.constant 1.500000e+00 : f32
      %sub3A_694 = vector.broadcast %sub3A_693 : f32 to vector<16xf32>
      %sub3A_695 = arith.subf %sub3A_694, %mul3A_692 : vector<16xf32>
      %mul3A_696 = arith.mulf %mul3A_687, %sub3A_695 : vector<16xf32>
      %mul3A_697 = arith.mulf %add3A_661, %mul3A_696 : vector<16xf32>
      %neg3A_698 = arith.constant 0.000000e+00 : f32
      %neg3A_699 = vector.broadcast %neg3A_698 : f32 to vector<16xf32>
      %neg3A_700 = arith.subf %neg3A_699, %select_n3A : vector<16xf32>
      %mul3A_701 = arith.mulf %neg3A_700, %mul3A_697 : vector<16xf32>
      %max3A_702 = arith.constant -23.0258503 : f32
      %max3A_703 = vector.broadcast %max3A_702 : f32 to vector<16xf32>
      %max3A_704 = arith.maximumf %mul3A_701, %max3A_703 : vector<16xf32>
      %exp3A_705 = math.exp %max3A_704 : vector<16xf32>
      %sub3A_706 = arith.constant 1.000000e+00 : f32
      %sub3A_707 = vector.broadcast %sub3A_706 : f32 to vector<16xf32>
      %sub3A_708 = arith.subf %sub3A_707, %exp3A_705 : vector<16xf32>
      %mul3A_709 = arith.mulf %mul3A_697, %mul3A_697 : vector<16xf32>
      %lt3A_710 = arith.constant 1.500000e+01 : f32
      %lt3A_711 = vector.broadcast %lt3A_710 : f32 to vector<16xf32>
      %lt3A_712 = arith.cmpf olt, %mul3A_697, %lt3A_711 : vector<16xf32>
      %ne3A_713 = arith.cmpi ne, %add3A_638, %broadcast_in_dim3A_130 : vector<16xi32>
      %and3A_714 = arith.andi %lt3A_712, %ne3A_713 : vector<16xi1>
      %neg3A_715 = arith.constant 0.000000e+00 : f32
      %neg3A_716 = vector.broadcast %neg3A_715 : f32 to vector<16xf32>
      %neg3A_717 = arith.subf %neg3A_716, %mul3A_709 : vector<16xf32>
      %sub3A_718 = arith.constant 2.250000e+02 : f32
      %sub3A_719 = vector.broadcast %sub3A_718 : f32 to vector<16xf32>
      %sub3A_720 = arith.subf %sub3A_719, %mul3A_709 : vector<16xf32>
      %add3A_721 = arith.constant 9.99999971E-10 : f32
      %add3A_722 = vector.broadcast %add3A_721 : f32 to vector<16xf32>
      %add3A_723 = arith.addf %sub3A_720, %add3A_722 : vector<16xf32>
      %div3A_724 = arith.divf %neg3A_717, %add3A_723 : vector<16xf32>
      %exp3A_725 = math.exp %div3A_724 : vector<16xf32>
      %jit3A_726 = arith.constant 0.000000e+00 : f32
      %broadcast_in_dim3A_727 = vector.broadcast %jit3A_726 : f32 to vector<16xf32>
      %select_n3A_728 = arith.select %and3A_714, %exp3A_725, %broadcast_in_dim3A_727 : vector<16xi1>, vector<16xf32>
      %mul3A_729 = arith.mulf %exp3A_705, %exp3A_705 : vector<16xf32>
      %mul3A_730 = arith.mulf %sub3A_708, %sub3A_708 : vector<16xf32>
      %mul3A_731 = arith.mulf %mul3A_729, %mul3A_729 : vector<16xf32>
      %mul3A_732 = arith.mulf %mul3A_730, %mul3A_730 : vector<16xf32>
      %mul3A_733 = arith.mulf %mul3A_731, %mul3A_731 : vector<16xf32>
      %mul3A_734 = arith.mulf %mul3A_732, %mul3A_732 : vector<16xf32>
      %mul3A_735 = arith.mulf %mul3A_733, %mul3A_733 : vector<16xf32>
      %mul3A_736 = arith.mulf %mul3A_734, %mul3A_734 : vector<16xf32>
      %mul3A_737 = arith.constant 1.000000e+00 : f32
      %mul3A_738 = vector.broadcast %mul3A_737 : f32 to vector<16xf32>
      %mul3A_739 = arith.mulf %select_n3A_728, %mul3A_738 : vector<16xf32>
      %mul3A_740 = arith.mulf %sub3A_708, %mul3A_730 : vector<16xf32>
      %mul3A_741 = arith.mulf %mul3A_740, %mul3A_732 : vector<16xf32>
      %mul3A_742 = arith.mulf %mul3A_741, %mul3A_734 : vector<16xf32>
      %mul3A_743 = arith.mulf %mul3A_742, %mul3A_736 : vector<16xf32>
      %mul3A_744 = arith.mulf %mul3A_739, %mul3A_743 : vector<16xf32>
      %add3A_745 = arith.constant 0 : i32
      %add3A_746 = vector.broadcast %add3A_745 : i32 to vector<16xi32>
      %add3A_747 = arith.addi %and3A_75, %add3A_746 : vector<16xi32>
      tpu.vector_store_idx %arg6[%shift_right_logical3A_69, %add3A_747], %mul3A_744 : memref<4x128xf32, #tpu.memory_space<vmem>>[vector<16xi32>, vector<16xi32>], vector<16xf32>,
      %mul3A_748 = arith.constant 30.9999962 : f32
      %mul3A_749 = vector.broadcast %mul3A_748 : f32 to vector<16xf32>
      %mul3A_750 = arith.mulf %select_n3A_728, %mul3A_749 : vector<16xf32>
      %mul3A_751 = arith.mulf %mul3A_750, %exp3A_705 : vector<16xf32>
      %mul3A_752 = arith.mulf %mul3A_730, %mul3A_732 : vector<16xf32>
      %mul3A_753 = arith.mulf %mul3A_752, %mul3A_734 : vector<16xf32>
      %mul3A_754 = arith.mulf %mul3A_753, %mul3A_736 : vector<16xf32>
      %mul3A_755 = arith.mulf %mul3A_751, %mul3A_754 : vector<16xf32>
      %add3A_756 = arith.constant 1 : i32
      %add3A_757 = vector.broadcast %add3A_756 : i32 to vector<16xi32>
      %add3A_758 = arith.addi %and3A_75, %add3A_757 : vector<16xi32>
      tpu.vector_store_idx %arg6[%shift_right_logical3A_69, %add3A_758], %mul3A_755 : memref<4x128xf32, #tpu.memory_space<vmem>>[vector<16xi32>, vector<16xi32>], vector<16xf32>,
      %mul3A_759 = arith.constant 4.650000e+02 : f32
      %mul3A_760 = vector.broadcast %mul3A_759 : f32 to vector<16xf32>
      %mul3A_761 = arith.mulf %select_n3A_728, %mul3A_760 : vector<16xf32>
      %mul3A_762 = arith.mulf %mul3A_761, %mul3A_729 : vector<16xf32>
      %mul3A_763 = arith.mulf %sub3A_708, %mul3A_732 : vector<16xf32>
      %mul3A_764 = arith.mulf %mul3A_763, %mul3A_734 : vector<16xf32>
      %mul3A_765 = arith.mulf %mul3A_764, %mul3A_736 : vector<16xf32>
      %mul3A_766 = arith.mulf %mul3A_762, %mul3A_765 : vector<16xf32>
      %add3A_767 = arith.constant 2 : i32
      %add3A_768 = vector.broadcast %add3A_767 : i32 to vector<16xi32>
      %add3A_769 = arith.addi %and3A_75, %add3A_768 : vector<16xi32>
      tpu.vector_store_idx %arg6[%shift_right_logical3A_69, %add3A_769], %mul3A_766 : memref<4x128xf32, #tpu.memory_space<vmem>>[vector<16xi32>, vector<16xi32>], vector<16xf32>,
      %mul3A_770 = arith.constant 4494.99951 : f32
      %mul3A_771 = vector.broadcast %mul3A_770 : f32 to vector<16xf32>
      %mul3A_772 = arith.mulf %select_n3A_728, %mul3A_771 : vector<16xf32>
      %mul3A_773 = arith.mulf %exp3A_705, %mul3A_729 : vector<16xf32>
      %mul3A_774 = arith.mulf %mul3A_772, %mul3A_773 : vector<16xf32>
      %mul3A_775 = arith.mulf %mul3A_732, %mul3A_734 : vector<16xf32>
      %mul3A_776 = arith.mulf %mul3A_775, %mul3A_736 : vector<16xf32>
      %mul3A_777 = arith.mulf %mul3A_774, %mul3A_776 : vector<16xf32>
      %add3A_778 = arith.constant 3 : i32
      %add3A_779 = vector.broadcast %add3A_778 : i32 to vector<16xi32>
      %add3A_780 = arith.addi %and3A_75, %add3A_779 : vector<16xi32>
      tpu.vector_store_idx %arg6[%shift_right_logical3A_69, %add3A_780], %mul3A_777 : memref<4x128xf32, #tpu.memory_space<vmem>>[vector<16xi32>, vector<16xi32>], vector<16xf32>,
      %mul3A_781 = arith.constant 31465.0039 : f32
      %mul3A_782 = vector.broadcast %mul3A_781 : f32 to vector<16xf32>
      %mul3A_783 = arith.mulf %select_n3A_728, %mul3A_782 : vector<16xf32>
      %mul3A_784 = arith.mulf %mul3A_783, %mul3A_731 : vector<16xf32>
      %mul3A_785 = arith.mulf %sub3A_708, %mul3A_730 : vector<16xf32>
      %mul3A_786 = arith.mulf %mul3A_785, %mul3A_734 : vector<16xf32>
      %mul3A_787 = arith.mulf %mul3A_786, %mul3A_736 : vector<16xf32>
      %mul3A_788 = arith.mulf %mul3A_784, %mul3A_787 : vector<16xf32>
      %add3A_789 = arith.constant 4 : i32
      %add3A_790 = vector.broadcast %add3A_789 : i32 to vector<16xi32>
      %add3A_791 = arith.addi %and3A_75, %add3A_790 : vector<16xi32>
      tpu.vector_store_idx %arg6[%shift_right_logical3A_69, %add3A_791], %mul3A_788 : memref<4x128xf32, #tpu.memory_space<vmem>>[vector<16xi32>, vector<16xi32>], vector<16xf32>,
      %mul3A_792 = arith.constant 169910.953 : f32
      %mul3A_793 = vector.broadcast %mul3A_792 : f32 to vector<16xf32>
      %mul3A_794 = arith.mulf %select_n3A_728, %mul3A_793 : vector<16xf32>
      %mul3A_795 = arith.mulf %exp3A_705, %mul3A_731 : vector<16xf32>
      %mul3A_796 = arith.mulf %mul3A_794, %mul3A_795 : vector<16xf32>
      %mul3A_797 = arith.mulf %mul3A_730, %mul3A_734 : vector<16xf32>
      %mul3A_798 = arith.mulf %mul3A_797, %mul3A_736 : vector<16xf32>
      %mul3A_799 = arith.mulf %mul3A_796, %mul3A_798 : vector<16xf32>
      %add3A_800 = arith.constant 5 : i32
      %add3A_801 = vector.broadcast %add3A_800 : i32 to vector<16xi32>
      %add3A_802 = arith.addi %and3A_75, %add3A_801 : vector<16xi32>
      tpu.vector_store_idx %arg6[%shift_right_logical3A_69, %add3A_802], %mul3A_799 : memref<4x128xf32, #tpu.memory_space<vmem>>[vector<16xi32>, vector<16xi32>], vector<16xf32>,
      %mul3A_803 = arith.constant 736280.875 : f32
      %mul3A_804 = vector.broadcast %mul3A_803 : f32 to vector<16xf32>
      %mul3A_805 = arith.mulf %select_n3A_728, %mul3A_804 : vector<16xf32>
      %mul3A_806 = arith.mulf %mul3A_729, %mul3A_731 : vector<16xf32>
      %mul3A_807 = arith.mulf %mul3A_805, %mul3A_806 : vector<16xf32>
      %mul3A_808 = arith.mulf %sub3A_708, %mul3A_734 : vector<16xf32>
      %mul3A_809 = arith.mulf %mul3A_808, %mul3A_736 : vector<16xf32>
      %mul3A_810 = arith.mulf %mul3A_807, %mul3A_809 : vector<16xf32>
      %add3A_811 = arith.constant 6 : i32
      %add3A_812 = vector.broadcast %add3A_811 : i32 to vector<16xi32>
      %add3A_813 = arith.addi %and3A_75, %add3A_812 : vector<16xi32>
      tpu.vector_store_idx %arg6[%shift_right_logical3A_69, %add3A_813], %mul3A_810 : memref<4x128xf32, #tpu.memory_space<vmem>>[vector<16xi32>, vector<16xi32>], vector<16xf32>,
      %mul3A_814 = arith.constant 0x4A207F18 : f32
      %mul3A_815 = vector.broadcast %mul3A_814 : f32 to vector<16xf32>
      %mul3A_816 = arith.mulf %select_n3A_728, %mul3A_815 : vector<16xf32>
      %mul3A_817 = arith.mulf %exp3A_705, %mul3A_729 : vector<16xf32>
      %mul3A_818 = arith.mulf %mul3A_817, %mul3A_731 : vector<16xf32>
      %mul3A_819 = arith.mulf %mul3A_816, %mul3A_818 : vector<16xf32>
      %mul3A_820 = arith.mulf %mul3A_734, %mul3A_736 : vector<16xf32>
      %mul3A_821 = arith.mulf %mul3A_819, %mul3A_820 : vector<16xf32>
      %add3A_822 = arith.constant 7 : i32
      %add3A_823 = vector.broadcast %add3A_822 : i32 to vector<16xi32>
      %add3A_824 = arith.addi %and3A_75, %add3A_823 : vector<16xi32>
      tpu.vector_store_idx %arg6[%shift_right_logical3A_69, %add3A_824], %mul3A_821 : memref<4x128xf32, #tpu.memory_space<vmem>>[vector<16xi32>, vector<16xi32>], vector<16xf32>,
      %mul3A_825 = arith.constant 7888725.5 : f32
      %mul3A_826 = vector.broadcast %mul3A_825 : f32 to vector<16xf32>
      %mul3A_827 = arith.mulf %select_n3A_728, %mul3A_826 : vector<16xf32>
      %mul3A_828 = arith.mulf %mul3A_827, %mul3A_733 : vector<16xf32>
      %mul3A_829 = arith.mulf %sub3A_708, %mul3A_730 : vector<16xf32>
      %mul3A_830 = arith.mulf %mul3A_829, %mul3A_732 : vector<16xf32>
      %mul3A_831 = arith.mulf %mul3A_830, %mul3A_736 : vector<16xf32>
      %mul3A_832 = arith.mulf %mul3A_828, %mul3A_831 : vector<16xf32>
      %add3A_833 = arith.constant 8 : i32
      %add3A_834 = vector.broadcast %add3A_833 : i32 to vector<16xi32>
      %add3A_835 = arith.addi %and3A_75, %add3A_834 : vector<16xi32>
      tpu.vector_store_idx %arg6[%shift_right_logical3A_69, %add3A_835], %mul3A_832 : memref<4x128xf32, #tpu.memory_space<vmem>>[vector<16xi32>, vector<16xi32>], vector<16xf32>,
      %mul3A_836 = arith.constant 0x4B99CF1D : f32
      %mul3A_837 = vector.broadcast %mul3A_836 : f32 to vector<16xf32>
      %mul3A_838 = arith.mulf %select_n3A_728, %mul3A_837 : vector<16xf32>
      %mul3A_839 = arith.mulf %exp3A_705, %mul3A_733 : vector<16xf32>
      %mul3A_840 = arith.mulf %mul3A_838, %mul3A_839 : vector<16xf32>
      %mul3A_841 = arith.mulf %mul3A_730, %mul3A_732 : vector<16xf32>
      %mul3A_842 = arith.mulf %mul3A_841, %mul3A_736 : vector<16xf32>
      %mul3A_843 = arith.mulf %mul3A_840, %mul3A_842 : vector<16xf32>
      %add3A_844 = arith.constant 9 : i32
      %add3A_845 = vector.broadcast %add3A_844 : i32 to vector<16xi32>
      %add3A_846 = arith.addi %and3A_75, %add3A_845 : vector<16xi32>
      tpu.vector_store_idx %arg6[%shift_right_logical3A_69, %add3A_846], %mul3A_843 : memref<4x128xf32, #tpu.memory_space<vmem>>[vector<16xi32>, vector<16xi32>], vector<16xf32>,
      %mul3A_847 = arith.constant 0x4C2930A5 : f32
      %mul3A_848 = vector.broadcast %mul3A_847 : f32 to vector<16xf32>
      %mul3A_849 = arith.mulf %select_n3A_728, %mul3A_848 : vector<16xf32>
      %mul3A_850 = arith.mulf %mul3A_729, %mul3A_733 : vector<16xf32>
      %mul3A_851 = arith.mulf %mul3A_849, %mul3A_850 : vector<16xf32>
      %mul3A_852 = arith.mulf %sub3A_708, %mul3A_732 : vector<16xf32>
      %mul3A_853 = arith.mulf %mul3A_852, %mul3A_736 : vector<16xf32>
      %mul3A_854 = arith.mulf %mul3A_851, %mul3A_853 : vector<16xf32>
      %add3A_855 = arith.constant 10 : i32
      %add3A_856 = vector.broadcast %add3A_855 : i32 to vector<16xi32>
      %add3A_857 = arith.addi %and3A_75, %add3A_856 : vector<16xi32>
      tpu.vector_store_idx %arg6[%shift_right_logical3A_69, %add3A_857], %mul3A_854 : memref<4x128xf32, #tpu.memory_space<vmem>>[vector<16xi32>, vector<16xi32>], vector<16xf32>,
      %mul3A_858 = arith.constant 0x4CA17FE7 : f32
      %mul3A_859 = vector.broadcast %mul3A_858 : f32 to vector<16xf32>
      %mul3A_860 = arith.mulf %select_n3A_728, %mul3A_859 : vector<16xf32>
      %mul3A_861 = arith.mulf %exp3A_705, %mul3A_729 : vector<16xf32>
      %mul3A_862 = arith.mulf %mul3A_861, %mul3A_733 : vector<16xf32>
      %mul3A_863 = arith.mulf %mul3A_860, %mul3A_862 : vector<16xf32>
      %mul3A_864 = arith.mulf %mul3A_732, %mul3A_736 : vector<16xf32>
      %mul3A_865 = arith.mulf %mul3A_863, %mul3A_864 : vector<16xf32>
      %add3A_866 = arith.constant 11 : i32
      %add3A_867 = vector.broadcast %add3A_866 : i32 to vector<16xi32>
      %add3A_868 = arith.addi %and3A_75, %add3A_867 : vector<16xi32>
      tpu.vector_store_idx %arg6[%shift_right_logical3A_69, %add3A_868], %mul3A_865 : memref<4x128xf32, #tpu.memory_space<vmem>>[vector<16xi32>, vector<16xi32>], vector<16xf32>,
      %mul3A_869 = arith.constant 0x4D069545 : f32
      %mul3A_870 = vector.broadcast %mul3A_869 : f32 to vector<16xf32>
      %mul3A_871 = arith.mulf %select_n3A_728, %mul3A_870 : vector<16xf32>
      %mul3A_872 = arith.mulf %mul3A_731, %mul3A_733 : vector<16xf32>
      %mul3A_873 = arith.mulf %mul3A_871, %mul3A_872 : vector<16xf32>
      %mul3A_874 = arith.mulf %sub3A_708, %mul3A_730 : vector<16xf32>
      %mul3A_875 = arith.mulf %mul3A_874, %mul3A_736 : vector<16xf32>
      %mul3A_876 = arith.mulf %mul3A_873, %mul3A_875 : vector<16xf32>
      %add3A_877 = arith.constant 12 : i32
      %add3A_878 = vector.broadcast %add3A_877 : i32 to vector<16xi32>
      %add3A_879 = arith.addi %and3A_75, %add3A_878 : vector<16xi32>
      tpu.vector_store_idx %arg6[%shift_right_logical3A_69, %add3A_879], %mul3A_876 : memref<4x128xf32, #tpu.memory_space<vmem>>[vector<16xi32>, vector<16xi32>], vector<16xf32>,
      %mul3A_880 = arith.constant 0x4D44B2CA : f32
      %mul3A_881 = vector.broadcast %mul3A_880 : f32 to vector<16xf32>
      %mul3A_882 = arith.mulf %select_n3A_728, %mul3A_881 : vector<16xf32>
      %mul3A_883 = arith.mulf %exp3A_705, %mul3A_731 : vector<16xf32>
      %mul3A_884 = arith.mulf %mul3A_883, %mul3A_733 : vector<16xf32>
      %mul3A_885 = arith.mulf %mul3A_882, %mul3A_884 : vector<16xf32>
      %mul3A_886 = arith.mulf %mul3A_730, %mul3A_736 : vector<16xf32>
      %mul3A_887 = arith.mulf %mul3A_885, %mul3A_886 : vector<16xf32>
      %add3A_888 = arith.constant 13 : i32
      %add3A_889 = vector.broadcast %add3A_888 : i32 to vector<16xi32>
      %add3A_890 = arith.addi %and3A_75, %add3A_889 : vector<16xi32>
      tpu.vector_store_idx %arg6[%shift_right_logical3A_69, %add3A_890], %mul3A_887 : memref<4x128xf32, #tpu.memory_space<vmem>>[vector<16xi32>, vector<16xi32>], vector<16xf32>,
      %mul3A_891 = arith.constant 0x4D7CE5DB : f32
      %mul3A_892 = vector.broadcast %mul3A_891 : f32 to vector<16xf32>
      %mul3A_893 = arith.mulf %select_n3A_728, %mul3A_892 : vector<16xf32>
      %mul3A_894 = arith.mulf %mul3A_729, %mul3A_731 : vector<16xf32>
      %mul3A_895 = arith.mulf %mul3A_894, %mul3A_733 : vector<16xf32>
      %mul3A_896 = arith.mulf %mul3A_893, %mul3A_895 : vector<16xf32>
      %mul3A_897 = arith.mulf %sub3A_708, %mul3A_736 : vector<16xf32>
      %mul3A_898 = arith.mulf %mul3A_896, %mul3A_897 : vector<16xf32>
      %add3A_899 = arith.constant 14 : i32
      %add3A_900 = vector.broadcast %add3A_899 : i32 to vector<16xi32>
      %add3A_901 = arith.addi %and3A_75, %add3A_900 : vector<16xi32>
      tpu.vector_store_idx %arg6[%shift_right_logical3A_69, %add3A_901], %mul3A_898 : memref<4x128xf32, #tpu.memory_space<vmem>>[vector<16xi32>, vector<16xi32>], vector<16xf32>,
      %mul3A_902 = arith.constant 0x4D8F4F04 : f32
      %mul3A_903 = vector.broadcast %mul3A_902 : f32 to vector<16xf32>
      %mul3A_904 = arith.mulf %select_n3A_728, %mul3A_903 : vector<16xf32>
      %mul3A_905 = arith.mulf %exp3A_705, %mul3A_729 : vector<16xf32>
      %mul3A_906 = arith.mulf %mul3A_905, %mul3A_731 : vector<16xf32>
      %mul3A_907 = arith.mulf %mul3A_906, %mul3A_733 : vector<16xf32>
      %mul3A_908 = arith.mulf %mul3A_904, %mul3A_907 : vector<16xf32>
      %mul3A_909 = arith.mulf %mul3A_908, %mul3A_736 : vector<16xf32>
      %add3A_910 = arith.constant 15 : i32
      %add3A_911 = vector.broadcast %add3A_910 : i32 to vector<16xi32>
      %add3A_912 = arith.addi %and3A_75, %add3A_911 : vector<16xi32>
      tpu.vector_store_idx %arg6[%shift_right_logical3A_69, %add3A_912], %mul3A_909 : memref<4x128xf32, #tpu.memory_space<vmem>>[vector<16xi32>, vector<16xi32>], vector<16xf32>,
      %mul3A_913 = arith.constant 0x4D8F4F04 : f32
      %mul3A_914 = vector.broadcast %mul3A_913 : f32 to vector<16xf32>
      %mul3A_915 = arith.mulf %select_n3A_728, %mul3A_914 : vector<16xf32>
      %mul3A_916 = arith.mulf %mul3A_915, %mul3A_735 : vector<16xf32>
      %mul3A_917 = arith.mulf %sub3A_708, %mul3A_730 : vector<16xf32>
      %mul3A_918 = arith.mulf %mul3A_917, %mul3A_732 : vector<16xf32>
      %mul3A_919 = arith.mulf %mul3A_918, %mul3A_734 : vector<16xf32>
      %mul3A_920 = arith.mulf %mul3A_916, %mul3A_919 : vector<16xf32>
      %add3A_921 = arith.constant 16 : i32
      %add3A_922 = vector.broadcast %add3A_921 : i32 to vector<16xi32>
      %add3A_923 = arith.addi %and3A_75, %add3A_922 : vector<16xi32>
      tpu.vector_store_idx %arg6[%shift_right_logical3A_69, %add3A_923], %mul3A_920 : memref<4x128xf32, #tpu.memory_space<vmem>>[vector<16xi32>, vector<16xi32>], vector<16xf32>,
      %mul3A_924 = arith.constant 0x4D7CE5DB : f32
      %mul3A_925 = vector.broadcast %mul3A_924 : f32 to vector<16xf32>
      %mul3A_926 = arith.mulf %select_n3A_728, %mul3A_925 : vector<16xf32>
      %mul3A_927 = arith.mulf %exp3A_705, %mul3A_735 : vector<16xf32>
      %mul3A_928 = arith.mulf %mul3A_926, %mul3A_927 : vector<16xf32>
      %mul3A_929 = arith.mulf %mul3A_730, %mul3A_732 : vector<16xf32>
      %mul3A_930 = arith.mulf %mul3A_929, %mul3A_734 : vector<16xf32>
      %mul3A_931 = arith.mulf %mul3A_928, %mul3A_930 : vector<16xf32>
      %add3A_932 = arith.constant 17 : i32
      %add3A_933 = vector.broadcast %add3A_932 : i32 to vector<16xi32>
      %add3A_934 = arith.addi %and3A_75, %add3A_933 : vector<16xi32>
      tpu.vector_store_idx %arg6[%shift_right_logical3A_69, %add3A_934], %mul3A_931 : memref<4x128xf32, #tpu.memory_space<vmem>>[vector<16xi32>, vector<16xi32>], vector<16xf32>,
      %mul3A_935 = arith.constant 0x4D44B2CA : f32
      %mul3A_936 = vector.broadcast %mul3A_935 : f32 to vector<16xf32>
      %mul3A_937 = arith.mulf %select_n3A_728, %mul3A_936 : vector<16xf32>
      %mul3A_938 = arith.mulf %mul3A_729, %mul3A_735 : vector<16xf32>
      %mul3A_939 = arith.mulf %mul3A_937, %mul3A_938 : vector<16xf32>
      %mul3A_940 = arith.mulf %sub3A_708, %mul3A_732 : vector<16xf32>
      %mul3A_941 = arith.mulf %mul3A_940, %mul3A_734 : vector<16xf32>
      %mul3A_942 = arith.mulf %mul3A_939, %mul3A_941 : vector<16xf32>
      %add3A_943 = arith.constant 18 : i32
      %add3A_944 = vector.broadcast %add3A_943 : i32 to vector<16xi32>
      %add3A_945 = arith.addi %and3A_75, %add3A_944 : vector<16xi32>
      tpu.vector_store_idx %arg6[%shift_right_logical3A_69, %add3A_945], %mul3A_942 : memref<4x128xf32, #tpu.memory_space<vmem>>[vector<16xi32>, vector<16xi32>], vector<16xf32>,
      %mul3A_946 = arith.constant 0x4D069545 : f32
      %mul3A_947 = vector.broadcast %mul3A_946 : f32 to vector<16xf32>
      %mul3A_948 = arith.mulf %select_n3A_728, %mul3A_947 : vector<16xf32>
      %mul3A_949 = arith.mulf %exp3A_705, %mul3A_729 : vector<16xf32>
      %mul3A_950 = arith.mulf %mul3A_949, %mul3A_735 : vector<16xf32>
      %mul3A_951 = arith.mulf %mul3A_948, %mul3A_950 : vector<16xf32>
      %mul3A_952 = arith.mulf %mul3A_732, %mul3A_734 : vector<16xf32>
      %mul3A_953 = arith.mulf %mul3A_951, %mul3A_952 : vector<16xf32>
      %add3A_954 = arith.constant 19 : i32
      %add3A_955 = vector.broadcast %add3A_954 : i32 to vector<16xi32>
      %add3A_956 = arith.addi %and3A_75, %add3A_955 : vector<16xi32>
      tpu.vector_store_idx %arg6[%shift_right_logical3A_69, %add3A_956], %mul3A_953 : memref<4x128xf32, #tpu.memory_space<vmem>>[vector<16xi32>, vector<16xi32>], vector<16xf32>,
      %mul3A_957 = arith.constant 0x4CA17FE7 : f32
      %mul3A_958 = vector.broadcast %mul3A_957 : f32 to vector<16xf32>
      %mul3A_959 = arith.mulf %select_n3A_728, %mul3A_958 : vector<16xf32>
      %mul3A_960 = arith.mulf %mul3A_731, %mul3A_735 : vector<16xf32>
      %mul3A_961 = arith.mulf %mul3A_959, %mul3A_960 : vector<16xf32>
      %mul3A_962 = arith.mulf %sub3A_708, %mul3A_730 : vector<16xf32>
      %mul3A_963 = arith.mulf %mul3A_962, %mul3A_734 : vector<16xf32>
      %mul3A_964 = arith.mulf %mul3A_961, %mul3A_963 : vector<16xf32>
      %add3A_965 = arith.constant 20 : i32
      %add3A_966 = vector.broadcast %add3A_965 : i32 to vector<16xi32>
      %add3A_967 = arith.addi %and3A_75, %add3A_966 : vector<16xi32>
      tpu.vector_store_idx %arg6[%shift_right_logical3A_69, %add3A_967], %mul3A_964 : memref<4x128xf32, #tpu.memory_space<vmem>>[vector<16xi32>, vector<16xi32>], vector<16xf32>,
      %mul3A_968 = arith.constant 0x4C2930A5 : f32
      %mul3A_969 = vector.broadcast %mul3A_968 : f32 to vector<16xf32>
      %mul3A_970 = arith.mulf %select_n3A_728, %mul3A_969 : vector<16xf32>
      %mul3A_971 = arith.mulf %exp3A_705, %mul3A_731 : vector<16xf32>
      %mul3A_972 = arith.mulf %mul3A_971, %mul3A_735 : vector<16xf32>
      %mul3A_973 = arith.mulf %mul3A_970, %mul3A_972 : vector<16xf32>
      %mul3A_974 = arith.mulf %mul3A_730, %mul3A_734 : vector<16xf32>
      %mul3A_975 = arith.mulf %mul3A_973, %mul3A_974 : vector<16xf32>
      %add3A_976 = arith.constant 21 : i32
      %add3A_977 = vector.broadcast %add3A_976 : i32 to vector<16xi32>
      %add3A_978 = arith.addi %and3A_75, %add3A_977 : vector<16xi32>
      tpu.vector_store_idx %arg6[%shift_right_logical3A_69, %add3A_978], %mul3A_975 : memref<4x128xf32, #tpu.memory_space<vmem>>[vector<16xi32>, vector<16xi32>], vector<16xf32>,
      %mul3A_979 = arith.constant 0x4B99CF1D : f32
      %mul3A_980 = vector.broadcast %mul3A_979 : f32 to vector<16xf32>
      %mul3A_981 = arith.mulf %select_n3A_728, %mul3A_980 : vector<16xf32>
      %mul3A_982 = arith.mulf %mul3A_729, %mul3A_731 : vector<16xf32>
      %mul3A_983 = arith.mulf %mul3A_982, %mul3A_735 : vector<16xf32>
      %mul3A_984 = arith.mulf %mul3A_981, %mul3A_983 : vector<16xf32>
      %mul3A_985 = arith.mulf %sub3A_708, %mul3A_734 : vector<16xf32>
      %mul3A_986 = arith.mulf %mul3A_984, %mul3A_985 : vector<16xf32>
      %add3A_987 = arith.constant 22 : i32
      %add3A_988 = vector.broadcast %add3A_987 : i32 to vector<16xi32>
      %add3A_989 = arith.addi %and3A_75, %add3A_988 : vector<16xi32>
      tpu.vector_store_idx %arg6[%shift_right_logical3A_69, %add3A_989], %mul3A_986 : memref<4x128xf32, #tpu.memory_space<vmem>>[vector<16xi32>, vector<16xi32>], vector<16xf32>,
      %mul3A_990 = arith.constant 7888725.5 : f32
      %mul3A_991 = vector.broadcast %mul3A_990 : f32 to vector<16xf32>
      %mul3A_992 = arith.mulf %select_n3A_728, %mul3A_991 : vector<16xf32>
      %mul3A_993 = arith.mulf %exp3A_705, %mul3A_729 : vector<16xf32>
      %mul3A_994 = arith.mulf %mul3A_993, %mul3A_731 : vector<16xf32>
      %mul3A_995 = arith.mulf %mul3A_994, %mul3A_735 : vector<16xf32>
      %mul3A_996 = arith.mulf %mul3A_992, %mul3A_995 : vector<16xf32>
      %mul3A_997 = arith.mulf %mul3A_996, %mul3A_734 : vector<16xf32>
      %add3A_998 = arith.constant 23 : i32
      %add3A_999 = vector.broadcast %add3A_998 : i32 to vector<16xi32>
      %add3A_1000 = arith.addi %and3A_75, %add3A_999 : vector<16xi32>
      tpu.vector_store_idx %arg6[%shift_right_logical3A_69, %add3A_1000], %mul3A_997 : memref<4x128xf32, #tpu.memory_space<vmem>>[vector<16xi32>, vector<16xi32>], vector<16xf32>,
      %mul3A_1001 = arith.constant 0x4A207F18 : f32
      %mul3A_1002 = vector.broadcast %mul3A_1001 : f32 to vector<16xf32>
      %mul3A_1003 = arith.mulf %select_n3A_728, %mul3A_1002 : vector<16xf32>
      %mul3A_1004 = arith.mulf %mul3A_733, %mul3A_735 : vector<16xf32>
      %mul3A_1005 = arith.mulf %mul3A_1003, %mul3A_1004 : vector<16xf32>
      %mul3A_1006 = arith.mulf %sub3A_708, %mul3A_730 : vector<16xf32>
      %mul3A_1007 = arith.mulf %mul3A_1006, %mul3A_732 : vector<16xf32>
      %mul3A_1008 = arith.mulf %mul3A_1005, %mul3A_1007 : vector<16xf32>
      %add3A_1009 = arith.constant 24 : i32
      %add3A_1010 = vector.broadcast %add3A_1009 : i32 to vector<16xi32>
      %add3A_1011 = arith.addi %and3A_75, %add3A_1010 : vector<16xi32>
      tpu.vector_store_idx %arg6[%shift_right_logical3A_69, %add3A_1011], %mul3A_1008 : memref<4x128xf32, #tpu.memory_space<vmem>>[vector<16xi32>, vector<16xi32>], vector<16xf32>,
      %mul3A_1012 = arith.constant 736280.875 : f32
      %mul3A_1013 = vector.broadcast %mul3A_1012 : f32 to vector<16xf32>
      %mul3A_1014 = arith.mulf %select_n3A_728, %mul3A_1013 : vector<16xf32>
      %mul3A_1015 = arith.mulf %exp3A_705, %mul3A_733 : vector<16xf32>
      %mul3A_1016 = arith.mulf %mul3A_1015, %mul3A_735 : vector<16xf32>
      %mul3A_1017 = arith.mulf %mul3A_1014, %mul3A_1016 : vector<16xf32>
      %mul3A_1018 = arith.mulf %mul3A_730, %mul3A_732 : vector<16xf32>
      %mul3A_1019 = arith.mulf %mul3A_1017, %mul3A_1018 : vector<16xf32>
      %add3A_1020 = arith.constant 25 : i32
      %add3A_1021 = vector.broadcast %add3A_1020 : i32 to vector<16xi32>
      %add3A_1022 = arith.addi %and3A_75, %add3A_1021 : vector<16xi32>
      tpu.vector_store_idx %arg6[%shift_right_logical3A_69, %add3A_1022], %mul3A_1019 : memref<4x128xf32, #tpu.memory_space<vmem>>[vector<16xi32>, vector<16xi32>], vector<16xf32>,
      %mul3A_1023 = arith.constant 169910.953 : f32
      %mul3A_1024 = vector.broadcast %mul3A_1023 : f32 to vector<16xf32>
      %mul3A_1025 = arith.mulf %select_n3A_728, %mul3A_1024 : vector<16xf32>
      %mul3A_1026 = arith.mulf %mul3A_729, %mul3A_733 : vector<16xf32>
      %mul3A_1027 = arith.mulf %mul3A_1026, %mul3A_735 : vector<16xf32>
      %mul3A_1028 = arith.mulf %mul3A_1025, %mul3A_1027 : vector<16xf32>
      %mul3A_1029 = arith.mulf %sub3A_708, %mul3A_732 : vector<16xf32>
      %mul3A_1030 = arith.mulf %mul3A_1028, %mul3A_1029 : vector<16xf32>
      %add3A_1031 = arith.constant 26 : i32
      %add3A_1032 = vector.broadcast %add3A_1031 : i32 to vector<16xi32>
      %add3A_1033 = arith.addi %and3A_75, %add3A_1032 : vector<16xi32>
      tpu.vector_store_idx %arg6[%shift_right_logical3A_69, %add3A_1033], %mul3A_1030 : memref<4x128xf32, #tpu.memory_space<vmem>>[vector<16xi32>, vector<16xi32>], vector<16xf32>,
      %mul3A_1034 = arith.constant 31465.0039 : f32
      %mul3A_1035 = vector.broadcast %mul3A_1034 : f32 to vector<16xf32>
      %mul3A_1036 = arith.mulf %select_n3A_728, %mul3A_1035 : vector<16xf32>
      %mul3A_1037 = arith.mulf %exp3A_705, %mul3A_729 : vector<16xf32>
      %mul3A_1038 = arith.mulf %mul3A_1037, %mul3A_733 : vector<16xf32>
      %mul3A_1039 = arith.mulf %mul3A_1038, %mul3A_735 : vector<16xf32>
      %mul3A_1040 = arith.mulf %mul3A_1036, %mul3A_1039 : vector<16xf32>
      %mul3A_1041 = arith.mulf %mul3A_1040, %mul3A_732 : vector<16xf32>
      %add3A_1042 = arith.constant 27 : i32
      %add3A_1043 = vector.broadcast %add3A_1042 : i32 to vector<16xi32>
      %add3A_1044 = arith.addi %and3A_75, %add3A_1043 : vector<16xi32>
      tpu.vector_store_idx %arg6[%shift_right_logical3A_69, %add3A_1044], %mul3A_1041 : memref<4x128xf32, #tpu.memory_space<vmem>>[vector<16xi32>, vector<16xi32>], vector<16xf32>,
      %mul3A_1045 = arith.constant 4494.99951 : f32
      %mul3A_1046 = vector.broadcast %mul3A_1045 : f32 to vector<16xf32>
      %mul3A_1047 = arith.mulf %select_n3A_728, %mul3A_1046 : vector<16xf32>
      %mul3A_1048 = arith.mulf %mul3A_731, %mul3A_733 : vector<16xf32>
      %mul3A_1049 = arith.mulf %mul3A_1048, %mul3A_735 : vector<16xf32>
      %mul3A_1050 = arith.mulf %mul3A_1047, %mul3A_1049 : vector<16xf32>
      %mul3A_1051 = arith.mulf %sub3A_708, %mul3A_730 : vector<16xf32>
      %mul3A_1052 = arith.mulf %mul3A_1050, %mul3A_1051 : vector<16xf32>
      %add3A_1053 = arith.constant 28 : i32
      %add3A_1054 = vector.broadcast %add3A_1053 : i32 to vector<16xi32>
      %add3A_1055 = arith.addi %and3A_75, %add3A_1054 : vector<16xi32>
      tpu.vector_store_idx %arg6[%shift_right_logical3A_69, %add3A_1055], %mul3A_1052 : memref<4x128xf32, #tpu.memory_space<vmem>>[vector<16xi32>, vector<16xi32>], vector<16xf32>,
      %mul3A_1056 = arith.constant 4.650000e+02 : f32
      %mul3A_1057 = vector.broadcast %mul3A_1056 : f32 to vector<16xf32>
      %mul3A_1058 = arith.mulf %select_n3A_728, %mul3A_1057 : vector<16xf32>
      %mul3A_1059 = arith.mulf %exp3A_705, %mul3A_731 : vector<16xf32>
      %mul3A_1060 = arith.mulf %mul3A_1059, %mul3A_733 : vector<16xf32>
      %mul3A_1061 = arith.mulf %mul3A_1060, %mul3A_735 : vector<16xf32>
      %mul3A_1062 = arith.mulf %mul3A_1058, %mul3A_1061 : vector<16xf32>
      %mul3A_1063 = arith.mulf %mul3A_1062, %mul3A_730 : vector<16xf32>
      %add3A_1064 = arith.constant 29 : i32
      %add3A_1065 = vector.broadcast %add3A_1064 : i32 to vector<16xi32>
      %add3A_1066 = arith.addi %and3A_75, %add3A_1065 : vector<16xi32>
      tpu.vector_store_idx %arg6[%shift_right_logical3A_69, %add3A_1066], %mul3A_1063 : memref<4x128xf32, #tpu.memory_space<vmem>>[vector<16xi32>, vector<16xi32>], vector<16xf32>,
      %mul3A_1067 = arith.constant 30.9999962 : f32
      %mul3A_1068 = vector.broadcast %mul3A_1067 : f32 to vector<16xf32>
      %mul3A_1069 = arith.mulf %select_n3A_728, %mul3A_1068 : vector<16xf32>
      %mul3A_1070 = arith.mulf %mul3A_729, %mul3A_731 : vector<16xf32>
      %mul3A_1071 = arith.mulf %mul3A_1070, %mul3A_733 : vector<16xf32>
      %mul3A_1072 = arith.mulf %mul3A_1071, %mul3A_735 : vector<16xf32>
      %mul3A_1073 = arith.mulf %mul3A_1069, %mul3A_1072 : vector<16xf32>
      %mul3A_1074 = arith.mulf %mul3A_1073, %sub3A_708 : vector<16xf32>
      %add3A_1075 = arith.constant 30 : i32
      %add3A_1076 = vector.broadcast %add3A_1075 : i32 to vector<16xi32>
      %add3A_1077 = arith.addi %and3A_75, %add3A_1076 : vector<16xi32>
      tpu.vector_store_idx %arg6[%shift_right_logical3A_69, %add3A_1077], %mul3A_1074 : memref<4x128xf32, #tpu.memory_space<vmem>>[vector<16xi32>, vector<16xi32>], vector<16xf32>,
      %mul3A_1078 = arith.constant 1.000000e+00 : f32
      %mul3A_1079 = vector.broadcast %mul3A_1078 : f32 to vector<16xf32>
      %mul3A_1080 = arith.mulf %select_n3A_728, %mul3A_1079 : vector<16xf32>
      %mul3A_1081 = arith.mulf %exp3A_705, %mul3A_729 : vector<16xf32>
      %mul3A_1082 = arith.mulf %mul3A_1081, %mul3A_731 : vector<16xf32>
      %mul3A_1083 = arith.mulf %mul3A_1082, %mul3A_733 : vector<16xf32>
      %mul3A_1084 = arith.mulf %mul3A_1083, %mul3A_735 : vector<16xf32>
      %mul3A_1085 = arith.mulf %mul3A_1080, %mul3A_1084 : vector<16xf32>
      %add3A_1086 = arith.constant 31 : i32
      %add3A_1087 = vector.broadcast %add3A_1086 : i32 to vector<16xi32>
      %add3A_1088 = arith.addi %and3A_75, %add3A_1087 : vector<16xi32>
      tpu.vector_store_idx %arg6[%shift_right_logical3A_69, %add3A_1088], %mul3A_1085 : memref<4x128xf32, #tpu.memory_space<vmem>>[vector<16xi32>, vector<16xi32>], vector<16xf32>,
      %mul3A_1089 = arith.constant 24 : i32
      %mul3A_1090 = arith.muli %add3A_126, %mul3A_1089 : i32
      %mul3A_1091 = arith.constant 8 : i32
      %mul3A_1092 = arith.muli %mul3A_1091, %scan3A_158 : i32
      %add3A_1093 = arith.addi %mul3A_1090, %mul3A_1092 : i32
      %add3A_1094 = arith.constant 4 : i32
      %add3A_1095 = arith.addi %add3A_1093, %add3A_1094 : i32
      %dma_start3A_1096 = arith.constant 0 : i32
      %dma_start3A_1097 = tpu.memref_slice %arg3[%add3A_1095, %dma_start3A_1096] : memref<2304x128xf32, #tpu.memory_space<hbm>> -> memref<4x128xf32, #tpu.memory_space<hbm>>
      %dma_start3A_1098 = arith.constant 0 : i32
      %dma_start3A_1099 = tpu.memref_slice %arg3[%add3A_1095, %dma_start3A_1098] : memref<2304x128xf32, #tpu.memory_space<hbm>> -> memref<4x128xf32, #tpu.memory_space<hbm>>
      tpu.enqueue_dma source(%arg6 : memref<4x128xf32, #tpu.memory_space<vmem>>) target(%dma_start3A_1099 : memref<4x128xf32, #tpu.memory_space<hbm>>) target_semaphore(%arg8 : memref<!tpu.dma_semaphore, #tpu.memory_space<semaphore_mem>>)
      %scan3A_1100 = arith.constant 0 : i32
      scf.yield %scan3A_1100 : i32
    }
    %scan3A_146 = arith.constant 3 : i32
    %dma_wait3A = arith.constant 0 : i32
    %dma_wait3A_147 = arith.constant 0 : i32
    %dma_wait3A_148 = tpu.memref_slice %arg3[%dma_wait3A, %dma_wait3A_147] : memref<2304x128xf32, #tpu.memory_space<hbm>> -> memref<4x128xf32, #tpu.memory_space<hbm>>
    %dma_wait3A_149 = arith.constant 0 : i32
    %dma_wait3A_150 = arith.constant 0 : i32
    %dma_wait3A_151 = tpu.memref_slice %arg3[%dma_wait3A_149, %dma_wait3A_150] : memref<2304x128xf32, #tpu.memory_space<hbm>> -> memref<4x128xf32, #tpu.memory_space<hbm>>
    tpu.wait_dma2 semaphore(%arg7 : memref<!tpu.dma_semaphore, #tpu.memory_space<semaphore_mem>>) src(%arg5 : memref<4x128xf32, #tpu.memory_space<vmem>>) dst(%dma_wait3A_151 : memref<4x128xf32, #tpu.memory_space<hbm>>)
    %dma_wait3A_152 = arith.constant 0 : i32
    %dma_wait3A_153 = arith.constant 0 : i32
    %dma_wait3A_154 = tpu.memref_slice %arg3[%dma_wait3A_152, %dma_wait3A_153] : memref<2304x128xf32, #tpu.memory_space<hbm>> -> memref<4x128xf32, #tpu.memory_space<hbm>>
    %dma_wait3A_155 = arith.constant 0 : i32
    %dma_wait3A_156 = arith.constant 0 : i32
    %dma_wait3A_157 = tpu.memref_slice %arg3[%dma_wait3A_155, %dma_wait3A_156] : memref<2304x128xf32, #tpu.memory_space<hbm>> -> memref<4x128xf32, #tpu.memory_space<hbm>>
    tpu.wait_dma2 semaphore(%arg8 : memref<!tpu.dma_semaphore, #tpu.memory_space<semaphore_mem>>) src(%arg6 : memref<4x128xf32, #tpu.memory_space<vmem>>) dst(%dma_wait3A_157 : memref<4x128xf32, #tpu.memory_space<hbm>>)
    return
  }
}

module attributes {stable_mosaic.version = 14 : i64} {
  func.func @_tc_body(%arg0: memref<2304x128xf32, #tpu.memory_space<vmem>>, %arg1: memref<96xi32, #tpu.memory_space<vmem>>, %arg2: memref<87x32xf32, #tpu.memory_space<vmem>>, %arg3: memref<32x32xf32, #tpu.memory_space<vmem>>, %arg4: memref<32x32xf32, #tpu.memory_space<vmem>>, %arg5: memref<32x32xf32, #tpu.memory_space<vmem>>, %arg6: memref<32x32xf32, #tpu.memory_space<vmem>>, %arg7: memref<32x32xf32, #tpu.memory_space<vmem>>, %arg8: memref<96x96xf32, #tpu.memory_space<vmem>>, %arg9: memref<96x32xf32, #tpu.memory_space<vmem>>) attributes {dimension_semantics = [], scalar_prefetch = 0 : i64, scratch_operands = 0 : i64, tpu.core_type = #tpu.core_type<tc>} {
    %get3A = arith.constant 0 : index
    %get3A_0 = arith.constant 0 : index
    %get3A_1 = vector.load %arg0[%get3A, %get3A_0] : memref<2304x128xf32, #tpu.memory_space<vmem>>, vector<2304x128xf32>
    %get3A_2 = arith.constant 0 : index
    %get3A_3 = arith.constant 0 : index
    %get3A_4 = vector.load %arg3[%get3A_2, %get3A_3] : memref<32x32xf32, #tpu.memory_space<vmem>>, vector<32x32xf32>
    %concatenate3A = tpu.concatenate %get3A_4, %get3A_4, %get3A_4, %get3A_4 in 1 : vector<32x32xf32>, vector<32x32xf32>, vector<32x32xf32>, vector<32x32xf32> -> vector<32x128xf32>
    %concatenate3A_5 = tpu.concatenate %concatenate3A, %concatenate3A, %concatenate3A, %concatenate3A in 0 : vector<32x128xf32>, vector<32x128xf32>, vector<32x128xf32>, vector<32x128xf32> -> vector<128x128xf32>
    %iota3A = tpu.iota {dimensions = array<i32: 0>} : vector<128x128xi32>
    %iota3A_6 = tpu.iota {dimensions = array<i32: 1>} : vector<128x128xi32>
    %jit3A = arith.constant 32 : i32
    %div3A = vector.broadcast %jit3A : i32 to vector<128x128xi32>
    %div3A_7 = arith.divsi %iota3A, %div3A : vector<128x128xi32>
    %sign3A = arith.constant 0 : i32
    %sign3A_8 = vector.broadcast %sign3A : i32 to vector<128x128xi32>
    %sign3A_9 = arith.cmpi sgt, %iota3A, %sign3A_8 : vector<128x128xi32>
    %sign3A_10 = arith.extui %sign3A_9 : vector<128x128xi1> to vector<128x128xi32>
    %sign3A_11 = arith.constant 0 : i32
    %sign3A_12 = vector.broadcast %sign3A_11 : i32 to vector<128x128xi32>
    %sign3A_13 = arith.cmpi slt, %iota3A, %sign3A_12 : vector<128x128xi32>
    %sign3A_14 = arith.extui %sign3A_13 : vector<128x128xi1> to vector<128x128xi32>
    %sign3A_15 = arith.subi %sign3A_10, %sign3A_14 : vector<128x128xi32>
    %sign3A_16 = arith.constant 0 : i32
    %sign3A_17 = arith.cmpi sgt, %jit3A, %sign3A_16 : i32
    %sign3A_18 = arith.extui %sign3A_17 : i1 to i32
    %sign3A_19 = arith.constant 0 : i32
    %sign3A_20 = arith.cmpi slt, %jit3A, %sign3A_19 : i32
    %sign3A_21 = arith.extui %sign3A_20 : i1 to i32
    %sign3A_22 = arith.subi %sign3A_18, %sign3A_21 : i32
    %ne3A = vector.broadcast %sign3A_22 : i32 to vector<128x128xi32>
    %ne3A_23 = arith.cmpi ne, %sign3A_15, %ne3A : vector<128x128xi32>
    %rem3A = vector.broadcast %jit3A : i32 to vector<128x128xi32>
    %rem3A_24 = arith.remsi %iota3A, %rem3A : vector<128x128xi32>
    %ne3A_25 = arith.constant 0 : i32
    %ne3A_26 = vector.broadcast %ne3A_25 : i32 to vector<128x128xi32>
    %ne3A_27 = arith.cmpi ne, %rem3A_24, %ne3A_26 : vector<128x128xi32>
    %and3A = arith.andi %ne3A_23, %ne3A_27 : vector<128x128xi1>
    %sub3A = arith.constant 1 : i32
    %sub3A_28 = vector.broadcast %sub3A : i32 to vector<128x128xi32>
    %sub3A_29 = arith.subi %div3A_7, %sub3A_28 : vector<128x128xi32>
    %select_n3A = arith.select %and3A, %sub3A_29, %div3A_7 : vector<128x128xi1>, vector<128x128xi32>
    %jit3A_30 = arith.constant 32 : i32
    %div3A_31 = vector.broadcast %jit3A_30 : i32 to vector<128x128xi32>
    %div3A_32 = arith.divsi %iota3A_6, %div3A_31 : vector<128x128xi32>
    %sign3A_33 = arith.constant 0 : i32
    %sign3A_34 = vector.broadcast %sign3A_33 : i32 to vector<128x128xi32>
    %sign3A_35 = arith.cmpi sgt, %iota3A_6, %sign3A_34 : vector<128x128xi32>
    %sign3A_36 = arith.extui %sign3A_35 : vector<128x128xi1> to vector<128x128xi32>
    %sign3A_37 = arith.constant 0 : i32
    %sign3A_38 = vector.broadcast %sign3A_37 : i32 to vector<128x128xi32>
    %sign3A_39 = arith.cmpi slt, %iota3A_6, %sign3A_38 : vector<128x128xi32>
    %sign3A_40 = arith.extui %sign3A_39 : vector<128x128xi1> to vector<128x128xi32>
    %sign3A_41 = arith.subi %sign3A_36, %sign3A_40 : vector<128x128xi32>
    %sign3A_42 = arith.constant 0 : i32
    %sign3A_43 = arith.cmpi sgt, %jit3A_30, %sign3A_42 : i32
    %sign3A_44 = arith.extui %sign3A_43 : i1 to i32
    %sign3A_45 = arith.constant 0 : i32
    %sign3A_46 = arith.cmpi slt, %jit3A_30, %sign3A_45 : i32
    %sign3A_47 = arith.extui %sign3A_46 : i1 to i32
    %sign3A_48 = arith.subi %sign3A_44, %sign3A_47 : i32
    %ne3A_49 = vector.broadcast %sign3A_48 : i32 to vector<128x128xi32>
    %ne3A_50 = arith.cmpi ne, %sign3A_41, %ne3A_49 : vector<128x128xi32>
    %rem3A_51 = vector.broadcast %jit3A_30 : i32 to vector<128x128xi32>
    %rem3A_52 = arith.remsi %iota3A_6, %rem3A_51 : vector<128x128xi32>
    %ne3A_53 = arith.constant 0 : i32
    %ne3A_54 = vector.broadcast %ne3A_53 : i32 to vector<128x128xi32>
    %ne3A_55 = arith.cmpi ne, %rem3A_52, %ne3A_54 : vector<128x128xi32>
    %and3A_56 = arith.andi %ne3A_50, %ne3A_55 : vector<128x128xi1>
    %sub3A_57 = arith.constant 1 : i32
    %sub3A_58 = vector.broadcast %sub3A_57 : i32 to vector<128x128xi32>
    %sub3A_59 = arith.subi %div3A_32, %sub3A_58 : vector<128x128xi32>
    %select_n3A_60 = arith.select %and3A_56, %sub3A_59, %div3A_32 : vector<128x128xi1>, vector<128x128xi32>
    %eq3A = arith.cmpi eq, %select_n3A, %select_n3A_60 : vector<128x128xi32>
    %jit3A_61 = arith.constant 0.000000e+00 : f32
    %broadcast_in_dim3A = vector.broadcast %jit3A_61 : f32 to vector<128x128xf32>
    %select_n3A_62 = arith.select %eq3A, %concatenate3A_5, %broadcast_in_dim3A : vector<128x128xi1>, vector<128x128xf32>
    %get3A_63 = arith.constant 0 : index
    %get3A_64 = arith.constant 0 : index
    %get3A_65 = vector.load %arg4[%get3A_63, %get3A_64] : memref<32x32xf32, #tpu.memory_space<vmem>>, vector<32x32xf32>
    %concatenate3A_66 = tpu.concatenate %get3A_65, %get3A_65, %get3A_65, %get3A_65 in 1 : vector<32x32xf32>, vector<32x32xf32>, vector<32x32xf32>, vector<32x32xf32> -> vector<32x128xf32>
    %concatenate3A_67 = tpu.concatenate %concatenate3A_66, %concatenate3A_66, %concatenate3A_66, %concatenate3A_66 in 0 : vector<32x128xf32>, vector<32x128xf32>, vector<32x128xf32>, vector<32x128xf32> -> vector<128x128xf32>
    %iota3A_68 = tpu.iota {dimensions = array<i32: 0>} : vector<128x128xi32>
    %iota3A_69 = tpu.iota {dimensions = array<i32: 1>} : vector<128x128xi32>
    %jit3A_70 = arith.constant 32 : i32
    %div3A_71 = vector.broadcast %jit3A_70 : i32 to vector<128x128xi32>
    %div3A_72 = arith.divsi %iota3A_68, %div3A_71 : vector<128x128xi32>
    %sign3A_73 = arith.constant 0 : i32
    %sign3A_74 = vector.broadcast %sign3A_73 : i32 to vector<128x128xi32>
    %sign3A_75 = arith.cmpi sgt, %iota3A_68, %sign3A_74 : vector<128x128xi32>
    %sign3A_76 = arith.extui %sign3A_75 : vector<128x128xi1> to vector<128x128xi32>
    %sign3A_77 = arith.constant 0 : i32
    %sign3A_78 = vector.broadcast %sign3A_77 : i32 to vector<128x128xi32>
    %sign3A_79 = arith.cmpi slt, %iota3A_68, %sign3A_78 : vector<128x128xi32>
    %sign3A_80 = arith.extui %sign3A_79 : vector<128x128xi1> to vector<128x128xi32>
    %sign3A_81 = arith.subi %sign3A_76, %sign3A_80 : vector<128x128xi32>
    %sign3A_82 = arith.constant 0 : i32
    %sign3A_83 = arith.cmpi sgt, %jit3A_70, %sign3A_82 : i32
    %sign3A_84 = arith.extui %sign3A_83 : i1 to i32
    %sign3A_85 = arith.constant 0 : i32
    %sign3A_86 = arith.cmpi slt, %jit3A_70, %sign3A_85 : i32
    %sign3A_87 = arith.extui %sign3A_86 : i1 to i32
    %sign3A_88 = arith.subi %sign3A_84, %sign3A_87 : i32
    %ne3A_89 = vector.broadcast %sign3A_88 : i32 to vector<128x128xi32>
    %ne3A_90 = arith.cmpi ne, %sign3A_81, %ne3A_89 : vector<128x128xi32>
    %rem3A_91 = vector.broadcast %jit3A_70 : i32 to vector<128x128xi32>
    %rem3A_92 = arith.remsi %iota3A_68, %rem3A_91 : vector<128x128xi32>
    %ne3A_93 = arith.constant 0 : i32
    %ne3A_94 = vector.broadcast %ne3A_93 : i32 to vector<128x128xi32>
    %ne3A_95 = arith.cmpi ne, %rem3A_92, %ne3A_94 : vector<128x128xi32>
    %and3A_96 = arith.andi %ne3A_90, %ne3A_95 : vector<128x128xi1>
    %sub3A_97 = arith.constant 1 : i32
    %sub3A_98 = vector.broadcast %sub3A_97 : i32 to vector<128x128xi32>
    %sub3A_99 = arith.subi %div3A_72, %sub3A_98 : vector<128x128xi32>
    %select_n3A_100 = arith.select %and3A_96, %sub3A_99, %div3A_72 : vector<128x128xi1>, vector<128x128xi32>
    %jit3A_101 = arith.constant 32 : i32
    %div3A_102 = vector.broadcast %jit3A_101 : i32 to vector<128x128xi32>
    %div3A_103 = arith.divsi %iota3A_69, %div3A_102 : vector<128x128xi32>
    %sign3A_104 = arith.constant 0 : i32
    %sign3A_105 = vector.broadcast %sign3A_104 : i32 to vector<128x128xi32>
    %sign3A_106 = arith.cmpi sgt, %iota3A_69, %sign3A_105 : vector<128x128xi32>
    %sign3A_107 = arith.extui %sign3A_106 : vector<128x128xi1> to vector<128x128xi32>
    %sign3A_108 = arith.constant 0 : i32
    %sign3A_109 = vector.broadcast %sign3A_108 : i32 to vector<128x128xi32>
    %sign3A_110 = arith.cmpi slt, %iota3A_69, %sign3A_109 : vector<128x128xi32>
    %sign3A_111 = arith.extui %sign3A_110 : vector<128x128xi1> to vector<128x128xi32>
    %sign3A_112 = arith.subi %sign3A_107, %sign3A_111 : vector<128x128xi32>
    %sign3A_113 = arith.constant 0 : i32
    %sign3A_114 = arith.cmpi sgt, %jit3A_101, %sign3A_113 : i32
    %sign3A_115 = arith.extui %sign3A_114 : i1 to i32
    %sign3A_116 = arith.constant 0 : i32
    %sign3A_117 = arith.cmpi slt, %jit3A_101, %sign3A_116 : i32
    %sign3A_118 = arith.extui %sign3A_117 : i1 to i32
    %sign3A_119 = arith.subi %sign3A_115, %sign3A_118 : i32
    %ne3A_120 = vector.broadcast %sign3A_119 : i32 to vector<128x128xi32>
    %ne3A_121 = arith.cmpi ne, %sign3A_112, %ne3A_120 : vector<128x128xi32>
    %rem3A_122 = vector.broadcast %jit3A_101 : i32 to vector<128x128xi32>
    %rem3A_123 = arith.remsi %iota3A_69, %rem3A_122 : vector<128x128xi32>
    %ne3A_124 = arith.constant 0 : i32
    %ne3A_125 = vector.broadcast %ne3A_124 : i32 to vector<128x128xi32>
    %ne3A_126 = arith.cmpi ne, %rem3A_123, %ne3A_125 : vector<128x128xi32>
    %and3A_127 = arith.andi %ne3A_121, %ne3A_126 : vector<128x128xi1>
    %sub3A_128 = arith.constant 1 : i32
    %sub3A_129 = vector.broadcast %sub3A_128 : i32 to vector<128x128xi32>
    %sub3A_130 = arith.subi %div3A_103, %sub3A_129 : vector<128x128xi32>
    %select_n3A_131 = arith.select %and3A_127, %sub3A_130, %div3A_103 : vector<128x128xi1>, vector<128x128xi32>
    %eq3A_132 = arith.cmpi eq, %select_n3A_100, %select_n3A_131 : vector<128x128xi32>
    %jit3A_133 = arith.constant 0.000000e+00 : f32
    %broadcast_in_dim3A_134 = vector.broadcast %jit3A_133 : f32 to vector<128x128xf32>
    %select_n3A_135 = arith.select %eq3A_132, %concatenate3A_67, %broadcast_in_dim3A_134 : vector<128x128xi1>, vector<128x128xf32>
    %concatenate3A_136 = tpu.concatenate %select_n3A_62, %select_n3A_135 in 1 : vector<128x128xf32>, vector<128x128xf32> -> vector<128x256xf32>
    %dot_general3A = arith.constant dense<0.000000e+00> : vector<2304x256xf32>
    %dot_general3A_137 = tpu.matmul %get3A_1, %concatenate3A_136, %dot_general3A {dimension_numbers = #tpu.dot_dimension_numbers<[1], [0], [0], [1], [0, 0, 1, 1], [], []>, precision = #tpu.contract_precision<fp32>, transpose_lhs_hint = false} : vector<2304x128xf32>, vector<128x256xf32>, vector<2304x256xf32> -> vector<2304x256xf32>
    %slice3A = vector.extract_strided_slice %dot_general3A_137 {offsets = [0, 0], sizes = [2304, 128], strides = [1, 1]} : vector<2304x256xf32> to vector<2304x128xf32>
    %slice3A_138 = vector.extract_strided_slice %dot_general3A_137 {offsets = [0, 128], sizes = [2304, 128], strides = [1, 1]} : vector<2304x256xf32> to vector<2304x128xf32>
    %iota3A_139 = tpu.iota {dimensions = array<i32: 0>} : vector<87x96xi32>
    %get3A_140 = arith.constant 0 : index
    %get3A_141 = vector.load %arg1[%get3A_140] : memref<96xi32, #tpu.memory_space<vmem>>, vector<96xi32>
    %broadcast_in_dim3A_142 = vector.shape_cast %get3A_141 : vector<96xi32> to vector<1x96xi32>
    %broadcast_in_dim3A_143 = vector.shape_cast %broadcast_in_dim3A_142 : vector<1x96xi32> to vector<1x96xi32>
    %broadcast_in_dim3A_144 = vector.broadcast %broadcast_in_dim3A_143 : vector<1x96xi32> to vector<87x96xi32>
    %eq3A_145 = arith.cmpi eq, %broadcast_in_dim3A_144, %iota3A_139 : vector<87x96xi32>
    %convert_element_type3A = arith.extui %eq3A_145 : vector<87x96xi1> to vector<87x96xi32>
    %convert_element_type3A_146 = arith.sitofp %convert_element_type3A : vector<87x96xi32> to vector<87x96xf32>
    %get3A_147 = arith.constant 0 : index
    %get3A_148 = arith.constant 0 : index
    %get3A_149 = vector.load %arg2[%get3A_147, %get3A_148] : memref<87x32xf32, #tpu.memory_space<vmem>>, vector<87x32xf32>
    %dot_general3A_150 = arith.constant dense<0.000000e+00> : vector<96x32xf32>
    %dot_general3A_151 = tpu.matmul %convert_element_type3A_146, %get3A_149, %dot_general3A_150 {dimension_numbers = #tpu.dot_dimension_numbers<[0], [0], [1], [1], [0, 1, 1, 1], [], []>, precision = #tpu.contract_precision<fp32>, transpose_lhs_hint = false} : vector<87x96xf32>, vector<87x32xf32>, vector<96x32xf32> -> vector<96x32xf32>
    %get3A_152 = arith.constant 0 : index
    %get3A_153 = arith.constant 0 : index
    %get3A_154 = vector.load %arg8[%get3A_152, %get3A_153] : memref<96x96xf32, #tpu.memory_space<vmem>>, vector<96x96xf32>
    %iota3A_155 = tpu.iota {dimensions = array<i32: 0>} : vector<96x2304xi32>
    %iota3A_156 = tpu.iota {dimensions = array<i32: 1>} : vector<96x2304xi32>
    %mul3A = arith.constant 24 : i32
    %mul3A_157 = vector.broadcast %mul3A : i32 to vector<96x2304xi32>
    %mul3A_158 = arith.muli %iota3A_155, %mul3A_157 : vector<96x2304xi32>
    %ge3A = arith.cmpi sge, %iota3A_156, %mul3A_158 : vector<96x2304xi32>
    %add3A = arith.constant 1 : i32
    %add3A_159 = vector.broadcast %add3A : i32 to vector<96x2304xi32>
    %add3A_160 = arith.addi %iota3A_155, %add3A_159 : vector<96x2304xi32>
    %mul3A_161 = arith.constant 24 : i32
    %mul3A_162 = vector.broadcast %mul3A_161 : i32 to vector<96x2304xi32>
    %mul3A_163 = arith.muli %add3A_160, %mul3A_162 : vector<96x2304xi32>
    %lt3A = arith.cmpi slt, %iota3A_156, %mul3A_163 : vector<96x2304xi32>
    %and3A_164 = arith.andi %ge3A, %lt3A : vector<96x2304xi1>
    %convert_element_type3A_165 = arith.extui %and3A_164 : vector<96x2304xi1> to vector<96x2304xi32>
    %convert_element_type3A_166 = arith.sitofp %convert_element_type3A_165 : vector<96x2304xi32> to vector<96x2304xf32>
    %dot_general3A_167 = arith.constant dense<0.000000e+00> : vector<96x32xf32>
    %dot_general3A_168 = tpu.matmul %get3A_154, %dot_general3A_151, %dot_general3A_167 {dimension_numbers = #tpu.dot_dimension_numbers<[1], [0], [0], [1], [0, 0, 1, 1], [], []>, precision = #tpu.contract_precision<fp32>, transpose_lhs_hint = false} : vector<96x96xf32>, vector<96x32xf32>, vector<96x32xf32> -> vector<96x32xf32>
    %slice3A_169 = vector.extract_strided_slice %dot_general3A_168 {offsets = [0, 0], sizes = [24, 32], strides = [1, 1]} : vector<96x32xf32> to vector<24x32xf32>
    %slice3A_170 = vector.extract_strided_slice %dot_general3A_168 {offsets = [24, 0], sizes = [24, 32], strides = [1, 1]} : vector<96x32xf32> to vector<24x32xf32>
    %slice3A_171 = vector.extract_strided_slice %dot_general3A_168 {offsets = [48, 0], sizes = [24, 32], strides = [1, 1]} : vector<96x32xf32> to vector<24x32xf32>
    %slice3A_172 = vector.extract_strided_slice %dot_general3A_168 {offsets = [72, 0], sizes = [24, 32], strides = [1, 1]} : vector<96x32xf32> to vector<24x32xf32>
    %concatenate3A_173 = tpu.concatenate %slice3A_169, %slice3A_170, %slice3A_171, %slice3A_172 in 1 : vector<24x32xf32>, vector<24x32xf32>, vector<24x32xf32>, vector<24x32xf32> -> vector<24x128xf32>
    %broadcast_in_dim3A_174 = vector.shape_cast %concatenate3A_173 : vector<24x128xf32> to vector<1x24x128xf32>
    %broadcast_in_dim3A_175 = vector.shape_cast %broadcast_in_dim3A_174 : vector<1x24x128xf32> to vector<1x24x128xf32>
    %broadcast_in_dim3A_176 = vector.broadcast %broadcast_in_dim3A_175 : vector<1x24x128xf32> to vector<96x24x128xf32>
    %reshape3A = vector.shape_cast %broadcast_in_dim3A_176 : vector<96x24x128xf32> to vector<2304x128xf32>
    %mul3A_177 = arith.mulf %slice3A_138, %reshape3A : vector<2304x128xf32>
    %dot_general3A_178 = arith.constant dense<0.000000e+00> : vector<96x128xf32>
    %dot_general3A_179 = tpu.matmul %convert_element_type3A_166, %mul3A_177, %dot_general3A_178 {dimension_numbers = #tpu.dot_dimension_numbers<[1], [0], [0], [1], [0, 0, 1, 1], [], []>, precision = #tpu.contract_precision<fp32>, transpose_lhs_hint = false} : vector<96x2304xf32>, vector<2304x128xf32>, vector<96x128xf32> -> vector<96x128xf32>
    %slice3A_180 = vector.extract_strided_slice %dot_general3A_179 {offsets = [0, 0], sizes = [96, 32], strides = [1, 1]} : vector<96x128xf32> to vector<96x32xf32>
    %slice3A_181 = vector.extract_strided_slice %dot_general3A_179 {offsets = [0, 32], sizes = [96, 32], strides = [1, 1]} : vector<96x128xf32> to vector<96x32xf32>
    %add3A_182 = arith.addf %slice3A_180, %slice3A_181 : vector<96x32xf32>
    %slice3A_183 = vector.extract_strided_slice %dot_general3A_179 {offsets = [0, 64], sizes = [96, 32], strides = [1, 1]} : vector<96x128xf32> to vector<96x32xf32>
    %slice3A_184 = vector.extract_strided_slice %dot_general3A_179 {offsets = [0, 96], sizes = [96, 32], strides = [1, 1]} : vector<96x128xf32> to vector<96x32xf32>
    %add3A_185 = arith.addf %slice3A_183, %slice3A_184 : vector<96x32xf32>
    %add3A_186 = arith.addf %add3A_182, %add3A_185 : vector<96x32xf32>
    %add3A_187 = arith.addf %dot_general3A_151, %add3A_186 : vector<96x32xf32>
    %get3A_188 = arith.constant 0 : index
    %get3A_189 = arith.constant 0 : index
    %get3A_190 = vector.load %arg5[%get3A_188, %get3A_189] : memref<32x32xf32, #tpu.memory_space<vmem>>, vector<32x32xf32>
    %dot_general3A_191 = arith.constant dense<0.000000e+00> : vector<96x32xf32>
    %dot_general3A_192 = tpu.matmul %add3A_187, %get3A_190, %dot_general3A_191 {dimension_numbers = #tpu.dot_dimension_numbers<[1], [0], [0], [1], [0, 0, 1, 1], [], []>, precision = #tpu.contract_precision<fp32>, transpose_lhs_hint = false} : vector<96x32xf32>, vector<32x32xf32>, vector<96x32xf32> -> vector<96x32xf32>
    %neg3A = arith.constant 0.000000e+00 : f32
    %neg3A_193 = vector.broadcast %neg3A : f32 to vector<96x32xf32>
    %neg3A_194 = arith.subf %neg3A_193, %dot_general3A_192 : vector<96x32xf32>
    %exp3A = math.exp %neg3A_194 : vector<96x32xf32>
    %add3A_195 = arith.constant 1.000000e+00 : f32
    %add3A_196 = vector.broadcast %add3A_195 : f32 to vector<96x32xf32>
    %add3A_197 = arith.addf %add3A_196, %exp3A : vector<96x32xf32>
    %div3A_198 = arith.divf %dot_general3A_192, %add3A_197 : vector<96x32xf32>
    %get3A_199 = arith.constant 0 : index
    %get3A_200 = arith.constant 0 : index
    %get3A_201 = vector.load %arg6[%get3A_199, %get3A_200] : memref<32x32xf32, #tpu.memory_space<vmem>>, vector<32x32xf32>
    %dot_general3A_202 = arith.constant dense<0.000000e+00> : vector<96x32xf32>
    %dot_general3A_203 = tpu.matmul %div3A_198, %get3A_201, %dot_general3A_202 {dimension_numbers = #tpu.dot_dimension_numbers<[1], [0], [0], [1], [0, 0, 1, 1], [], []>, precision = #tpu.contract_precision<fp32>, transpose_lhs_hint = false} : vector<96x32xf32>, vector<32x32xf32>, vector<96x32xf32> -> vector<96x32xf32>
    %add3A_204 = arith.addf %add3A_187, %dot_general3A_203 : vector<96x32xf32>
    %dot_general3A_205 = arith.constant dense<0.000000e+00> : vector<96x32xf32>
    %dot_general3A_206 = tpu.matmul %get3A_154, %add3A_204, %dot_general3A_205 {dimension_numbers = #tpu.dot_dimension_numbers<[1], [0], [0], [1], [0, 0, 1, 1], [], []>, precision = #tpu.contract_precision<fp32>, transpose_lhs_hint = false} : vector<96x96xf32>, vector<96x32xf32>, vector<96x32xf32> -> vector<96x32xf32>
    %slice3A_207 = vector.extract_strided_slice %dot_general3A_206 {offsets = [0, 0], sizes = [24, 32], strides = [1, 1]} : vector<96x32xf32> to vector<24x32xf32>
    %slice3A_208 = vector.extract_strided_slice %dot_general3A_206 {offsets = [24, 0], sizes = [24, 32], strides = [1, 1]} : vector<96x32xf32> to vector<24x32xf32>
    %slice3A_209 = vector.extract_strided_slice %dot_general3A_206 {offsets = [48, 0], sizes = [24, 32], strides = [1, 1]} : vector<96x32xf32> to vector<24x32xf32>
    %slice3A_210 = vector.extract_strided_slice %dot_general3A_206 {offsets = [72, 0], sizes = [24, 32], strides = [1, 1]} : vector<96x32xf32> to vector<24x32xf32>
    %concatenate3A_211 = tpu.concatenate %slice3A_207, %slice3A_208, %slice3A_209, %slice3A_210 in 1 : vector<24x32xf32>, vector<24x32xf32>, vector<24x32xf32>, vector<24x32xf32> -> vector<24x128xf32>
    %broadcast_in_dim3A_212 = vector.shape_cast %concatenate3A_211 : vector<24x128xf32> to vector<1x24x128xf32>
    %broadcast_in_dim3A_213 = vector.shape_cast %broadcast_in_dim3A_212 : vector<1x24x128xf32> to vector<1x24x128xf32>
    %broadcast_in_dim3A_214 = vector.broadcast %broadcast_in_dim3A_213 : vector<1x24x128xf32> to vector<96x24x128xf32>
    %reshape3A_215 = vector.shape_cast %broadcast_in_dim3A_214 : vector<96x24x128xf32> to vector<2304x128xf32>
    %mul3A_216 = arith.mulf %slice3A, %reshape3A_215 : vector<2304x128xf32>
    %dot_general3A_217 = arith.constant dense<0.000000e+00> : vector<96x128xf32>
    %dot_general3A_218 = tpu.matmul %convert_element_type3A_166, %mul3A_216, %dot_general3A_217 {dimension_numbers = #tpu.dot_dimension_numbers<[1], [0], [0], [1], [0, 0, 1, 1], [], []>, precision = #tpu.contract_precision<fp32>, transpose_lhs_hint = false} : vector<96x2304xf32>, vector<2304x128xf32>, vector<96x128xf32> -> vector<96x128xf32>
    %slice3A_219 = vector.extract_strided_slice %dot_general3A_218 {offsets = [0, 0], sizes = [96, 32], strides = [1, 1]} : vector<96x128xf32> to vector<96x32xf32>
    %slice3A_220 = vector.extract_strided_slice %dot_general3A_218 {offsets = [0, 32], sizes = [96, 32], strides = [1, 1]} : vector<96x128xf32> to vector<96x32xf32>
    %add3A_221 = arith.addf %slice3A_219, %slice3A_220 : vector<96x32xf32>
    %slice3A_222 = vector.extract_strided_slice %dot_general3A_218 {offsets = [0, 64], sizes = [96, 32], strides = [1, 1]} : vector<96x128xf32> to vector<96x32xf32>
    %slice3A_223 = vector.extract_strided_slice %dot_general3A_218 {offsets = [0, 96], sizes = [96, 32], strides = [1, 1]} : vector<96x128xf32> to vector<96x32xf32>
    %add3A_224 = arith.addf %slice3A_222, %slice3A_223 : vector<96x32xf32>
    %add3A_225 = arith.addf %add3A_221, %add3A_224 : vector<96x32xf32>
    %mul3A_226 = arith.mulf %add3A_204, %add3A_225 : vector<96x32xf32>
    %get3A_227 = arith.constant 0 : index
    %get3A_228 = arith.constant 0 : index
    %get3A_229 = vector.load %arg7[%get3A_227, %get3A_228] : memref<32x32xf32, #tpu.memory_space<vmem>>, vector<32x32xf32>
    %dot_general3A_230 = arith.constant dense<0.000000e+00> : vector<96x32xf32>
    %dot_general3A_231 = tpu.matmul %mul3A_226, %get3A_229, %dot_general3A_230 {dimension_numbers = #tpu.dot_dimension_numbers<[1], [0], [0], [1], [0, 0, 1, 1], [], []>, transpose_lhs_hint = false} : vector<96x32xf32>, vector<32x32xf32>, vector<96x32xf32> -> vector<96x32xf32>
    %swap3A = arith.constant 0 : index
    %swap3A_232 = arith.constant 0 : index
    %swap3A_233 = vector.load %arg9[%swap3A, %swap3A_232] : memref<96x32xf32, #tpu.memory_space<vmem>>, vector<96x32xf32>
    tpu.vector_store %arg9[%swap3A, %swap3A_232], %dot_general3A_231 {strides = array<i32>} : memref<96x32xf32, #tpu.memory_space<vmem>>, vector<96x32xf32>,
    return
  }
}

</mosaic_0001>

<sc_bundles>
// kernel: kernel.4.cloned.1.call-start
scs
__scs_entry_jumppad:
0x0: {  	(pc) =	sbr.rel $0x88, $3  }
0x1: {  	(tag) =	ssettag $0x0;
	lr =	simm.s32 $0x1  }
0x2: {  	[smem:$0x3F98] =	sst lr;
	_ =	strace $0xD0000000  }
0x3: {  	_ = 	snop  }
0x4: {  	_ = 	snop  }
0x5: {  	_ = 	snop  }
0x6: {  	_ = 	snop  }
0x7: {  	_ = 	snop  }
__scs_overlays_trampoline_lowered:
0x8: {  	[smem:$0x3FA7] =	sst s0  }
0x9: {  	[smem:$0x3FA8] =	sst s1  }
0xa: {  	[smem:$0x3FA9] =	sst s2  }
0xb: {  	[smem:$0x3FAA] =	sst s3  }
0xc: {  	[smem:$0x3FAB] =	sst s4  }
0xd: {  	[smem:$0x3FAC] =	sst s5  }
0xe: {  	[smem:$0x3FAD] =	sst s6  }
0xf: {  	[smem:$0x3FAE] =	sst s7  }
0x10: {  	[smem:$0x3FAF] =	sst s8  }
0x11: {  	[smem:$0x3FB0] =	sst s9;
	s0 =	simm.s32 @!p0 $0x0  }
0x12: {  	s1 =	sld [smem:$0x3F96];
	s0 =	simm.s32 @p0 $0x1  }
0x13: {  	[smem:$0x3FB1] =	sst s0;
	s0 =	simm.s32 @!p1 $0x0  }
0x14: {  	s2 =	sld [smem:$0x3F95];
	s0 =	simm.s32 @p1 $0x1  }
0x15: {  	[smem:$0x3FB2] =	sst s0;
	s0 =	simm.s32 @!p2 $0x0  }
0x16: {  	s3 =	sld [smem:$0x3FDB];
	s0 =	simm.s32 @p2 $0x1  }
0x17: {  	s4 =	simm.s32 $0x1BF5;
	[smem:$0x3FB4] =	sst s0  }
0x18: {  	s0 =	sld [smem:$0x3F97];
	_ =	swait.ge [sflag:s4], $0x0  }
0x19: {  	s7 =	sld [smem:$0x3F98]  }
0x1a: {  	s8 =	sadd.s32 $0xFFFFE003, lr  }
0x1b: {  	s9 =	sadd.s32 $0xFFFFFEF7, lr;
	s5 =	simm.s32 $0xFFFFFFFF;
	p2 =	slt.u32 s8, $0xFFFFF086  }
0x1c: {  	p1 =	slt.u32 s9, $0xF7A;
	s5 =	simm.s32 @!p2 $0x0  }
0x1d: {  	s5 =	simm.s32 @p1 $0x1;
	p0 =	seq.s32 s7, s2  }
0x1e: {  	s7 =	smul.u32 @!p0 $0xF7A, s2;
	p2 =	seq.s32 @!p0 s5, $0x0  }
0x1f: {  	s9 =	smul.u32 $0xF7A, s1;
	s8 =	simm.s32 @!p0 $0x1BF5;
	p2 =	por !p2, p0  }
0x20: {  	[sflag:s8] =	ssyncset.s32 @!p0 $0xFFFFF086;
	s6 =	sadd.s32 @!p0 s3, s7;
	s7 =	simm.s32 @!p0 $0x108  }
0x21: {  	s3 =	sadd.s32 s3, s9;
	s6 =	sadd.s32 @!p0 $0x88, s6;
	s7 =	simm.s32 @p2 $0x1082  }
0x22: {  	[simem:s7], [sflag:s8] =	dma.local @!p0 [hbm:s6], $0xF7A  }
0x23: {  	s9 =	sor.u32 $0xD0000000, s2;
	s6 =	simm.s32 $0x108;
	_ =	swait.ge @!p0 [sflag:s8], $0x0  }
0x24: {  	s3 =	sadd.s32 $0x88, s3;
	s6 =	simm.s32 @!p1 $0x1082;
	[sflag:s4] =	ssyncset.s32 $0xFFFFF086  }
0x25: {  	[simem:s6], [sflag:s4] =	dma.local [hbm:s3], $0xF7A  }
0x26: {  	[smem:$0x3F98] =	sst s1;
	(tag) =	ssettag s2;
	_ =	strace s9  }
0x27: {  	s1 =	sld [smem:$0x3FA8]  }
0x28: {  	s2 =	sld [smem:$0x3FA9]  }
0x29: {  	s4 =	sld [smem:$0x3FAB]  }
0x2a: {  	p0 =	seq.s32 s5, $0x0;
	s5 =	sld [smem:$0x3FAC]  }
0x2b: {  	s6 =	sld [smem:$0x3FAD]  }
0x2c: {  	s7 =	sld [smem:$0x3FAE]  }
0x2d: {  	s3 =	simm.s32 $0x108;
	s8 =	sld [smem:$0x3FAF]  }
0x2e: {  	s3 =	simm.s32 @!p0 $0x1082;
	s9 =	sld [smem:$0x3FB0]  }
0x2f: {  	lr =	sadd.s32 s0, s3;
	s0 =	sld [smem:$0x3FA7]  }
0x30: {  	s3 =	sld [smem:$0x3FAA]  }
0x31: {  	[smem:$0x3FB3] =	sst s10  }
0x32: {  	s10 =	sld [smem:$0x3FB1];
	_ =	sdelay $0x3  }
0x33: {  	p0 =	seq.s32 s10, $0x1;
	s10 =	sld [smem:$0x3FB3];
	_ =	sdelay $0x3  }
0x34: {  	[smem:$0x3FB3] =	sst s10  }
0x35: {  	s10 =	sld [smem:$0x3FB2];
	_ =	sdelay $0x3  }
0x36: {  	p1 =	seq.s32 s10, $0x1;
	s10 =	sld [smem:$0x3FB3];
	_ =	sdelay $0x3  }
0x37: {  	[smem:$0x3FB3] =	sst s10  }
0x38: {  	s10 =	sld [smem:$0x3FB4]  }
0x39: {  	_ = 	snop;
	(pc) =	sbr.ind lr, $3  }
0x3a: {  	_ = 	snop  }
0x3b: {  	_ = 	snop  }
0x3c: {  	p2 =	seq.s32 s10, $0x1;
	s10 =	sld [smem:$0x3FB3]  }
0x3d: {  	_ =	shalt  }
0x3e: {  	_ =	shalt  }
0x3f: {  	_ =	shalt  }
0x40: {  	_ =	shalt  }
0x41: {  	_ =	shalt  }
0x42: {  	_ =	shalt  }
0x43: {  	_ =	shalt  }
0x44: {  	_ =	shalt  }
0x45: {  	_ =	shalt  }
0x46: {  	_ =	shalt  }
0x47: {  	_ =	shalt  }
0x48: {  	_ =	shalt  }
0x49: {  	_ =	shalt  }
0x4a: {  	_ =	shalt  }
0x4b: {  	_ =	shalt  }
0x4c: {  	_ =	shalt  }
0x4d: {  	_ =	shalt  }
0x4e: {  	_ =	shalt  }
0x4f: {  	_ =	shalt  }
0x50: {  	_ =	shalt  }
0x51: {  	_ =	shalt  }
0x52: {  	_ =	shalt  }
0x53: {  	_ =	shalt  }
0x54: {  	_ =	shalt  }
0x55: {  	_ =	shalt  }
0x56: {  	_ =	shalt  }
0x57: {  	_ =	shalt  }
0x58: {  	_ =	shalt  }
0x59: {  	_ =	shalt  }
0x5a: {  	_ =	shalt  }
0x5b: {  	_ =	shalt  }
0x5c: {  	_ =	shalt  }
0x5d: {  	_ =	shalt  }
0x5e: {  	_ =	shalt  }
0x5f: {  	_ =	shalt  }
0x60: {  	_ =	shalt  }
0x61: {  	_ =	shalt  }
0x62: {  	_ =	shalt  }
0x63: {  	_ =	shalt  }
0x64: {  	_ =	shalt  }
0x65: {  	_ =	shalt  }
0x66: {  	_ =	shalt  }
0x67: {  	_ =	shalt  }
0x68: {  	_ =	shalt  }
0x69: {  	_ =	shalt  }
0x6a: {  	_ =	shalt  }
0x6b: {  	_ =	shalt  }
0x6c: {  	_ =	shalt  }
0x6d: {  	_ =	shalt  }
0x6e: {  	_ =	shalt  }
0x6f: {  	_ =	shalt  }
0x70: {  	_ =	shalt  }
0x71: {  	_ =	shalt  }
0x72: {  	_ =	shalt  }
0x73: {  	_ =	shalt  }
0x74: {  	_ =	shalt  }
0x75: {  	_ =	shalt  }
0x76: {  	_ =	shalt  }
0x77: {  	_ =	shalt  }
0x78: {  	_ =	shalt  }
0x79: {  	_ =	shalt  }
0x7a: {  	_ =	shalt  }
0x7b: {  	_ =	shalt  }
0x7c: {  	_ =	shalt  }
0x7d: {  	_ =	shalt  }
0x7e: {  	_ =	shalt  }
0x7f: {  	_ =	shalt  }
0x80: {  	_ =	shalt  }
0x81: {  	_ =	shalt  }
0x82: {  	_ =	shalt  }
0x83: {  	_ =	shalt  }
0x84: {  	_ =	shalt  }
0x85: {  	_ =	shalt  }
0x86: {  	_ =	shalt  }
0x87: {  	_ =	shalt  }
.Lfunc_end0:
.L_simem_size_0:
called_computation_lowered:
.L_overlay_start_0:
0x88: {  	s2 =	sld [smem:$0x3FD9]  }
0x89: {  	s3 =	sld [smem:$0x3FFE];
	_ =	sdelay $0x1  }
0x8a: {  	s1 =	srdreg.scid  }
0x8b: {  	s0 =	sand.u32 $0x1, s1  }
0x8c: {  	s17 =	sshll.u32 s0, $0xA;
	s2 =	sadd.s32 s3, s2  }
0x8d: {  	s2 =	sadd.s32 s2, s17  }
0x8e: {  	[smem:$0x3FBF] =	sst s2  }
0x8f: {  	_ = 	snop  }
0x90: {  	s2 =	sld [smem:$0x3FD0];
	(tm) =	ssettm $0x1  }
0x91: {  	s18 =	sld [smem:$0x3FFB];
	_ =	sdelay $0x3  }
0x92: {  	_ =	strace s18  }
0x93: {  	s3 =	sld [smem:$0x3FFC];
	_ =	sdelay $0x3  }
0x94: {  	_ =	strace s3  }
0x95: {  	s3 =	sld [smem:$0x3FFD];
	_ =	sdelay $0x3  }
0x96: {  	_ =	strace s3  }
0x97: {  	_ =	strace $0x8FFFFFFF  }
0x98: {  	s19 =	sld [smem:$0x3FDB];
	_ =	sdelay $0x1  }
0x99: {  	s4 =	simm.s32 $_scs_section_size  }
0x9a: {  	s5 =	simm.s32 $_size__tile_overlayer_lowered;
	s6 =	simm.s32 $_tile_overlayer_lowered  }
0x9b: {  	s22 =	simm.s32 $0x1BFF;
	s21 =	sshll.u32 s6, $0x1;
	s3 =	sadd.s32 s4, s19  }
0x9c: {  	s7 =	simm.s32 $0x0;
	s20 =	sshll.u32 s5, $0x1;
	s5 =	sadd.s32 s21, s3  }
0x9d: {  	[timem:s7], [sflag:s22] =	dma.local [hbm:s5], s20  }
0x9e: {  	_ =	swait.ge [sflag:s22], s20  }
0x9f: {  	s4 =	ssub.s32 $0x0, s20;
	[sflag:s22] =	ssyncset.done $0x0  }
0xa0: {  	[sflag:s22] =	ssyncadd.s32 s4;
	_ =	sdelay $0x1  }
0xa1: {  	s23 =	simm.s32 $0x1B8B  }
0xa2: {  	_ =	swait.ge [sflag:s23], $0x1  }
0xa3: {  	[sflag:s23] =	ssyncset.done $0x0  }
0xa4: {  	s25 =	simm.s32 $0x1B8E;
	s24 =	sld [smem:$0x3FFE];
	[sflag:s23] =	ssyncadd.s32 $0xFFFFFFFF  }
0xa5: {  	s26 =	simm.s32 $execute0_lowered;
	[smem:$0x3FD2] =	sst s25  }
0xa6: {  	s5 =	sshll.u32 s26, $0x1;
	_ =	strace $0x80000046;
	[dreg:$0x1] =	wrdreg $0xFFFFFFFF  }
0xa7: {  	s28 =	simm.s32 $_size_execute0_lowered;
	s3 =	sadd.s32 s3, s5;
	[dreg:$0x0] =	wrdreg $0x0  }
0xa8: {  	s5 =	sshll.u32 s28, $0x1;
	[dreg:$0x2] =	wrdreg s3  }
0xa9: {  	[dreg:$0x3] =	wrdreg s5  }
0xaa: {  	[dreg:$0x4] =	wrdreg $0xC0  }
0xab: {  	_ =	task [dreg:s7], $0x5FFFF  }
0xac: {  	[dreg:$0x1] =	wrdreg $0xFFFFFFFF  }
0xad: {  	[dreg:$0x0] =	wrdreg $0x60  }
0xae: {  	[dreg:$0x2] =	wrdreg s24  }
0xaf: {  	[dreg:$0x3] =	wrdreg s2  }
0xb0: {  	[dreg:$0x4] =	wrdreg $0x9  }
0xb1: {  	_ =	task.clear_ibuf [dreg:s7], $0x5FFFF;
	_ =	strace $0x90000046  }
0xb2: {  	s29 =	simm.s32 $0x9;
	_ =	strace $0x80000048  }
0xb3: {  	_ =	swait.ge [sflag:s29], $0x1  }
0xb4: {  	[sflag:s29] =	ssyncadd.s32 $0xFFFFFFFF  }
0xb5: {  	_ =	strace $0x90000048  }
0xb6: {  	_ =	sfence  }
0xb7: {  	s30 =	sld [smem:$0x0];
	_ =	sdelay $0x2  }
0xb8: {  	s31 =	sshll.u32 s1, $0xD;
	s1 =	sshrl.u32 s1, $0x2  }
0xb9: {  	s3 =	sand.u32 $0x4000, s31;
	s1 =	sadd.s32 s1, s30  }
0xba: {  	s0 =	sor.u32 s3, s0;
	s1 =	sshll.u32 s1, $0x11  }
0xbb: {  	s0 =	sor.u32 s1, s0  }
0xbc: {  	s0 =	sadd.s32 $0x8F2B, s0  }
0xbd: {  	[sflag:s0] =	ssyncadd.remote.s32 $0x1  }
0xbe: {  	_ =	sfence.sel $0xFFFF  }
0xbf: {  	[dreg:$0x0] =	wrdreg $0xFFFFFFFF;
	(pc) =	sbr.abs _section_cstart, $3  }
0xc0: {  	[dreg:$0x1] =	wrdreg $0xFFFFFFFF  }
0xc1: {  	_ =	task.clear_ibuf [dreg:s7], $0x2FFFF;
	_ =	strace $0x9FFFFFFF  }
0xc2: {  	(tm) =	ssettm $0x7FFFFFFF  }
0xc3: {  	_ =	shalt  }
tec
execute0_lowered:
.L_overlay_start_1:
0x0: {  	(tag) =	ssettag $0x1  }
0x1: {  	s0 =	srdreg.scid  }
0x2: {  	s3 =	sand.u32 $0x1, s0  }
0x3: {  	s0 =	stileid.u32;
	s1 =	sshll.u32 s3, $0x4  }
0x4: {  	s1 =	sor.u32 s0, s1  }
0x5: {  	s2 =	smul.u32 $0x3, s1  }
0x6: {  	s1 =	smul.u32 $0x9, s1;
	_ =	sdelay $0x1  }
0x7: {  	v0 =	vmov s1  }
0x8: {  	s4 =	sadd.s32 $0x1, s2;
	v2 =	vadd.s32 $0x1, v0;
	[tilespmem:$0x1FD50] =	vst v0  }
0x9: {  	s5 =	smul.u32 $0x3, s4;
	v0 =	vadd.s32 $0x2, v0;
	[tilespmem:$0x1FD40] =	vst v2  }
0xa: {  	[tilespmem:$0x1FD60] =	vst v0;
	v2 =	vmov s4  }
0xb: {  	v0 =	vmov s5;
	[tilespmem:$0x1FD70] =	vst v2  }
0xc: {  	v3 =	vadd.s32 $0x1, v0;
	[tilespmem:$0x1FD90] =	vst v0  }
0xd: {  	s1 =	sadd.s32 $0x6, s1;
	v0 =	vadd.s32 $0x2, v0;
	[tilespmem:$0x1FD80] =	vst v3  }
0xe: {  	v2 =	vlaneseq.u32;
	v3 =	vmov s1;
	[tilespmem:$0x1FDA0] =	vst v0  }
0xf: {  	v63 =	vmul.u32 $0x20, v2;
	v0 =	vadd.s32 $0x1, v3;
	[tilespmem:$0x1FDC0] =	vst v3  }
0x10: {  	[tilespmem:$0x1FDB0] =	vst v0;
	v0 =	vadd.s32 $0x2, v3  }
0x11: {  	[tilespmem:$0x1FDD0] =	vst v0;
	v0 =	vor.u32 $0x2, v63  }
0x12: {  	s29 =	rddreg [dreg:$0x0];
	v1 =	vmov s2;
	s2 =	sadd.s32 $0x2, s2;
	[tilespmem:$0x1FDE0] =	vst v0;
	v0 =	vor.u32 $0x3, v63  }
0x13: {  	s30 =	rddreg [dreg:$0x1];
	v5 =	vmov s2;
	s2 =	simm.s32 $0x0;
	[tilespmem:$0x1FDF0] =	vst v0;
	v0 =	vor.u32 $0x4, v63  }
0x14: {  	[smem:$0x7FF] =	sst s2;
	[tilespmem:$0x1FE00] =	vst v0  }
0x15: {  	s1 =	rddreg [dreg:$0x2];
	_ =	strace $0x80000047;
	[tilespmem:$0x1FE10] =	vst v1  }
0x16: {  	v23 =	vor.u32 $0x5, v63;
	[tilespmem:$0x1FE20] =	vst v5  }
0x17: {  	v24 =	vor.u32 $0x6, v63;
	[tilespmem:$0x1FE30] =	vst v23  }
0x18: {  	v17 =	vor.u32 $0x8, v63;
	[tilespmem:$0x1FE40] =	vst v24  }
0x19: {  	v11 =	vor.u32 $0x9, v63;
	[tilespmem:$0x1FE50] =	vst v17  }
0x1a: {  	v13 =	vor.u32 $0xA, v63;
	[tilespmem:$0x1FE60] =	vst v11  }
0x1b: {  	v29 =	vor.u32 $0xB, v63;
	[tilespmem:$0x1FE70] =	vst v13  }
0x1c: {  	v19 =	vor.u32 $0xC, v63;
	[tilespmem:$0x1FE80] =	vst v29  }
0x1d: {  	v22 =	vor.u32 $0xD, v63;
	[tilespmem:$0x1FE90] =	vst v19  }
0x1e: {  	v9 =	vor.u32 $0xE, v63;
	[tilespmem:$0x1FEA0] =	vst v22  }
0x1f: {  	v10 =	vor.u32 $0xF, v63;
	[tilespmem:$0x1FEB0] =	vst v9  }
0x20: {  	v14 =	vor.u32 $0x10, v63;
	[tilespmem:$0x1FEC0] =	vst v10  }
0x21: {  	v8 =	vor.u32 $0x11, v63;
	[tilespmem:$0x1FED0] =	vst v14  }
0x22: {  	v16 =	vor.u32 $0x12, v63;
	[tilespmem:$0x1FEE0] =	vst v8  }
0x23: {  	v20 =	vor.u32 $0x13, v63;
	[tilespmem:$0x1FEF0] =	vst v16  }
0x24: {  	v7 =	vor.u32 $0x14, v63;
	[tilespmem:$0x1FF00] =	vst v20  }
0x25: {  	v18 =	vor.u32 $0x15, v63;
	[tilespmem:$0x1FF10] =	vst v7  }
0x26: {  	v6 =	vor.u32 $0x16, v63;
	[tilespmem:$0x1FF20] =	vst v18  }
0x27: {  	v21 =	vor.u32 $0x17, v63;
	[tilespmem:$0x1FF30] =	vst v6  }
0x28: {  	v15 =	vor.u32 $0x18, v63;
	[tilespmem:$0x1FF40] =	vst v21  }
0x29: {  	v12 =	vor.u32 $0x19, v63;
	[tilespmem:$0x1FF50] =	vst v15  }
0x2a: {  	v26 =	vor.u32 $0x1A, v63;
	[tilespmem:$0x1FF60] =	vst v12  }
0x2b: {  	v27 =	vor.u32 $0x1B, v63;
	[tilespmem:$0x1FF70] =	vst v26  }
0x2c: {  	v4 =	vor.u32 $0x1C, v63;
	[tilespmem:$0x1FF80] =	vst v27  }
0x2d: {  	v28 =	vor.u32 $0x1D, v63;
	[tilespmem:$0x1FF90] =	vst v4  }
0x2e: {  	s9 =	simm.s32 $0x130;
	s10 =	simm.s32 $0x330;
	s6 =	ssub.s32 $0x2, s3;
	v3 =	vor.u32 $0x1E, v63;
	[tilespmem:$0x1FFA0] =	vst v28  }
0x2f: {  	s11 =	simm.s32 $0x1;
	s3 =	smul.u32 $0x4800, s3;
	s7 =	sshrl.u32 s6, $0x1;
	v30 =	vor.u32 $0x1F, v63;
	[tilespmem:$0x1FFB0] =	vst v3  }
0x30: {  	s12 =	simm.s32 $0x2;
	s8 =	smul.u32 $0x480, s0;
	s6 =	ssub.s32 s6, s7;
	v25 =	vor.u32 $0x7, v63;
	[tilespmem:$0x1FFC0] =	vst v30  }
0x31: {  	s13 =	simm.s32 $0x0;
	s4 =	smax.u32 s6, $0x1;
	s5 =	sadd.s32 s3, s30;
	v47 =	vor.u32 $0x1, v63;
	[tilespmem:$0x1FFD0] =	vst v25  }
0x32: {  	s3 =	sadd.s32 $0x1600, s29;
	s31 =	sadd.s32 s8, s5;
	s8 =	simm.s32 $0x3;
	[tilespmem:$0x1FFE0] =	vst v47  }
0x33: {  	s5 =	sadd.s32 $0x40, s31;
	s6 =	sadd.s32 $0x180, s31;
	s7 =	sadd.s32 $0x300, s31;
	[tilespmem:$0x1FFF0] =	vst v63  }
.LBB2_1:
0x34: {  	v0 =	vimm.s32 $0x120  }
0x35: {  	[tilespmem:s2], [sflag:$0x3] =	stream.linear.gather [hbm4b:s3+s2], $0x130, $0x38;
	[tilespmem:$0x530] =	vst v63  }
0x36: {  	_ =	swait.ge [sflag:s8], $0x130  }
0x37: {  	[sflag:s8] =	ssyncset.done $0x0  }
0x38: {  	[sflag:s8] =	ssyncadd.s32 $0xFFFFFED0  }
0x39: {  	v46 =	vld.idx.msk [tilespmem:v0+s2+$0x0], $0xffff;
	_ =	sdelay $0x4  }
0x3a: {  	v47 =	vmul.f32 $1.442695020e+00, v46;
	_ =	sdelay $0x1  }
0x3b: {  	(erf) = vpow2.f32 v47;
	_ =	sdelay $0x8  }
0x3c: {  	v47 =	vpop (erf)  }
0x3d: {  	v47 =	vadd.f32 $1.000000000e+00, v47;
	_ =	sdelay $0x1  }
0x3e: {  	v48 =	vshrl.u32 v47, $0x17  }
0x3f: {  	v49 =	vand.u32 $0x7FFFFF, v47;
	v48 =	vand.u32 $0xFF, v48  }
0x40: {  	v49 =	vor.u32 $0x3F800000, v49;
	v48 =	vadd.s32 $0xFFFFFF81, v48  }
0x41: {  	v49 =	vadd.f32 $-1.000000000e+00, v49;
	v48 =	vcvt.s32.f32 v48;
	_ =	sdelay $0x1  }
0x42: {  	v49 =	vmul.f32 $6.931471820e-01, v49;
	v48 =	vmul.f32 $6.931471820e-01, v48;
	_ =	sdelay $0x1  }
0x43: {  	v48 =	vadd.f32 v49, v48;
	_ =	sdelay $0x1  }
0x44: {  	v49 =	vsub.f32 $0.0e+00, v48;
	_ =	sdelay $0x1  }
0x45: {  	v49 =	vmul.f32 $1.442695020e+00, v49;
	_ =	sdelay $0x1  }
0x46: {  	(erf) = vpow2.f32 v49;
	_ =	sdelay $0x8  }
0x47: {  	v49 =	vpop (erf)  }
0x48: {  	v48 =	vadd.f32 $-1.000000000e+00, v48;
	v49 =	vmul.f32 v49, v47;
	_ =	sdelay $0x1  }
0x49: {  	v48 =	vadd.f32 v49, v48;
	_ =	sdelay $0x1  }
0x4a: {  	v49 =	vsub.f32 $0.0e+00, v48;
	_ =	sdelay $0x1  }
0x4b: {  	v49 =	vmul.f32 $1.442695020e+00, v49;
	_ =	sdelay $0x1  }
0x4c: {  	(erf) = vpow2.f32 v49;
	_ =	sdelay $0x8  }
0x4d: {  	v49 =	vpop (erf)  }
0x4e: {  	v48 =	vadd.f32 $-1.000000000e+00, v48;
	v49 =	vmul.f32 v49, v47;
	_ =	sdelay $0x1  }
0x4f: {  	v0 =	vld [tilespmem:$0x1FD50];
	v48 =	vadd.f32 v49, v48;
	_ =	sdelay $0x1  }
0x50: {  	v49 =	vsub.f32 $0.0e+00, v48;
	_ =	sdelay $0x1  }
0x51: {  	v49 =	vmul.f32 $1.442695020e+00, v49;
	_ =	sdelay $0x1  }
0x52: {  	(erf) = vpow2.f32 v49;
	_ =	sdelay $0x1  }
0x53: {  	v0 =	vld.idx.msk [tilespmem:v0+s2+$0x0], $0xffff;
	_ =	sdelay $0x4  }
0x54: {  	[tilespmem:$0x1FD10] =	vst v0;
	v0 =	vld [tilespmem:$0x1FD40];
	_ =	sdelay $0x1  }
0x55: {  	v49 =	vpop (erf)  }
0x56: {  	v48 =	vadd.f32 $-1.000000000e+00, v48;
	v49 =	vmul.f32 v49, v47;
	_ =	sdelay $0x1  }
0x57: {  	v48 =	vadd.f32 v49, v48;
	_ =	sdelay $0x1  }
0x58: {  	v49 =	vsub.f32 $0.0e+00, v48  }
0x59: {  	v0 =	vld.idx.msk [tilespmem:v0+s2+$0x0], $0xffff  }
0x5a: {  	v49 =	vmul.f32 $1.442695020e+00, v49;
	_ =	sdelay $0x1  }
0x5b: {  	(erf) = vpow2.f32 v49;
	_ =	sdelay $0x1  }
0x5c: {  	[tilespmem:$0x1FD20] =	vst v0;
	v0 =	vld [tilespmem:$0x1FD60];
	_ =	sdelay $0x6  }
0x5d: {  	v49 =	vpop (erf)  }
0x5e: {  	v0 =	vld.idx.msk [tilespmem:v0+s2+$0x0], $0xffff;
	v48 =	vadd.f32 $-1.000000000e+00, v48;
	v47 =	vmul.f32 v49, v47;
	_ =	sdelay $0x1  }
0x5f: {  	v48 =	vadd.f32 v47, v48  }
0x60: {  	vm0 =	vgt.f32 v46, $2.000000000e+01  }
0x61: {  	v46 =	vsel vm0, v46, v48  }
0x62: {  	s14 =	simm.s32 $0x10;
	s15 =	smov.u32 s5;
	[tilespmem:$0x1FD30] =	vst v0;
	v47 =	vmov v63;
	v48 =	vsub.f32 $0.0e+00, v46;
	v46 =	vld [tilespmem:$0x1FDF0]  }
.LBB2_2:
0x63: {  	s16 =	sadd.s32 $0xFFFFFFF0, s14  }
0x64: {  	v53 =	vor.u32 s16, v2  }
0x65: {  	v50 =	vmul.u32 $0x3, v53  }
0x66: {  	p0 =	seq.s32 s14, $0x10  }
0x67: {  	s16 =	simm.s32 @!p0 $0x1  }
0x68: {  	_ =	swait.ge @!p0 [sflag:s16], $0x200  }
0x69: {  	[sflag:s16] =	ssyncset.done @!p0 $0x0;
	v51 =	vadd.s32 $0x1, v50  }
0x6a: {  	v0 =	vld [tilespmem:$0x1FD10];
	v52 =	vadd.s32 $0x2, v50;
	[sflag:s16] =	ssyncadd.s32 @!p0 $0xFFFFFE00  }
0x6b: {  	v50 =	vld.idx.msk [tilespmem:v50+s2+$0x0], $0xffff;
	_ =	sdelay $0x1  }
0x6c: {  	v49 =	vld [tilespmem:$0x1FD20]  }
0x6d: {  	v51 =	vld.idx.msk [tilespmem:v51+s2+$0x0], $0xffff  }
0x6e: {  	v52 =	vld.idx.msk [tilespmem:v52+s2+$0x0], $0xffff  }
0x6f: {  	v50 =	vsub.f32 v50, v0;
	v0 =	vld [tilespmem:$0x1FD30];
	_ =	sdelay $0x2  }
0x70: {  	v51 =	vsub.f32 v51, v49;
	_ =	sdelay $0x1  }
0x71: {  	v50 =	vmul.f32 v50, v50;
	v51 =	vmul.f32 v51, v51;
	v52 =	vsub.f32 v52, v0;
	_ =	sdelay $0x1  }
0x72: {  	v50 =	vadd.f32 v51, v50;
	v37 =	vmul.f32 v52, v52;
	_ =	sdelay $0x1  }
0x73: {  	v50 =	vadd.f32 v37, v50;
	_ =	sdelay $0x1  }
0x74: {  	v50 =	vadd.f32 $9.999999960e-13, v50;
	_ =	sdelay $0x1  }
0x75: {  	v38 =	vshrl.u32 v50, $0x1;
	v39 =	vmul.f32 $5.000000000e-01, v50  }
0x76: {  	v51 =	vsub.s32 $0x5F3759DF, v38  }
0x77: {  	v54 =	vmul.f32 v51, v39;
	_ =	sdelay $0x1  }
0x78: {  	v54 =	vmul.f32 v51, v54;
	_ =	sdelay $0x1  }
0x79: {  	v54 =	vsub.f32 $1.500000000e+00, v54;
	_ =	sdelay $0x1  }
0x7a: {  	v51 =	vmul.f32 v51, v54;
	_ =	sdelay $0x1  }
0x7b: {  	v54 =	vmul.f32 v51, v39;
	_ =	sdelay $0x1  }
0x7c: {  	v54 =	vmul.f32 v54, v51;
	_ =	sdelay $0x1  }
0x7d: {  	v54 =	vsub.f32 $1.500000000e+00, v54;
	_ =	sdelay $0x1  }
0x7e: {  	v51 =	vmul.f32 v54, v51;
	_ =	sdelay $0x1  }
0x7f: {  	v52 =	vmul.f32 v51, v39;
	_ =	sdelay $0x1  }
0x80: {  	v52 =	vmul.f32 v52, v51;
	_ =	sdelay $0x1  }
0x81: {  	v52 =	vsub.f32 $1.500000000e+00, v52;
	_ =	sdelay $0x1  }
0x82: {  	v51 =	vmul.f32 v52, v51;
	_ =	sdelay $0x1  }
0x83: {  	v55 =	vmul.f32 v51, v50;
	_ =	sdelay $0x1  }
0x84: {  	v50 =	vmul.f32 v55, v48;
	v51 =	vmul.f32 v55, v55;
	_ =	sdelay $0x1  }
0x85: {  	v50 =	vmax.f32 v50, $-2.302585030e+01;
	v40 =	vsub.f32 $2.250000000e+02, v51  }
0x86: {  	v50 =	vmul.f32 $1.442695020e+00, v50  }
0x87: {  	v52 =	vadd.f32 $9.999999710e-10, v40  }
0x88: {  	(erf) = vpow2.f32 v50  }
0x89: {  	(erf) = vrcp.f32 v52;
	_ =	sdelay $0x7  }
0x8a: {  	v41 =	vsub.f32 $0.0e+00, v51;
	v62 =	vpop (erf)  }
0x8b: {  	v42 =	vpop (erf)  }
0x8c: {  	v50 =	vmul.f32 v42, v41;
	_ =	sdelay $0x1  }
0x8d: {  	v50 =	vmul.f32 $1.442695020e+00, v50  }
0x8e: {  	v63 =	vmul.f32 v62, v62  }
0x8f: {  	(erf) = vpow2.f32 v50;
	v50 =	vsub.f32 $1.000000000e+00, v62  }
0x90: {  	v14 =	vmul.f32 v63, v63  }
0x91: {  	v51 =	vmul.f32 v50, v50  }
0x92: {  	v5 =	vmul.f32 v63, v62;
	v2 =	vmul.f32 v14, v14  }
0x93: {  	v20 =	vmul.f32 v14, v63;
	v54 =	vmul.f32 v51, v51  }
0x94: {  	v26 =	vmul.f32 v14, v5;
	v40 =	vmul.f32 v2, v14  }
0x95: {  	v52 =	vmul.f32 v51, v50;
	v58 =	vmul.f32 v54, v54  }
0x96: {  	v60 =	vmul.f32 v54, v51;
	v61 =	vmul.f32 v54, v50  }
0x97: {  	v59 =	vmul.f32 v54, v52;
	v3 =	vmul.f32 v58, v58  }
0x98: {  	v12 =	vmul.f32 v58, v60;
	v4 =	vmul.f32 v58, v61  }
0x99: {  	v11 =	vmul.f32 v58, v54;
	v15 =	vmul.f32 v58, v52  }
0x9a: {  	v24 =	vmul.f32 v58, v50;
	v0 =	vmul.f32 v3, v12  }
0x9b: {  	vm1 =	vne.s32 v53, v1;
	v8 =	vmul.f32 v3, v4;
	v16 =	vmul.f32 v3, v11  }
0x9c: {  	vm0 =	vlt.f32 v55, $1.500000000e+01;
	v18 =	vmul.f32 v3, v15;
	v27 =	vmul.f32 v3, v24  }
0x9d: {  	vm0 =	vmand vm1, vm0;
	v43 =	vpop (erf);
	v30 =	vmul.f32 v3, v58;
	v32 =	vmul.f32 v3, v59  }
0x9e: {  	v53 =	vnsel vm0, $0x0, v43;
	v34 =	vmul.f32 v3, v60;
	v36 =	vmul.f32 v3, v61  }
0x9f: {  	v56 =	vmul.f32 $3.099999620e+01, v53;
	v57 =	vmul.f32 $4.650000000e+02, v53  }
0xa0: {  	v1 =	vmul.f32 $4.494999510e+03, v53;
	v6 =	vmul.f32 $3.146500390e+04, v53  }
0xa1: {  	v19 =	vmul.f32 $7.362808750e+05, v53;
	v25 =	vmul.f32 $2.629574000e+06, v53  }
0xa2: {  	v28 =	vmul.f32 $7.888725500e+06, v53;
	v39 =	vmul.f32 $1.411205920e+08, v53  }
0xa3: {  	v13 =	vmul.f32 v56, v62;
	v9 =	vmul.f32 v1, v5  }
0xa4: {  	v44 =	vmul.f32 v57, v63;
	v17 =	vmul.f32 v6, v14  }
0xa5: {  	v0 =	vmul.f32 v0, v13;
	v9 =	vmul.f32 v16, v9  }
0xa6: {  	v13 =	vmul.f32 v18, v17;
	v16 =	vmul.f32 $1.699109530e+05, v53  }
0xa7: {  	v17 =	vmul.f32 v14, v62;
	v18 =	vmul.f32 v58, v51  }
0xa8: {  	v23 =	vmul.f32 v19, v20;
	v29 =	vmul.f32 v25, v26  }
0xa9: {  	v21 =	vmul.f32 v16, v17;
	v22 =	vmul.f32 v3, v18  }
0xaa: {  	v31 =	vmul.f32 v28, v2;
	v43 =	vmul.f32 v39, v40  }
0xab: {  	v21 =	vmul.f32 v22, v21;
	v22 =	vmul.f32 v27, v23  }
0xac: {  	v23 =	vmul.f32 v30, v29;
	v27 =	vmul.f32 v32, v31  }
0xad: {  	v29 =	vmul.f32 $2.016005800e+07, v53;
	v30 =	vmul.f32 v2, v62  }
0xae: {  	v31 =	vmul.f32 $4.435214800e+07, v53;
	v32 =	vmul.f32 v2, v63  }
0xaf: {  	v8 =	vmul.f32 v8, v44;
	v33 =	vmul.f32 v29, v30  }
0xb0: {  	v44 =	vmul.f32 v3, v52;
	v35 =	vmul.f32 v31, v32  }
0xb1: {  	v33 =	vmul.f32 v34, v33  }
0xb2: {  	v34 =	vmul.f32 v36, v35;
	v36 =	vmul.f32 v44, v43;
	v44 =	vld [tilespmem:$0x1FFE0]  }
0xb3: {  	v45 =	vld [tilespmem:$0x1FDE0];
	v7 =	vmul.f32 v58, v59;
	_ =	sdelay $0x1  }
0xb4: {  	v10 =	vmul.f32 v3, v7;
	_ =	sdelay $0x1  }
0xb5: {  	v10 =	vmul.f32 v10, v53;
	_ =	sdelay $0x1  }
0xb6: {  	[tilespmem:v47+s9+$0x0] =	vst.idx.msk $0xffff, v10;
	v10 =	vmul.f32 $2.651826400e+08, v53;
	v43 =	vmul.f32 v2, v20  }
0xb7: {  	[tilespmem:v44+s9+$0x0] =	vst.idx.msk $0xffff, v0  }
0xb8: {  	[tilespmem:v45+s9+$0x0] =	vst.idx.msk $0xffff, v8;
	v8 =	vmul.f32 v10, v43;
	v45 =	vmul.f32 v3, v50  }
0xb9: {  	[tilespmem:v46+s9+$0x0] =	vst.idx.msk $0xffff, v9;
	v46 =	vld [tilespmem:$0x1FE00]  }
0xba: {  	v8 =	vmul.f32 v45, v8;
	v45 =	vld [tilespmem:$0x1FE30];
	_ =	sdelay $0x5  }
0xbb: {  	v55 =	vmul.f32 v2, v2  }
0xbc: {  	[tilespmem:v46+s9+$0x0] =	vst.idx.msk $0xffff, v13  }
0xbd: {  	[tilespmem:v45+s9+$0x0] =	vst.idx.msk $0xffff, v21;
	v21 =	vmul.f32 v55, v62;
	v62 =	vld [tilespmem:$0x1FE40];
	_ =	sdelay $0x6  }
0xbe: {  	v38 =	vmul.f32 v2, v5  }
0xbf: {  	v37 =	vmul.f32 $8.467231200e+07, v53;
	[tilespmem:v62+s9+$0x0] =	vst.idx.msk $0xffff, v22;
	v62 =	vmul.f32 v55, v63;
	v63 =	vld [tilespmem:$0x1FFD0];
	_ =	sdelay $0x1  }
0xc0: {  	v42 =	vmul.f32 v3, v54;
	v41 =	vmul.f32 v37, v38;
	_ =	sdelay $0x1  }
0xc1: {  	v35 =	vmul.f32 v42, v41  }
0xc2: {  	v41 =	vmul.f32 $2.062532160e+08, v53;
	v42 =	vmul.f32 v2, v17;
	_ =	sdelay $0x1  }
0xc3: {  	v0 =	vmul.f32 v41, v42;
	v44 =	vmul.f32 v3, v51  }
0xc4: {  	[tilespmem:v63+s9+$0x0] =	vst.idx.msk $0xffff, v23;
	v23 =	vld [tilespmem:$0x1FE50]  }
0xc5: {  	v0 =	vmul.f32 v44, v0;
	v44 =	vld [tilespmem:$0x1FE60]  }
0xc6: {  	v45 =	vld [tilespmem:$0x1FE70];
	_ =	sdelay $0x3  }
0xc7: {  	v47 =	vmul.f32 v2, v26;
	v9 =	vmul.f32 $3.005400320e+08, v53;
	v63 =	vld [tilespmem:$0x1FE80];
	_ =	sdelay $0x1  }
0xc8: {  	v13 =	vmul.f32 v9, v47;
	v9 =	vmul.f32 v9, v55;
	v22 =	vld [tilespmem:$0x1FE90];
	[tilespmem:v23+s9+$0x0] =	vst.idx.msk $0xffff, v27  }
0xc9: {  	v41 =	vmul.f32 v62, v41;
	v62 =	vmul.f32 v55, v14;
	v27 =	vld [tilespmem:$0x1FEA0];
	[tilespmem:v44+s9+$0x0] =	vst.idx.msk $0xffff, v33  }
0xca: {  	[tilespmem:v45+s9+$0x0] =	vst.idx.msk $0xffff, v34;
	v34 =	vld [tilespmem:$0x1FEB0]  }
0xcb: {  	v7 =	vmul.f32 v9, v7;
	v9 =	vmul.f32 v62, v37;
	v37 =	vld [tilespmem:$0x1FEC0]  }
0xcc: {  	v4 =	vmul.f32 v41, v4;
	v41 =	vld [tilespmem:$0x1FED0]  }
0xcd: {  	v45 =	vld [tilespmem:$0x1FEE0]  }
0xce: {  	[tilespmem:v63+s9+$0x0] =	vst.idx.msk $0xffff, v35;
	v63 =	vld [tilespmem:$0x1FEF0];
	_ =	sdelay $0x1  }
0xcf: {  	[tilespmem:v22+s9+$0x0] =	vst.idx.msk $0xffff, v36  }
0xd0: {  	v3 =	vmul.f32 v13, v3;
	v10 =	vmul.f32 v21, v10;
	[tilespmem:v27+s9+$0x0] =	vst.idx.msk $0xffff, v0  }
0xd1: {  	[tilespmem:v34+s9+$0x0] =	vst.idx.msk $0xffff, v8  }
0xd2: {  	v21 =	vmul.f32 v55, v17;
	v10 =	vmul.f32 v10, v12;
	[tilespmem:v37+s9+$0x0] =	vst.idx.msk $0xffff, v3  }
0xd3: {  	v13 =	vld [tilespmem:$0x1FF00];
	v12 =	vmul.f32 v55, v32;
	[tilespmem:v41+s9+$0x0] =	vst.idx.msk $0xffff, v7  }
0xd4: {  	v33 =	vmul.f32 v21, v31;
	v35 =	vmul.f32 v9, v15;
	v15 =	vld [tilespmem:$0x1FF10];
	[tilespmem:v45+s9+$0x0] =	vst.idx.msk $0xffff, v10  }
0xd5: {  	v5 =	vmul.f32 v55, v5;
	[tilespmem:v63+s9+$0x0] =	vst.idx.msk $0xffff, v4;
	v4 =	vmul.f32 v12, v16;
	v16 =	vld [tilespmem:$0x1FF20]  }
0xd6: {  	v23 =	vmul.f32 v55, v20;
	v3 =	vmul.f32 v33, v18;
	v18 =	vld [tilespmem:$0x1FF30]  }
0xd7: {  	v5 =	vmul.f32 v5, v39;
	v20 =	vld [tilespmem:$0x1FF40]  }
0xd8: {  	v39 =	vmul.f32 v55, v26;
	v36 =	vmul.f32 v23, v29;
	v22 =	vld [tilespmem:$0x1FF50]  }
0xd9: {  	v2 =	vmul.f32 v55, v2;
	v23 =	vld [tilespmem:$0x1FF60];
	v0 =	vmul.f32 v5, v11  }
0xda: {  	v62 =	vmul.f32 v55, v30;
	v44 =	vmul.f32 v36, v24;
	v24 =	vld [tilespmem:$0x1FF70]  }
0xdb: {  	v2 =	vmul.f32 v2, v25;
	v25 =	vld [tilespmem:$0x1FF80];
	v5 =	vmul.f32 v39, v28;
	[tilespmem:v13+s9+$0x0] =	vst.idx.msk $0xffff, v0  }
0xdc: {  	v26 =	vld [tilespmem:$0x1FF90];
	v14 =	vmul.f32 v62, v19;
	v19 =	vmul.f32 v55, v40;
	[tilespmem:v15+s9+$0x0] =	vst.idx.msk $0xffff, v35  }
0xdd: {  	v17 =	vmul.f32 v55, v38;
	v0 =	vmul.f32 v5, v58;
	[tilespmem:v16+s9+$0x0] =	vst.idx.msk $0xffff, v3  }
0xde: {  	v2 =	vmul.f32 v2, v59;
	v1 =	vmul.f32 v19, v1;
	[tilespmem:v18+s9+$0x0] =	vst.idx.msk $0xffff, v44  }
0xdf: {  	v3 =	vmul.f32 v14, v60;
	[tilespmem:v20+s9+$0x0] =	vst.idx.msk $0xffff, v0;
	v0 =	vmul.f32 v17, v6  }
0xe0: {  	v4 =	vmul.f32 v4, v61;
	[tilespmem:v22+s9+$0x0] =	vst.idx.msk $0xffff, v2;
	v2 =	vmul.f32 v55, v43  }
0xe1: {  	[tilespmem:v23+s9+$0x0] =	vst.idx.msk $0xffff, v3;
	v0 =	vmul.f32 v0, v54  }
0xe2: {  	v1 =	vmul.f32 v1, v52;
	[tilespmem:v24+s9+$0x0] =	vst.idx.msk $0xffff, v4;
	v2 =	vmul.f32 v2, v56  }
0xe3: {  	[tilespmem:v25+s9+$0x0] =	vst.idx.msk $0xffff, v0  }
0xe4: {  	[tilespmem:v26+s9+$0x0] =	vst.idx.msk $0xffff, v1;
	v1 =	vmul.f32 v2, v50;
	v2 =	vld [tilespmem:$0x1FFA0];
	_ =	sdelay $0x1  }
0xe5: {  	v21 =	vmul.f32 v55, v42;
	_ =	sdelay $0x1  }
0xe6: {  	v3 =	vmul.f32 v21, v57;
	_ =	sdelay $0x1  }
0xe7: {  	v0 =	vmul.f32 v3, v51;
	_ =	sdelay $0x1  }
0xe8: {  	[tilespmem:v2+s9+$0x0] =	vst.idx.msk $0xffff, v0;
	v2 =	vld [tilespmem:$0x1FFB0];
	_ =	sdelay $0x7  }
0xe9: {  	[tilespmem:v2+s9+$0x0] =	vst.idx.msk $0xffff, v1;
	v2 =	vld [tilespmem:$0x1FFC0];
	_ =	sdelay $0x3  }
0xea: {  	v3 =	vmul.f32 v55, v47;
	_ =	sdelay $0x1  }
0xeb: {  	v0 =	vmul.f32 v3, v53;
	v1 =	vlaneseq.u32  }
0xec: {  	v1 =	vor.u32 s14, v1  }
0xed: {  	[tilespmem:v2+s9+$0x0] =	vst.idx.msk $0xffff, v0;
	v0 =	vmul.u32 $0x3, v1  }
0xee: {  	s31 =	sadd.s32 $0xFFFFFFC0, s15;
	s16 =	simm.s32 @!p0 $0x2  }
0xef: {  	[hbm4b:s31+s2] =	stream.linear.scatter [tilespmem:s9], [sflag:$0x1], $0x200, $0x38;
	v2 =	vadd.s32 $0x1, v0;
	[tilespmem:$0x530] =	vst v63  }
0xf0: {  	v62 =	vld [tilespmem:$0x1FDE0];
	_ =	swait.ge @!p0 [sflag:s16], $0x200  }
0xf1: {  	v3 =	vadd.s32 $0x2, v0;
	[sflag:s16] =	ssyncset.done @!p0 $0x0  }
0xf2: {  	v27 =	vld [tilespmem:$0x1FD10];
	[sflag:s16] =	ssyncadd.s32 @!p0 $0xFFFFFE00  }
0xf3: {  	v0 =	vld.idx.msk [tilespmem:v0+s2+$0x0], $0xffff  }
0xf4: {  	v2 =	vld.idx.msk [tilespmem:v2+s2+$0x0], $0xffff  }
0xf5: {  	v28 =	vld [tilespmem:$0x1FD30]  }
0xf6: {  	v3 =	vld.idx.msk [tilespmem:v3+s2+$0x0], $0xffff;
	_ =	sdelay $0x2  }
0xf7: {  	v0 =	vsub.f32 v0, v27;
	v2 =	vsub.f32 v2, v49;
	_ =	sdelay $0x1  }
0xf8: {  	v3 =	vsub.f32 v3, v28;
	v0 =	vmul.f32 v0, v0;
	v2 =	vmul.f32 v2, v2;
	_ =	sdelay $0x1  }
0xf9: {  	v0 =	vadd.f32 v2, v0;
	v2 =	vmul.f32 v3, v3;
	_ =	sdelay $0x1  }
0xfa: {  	v0 =	vadd.f32 v2, v0;
	_ =	sdelay $0x1  }
0xfb: {  	v0 =	vadd.f32 $9.999999960e-13, v0;
	_ =	sdelay $0x1  }
0xfc: {  	v2 =	vshrl.u32 v0, $0x1;
	v3 =	vmul.f32 $5.000000000e-01, v0  }
0xfd: {  	v2 =	vsub.s32 $0x5F3759DF, v2  }
0xfe: {  	v29 =	vmul.f32 v2, v3;
	_ =	sdelay $0x1  }
0xff: {  	v4 =	vmul.f32 v2, v29;
	_ =	sdelay $0x1  }
0x100: {  	v4 =	vsub.f32 $1.500000000e+00, v4;
	_ =	sdelay $0x1  }
0x101: {  	v2 =	vmul.f32 v2, v4;
	_ =	sdelay $0x1  }
0x102: {  	v4 =	vmul.f32 v2, v3;
	_ =	sdelay $0x1  }
0x103: {  	v4 =	vmul.f32 v4, v2;
	_ =	sdelay $0x1  }
0x104: {  	v4 =	vsub.f32 $1.500000000e+00, v4;
	_ =	sdelay $0x1  }
0x105: {  	v2 =	vmul.f32 v4, v2;
	_ =	sdelay $0x1  }
0x106: {  	v3 =	vmul.f32 v2, v3;
	_ =	sdelay $0x1  }
0x107: {  	v3 =	vmul.f32 v3, v2;
	_ =	sdelay $0x1  }
0x108: {  	v3 =	vsub.f32 $1.500000000e+00, v3;
	_ =	sdelay $0x1  }
0x109: {  	v2 =	vmul.f32 v3, v2;
	_ =	sdelay $0x1  }
0x10a: {  	v0 =	vmul.f32 v2, v0;
	_ =	sdelay $0x1  }
0x10b: {  	v2 =	vmul.f32 v0, v48;
	v3 =	vmul.f32 v0, v0;
	_ =	sdelay $0x1  }
0x10c: {  	v2 =	vmax.f32 v2, $-2.302585030e+01;
	v30 =	vsub.f32 $2.250000000e+02, v3  }
0x10d: {  	v2 =	vmul.f32 $1.442695020e+00, v2  }
0x10e: {  	v4 =	vadd.f32 $9.999999710e-10, v30  }
0x10f: {  	(erf) = vpow2.f32 v2  }
0x110: {  	(erf) = vrcp.f32 v4;
	_ =	sdelay $0x7  }
0x111: {  	v3 =	vsub.f32 $0.0e+00, v3;
	v2 =	vpop (erf)  }
0x112: {  	v4 =	vpop (erf);
	v50 =	vsub.f32 $1.000000000e+00, v2  }
0x113: {  	v3 =	vmul.f32 v4, v3  }
0x114: {  	v51 =	vmul.f32 v50, v50  }
0x115: {  	v3 =	vmul.f32 $1.442695020e+00, v3  }
0x116: {  	v54 =	vmul.f32 v51, v51  }
0x117: {  	v52 =	vmul.f32 v51, v50;
	(erf) = vpow2.f32 v3  }
0x118: {  	v3 =	vmul.f32 v2, v2;
	v58 =	vmul.f32 v54, v54  }
0x119: {  	v59 =	vmul.f32 v54, v52;
	v60 =	vmul.f32 v54, v51  }
0x11a: {  	vm14 =	vlt.f32 v0, $1.500000000e+01;
	v0 =	vld [tilespmem:$0x1FE10];
	v61 =	vmul.f32 v54, v50;
	v4 =	vmul.f32 v3, v3  }
0x11b: {  	v13 =	vmul.f32 v3, v2;
	v5 =	vmul.f32 v58, v58  }
0x11c: {  	v7 =	vmul.f32 v58, v60;
	v10 =	vmul.f32 v58, v61  }
0x11d: {  	v14 =	vmul.f32 v58, v54;
	v16 =	vmul.f32 v58, v52  }
0x11e: {  	v20 =	vmul.f32 v58, v51;
	v26 =	vmul.f32 v58, v50  }
0x11f: {  	vm15 =	vne.s32 v1, v0;
	v1 =	vmul.f32 v4, v4;
	v19 =	vmul.f32 v4, v2  }
0x120: {  	v22 =	vmul.f32 v4, v3;
	v33 =	vmul.f32 v5, v7  }
0x121: {  	v35 =	vmul.f32 v5, v10;
	v37 =	vmul.f32 v5, v14  }
0x122: {  	vm0 =	vmand vm15, vm14;
	v39 =	vmul.f32 v5, v16;
	v41 =	vmul.f32 v5, v20;
	v0 =	vpop (erf)  }
0x123: {  	v43 =	vmul.f32 v5, v26;
	v49 =	vmul.f32 v5, v59;
	v53 =	vnsel vm0, $0x0, v0  }
0x124: {  	v0 =	vmul.f32 v58, v59;
	v56 =	vmul.f32 $3.099999620e+01, v53  }
0x125: {  	v57 =	vmul.f32 $4.650000000e+02, v53;
	v12 =	vmul.f32 $4.494999510e+03, v53  }
0x126: {  	v15 =	vmul.f32 $3.146500390e+04, v53;
	v18 =	vmul.f32 $1.699109530e+05, v53  }
0x127: {  	v21 =	vmul.f32 $7.362808750e+05, v53;
	v30 =	vmul.f32 $7.888725500e+06, v53  }
0x128: {  	v31 =	vmul.f32 v5, v0;
	v32 =	vmul.f32 v56, v2  }
0x129: {  	v34 =	vmul.f32 v57, v3;
	v36 =	vmul.f32 v12, v13  }
0x12a: {  	v38 =	vmul.f32 v15, v4;
	v40 =	vmul.f32 v18, v19  }
0x12b: {  	v42 =	vmul.f32 v21, v22;
	v47 =	vmul.f32 v30, v1  }
0x12c: {  	v6 =	vmul.f32 v31, v53;
	v31 =	vmul.f32 $2.016005800e+07, v53  }
0x12d: {  	v8 =	vmul.f32 v33, v32;
	v9 =	vmul.f32 v35, v34  }
0x12e: {  	v11 =	vmul.f32 v37, v36;
	v17 =	vmul.f32 v39, v38  }
0x12f: {  	v23 =	vmul.f32 v41, v40;
	v24 =	vmul.f32 v43, v42  }
0x130: {  	v29 =	vmul.f32 v49, v47;
	v32 =	vmul.f32 v1, v2  }
0x131: {  	v33 =	vmul.f32 $4.435214800e+07, v53;
	v34 =	vmul.f32 v1, v3  }
0x132: {  	v36 =	vmul.f32 v5, v60;
	v38 =	vmul.f32 v5, v61  }
0x133: {  	v41 =	vmul.f32 $1.411205920e+08, v53;
	v42 =	vmul.f32 v1, v4  }
0x134: {  	v49 =	vmul.f32 v5, v52;
	v35 =	vmul.f32 v31, v32  }
0x135: {  	v37 =	vmul.f32 v33, v34;
	v63 =	vmul.f32 v41, v42  }
0x136: {  	v35 =	vmul.f32 v36, v35  }
0x137: {  	v36 =	vmul.f32 v38, v37;
	v38 =	vmul.f32 v49, v63;
	v63 =	vld [tilespmem:$0x1FFF0]  }
0x138: {  	v49 =	vld [tilespmem:$0x1FFE0];
	_ =	sdelay $0x1  }
0x139: {  	v28 =	vmul.f32 v4, v13;
	v27 =	vmul.f32 $2.629574000e+06, v53;
	_ =	sdelay $0x1  }
0x13a: {  	v45 =	vmul.f32 v5, v58;
	v44 =	vmul.f32 v27, v28;
	_ =	sdelay $0x1  }
0x13b: {  	v25 =	vmul.f32 v45, v44  }
0x13c: {  	v45 =	vmul.f32 v1, v22;
	[tilespmem:v63+s10+$0x0] =	vst.idx.msk $0xffff, v6;
	v6 =	vmul.f32 $2.651826400e+08, v53  }
0x13d: {  	[tilespmem:v49+s10+$0x0] =	vst.idx.msk $0xffff, v8  }
0x13e: {  	v63 =	vld [tilespmem:$0x1FDF0];
	[tilespmem:v62+s10+$0x0] =	vst.idx.msk $0xffff, v9;
	v9 =	vmul.f32 v6, v45;
	v62 =	vmul.f32 v5, v50;
	_ =	sdelay $0x1  }
0x13f: {  	v9 =	vmul.f32 v62, v9;
	v62 =	vld [tilespmem:$0x1FE30];
	_ =	sdelay $0x5  }
0x140: {  	[tilespmem:v63+s10+$0x0] =	vst.idx.msk $0xffff, v11  }
0x141: {  	v49 =	vld [tilespmem:$0x1FE40];
	[tilespmem:v46+s10+$0x0] =	vst.idx.msk $0xffff, v17  }
0x142: {  	[tilespmem:v62+s10+$0x0] =	vst.idx.msk $0xffff, v23;
	v62 =	vld [tilespmem:$0x1FFD0];
	_ =	sdelay $0x2  }
0x143: {  	v11 =	vmul.f32 $3.005400320e+08, v53;
	v63 =	vmul.f32 v1, v28;
	_ =	sdelay $0x1  }
0x144: {  	v23 =	vmul.f32 v11, v63  }
0x145: {  	v44 =	vmul.f32 v5, v54  }
0x146: {  	v47 =	vmul.f32 v5, v51;
	[tilespmem:v49+s10+$0x0] =	vst.idx.msk $0xffff, v24;
	v5 =	vmul.f32 v23, v5;
	v23 =	vld [tilespmem:$0x1FE50]  }
0x147: {  	[tilespmem:v62+s10+$0x0] =	vst.idx.msk $0xffff, v25;
	v25 =	vld [tilespmem:$0x1FE60]  }
0x148: {  	v49 =	vld [tilespmem:$0x1FE70]  }
0x149: {  	v24 =	vld [tilespmem:$0x1FE80];
	_ =	sdelay $0x1  }
0x14a: {  	v39 =	vmul.f32 $8.467231200e+07, v53;
	v40 =	vmul.f32 v1, v13;
	_ =	sdelay $0x1  }
0x14b: {  	v43 =	vmul.f32 v39, v40  }
0x14c: {  	[tilespmem:v23+s10+$0x0] =	vst.idx.msk $0xffff, v29  }
0x14d: {  	v37 =	vmul.f32 v44, v43;
	[tilespmem:v25+s10+$0x0] =	vst.idx.msk $0xffff, v35  }
0x14e: {  	v55 =	vmul.f32 v1, v1;
	[tilespmem:v49+s10+$0x0] =	vst.idx.msk $0xffff, v36  }
0x14f: {  	[tilespmem:v24+s10+$0x0] =	vst.idx.msk $0xffff, v37;
	v24 =	vld [tilespmem:$0x1FE90]  }
0x150: {  	v3 =	vmul.f32 v55, v3;
	v4 =	vmul.f32 v55, v4;
	v29 =	vld [tilespmem:$0x1FEA0]  }
0x151: {  	v43 =	vmul.f32 $2.062532160e+08, v53;
	v44 =	vmul.f32 v1, v19;
	v36 =	vld [tilespmem:$0x1FEB0]  }
0x152: {  	v2 =	vmul.f32 v55, v2;
	v4 =	vmul.f32 v4, v39;
	v39 =	vld [tilespmem:$0x1FEC0]  }
0x153: {  	v3 =	vmul.f32 v3, v43;
	v8 =	vmul.f32 v43, v44;
	v35 =	vld [tilespmem:$0x1FED0]  }
0x154: {  	v43 =	vmul.f32 v55, v13;
	v2 =	vmul.f32 v2, v6  }
0x155: {  	v8 =	vmul.f32 v47, v8;
	v62 =	vmul.f32 v55, v19  }
0x156: {  	v2 =	vmul.f32 v2, v7;
	v11 =	vmul.f32 v11, v55  }
0x157: {  	v7 =	vmul.f32 v62, v33;
	v62 =	vld [tilespmem:$0x1FEE0];
	v25 =	vmul.f32 v55, v22;
	[tilespmem:v24+s10+$0x0] =	vst.idx.msk $0xffff, v38  }
0x158: {  	v6 =	vmul.f32 v43, v41;
	v37 =	vld [tilespmem:$0x1FEF0];
	[tilespmem:v29+s10+$0x0] =	vst.idx.msk $0xffff, v8  }
0x159: {  	v43 =	vld [tilespmem:$0x1FF00];
	v0 =	vmul.f32 v11, v0;
	v38 =	vmul.f32 v25, v31;
	[tilespmem:v36+s10+$0x0] =	vst.idx.msk $0xffff, v9  }
0x15a: {  	[tilespmem:v39+s10+$0x0] =	vst.idx.msk $0xffff, v5  }
0x15b: {  	[tilespmem:v35+s10+$0x0] =	vst.idx.msk $0xffff, v0;
	v0 =	vmul.f32 v38, v26;
	v38 =	vld [tilespmem:$0x1FF10]  }
0x15c: {  	v39 =	vld [tilespmem:$0x1FF20];
	_ =	sdelay $0x1  }
0x15d: {  	v3 =	vmul.f32 v3, v10  }
0x15e: {  	v6 =	vmul.f32 v6, v14;
	v49 =	vmul.f32 v55, v28;
	[tilespmem:v62+s10+$0x0] =	vst.idx.msk $0xffff, v2  }
0x15f: {  	v33 =	vmul.f32 v55, v32;
	[tilespmem:v37+s10+$0x0] =	vst.idx.msk $0xffff, v3  }
0x160: {  	v4 =	vmul.f32 v4, v16;
	v2 =	vmul.f32 v49, v30;
	[tilespmem:v43+s10+$0x0] =	vst.idx.msk $0xffff, v6;
	v43 =	vld [tilespmem:$0x1FF30]  }
0x161: {  	v41 =	vmul.f32 v7, v20;
	v36 =	vmul.f32 v33, v21;
	v37 =	vld [tilespmem:$0x1FF40]  }
0x162: {  	v2 =	vmul.f32 v2, v58;
	v58 =	vld [tilespmem:$0x1FF50];
	[tilespmem:v38+s10+$0x0] =	vst.idx.msk $0xffff, v4  }
0x163: {  	v1 =	vmul.f32 v55, v1;
	[tilespmem:v39+s10+$0x0] =	vst.idx.msk $0xffff, v41;
	v41 =	vmul.f32 v36, v60;
	v60 =	vld [tilespmem:$0x1FF60]  }
0x164: {  	v26 =	vld [tilespmem:$0x1FF70];
	v3 =	vmul.f32 v55, v34  }
0x165: {  	v1 =	vmul.f32 v1, v27  }
0x166: {  	v35 =	vld [tilespmem:$0x1FF80];
	v3 =	vmul.f32 v3, v18  }
0x167: {  	v1 =	vmul.f32 v1, v59;
	v49 =	vmul.f32 v55, v40;
	v62 =	vld [tilespmem:$0x1FF90]  }
0x168: {  	[tilespmem:v43+s10+$0x0] =	vst.idx.msk $0xffff, v0;
	v0 =	vmul.f32 v3, v61;
	v3 =	vmul.f32 v55, v42  }
0x169: {  	[tilespmem:v37+s10+$0x0] =	vst.idx.msk $0xffff, v2  }
0x16a: {  	v2 =	vmul.f32 v49, v15;
	[tilespmem:v58+s10+$0x0] =	vst.idx.msk $0xffff, v1;
	v1 =	vmul.f32 v3, v12  }
0x16b: {  	v3 =	vmul.f32 v55, v45;
	[tilespmem:v60+s10+$0x0] =	vst.idx.msk $0xffff, v41  }
0x16c: {  	v2 =	vmul.f32 v2, v54;
	[tilespmem:v26+s10+$0x0] =	vst.idx.msk $0xffff, v0;
	v0 =	vmul.f32 v1, v52  }
0x16d: {  	v1 =	vmul.f32 v3, v56;
	v3 =	vmul.f32 v55, v63  }
0x16e: {  	v28 =	vld [tilespmem:$0x1FFA0];
	[tilespmem:v35+s10+$0x0] =	vst.idx.msk $0xffff, v2  }
0x16f: {  	[tilespmem:v62+s10+$0x0] =	vst.idx.msk $0xffff, v0;
	v0 =	vmul.f32 v1, v50;
	v1 =	vmul.f32 v3, v53;
	v3 =	vld [tilespmem:$0x1FFB0]  }
0x170: {  	v59 =	vmul.f32 v55, v44;
	v11 =	vld [tilespmem:$0x1FFC0];
	_ =	sdelay $0x1  }
0x171: {  	v61 =	vmul.f32 v59, v57;
	_ =	sdelay $0x1  }
0x172: {  	s14 =	sadd.s32 $0x20, s14;
	v2 =	vmul.f32 v61, v51  }
0x173: {  	p0 =	sne.s32 s14, $0x70  }
.Ltmp0:
0x174: {  	[tilespmem:v28+s10+$0x0] =	vst.idx.msk $0xffff, v2;
	(pc) =	sbr.rel @p0 .LBB2_2-.Ltmp0, $4  }
0x175: {  	[tilespmem:v3+s10+$0x0] =	vst.idx.msk $0xffff, v0  }
0x176: {  	v47 =	vld [tilespmem:$0x1FFF0];
	[tilespmem:v11+s10+$0x0] =	vst.idx.msk $0xffff, v1  }
0x177: {  	v46 =	vld [tilespmem:$0x1FDF0];
	[hbm4b:s15+s2] =	stream.linear.scatter [tilespmem:s10], [sflag:$0x2], $0x200, $0x38  }
0x178: {  	v2 =	vlaneseq.u32;
	v1 =	vld [tilespmem:$0x1FE10];
	s15 =	sadd.s32 $0x80, s15  }
0x179: {  	v0 =	vld [tilespmem:$0x1FD90];
	_ =	sdelay $0x7  }
0x17a: {  	v0 =	vld.idx.msk [tilespmem:v0+s2+$0x0], $0xffff;
	_ =	sdelay $0x4  }
0x17b: {  	[tilespmem:$0x1FCD0] =	vst v0;
	v0 =	vld [tilespmem:$0x1FD80];
	_ =	sdelay $0x7  }
0x17c: {  	v0 =	vld.idx.msk [tilespmem:v0+s2+$0x0], $0xffff;
	_ =	sdelay $0x4  }
0x17d: {  	[tilespmem:$0x1FCE0] =	vst v0;
	v0 =	vld [tilespmem:$0x1FDA0];
	_ =	sdelay $0x7  }
0x17e: {  	v0 =	vld.idx.msk [tilespmem:v0+s2+$0x0], $0xffff;
	_ =	sdelay $0x3  }
0x17f: {  	[tilespmem:$0x1FD00] =	vst v48  }
0x180: {  	s14 =	simm.s32 $0x10;
	s15 =	smov.u32 s6;
	[tilespmem:$0x1FCF0] =	vst v0  }
.LBB2_4:
0x181: {  	s16 =	sadd.s32 $0xFFFFFFF0, s14  }
0x182: {  	v0 =	vor.u32 s16, v2  }
0x183: {  	v1 =	vmul.u32 $0x3, v0;
	_ =	sdelay $0x1  }
0x184: {  	v2 =	vadd.s32 $0x1, v1  }
0x185: {  	_ =	swait.ge [sflag:s11], $0x200  }
0x186: {  	[sflag:s11] =	ssyncset.done $0x0;
	v49 =	vld [tilespmem:$0x1FCD0];
	v3 =	vadd.s32 $0x2, v1  }
0x187: {  	v4 =	vld [tilespmem:$0x1FCE0];
	[sflag:s11] =	ssyncadd.s32 $0xFFFFFE00  }
0x188: {  	v1 =	vld.idx.msk [tilespmem:v1+s2+$0x0], $0xffff  }
0x189: {  	v2 =	vld.idx.msk [tilespmem:v2+s2+$0x0], $0xffff  }
0x18a: {  	v44 =	vld [tilespmem:$0x1FCF0]  }
0x18b: {  	v3 =	vld.idx.msk [tilespmem:v3+s2+$0x0], $0xffff;
	_ =	sdelay $0x2  }
0x18c: {  	v1 =	vsub.f32 v1, v49;
	v2 =	vsub.f32 v2, v4;
	_ =	sdelay $0x1  }
0x18d: {  	v3 =	vsub.f32 v3, v44;
	v1 =	vmul.f32 v1, v1;
	v2 =	vmul.f32 v2, v2;
	_ =	sdelay $0x1  }
0x18e: {  	v1 =	vadd.f32 v2, v1;
	v2 =	vmul.f32 v3, v3;
	_ =	sdelay $0x1  }
0x18f: {  	v1 =	vadd.f32 v2, v1;
	_ =	sdelay $0x1  }
0x190: {  	v1 =	vadd.f32 $9.999999960e-13, v1;
	_ =	sdelay $0x1  }
0x191: {  	v2 =	vshrl.u32 v1, $0x1;
	v3 =	vmul.f32 $5.000000000e-01, v1  }
0x192: {  	v2 =	vsub.s32 $0x5F3759DF, v2  }
0x193: {  	v45 =	vmul.f32 v2, v3;
	_ =	sdelay $0x1  }
0x194: {  	v4 =	vmul.f32 v2, v45;
	_ =	sdelay $0x1  }
0x195: {  	v4 =	vsub.f32 $1.500000000e+00, v4;
	_ =	sdelay $0x1  }
0x196: {  	v2 =	vmul.f32 v2, v4;
	_ =	sdelay $0x1  }
0x197: {  	v4 =	vmul.f32 v2, v3;
	_ =	sdelay $0x1  }
0x198: {  	v4 =	vmul.f32 v4, v2;
	_ =	sdelay $0x1  }
0x199: {  	v4 =	vsub.f32 $1.500000000e+00, v4;
	_ =	sdelay $0x1  }
0x19a: {  	v2 =	vmul.f32 v4, v2;
	_ =	sdelay $0x1  }
0x19b: {  	v3 =	vmul.f32 v2, v3;
	_ =	sdelay $0x1  }
0x19c: {  	v3 =	vmul.f32 v3, v2;
	_ =	sdelay $0x1  }
0x19d: {  	v3 =	vsub.f32 $1.500000000e+00, v3;
	_ =	sdelay $0x1  }
0x19e: {  	v2 =	vmul.f32 v3, v2;
	_ =	sdelay $0x1  }
0x19f: {  	v1 =	vmul.f32 v2, v1;
	_ =	sdelay $0x1  }
0x1a0: {  	v2 =	vmul.f32 v1, v48;
	v3 =	vmul.f32 v1, v1;
	_ =	sdelay $0x1  }
0x1a1: {  	v2 =	vmax.f32 v2, $-2.302585030e+01;
	v46 =	vsub.f32 $2.250000000e+02, v3  }
0x1a2: {  	v2 =	vmul.f32 $1.442695020e+00, v2  }
0x1a3: {  	v4 =	vadd.f32 $9.999999710e-10, v46  }
0x1a4: {  	(erf) = vpow2.f32 v2  }
0x1a5: {  	(erf) = vrcp.f32 v4;
	_ =	sdelay $0x7  }
0x1a6: {  	v3 =	vsub.f32 $0.0e+00, v3;
	v2 =	vpop (erf)  }
0x1a7: {  	v4 =	vpop (erf);
	v50 =	vsub.f32 $1.000000000e+00, v2  }
0x1a8: {  	v3 =	vmul.f32 v4, v3  }
0x1a9: {  	v51 =	vmul.f32 v50, v50  }
0x1aa: {  	v3 =	vmul.f32 $1.442695020e+00, v3  }
0x1ab: {  	v54 =	vmul.f32 v51, v51;
	v52 =	vmul.f32 v51, v50  }
0x1ac: {  	(erf) = vpow2.f32 v3;
	v3 =	vmul.f32 v2, v2  }
0x1ad: {  	v58 =	vmul.f32 v54, v54;
	v59 =	vmul.f32 v54, v52  }
0x1ae: {  	vm0 =	vlt.f32 v1, $1.500000000e+01;
	v1 =	vld [tilespmem:$0x1FD70];
	v60 =	vmul.f32 v54, v51;
	v61 =	vmul.f32 v54, v50  }
0x1af: {  	v4 =	vmul.f32 v3, v3;
	v13 =	vmul.f32 v3, v2  }
0x1b0: {  	v5 =	vmul.f32 v58, v58;
	v12 =	vmul.f32 v58, v59  }
0x1b1: {  	v7 =	vmul.f32 v58, v60;
	v10 =	vmul.f32 v58, v61  }
0x1b2: {  	v14 =	vmul.f32 v58, v54;
	v16 =	vmul.f32 v58, v52  }
0x1b3: {  	vm1 =	vne.s32 v0, v1;
	v26 =	vmul.f32 v58, v50;
	v1 =	vmul.f32 v4, v4  }
0x1b4: {  	v22 =	vmul.f32 v4, v3;
	v28 =	vmul.f32 v4, v13  }
0x1b5: {  	v6 =	vmul.f32 v5, v12;
	v9 =	vmul.f32 v5, v7  }
0x1b6: {  	v11 =	vmul.f32 v5, v10;
	v18 =	vmul.f32 v5, v14  }
0x1b7: {  	v20 =	vmul.f32 v5, v16;
	v29 =	vmul.f32 v5, v26  }
0x1b8: {  	v32 =	vmul.f32 v5, v58;
	v34 =	vmul.f32 v5, v59  }
0x1b9: {  	v36 =	vmul.f32 v5, v60;
	v38 =	vmul.f32 v5, v61  }
0x1ba: {  	vm0 =	vmand vm1, vm0;
	v44 =	vmul.f32 v5, v54;
	v62 =	vmul.f32 v5, v52;
	v0 =	vpop (erf)  }
0x1bb: {  	v40 =	vmul.f32 v1, v13;
	v42 =	vmul.f32 v1, v4;
	v53 =	vnsel vm0, $0x0, v0  }
0x1bc: {  	v56 =	vmul.f32 $3.099999620e+01, v53;
	v57 =	vmul.f32 $4.650000000e+02, v53  }
0x1bd: {  	v6 =	vmul.f32 v6, v53;
	v46 =	vmul.f32 $4.494999510e+03, v53  }
0x1be: {  	v15 =	vmul.f32 $3.146500390e+04, v53;
	v21 =	vmul.f32 $7.362808750e+05, v53  }
0x1bf: {  	v27 =	vmul.f32 $2.629574000e+06, v53;
	v30 =	vmul.f32 $7.888725500e+06, v53  }
0x1c0: {  	v39 =	vmul.f32 $8.467231200e+07, v53;
	v8 =	vmul.f32 v56, v2  }
0x1c1: {  	v48 =	vmul.f32 v57, v3;
	v17 =	vmul.f32 v46, v13  }
0x1c2: {  	v19 =	vmul.f32 v15, v4;
	v8 =	vmul.f32 v9, v8  }
0x1c3: {  	v9 =	vmul.f32 v11, v48;
	v11 =	vmul.f32 v18, v17  }
0x1c4: {  	v17 =	vmul.f32 v20, v19;
	v18 =	vmul.f32 $1.699109530e+05, v53  }
0x1c5: {  	v19 =	vmul.f32 v4, v2;
	v20 =	vmul.f32 v58, v51  }
0x1c6: {  	v41 =	vmul.f32 $1.411205920e+08, v53;
	v25 =	vmul.f32 v21, v22  }
0x1c7: {  	v23 =	vmul.f32 v18, v19;
	v24 =	vmul.f32 v5, v20  }
0x1c8: {  	v31 =	vmul.f32 v27, v28;
	v33 =	vmul.f32 v30, v1  }
0x1c9: {  	v23 =	vmul.f32 v24, v23;
	v24 =	vmul.f32 v29, v25  }
0x1ca: {  	v25 =	vmul.f32 v32, v31;
	v29 =	vmul.f32 v34, v33  }
0x1cb: {  	v48 =	vld [tilespmem:$0x1FFE0];
	v31 =	vmul.f32 $2.016005800e+07, v53;
	v32 =	vmul.f32 v1, v2  }
0x1cc: {  	v0 =	vld [tilespmem:$0x1FDE0];
	v33 =	vmul.f32 $4.435214800e+07, v53;
	v34 =	vmul.f32 v1, v3  }
0x1cd: {  	v43 =	vmul.f32 v39, v40;
	v35 =	vmul.f32 v31, v32  }
0x1ce: {  	v45 =	vmul.f32 v41, v42;
	v37 =	vmul.f32 v33, v34  }
0x1cf: {  	[tilespmem:v47+s9+$0x0] =	vst.idx.msk $0xffff, v6;
	v6 =	vmul.f32 $2.651826400e+08, v53;
	v35 =	vmul.f32 v36, v35  }
0x1d0: {  	v36 =	vmul.f32 v38, v37;
	v37 =	vmul.f32 v44, v43  }
0x1d1: {  	v43 =	vmul.f32 $2.062532160e+08, v53;
	v44 =	vmul.f32 v1, v19  }
0x1d2: {  	v38 =	vmul.f32 v62, v45;
	v45 =	vmul.f32 v1, v22  }
0x1d3: {  	v47 =	vld [tilespmem:$0x1FDF0];
	[tilespmem:v48+s9+$0x0] =	vst.idx.msk $0xffff, v8;
	v62 =	vmul.f32 v5, v51;
	v8 =	vmul.f32 v43, v44  }
0x1d4: {  	v63 =	vmul.f32 v5, v50;
	[tilespmem:v0+s9+$0x0] =	vst.idx.msk $0xffff, v9;
	v0 =	vld [tilespmem:$0x1FE00];
	v9 =	vmul.f32 v6, v45  }
0x1d5: {  	v8 =	vmul.f32 v62, v8;
	v62 =	vld [tilespmem:$0x1FE30]  }
0x1d6: {  	v9 =	vmul.f32 v63, v9;
	v63 =	vld [tilespmem:$0x1FE40];
	_ =	sdelay $0x3  }
0x1d7: {  	v55 =	vmul.f32 v1, v1  }
0x1d8: {  	[tilespmem:v47+s9+$0x0] =	vst.idx.msk $0xffff, v11;
	v11 =	vmul.f32 $3.005400320e+08, v53;
	v47 =	vmul.f32 v1, v28  }
0x1d9: {  	[tilespmem:v0+s9+$0x0] =	vst.idx.msk $0xffff, v17  }
0x1da: {  	v17 =	vmul.f32 v11, v47;
	v11 =	vmul.f32 v11, v55;
	[tilespmem:v62+s9+$0x0] =	vst.idx.msk $0xffff, v23;
	v62 =	vld [tilespmem:$0x1FFD0]  }
0x1db: {  	[tilespmem:v63+s9+$0x0] =	vst.idx.msk $0xffff, v24;
	v63 =	vld [tilespmem:$0x1FE50]  }
0x1dc: {  	v0 =	vmul.f32 v11, v12;
	v12 =	vld [tilespmem:$0x1FE60]  }
0x1dd: {  	v23 =	vld [tilespmem:$0x1FE70]  }
0x1de: {  	v24 =	vld [tilespmem:$0x1FE80];
	_ =	sdelay $0x3  }
0x1df: {  	[tilespmem:v62+s9+$0x0] =	vst.idx.msk $0xffff, v25  }
0x1e0: {  	[tilespmem:v63+s9+$0x0] =	vst.idx.msk $0xffff, v29  }
0x1e1: {  	v29 =	vld [tilespmem:$0x1FE90];
	[tilespmem:v12+s9+$0x0] =	vst.idx.msk $0xffff, v35  }
0x1e2: {  	v4 =	vmul.f32 v55, v4;
	[tilespmem:v23+s9+$0x0] =	vst.idx.msk $0xffff, v36;
	v36 =	vld [tilespmem:$0x1FEA0]  }
0x1e3: {  	[tilespmem:v24+s9+$0x0] =	vst.idx.msk $0xffff, v37;
	v37 =	vld [tilespmem:$0x1FEB0]  }
0x1e4: {  	v4 =	vmul.f32 v4, v39;
	v39 =	vld [tilespmem:$0x1FEC0]  }
0x1e5: {  	v62 =	vld [tilespmem:$0x1FED0]  }
0x1e6: {  	v63 =	vld [tilespmem:$0x1FEE0]  }
0x1e7: {  	v5 =	vmul.f32 v17, v5;
	v17 =	vmul.f32 v55, v13;
	v13 =	vld [tilespmem:$0x1FEF0]  }
0x1e8: {  	v2 =	vmul.f32 v55, v2  }
0x1e9: {  	v3 =	vmul.f32 v55, v3;
	[tilespmem:v29+s9+$0x0] =	vst.idx.msk $0xffff, v38  }
0x1ea: {  	v2 =	vmul.f32 v2, v6;
	[tilespmem:v36+s9+$0x0] =	vst.idx.msk $0xffff, v8  }
0x1eb: {  	v3 =	vmul.f32 v3, v43;
	[tilespmem:v37+s9+$0x0] =	vst.idx.msk $0xffff, v9  }
0x1ec: {  	v2 =	vmul.f32 v2, v7;
	[tilespmem:v39+s9+$0x0] =	vst.idx.msk $0xffff, v5  }
0x1ed: {  	v3 =	vmul.f32 v3, v10;
	v6 =	vmul.f32 v17, v41;
	[tilespmem:v62+s9+$0x0] =	vst.idx.msk $0xffff, v0  }
0x1ee: {  	[tilespmem:v63+s9+$0x0] =	vst.idx.msk $0xffff, v2  }
0x1ef: {  	v6 =	vmul.f32 v6, v14;
	v14 =	vld [tilespmem:$0x1FF00];
	[tilespmem:v13+s9+$0x0] =	vst.idx.msk $0xffff, v3;
	v3 =	vmul.f32 v55, v34  }
0x1f0: {  	v17 =	vld [tilespmem:$0x1FF10];
	v12 =	vmul.f32 v55, v32  }
0x1f1: {  	v3 =	vmul.f32 v3, v18;
	v18 =	vld [tilespmem:$0x1FF20]  }
0x1f2: {  	v4 =	vmul.f32 v4, v16;
	v16 =	vmul.f32 v12, v21;
	v21 =	vld [tilespmem:$0x1FF30]  }
0x1f3: {  	v25 =	vmul.f32 v55, v19;
	v35 =	vmul.f32 v55, v22;
	v22 =	vld [tilespmem:$0x1FF40]  }
0x1f4: {  	v1 =	vmul.f32 v55, v1;
	v24 =	vld [tilespmem:$0x1FF50]  }
0x1f5: {  	v43 =	vmul.f32 v55, v28;
	v7 =	vmul.f32 v25, v33;
	v25 =	vld [tilespmem:$0x1FF60]  }
0x1f6: {  	v1 =	vmul.f32 v1, v27;
	v27 =	vld [tilespmem:$0x1FF70];
	v38 =	vmul.f32 v35, v31  }
0x1f7: {  	v41 =	vmul.f32 v7, v20;
	v2 =	vmul.f32 v43, v30;
	[tilespmem:v14+s9+$0x0] =	vst.idx.msk $0xffff, v6  }
0x1f8: {  	v0 =	vmul.f32 v38, v26;
	[tilespmem:v17+s9+$0x0] =	vst.idx.msk $0xffff, v4  }
0x1f9: {  	v1 =	vmul.f32 v1, v59;
	v2 =	vmul.f32 v2, v58;
	[tilespmem:v18+s9+$0x0] =	vst.idx.msk $0xffff, v41  }
0x1fa: {  	[tilespmem:v21+s9+$0x0] =	vst.idx.msk $0xffff, v0;
	v0 =	vmul.f32 v3, v61;
	v3 =	vmul.f32 v55, v42  }
0x1fb: {  	v19 =	vmul.f32 v16, v60;
	[tilespmem:v22+s9+$0x0] =	vst.idx.msk $0xffff, v2  }
0x1fc: {  	[tilespmem:v24+s9+$0x0] =	vst.idx.msk $0xffff, v1;
	v1 =	vmul.f32 v3, v46;
	v3 =	vmul.f32 v55, v45  }
0x1fd: {  	[tilespmem:v25+s9+$0x0] =	vst.idx.msk $0xffff, v19  }
0x1fe: {  	[tilespmem:v27+s9+$0x0] =	vst.idx.msk $0xffff, v0;
	v0 =	vmul.f32 v1, v52;
	v1 =	vmul.f32 v3, v56;
	v3 =	vld [tilespmem:$0x1FF80]  }
0x1ff: {  	v28 =	vld [tilespmem:$0x1FF90]  }
0x200: {  	v20 =	vmul.f32 v55, v40;
	_ =	sdelay $0x1  }
0x201: {  	v2 =	vmul.f32 v20, v15;
	_ =	sdelay $0x1  }
0x202: {  	v2 =	vmul.f32 v2, v54;
	_ =	sdelay $0x1  }
0x203: {  	[tilespmem:v3+s9+$0x0] =	vst.idx.msk $0xffff, v2  }
0x204: {  	[tilespmem:v28+s9+$0x0] =	vst.idx.msk $0xffff, v0;
	v0 =	vmul.f32 v1, v50;
	v1 =	vld [tilespmem:$0x1FFA0];
	_ =	sdelay $0x1  }
0x205: {  	v23 =	vmul.f32 v55, v44;
	_ =	sdelay $0x1  }
0x206: {  	v26 =	vmul.f32 v23, v57;
	_ =	sdelay $0x1  }
0x207: {  	v2 =	vmul.f32 v26, v51;
	v3 =	vmul.f32 v55, v47;
	_ =	sdelay $0x1  }
0x208: {  	[tilespmem:v1+s9+$0x0] =	vst.idx.msk $0xffff, v2;
	v1 =	vmul.f32 v3, v53;
	v3 =	vld [tilespmem:$0x1FFB0];
	_ =	sdelay $0x7  }
0x209: {  	[tilespmem:v3+s9+$0x0] =	vst.idx.msk $0xffff, v0;
	v3 =	vld [tilespmem:$0x1FFC0];
	_ =	sdelay $0x4  }
0x20a: {  	v2 =	vlaneseq.u32  }
0x20b: {  	v2 =	vor.u32 s14, v2  }
0x20c: {  	v0 =	vmul.u32 $0x3, v2  }
0x20d: {  	[tilespmem:v3+s9+$0x0] =	vst.idx.msk $0xffff, v1  }
0x20e: {  	v1 =	vadd.s32 $0x1, v0;
	[hbm4b:s15+s2] =	stream.linear.scatter [tilespmem:s9], [sflag:$0x1], $0x200, $0x38;
	[tilespmem:$0x530] =	vst v63  }
0x20f: {  	_ =	swait.ge [sflag:s12], $0x200  }
0x210: {  	v3 =	vadd.s32 $0x2, v0;
	[sflag:s12] =	ssyncset.done $0x0  }
0x211: {  	v29 =	vld [tilespmem:$0x1FCE0];
	[sflag:s12] =	ssyncadd.s32 $0xFFFFFE00  }
0x212: {  	v0 =	vld.idx.msk [tilespmem:v0+s2+$0x0], $0xffff  }
0x213: {  	v1 =	vld.idx.msk [tilespmem:v1+s2+$0x0], $0xffff  }
0x214: {  	v30 =	vld [tilespmem:$0x1FCF0]  }
0x215: {  	v3 =	vld.idx.msk [tilespmem:v3+s2+$0x0], $0xffff;
	_ =	sdelay $0x2  }
0x216: {  	v0 =	vsub.f32 v0, v49;
	v1 =	vsub.f32 v1, v29;
	_ =	sdelay $0x1  }
0x217: {  	v3 =	vsub.f32 v3, v30;
	v0 =	vmul.f32 v0, v0;
	v1 =	vmul.f32 v1, v1;
	_ =	sdelay $0x1  }
0x218: {  	v0 =	vadd.f32 v1, v0;
	v1 =	vmul.f32 v3, v3;
	_ =	sdelay $0x1  }
0x219: {  	v0 =	vadd.f32 v1, v0;
	_ =	sdelay $0x1  }
0x21a: {  	v0 =	vadd.f32 $9.999999960e-13, v0;
	_ =	sdelay $0x1  }
0x21b: {  	v1 =	vshrl.u32 v0, $0x1;
	v3 =	vmul.f32 $5.000000000e-01, v0  }
0x21c: {  	v1 =	vsub.s32 $0x5F3759DF, v1  }
0x21d: {  	v31 =	vmul.f32 v1, v3;
	_ =	sdelay $0x1  }
0x21e: {  	v4 =	vmul.f32 v1, v31;
	_ =	sdelay $0x1  }
0x21f: {  	v4 =	vsub.f32 $1.500000000e+00, v4;
	_ =	sdelay $0x1  }
0x220: {  	v1 =	vmul.f32 v1, v4;
	_ =	sdelay $0x1  }
0x221: {  	v4 =	vmul.f32 v1, v3;
	_ =	sdelay $0x1  }
0x222: {  	v4 =	vmul.f32 v4, v1;
	_ =	sdelay $0x1  }
0x223: {  	v4 =	vsub.f32 $1.500000000e+00, v4;
	_ =	sdelay $0x1  }
0x224: {  	v1 =	vmul.f32 v4, v1;
	_ =	sdelay $0x1  }
0x225: {  	v3 =	vmul.f32 v1, v3;
	_ =	sdelay $0x1  }
0x226: {  	v3 =	vmul.f32 v3, v1;
	_ =	sdelay $0x1  }
0x227: {  	v3 =	vsub.f32 $1.500000000e+00, v3;
	_ =	sdelay $0x1  }
0x228: {  	v1 =	vmul.f32 v3, v1;
	_ =	sdelay $0x1  }
0x229: {  	v0 =	vmul.f32 v1, v0;
	v1 =	vld [tilespmem:$0x1FD00];
	_ =	sdelay $0x4  }
0x22a: {  	v3 =	vmul.f32 v0, v0;
	v1 =	vmul.f32 v0, v1;
	_ =	sdelay $0x1  }
0x22b: {  	v32 =	vsub.f32 $2.250000000e+02, v3;
	v1 =	vmax.f32 v1, $-2.302585030e+01  }
0x22c: {  	v1 =	vmul.f32 $1.442695020e+00, v1  }
0x22d: {  	v4 =	vadd.f32 $9.999999710e-10, v32  }
0x22e: {  	(erf) = vpow2.f32 v1  }
0x22f: {  	(erf) = vrcp.f32 v4;
	_ =	sdelay $0x7  }
0x230: {  	v3 =	vsub.f32 $0.0e+00, v3;
	v1 =	vpop (erf)  }
0x231: {  	v4 =	vpop (erf);
	v50 =	vsub.f32 $1.000000000e+00, v1  }
0x232: {  	v3 =	vmul.f32 v4, v3  }
0x233: {  	v51 =	vmul.f32 v50, v50  }
0x234: {  	v3 =	vmul.f32 $1.442695020e+00, v3  }
0x235: {  	v54 =	vmul.f32 v51, v51;
	v52 =	vmul.f32 v51, v50  }
0x236: {  	(erf) = vpow2.f32 v3;
	v3 =	vmul.f32 v1, v1  }
0x237: {  	v58 =	vmul.f32 v54, v54;
	v59 =	vmul.f32 v54, v52  }
0x238: {  	vm14 =	vlt.f32 v0, $1.500000000e+01;
	v0 =	vld [tilespmem:$0x1FD70];
	v60 =	vmul.f32 v54, v51;
	v61 =	vmul.f32 v54, v50  }
0x239: {  	v4 =	vmul.f32 v3, v3;
	v13 =	vmul.f32 v3, v1  }
0x23a: {  	v5 =	vmul.f32 v58, v58;
	v7 =	vmul.f32 v58, v60  }
0x23b: {  	v10 =	vmul.f32 v58, v61;
	v14 =	vmul.f32 v58, v54  }
0x23c: {  	v16 =	vmul.f32 v58, v52;
	v20 =	vmul.f32 v58, v51  }
0x23d: {  	vm15 =	vne.s32 v2, v0;
	v2 =	vmul.f32 v4, v4;
	v19 =	vmul.f32 v4, v1  }
0x23e: {  	v35 =	vmul.f32 v5, v7;
	v37 =	vmul.f32 v5, v10  }
0x23f: {  	v39 =	vmul.f32 v5, v14;
	v41 =	vmul.f32 v5, v16  }
0x240: {  	vm0 =	vmand vm15, vm14;
	v43 =	vmul.f32 v5, v20;
	v62 =	vmul.f32 v5, v59;
	v0 =	vpop (erf)  }
0x241: {  	v63 =	vmul.f32 v5, v54;
	v32 =	vmul.f32 v2, v1;
	v53 =	vnsel vm0, $0x0, v0  }
0x242: {  	v0 =	vmul.f32 v58, v59;
	v56 =	vmul.f32 $3.099999620e+01, v53  }
0x243: {  	v57 =	vmul.f32 $4.650000000e+02, v53;
	v12 =	vmul.f32 $4.494999510e+03, v53  }
0x244: {  	v15 =	vmul.f32 $3.146500390e+04, v53;
	v18 =	vmul.f32 $1.699109530e+05, v53  }
0x245: {  	v30 =	vmul.f32 $7.888725500e+06, v53;
	v31 =	vmul.f32 $2.016005800e+07, v53  }
0x246: {  	v33 =	vmul.f32 v5, v0;
	v34 =	vmul.f32 v56, v1  }
0x247: {  	v36 =	vmul.f32 v57, v3;
	v38 =	vmul.f32 v12, v13  }
0x248: {  	v40 =	vmul.f32 v15, v4;
	v42 =	vmul.f32 v18, v19  }
0x249: {  	v49 =	vmul.f32 v30, v2;
	v6 =	vmul.f32 v33, v53  }
0x24a: {  	v33 =	vmul.f32 $4.435214800e+07, v53;
	v8 =	vmul.f32 v35, v34  }
0x24b: {  	v9 =	vmul.f32 v37, v36;
	v11 =	vmul.f32 v39, v38  }
0x24c: {  	v17 =	vmul.f32 v41, v40;
	v23 =	vmul.f32 v43, v42  }
0x24d: {  	v29 =	vmul.f32 v62, v49;
	v34 =	vmul.f32 v2, v3  }
0x24e: {  	v35 =	vmul.f32 v31, v32;
	v36 =	vmul.f32 v5, v60  }
0x24f: {  	v38 =	vmul.f32 v5, v61;
	v39 =	vmul.f32 $8.467231200e+07, v53  }
0x250: {  	v40 =	vmul.f32 v2, v13;
	v41 =	vmul.f32 $1.411205920e+08, v53  }
0x251: {  	v42 =	vmul.f32 v2, v4;
	v62 =	vmul.f32 v5, v52  }
0x252: {  	v37 =	vmul.f32 v33, v34;
	v43 =	vmul.f32 v39, v40  }
0x253: {  	v49 =	vmul.f32 v41, v42;
	v35 =	vmul.f32 v36, v35  }
0x254: {  	v36 =	vmul.f32 v38, v37;
	v37 =	vmul.f32 v63, v43;
	v63 =	vld [tilespmem:$0x1FFF0];
	_ =	sdelay $0x1  }
0x255: {  	v26 =	vmul.f32 v58, v50;
	v38 =	vmul.f32 v62, v49;
	v49 =	vld [tilespmem:$0x1FDE0]  }
0x256: {  	v22 =	vmul.f32 v4, v3;
	v21 =	vmul.f32 $7.362808750e+05, v53;
	_ =	sdelay $0x1  }
0x257: {  	v45 =	vmul.f32 v5, v26;
	v44 =	vmul.f32 v21, v22  }
0x258: {  	v28 =	vmul.f32 v4, v13  }
0x259: {  	v27 =	vmul.f32 $2.629574000e+06, v53;
	v24 =	vmul.f32 v45, v44  }
0x25a: {  	v45 =	vmul.f32 v2, v22;
	[tilespmem:v63+s10+$0x0] =	vst.idx.msk $0xffff, v6;
	v6 =	vmul.f32 $2.651826400e+08, v53  }
0x25b: {  	v47 =	vmul.f32 v5, v58;
	v46 =	vmul.f32 v27, v28;
	[tilespmem:v48+s10+$0x0] =	vst.idx.msk $0xffff, v8  }
0x25c: {  	v62 =	vmul.f32 v5, v50;
	[tilespmem:v49+s10+$0x0] =	vst.idx.msk $0xffff, v9;
	v49 =	vld [tilespmem:$0x1FDF0];
	v9 =	vmul.f32 v6, v45  }
0x25d: {  	v25 =	vmul.f32 v47, v46;
	v46 =	vld [tilespmem:$0x1FE00]  }
0x25e: {  	v9 =	vmul.f32 v62, v9;
	v62 =	vld [tilespmem:$0x1FE30];
	_ =	sdelay $0x5  }
0x25f: {  	[tilespmem:v49+s10+$0x0] =	vst.idx.msk $0xffff, v11  }
0x260: {  	[tilespmem:v46+s10+$0x0] =	vst.idx.msk $0xffff, v17  }
0x261: {  	[tilespmem:v62+s10+$0x0] =	vst.idx.msk $0xffff, v23;
	v62 =	vld [tilespmem:$0x1FE40];
	_ =	sdelay $0x7  }
0x262: {  	[tilespmem:v62+s10+$0x0] =	vst.idx.msk $0xffff, v24;
	v24 =	vld [tilespmem:$0x1FFD0];
	_ =	sdelay $0x7  }
0x263: {  	[tilespmem:v24+s10+$0x0] =	vst.idx.msk $0xffff, v25;
	v25 =	vld [tilespmem:$0x1FE50];
	_ =	sdelay $0x7  }
0x264: {  	[tilespmem:v25+s10+$0x0] =	vst.idx.msk $0xffff, v29;
	v29 =	vld [tilespmem:$0x1FE60];
	_ =	sdelay $0x1  }
0x265: {  	v55 =	vmul.f32 v2, v2;
	v44 =	vmul.f32 v2, v19  }
0x266: {  	v63 =	vmul.f32 v2, v28;
	v11 =	vmul.f32 $3.005400320e+08, v53  }
0x267: {  	v3 =	vmul.f32 v55, v3;
	v43 =	vmul.f32 $2.062532160e+08, v53  }
0x268: {  	v46 =	vmul.f32 v11, v63  }
0x269: {  	v3 =	vmul.f32 v3, v43;
	v8 =	vmul.f32 v43, v44;
	v43 =	vld [tilespmem:$0x1FE70]  }
0x26a: {  	v47 =	vmul.f32 v5, v51;
	v5 =	vmul.f32 v46, v5;
	v46 =	vld [tilespmem:$0x1FE80]  }
0x26b: {  	[tilespmem:v29+s10+$0x0] =	vst.idx.msk $0xffff, v35;
	v35 =	vmul.f32 v55, v13;
	v13 =	vld [tilespmem:$0x1FE90]  }
0x26c: {  	v62 =	vmul.f32 v55, v19;
	v19 =	vld [tilespmem:$0x1FEA0]  }
0x26d: {  	v1 =	vmul.f32 v55, v1;
	v17 =	vmul.f32 v55, v22;
	v22 =	vld [tilespmem:$0x1FEB0]  }
0x26e: {  	v24 =	vld [tilespmem:$0x1FEC0]  }
0x26f: {  	v1 =	vmul.f32 v1, v6;
	v29 =	vld [tilespmem:$0x1FED0]  }
0x270: {  	v4 =	vmul.f32 v55, v4;
	v23 =	vmul.f32 v17, v31;
	v31 =	vld [tilespmem:$0x1FEE0]  }
0x271: {  	v1 =	vmul.f32 v1, v7;
	v7 =	vmul.f32 v62, v33;
	v33 =	vld [tilespmem:$0x1FEF0];
	[tilespmem:v43+s10+$0x0] =	vst.idx.msk $0xffff, v36  }
0x272: {  	v8 =	vmul.f32 v47, v8;
	[tilespmem:v46+s10+$0x0] =	vst.idx.msk $0xffff, v37;
	v6 =	vmul.f32 v35, v41;
	v35 =	vld [tilespmem:$0x1FF00]  }
0x273: {  	v11 =	vmul.f32 v11, v55;
	v37 =	vld [tilespmem:$0x1FF10];
	[tilespmem:v13+s10+$0x0] =	vst.idx.msk $0xffff, v38  }
0x274: {  	v4 =	vmul.f32 v4, v39;
	v38 =	vld [tilespmem:$0x1FF20];
	[tilespmem:v19+s10+$0x0] =	vst.idx.msk $0xffff, v8  }
0x275: {  	v0 =	vmul.f32 v11, v0;
	v41 =	vld [tilespmem:$0x1FF30];
	[tilespmem:v22+s10+$0x0] =	vst.idx.msk $0xffff, v9  }
0x276: {  	v4 =	vmul.f32 v4, v16;
	v2 =	vmul.f32 v55, v2;
	[tilespmem:v24+s10+$0x0] =	vst.idx.msk $0xffff, v5  }
0x277: {  	v3 =	vmul.f32 v3, v10;
	v28 =	vmul.f32 v55, v28;
	[tilespmem:v29+s10+$0x0] =	vst.idx.msk $0xffff, v0  }
0x278: {  	v2 =	vmul.f32 v2, v27;
	v6 =	vmul.f32 v6, v14;
	[tilespmem:v31+s10+$0x0] =	vst.idx.msk $0xffff, v1  }
0x279: {  	v1 =	vmul.f32 v28, v30;
	[tilespmem:v33+s10+$0x0] =	vst.idx.msk $0xffff, v3;
	v3 =	vmul.f32 v55, v34  }
0x27a: {  	v25 =	vmul.f32 v7, v20;
	v43 =	vld [tilespmem:$0x1FF40];
	v0 =	vmul.f32 v23, v26;
	[tilespmem:v35+s10+$0x0] =	vst.idx.msk $0xffff, v6  }
0x27b: {  	v1 =	vmul.f32 v1, v58;
	v58 =	vld [tilespmem:$0x1FF50];
	[tilespmem:v37+s10+$0x0] =	vst.idx.msk $0xffff, v4;
	v3 =	vmul.f32 v3, v18  }
0x27c: {  	v2 =	vmul.f32 v2, v59;
	v59 =	vld [tilespmem:$0x1FF60];
	[tilespmem:v38+s10+$0x0] =	vst.idx.msk $0xffff, v25  }
0x27d: {  	[tilespmem:v41+s10+$0x0] =	vst.idx.msk $0xffff, v0;
	v0 =	vmul.f32 v3, v61;
	v61 =	vld [tilespmem:$0x1FF70]  }
0x27e: {  	v32 =	vmul.f32 v55, v32;
	_ =	sdelay $0x1  }
0x27f: {  	v36 =	vmul.f32 v32, v21  }
0x280: {  	v3 =	vmul.f32 v55, v42  }
0x281: {  	v39 =	vmul.f32 v36, v60;
	[tilespmem:v43+s10+$0x0] =	vst.idx.msk $0xffff, v1  }
0x282: {  	[tilespmem:v58+s10+$0x0] =	vst.idx.msk $0xffff, v2;
	v2 =	vmul.f32 v3, v12;
	v3 =	vmul.f32 v55, v45  }
0x283: {  	[tilespmem:v59+s10+$0x0] =	vst.idx.msk $0xffff, v39  }
0x284: {  	[tilespmem:v61+s10+$0x0] =	vst.idx.msk $0xffff, v0;
	v0 =	vmul.f32 v2, v52;
	v2 =	vmul.f32 v3, v56;
	v3 =	vld [tilespmem:$0x1FF80];
	_ =	sdelay $0x1  }
0x285: {  	v40 =	vmul.f32 v55, v40;
	_ =	sdelay $0x1  }
0x286: {  	v1 =	vmul.f32 v40, v15;
	_ =	sdelay $0x1  }
0x287: {  	v1 =	vmul.f32 v1, v54  }
0x288: {  	v62 =	vld [tilespmem:$0x1FF90]  }
0x289: {  	[tilespmem:v3+s10+$0x0] =	vst.idx.msk $0xffff, v1;
	v3 =	vmul.f32 v55, v63;
	v63 =	vld [tilespmem:$0x1FFA0];
	_ =	sdelay $0x1  }
0x28a: {  	v46 =	vmul.f32 v55, v44;
	_ =	sdelay $0x1  }
0x28b: {  	v60 =	vmul.f32 v46, v57;
	_ =	sdelay $0x1  }
0x28c: {  	v1 =	vmul.f32 v60, v51  }
0x28d: {  	[tilespmem:v62+s10+$0x0] =	vst.idx.msk $0xffff, v0  }
0x28e: {  	[tilespmem:v63+s10+$0x0] =	vst.idx.msk $0xffff, v1;
	v1 =	vmul.f32 v3, v53;
	v3 =	vld [tilespmem:$0x1FFB0];
	_ =	sdelay $0x5  }
0x28f: {  	v0 =	vmul.f32 v2, v50;
	_ =	sdelay $0x1  }
0x290: {  	[tilespmem:v3+s10+$0x0] =	vst.idx.msk $0xffff, v0;
	v0 =	vld [tilespmem:$0x1FFC0];
	_ =	sdelay $0x3  }
0x291: {  	p0 =	sne.s32 s14, $0x50  }
.Ltmp1:
0x292: {  	_ = 	snop;
	(pc) =	sbr.rel @p0 .LBB2_4-.Ltmp1, $3  }
0x293: {  	_ =	sdelay $0x1  }
0x294: {  	s31 =	sadd.s32 $0x40, s15;
	s14 =	sadd.s32 $0x20, s14;
	s15 =	sadd.s32 $0x80, s15;
	v48 =	vld [tilespmem:$0x1FD00];
	[tilespmem:v0+s10+$0x0] =	vst.idx.msk $0xffff, v1  }
0x295: {  	v47 =	vld [tilespmem:$0x1FFF0];
	v2 =	vlaneseq.u32;
	[hbm4b:s31+s2] =	stream.linear.scatter [tilespmem:s10], [sflag:$0x2], $0x200, $0x38  }
0x296: {  	v0 =	vld [tilespmem:$0x1FDC0];
	_ =	sdelay $0x7  }
0x297: {  	v0 =	vld.idx.msk [tilespmem:v0+s2+$0x0], $0xffff;
	_ =	sdelay $0x4  }
0x298: {  	[tilespmem:$0x1FCA0] =	vst v0;
	v0 =	vld [tilespmem:$0x1FDB0];
	_ =	sdelay $0x7  }
0x299: {  	v0 =	vld.idx.msk [tilespmem:v0+s2+$0x0], $0xffff;
	_ =	sdelay $0x4  }
0x29a: {  	[tilespmem:$0x1FCB0] =	vst v0;
	v0 =	vld [tilespmem:$0x1FDD0];
	_ =	sdelay $0x7  }
0x29b: {  	v0 =	vld.idx.msk [tilespmem:v0+s2+$0x0], $0xffff;
	_ =	sdelay $0x3  }
0x29c: {  	v5 =	vld [tilespmem:$0x1FE20]  }
0x29d: {  	s14 =	simm.s32 $0x10;
	s15 =	smov.u32 s7;
	v63 =	vmov v47;
	v47 =	vld [tilespmem:$0x1FFE0];
	[tilespmem:$0x1FCC0] =	vst v0  }
.LBB2_6:
0x29e: {  	s16 =	sadd.s32 $0xFFFFFFF0, s14  }
0x29f: {  	v0 =	vor.u32 s16, v2  }
0x2a0: {  	v1 =	vmul.u32 $0x3, v0;
	_ =	sdelay $0x2  }
0x2a1: {  	_ =	swait.ge [sflag:s11], $0x200  }
0x2a2: {  	[sflag:s11] =	ssyncset.done $0x0  }
0x2a3: {  	v4 =	vld [tilespmem:$0x1FCA0];
	[sflag:s11] =	ssyncadd.s32 $0xFFFFFE00;
	v2 =	vadd.s32 $0x1, v1  }
0x2a4: {  	v3 =	vadd.s32 $0x2, v1;
	v1 =	vld.idx.msk [tilespmem:v1+s2+$0x0], $0xffff;
	_ =	sdelay $0x3  }
0x2a5: {  	v2 =	vld.idx.msk [tilespmem:v2+s2+$0x0], $0xffff  }
0x2a6: {  	v1 =	vsub.f32 v1, v4;
	v4 =	vld [tilespmem:$0x1FCB0];
	_ =	sdelay $0x3  }
0x2a7: {  	v3 =	vld.idx.msk [tilespmem:v3+s2+$0x0], $0xffff  }
0x2a8: {  	v2 =	vsub.f32 v2, v4;
	v4 =	vld [tilespmem:$0x1FCC0];
	_ =	sdelay $0x4  }
0x2a9: {  	v1 =	vmul.f32 v1, v1;
	v2 =	vmul.f32 v2, v2;
	v3 =	vsub.f32 v3, v4;
	_ =	sdelay $0x1  }
0x2aa: {  	v1 =	vadd.f32 v2, v1;
	v2 =	vmul.f32 v3, v3;
	_ =	sdelay $0x1  }
0x2ab: {  	v1 =	vadd.f32 v2, v1;
	_ =	sdelay $0x1  }
0x2ac: {  	v1 =	vadd.f32 $9.999999960e-13, v1;
	_ =	sdelay $0x1  }
0x2ad: {  	v2 =	vshrl.u32 v1, $0x1;
	v3 =	vmul.f32 $5.000000000e-01, v1  }
0x2ae: {  	v2 =	vsub.s32 $0x5F3759DF, v2  }
0x2af: {  	v4 =	vmul.f32 v2, v3;
	_ =	sdelay $0x1  }
0x2b0: {  	v4 =	vmul.f32 v2, v4;
	_ =	sdelay $0x1  }
0x2b1: {  	v4 =	vsub.f32 $1.500000000e+00, v4;
	_ =	sdelay $0x1  }
0x2b2: {  	v2 =	vmul.f32 v2, v4;
	_ =	sdelay $0x1  }
0x2b3: {  	v4 =	vmul.f32 v2, v3;
	_ =	sdelay $0x1  }
0x2b4: {  	v4 =	vmul.f32 v4, v2;
	_ =	sdelay $0x1  }
0x2b5: {  	v4 =	vsub.f32 $1.500000000e+00, v4;
	_ =	sdelay $0x1  }
0x2b6: {  	v2 =	vmul.f32 v4, v2;
	_ =	sdelay $0x1  }
0x2b7: {  	v3 =	vmul.f32 v2, v3;
	_ =	sdelay $0x1  }
0x2b8: {  	v3 =	vmul.f32 v3, v2;
	_ =	sdelay $0x1  }
0x2b9: {  	v3 =	vsub.f32 $1.500000000e+00, v3;
	_ =	sdelay $0x1  }
0x2ba: {  	v2 =	vmul.f32 v3, v2;
	_ =	sdelay $0x1  }
0x2bb: {  	v1 =	vmul.f32 v2, v1;
	_ =	sdelay $0x1  }
0x2bc: {  	v2 =	vmul.f32 v1, v48;
	v3 =	vmul.f32 v1, v1;
	_ =	sdelay $0x1  }
0x2bd: {  	v2 =	vmax.f32 v2, $-2.302585030e+01;
	v4 =	vsub.f32 $2.250000000e+02, v3  }
0x2be: {  	v2 =	vmul.f32 $1.442695020e+00, v2  }
0x2bf: {  	v4 =	vadd.f32 $9.999999710e-10, v4  }
0x2c0: {  	(erf) = vpow2.f32 v2  }
0x2c1: {  	(erf) = vrcp.f32 v4;
	_ =	sdelay $0x7  }
0x2c2: {  	v3 =	vsub.f32 $0.0e+00, v3;
	v2 =	vpop (erf)  }
0x2c3: {  	v4 =	vpop (erf);
	v50 =	vsub.f32 $1.000000000e+00, v2  }
0x2c4: {  	v3 =	vmul.f32 v4, v3  }
0x2c5: {  	v51 =	vmul.f32 v50, v50  }
0x2c6: {  	v3 =	vmul.f32 $1.442695020e+00, v3  }
0x2c7: {  	v54 =	vmul.f32 v51, v51  }
0x2c8: {  	v52 =	vmul.f32 v51, v50;
	(erf) = vpow2.f32 v3  }
0x2c9: {  	v3 =	vmul.f32 v2, v2;
	v58 =	vmul.f32 v54, v54  }
0x2ca: {  	v59 =	vmul.f32 v54, v52;
	v60 =	vmul.f32 v54, v51  }
0x2cb: {  	v61 =	vmul.f32 v54, v50;
	v4 =	vmul.f32 v3, v3  }
0x2cc: {  	vm1 =	vne.s32 v0, v5;
	v13 =	vmul.f32 v3, v2;
	v5 =	vmul.f32 v58, v58  }
0x2cd: {  	v7 =	vmul.f32 v58, v60;
	v10 =	vmul.f32 v58, v61  }
0x2ce: {  	v14 =	vmul.f32 v58, v54;
	v16 =	vmul.f32 v58, v52  }
0x2cf: {  	vm0 =	vlt.f32 v1, $1.500000000e+01;
	v26 =	vmul.f32 v58, v50;
	v1 =	vmul.f32 v4, v4  }
0x2d0: {  	v22 =	vmul.f32 v4, v3;
	v28 =	vmul.f32 v4, v13  }
0x2d1: {  	v9 =	vmul.f32 v5, v7;
	v11 =	vmul.f32 v5, v10  }
0x2d2: {  	v18 =	vmul.f32 v5, v14;
	v20 =	vmul.f32 v5, v16  }
0x2d3: {  	v29 =	vmul.f32 v5, v26;
	v32 =	vmul.f32 v5, v58  }
0x2d4: {  	v34 =	vmul.f32 v5, v59;
	v36 =	vmul.f32 v5, v60  }
0x2d5: {  	vm0 =	vmand vm1, vm0;
	v38 =	vmul.f32 v5, v61;
	v62 =	vmul.f32 v5, v52;
	v0 =	vpop (erf)  }
0x2d6: {  	v42 =	vmul.f32 v1, v4;
	v53 =	vnsel vm0, $0x0, v0;
	v0 =	vmul.f32 v58, v59  }
0x2d7: {  	v56 =	vmul.f32 $3.099999620e+01, v53;
	v57 =	vmul.f32 $4.650000000e+02, v53  }
0x2d8: {  	v12 =	vmul.f32 $4.494999510e+03, v53;
	v15 =	vmul.f32 $3.146500390e+04, v53  }
0x2d9: {  	v21 =	vmul.f32 $7.362808750e+05, v53;
	v27 =	vmul.f32 $2.629574000e+06, v53  }
0x2da: {  	v30 =	vmul.f32 $7.888725500e+06, v53;
	v6 =	vmul.f32 v5, v0  }
0x2db: {  	v8 =	vmul.f32 v56, v2;
	v17 =	vmul.f32 v12, v13  }
0x2dc: {  	v46 =	vmul.f32 v57, v3;
	v19 =	vmul.f32 v15, v4  }
0x2dd: {  	v25 =	vmul.f32 v21, v22;
	v48 =	vmul.f32 v18, v17  }
0x2de: {  	v17 =	vmul.f32 v20, v19;
	v18 =	vmul.f32 $1.699109530e+05, v53  }
0x2df: {  	v19 =	vmul.f32 v4, v2;
	v20 =	vmul.f32 v58, v51  }
0x2e0: {  	v31 =	vmul.f32 v27, v28;
	v33 =	vmul.f32 v30, v1  }
0x2e1: {  	v23 =	vmul.f32 v18, v19;
	v24 =	vmul.f32 v5, v20  }
0x2e2: {  	v8 =	vmul.f32 v9, v8;
	v9 =	vmul.f32 v11, v46  }
0x2e3: {  	v23 =	vmul.f32 v24, v23;
	v24 =	vmul.f32 v29, v25  }
0x2e4: {  	v25 =	vmul.f32 v32, v31;
	v29 =	vmul.f32 v34, v33  }
0x2e5: {  	v46 =	vld [tilespmem:$0x1FDE0];
	v31 =	vmul.f32 $2.016005800e+07, v53;
	v32 =	vmul.f32 v1, v2  }
0x2e6: {  	v33 =	vmul.f32 $4.435214800e+07, v53;
	v34 =	vmul.f32 v1, v3  }
0x2e7: {  	v41 =	vmul.f32 $1.411205920e+08, v53;
	v6 =	vmul.f32 v6, v53  }
0x2e8: {  	v35 =	vmul.f32 v31, v32;
	v37 =	vmul.f32 v33, v34  }
0x2e9: {  	v45 =	vmul.f32 v41, v42;
	[tilespmem:v63+s9+$0x0] =	vst.idx.msk $0xffff, v6;
	v6 =	vmul.f32 $2.651826400e+08, v53  }
0x2ea: {  	v35 =	vmul.f32 v36, v35;
	v36 =	vmul.f32 v38, v37  }
0x2eb: {  	v38 =	vmul.f32 v62, v45;
	v45 =	vmul.f32 v1, v22  }
0x2ec: {  	v40 =	vmul.f32 v1, v13;
	v39 =	vmul.f32 $8.467231200e+07, v53;
	[tilespmem:v47+s9+$0x0] =	vst.idx.msk $0xffff, v8  }
0x2ed: {  	v63 =	vmul.f32 v5, v50;
	[tilespmem:v46+s9+$0x0] =	vst.idx.msk $0xffff, v9;
	v9 =	vmul.f32 v6, v45  }
0x2ee: {  	v44 =	vmul.f32 v5, v54;
	v46 =	vld [tilespmem:$0x1FE00]  }
0x2ef: {  	v43 =	vmul.f32 v39, v40;
	v9 =	vmul.f32 v63, v9;
	v63 =	vld [tilespmem:$0x1FE30];
	_ =	sdelay $0x1  }
0x2f0: {  	v37 =	vmul.f32 v44, v43  }
0x2f1: {  	v43 =	vmul.f32 $2.062532160e+08, v53;
	v44 =	vmul.f32 v1, v19  }
0x2f2: {  	v55 =	vmul.f32 v1, v1  }
0x2f3: {  	v62 =	vmul.f32 v5, v51;
	v8 =	vmul.f32 v43, v44  }
0x2f4: {  	[tilespmem:v49+s9+$0x0] =	vst.idx.msk $0xffff, v48  }
0x2f5: {  	v2 =	vmul.f32 v55, v2;
	v8 =	vmul.f32 v62, v8;
	v62 =	vld [tilespmem:$0x1FE40];
	[tilespmem:v46+s9+$0x0] =	vst.idx.msk $0xffff, v17  }
0x2f6: {  	[tilespmem:v63+s9+$0x0] =	vst.idx.msk $0xffff, v23;
	v63 =	vld [tilespmem:$0x1FFD0]  }
0x2f7: {  	v2 =	vmul.f32 v2, v6;
	v6 =	vld [tilespmem:$0x1FE50];
	_ =	sdelay $0x5  }
0x2f8: {  	[tilespmem:v62+s9+$0x0] =	vst.idx.msk $0xffff, v24  }
0x2f9: {  	[tilespmem:v63+s9+$0x0] =	vst.idx.msk $0xffff, v25  }
0x2fa: {  	[tilespmem:v6+s9+$0x0] =	vst.idx.msk $0xffff, v29;
	v6 =	vld [tilespmem:$0x1FE60]  }
0x2fb: {  	v2 =	vmul.f32 v2, v7;
	v7 =	vld [tilespmem:$0x1FE70];
	_ =	sdelay $0x6  }
0x2fc: {  	[tilespmem:v6+s9+$0x0] =	vst.idx.msk $0xffff, v35  }
0x2fd: {  	[tilespmem:v7+s9+$0x0] =	vst.idx.msk $0xffff, v36;
	v7 =	vld [tilespmem:$0x1FE80];
	_ =	sdelay $0x2  }
0x2fe: {  	v11 =	vmul.f32 $3.005400320e+08, v53;
	v48 =	vmov v47;
	v47 =	vmul.f32 v1, v28;
	_ =	sdelay $0x1  }
0x2ff: {  	v17 =	vmul.f32 v11, v47;
	_ =	sdelay $0x1  }
0x300: {  	v5 =	vmul.f32 v17, v5;
	v17 =	vld [tilespmem:$0x1FE90]  }
0x301: {  	[tilespmem:v7+s9+$0x0] =	vst.idx.msk $0xffff, v37;
	v7 =	vmul.f32 v55, v19;
	v19 =	vmul.f32 v55, v22;
	v22 =	vld [tilespmem:$0x1FEA0]  }
0x302: {  	v23 =	vld [tilespmem:$0x1FEB0]  }
0x303: {  	v25 =	vld [tilespmem:$0x1FEC0];
	_ =	sdelay $0x4  }
0x304: {  	[tilespmem:v17+s9+$0x0] =	vst.idx.msk $0xffff, v38  }
0x305: {  	v7 =	vmul.f32 v7, v33;
	[tilespmem:v22+s9+$0x0] =	vst.idx.msk $0xffff, v8  }
0x306: {  	[tilespmem:v23+s9+$0x0] =	vst.idx.msk $0xffff, v9  }
0x307: {  	[tilespmem:v25+s9+$0x0] =	vst.idx.msk $0xffff, v5;
	v5 =	vmul.f32 v7, v20;
	v7 =	vmul.f32 v55, v28;
	v28 =	vld [tilespmem:$0x1FED0]  }
0x308: {  	v29 =	vld [tilespmem:$0x1FEE0];
	_ =	sdelay $0x2  }
0x309: {  	v11 =	vmul.f32 v11, v55;
	_ =	sdelay $0x1  }
0x30a: {  	v0 =	vmul.f32 v11, v0;
	_ =	sdelay $0x1  }
0x30b: {  	[tilespmem:v28+s9+$0x0] =	vst.idx.msk $0xffff, v0  }
0x30c: {  	[tilespmem:v29+s9+$0x0] =	vst.idx.msk $0xffff, v2;
	v2 =	vmul.f32 v7, v30;
	v30 =	vld [tilespmem:$0x1FEF0]  }
0x30d: {  	v24 =	vmul.f32 v19, v31;
	v31 =	vld [tilespmem:$0x1FF00]  }
0x30e: {  	v3 =	vmul.f32 v55, v3  }
0x30f: {  	v6 =	vmul.f32 v55, v13  }
0x310: {  	v3 =	vmul.f32 v3, v43  }
0x311: {  	v6 =	vmul.f32 v6, v41  }
0x312: {  	v3 =	vmul.f32 v3, v10  }
0x313: {  	v6 =	vmul.f32 v6, v14;
	v7 =	vmul.f32 v55, v32  }
0x314: {  	[tilespmem:v30+s9+$0x0] =	vst.idx.msk $0xffff, v3  }
0x315: {  	[tilespmem:v31+s9+$0x0] =	vst.idx.msk $0xffff, v6;
	v6 =	vmul.f32 v7, v21;
	v7 =	vld [tilespmem:$0x1FF10];
	_ =	sdelay $0x1  }
0x316: {  	v4 =	vmul.f32 v55, v4;
	_ =	sdelay $0x1  }
0x317: {  	v4 =	vmul.f32 v4, v39;
	_ =	sdelay $0x1  }
0x318: {  	v4 =	vmul.f32 v4, v16;
	_ =	sdelay $0x1  }
0x319: {  	[tilespmem:v7+s9+$0x0] =	vst.idx.msk $0xffff, v4;
	v4 =	vld [tilespmem:$0x1FF20];
	_ =	sdelay $0x7  }
0x31a: {  	[tilespmem:v4+s9+$0x0] =	vst.idx.msk $0xffff, v5;
	v4 =	vmul.f32 v6, v60;
	v6 =	vld [tilespmem:$0x1FF30];
	_ =	sdelay $0x5  }
0x31b: {  	v0 =	vmul.f32 v24, v26;
	_ =	sdelay $0x1  }
0x31c: {  	[tilespmem:v6+s9+$0x0] =	vst.idx.msk $0xffff, v0;
	v6 =	vld [tilespmem:$0x1FF40];
	_ =	sdelay $0x5  }
0x31d: {  	v2 =	vmul.f32 v2, v58;
	_ =	sdelay $0x1  }
0x31e: {  	[tilespmem:v6+s9+$0x0] =	vst.idx.msk $0xffff, v2;
	v6 =	vld [tilespmem:$0x1FF50];
	_ =	sdelay $0x1  }
0x31f: {  	v1 =	vmul.f32 v55, v1;
	_ =	sdelay $0x1  }
0x320: {  	v1 =	vmul.f32 v1, v27;
	_ =	sdelay $0x1  }
0x321: {  	v1 =	vmul.f32 v1, v59;
	_ =	sdelay $0x1  }
0x322: {  	[tilespmem:v6+s9+$0x0] =	vst.idx.msk $0xffff, v1;
	v6 =	vld [tilespmem:$0x1FF60];
	_ =	sdelay $0x3  }
0x323: {  	v5 =	vmul.f32 v55, v40;
	_ =	sdelay $0x1  }
0x324: {  	v2 =	vmul.f32 v5, v15;
	v5 =	vmul.f32 v55, v44;
	_ =	sdelay $0x1  }
0x325: {  	v3 =	vmul.f32 v55, v34;
	[tilespmem:v6+s9+$0x0] =	vst.idx.msk $0xffff, v4;
	v4 =	vmul.f32 v5, v57;
	v5 =	vld [tilespmem:$0x1FF70];
	_ =	sdelay $0x1  }
0x326: {  	v3 =	vmul.f32 v3, v18;
	_ =	sdelay $0x1  }
0x327: {  	v0 =	vmul.f32 v3, v61;
	v3 =	vmul.f32 v55, v42;
	_ =	sdelay $0x1  }
0x328: {  	v1 =	vmul.f32 v3, v12;
	v3 =	vmul.f32 v55, v45;
	_ =	sdelay $0x1  }
0x329: {  	[tilespmem:v5+s9+$0x0] =	vst.idx.msk $0xffff, v0;
	v0 =	vmul.f32 v1, v52;
	v1 =	vmul.f32 v3, v56;
	v3 =	vld [tilespmem:$0x1FF80];
	_ =	sdelay $0x5  }
0x32a: {  	v2 =	vmul.f32 v2, v54;
	_ =	sdelay $0x1  }
0x32b: {  	[tilespmem:v3+s9+$0x0] =	vst.idx.msk $0xffff, v2;
	v2 =	vmul.f32 v4, v51;
	v4 =	vld [tilespmem:$0x1FF90];
	_ =	sdelay $0x7  }
0x32c: {  	[tilespmem:v4+s9+$0x0] =	vst.idx.msk $0xffff, v0;
	v0 =	vmul.f32 v1, v50;
	v1 =	vld [tilespmem:$0x1FFA0];
	_ =	sdelay $0x5  }
0x32d: {  	v3 =	vmul.f32 v55, v47;
	_ =	sdelay $0x1  }
0x32e: {  	[tilespmem:v1+s9+$0x0] =	vst.idx.msk $0xffff, v2;
	v1 =	vmul.f32 v3, v53;
	v3 =	vld [tilespmem:$0x1FFB0];
	_ =	sdelay $0x7  }
0x32f: {  	[tilespmem:v3+s9+$0x0] =	vst.idx.msk $0xffff, v0;
	v3 =	vld [tilespmem:$0x1FFC0];
	_ =	sdelay $0x4  }
0x330: {  	v2 =	vlaneseq.u32  }
0x331: {  	v2 =	vor.u32 s14, v2  }
0x332: {  	v0 =	vmul.u32 $0x3, v2  }
0x333: {  	[tilespmem:v3+s9+$0x0] =	vst.idx.msk $0xffff, v1  }
0x334: {  	[hbm4b:s15+s2] =	stream.linear.scatter [tilespmem:s9], [sflag:$0x1], $0x200, $0x38;
	[tilespmem:$0x530] =	vst v63  }
0x335: {  	_ =	swait.ge [sflag:s12], $0x200  }
0x336: {  	[sflag:s12] =	ssyncset.done $0x0  }
0x337: {  	v1 =	vadd.s32 $0x1, v0;
	v4 =	vld [tilespmem:$0x1FCA0];
	[sflag:s12] =	ssyncadd.s32 $0xFFFFFE00  }
0x338: {  	v3 =	vadd.s32 $0x2, v0;
	v0 =	vld.idx.msk [tilespmem:v0+s2+$0x0], $0xffff;
	_ =	sdelay $0x3  }
0x339: {  	v1 =	vld.idx.msk [tilespmem:v1+s2+$0x0], $0xffff  }
0x33a: {  	v0 =	vsub.f32 v0, v4;
	v4 =	vld [tilespmem:$0x1FCB0];
	_ =	sdelay $0x3  }
0x33b: {  	v3 =	vld.idx.msk [tilespmem:v3+s2+$0x0], $0xffff  }
0x33c: {  	v1 =	vsub.f32 v1, v4;
	v4 =	vld [tilespmem:$0x1FCC0];
	_ =	sdelay $0x4  }
0x33d: {  	v0 =	vmul.f32 v0, v0;
	v1 =	vmul.f32 v1, v1;
	v3 =	vsub.f32 v3, v4;
	_ =	sdelay $0x1  }
0x33e: {  	v0 =	vadd.f32 v1, v0;
	v1 =	vmul.f32 v3, v3;
	_ =	sdelay $0x1  }
0x33f: {  	v0 =	vadd.f32 v1, v0;
	_ =	sdelay $0x1  }
0x340: {  	v0 =	vadd.f32 $9.999999960e-13, v0;
	_ =	sdelay $0x1  }
0x341: {  	v1 =	vshrl.u32 v0, $0x1;
	v3 =	vmul.f32 $5.000000000e-01, v0  }
0x342: {  	v1 =	vsub.s32 $0x5F3759DF, v1  }
0x343: {  	v4 =	vmul.f32 v1, v3;
	_ =	sdelay $0x1  }
0x344: {  	v4 =	vmul.f32 v1, v4;
	_ =	sdelay $0x1  }
0x345: {  	v4 =	vsub.f32 $1.500000000e+00, v4;
	_ =	sdelay $0x1  }
0x346: {  	v1 =	vmul.f32 v1, v4;
	_ =	sdelay $0x1  }
0x347: {  	v4 =	vmul.f32 v1, v3;
	_ =	sdelay $0x1  }
0x348: {  	v4 =	vmul.f32 v4, v1;
	_ =	sdelay $0x1  }
0x349: {  	v4 =	vsub.f32 $1.500000000e+00, v4;
	_ =	sdelay $0x1  }
0x34a: {  	v1 =	vmul.f32 v4, v1;
	_ =	sdelay $0x1  }
0x34b: {  	v3 =	vmul.f32 v1, v3;
	_ =	sdelay $0x1  }
0x34c: {  	v3 =	vmul.f32 v3, v1;
	_ =	sdelay $0x1  }
0x34d: {  	v3 =	vsub.f32 $1.500000000e+00, v3;
	_ =	sdelay $0x1  }
0x34e: {  	v1 =	vmul.f32 v3, v1;
	_ =	sdelay $0x1  }
0x34f: {  	v0 =	vmul.f32 v1, v0;
	v1 =	vld [tilespmem:$0x1FD00];
	_ =	sdelay $0x4  }
0x350: {  	v3 =	vmul.f32 v0, v0;
	v1 =	vmul.f32 v0, v1;
	_ =	sdelay $0x1  }
0x351: {  	v4 =	vsub.f32 $2.250000000e+02, v3;
	v1 =	vmax.f32 v1, $-2.302585030e+01  }
0x352: {  	v1 =	vmul.f32 $1.442695020e+00, v1  }
0x353: {  	v4 =	vadd.f32 $9.999999710e-10, v4  }
0x354: {  	(erf) = vpow2.f32 v1  }
0x355: {  	(erf) = vrcp.f32 v4;
	_ =	sdelay $0x7  }
0x356: {  	v3 =	vsub.f32 $0.0e+00, v3;
	v1 =	vpop (erf)  }
0x357: {  	v4 =	vpop (erf);
	v50 =	vsub.f32 $1.000000000e+00, v1  }
0x358: {  	v3 =	vmul.f32 v4, v3  }
0x359: {  	v51 =	vmul.f32 v50, v50  }
0x35a: {  	v3 =	vmul.f32 $1.442695020e+00, v3  }
0x35b: {  	v54 =	vmul.f32 v51, v51;
	v52 =	vmul.f32 v51, v50  }
0x35c: {  	(erf) = vpow2.f32 v3;
	v3 =	vmul.f32 v1, v1  }
0x35d: {  	v58 =	vmul.f32 v54, v54;
	v59 =	vmul.f32 v54, v52  }
0x35e: {  	vm14 =	vlt.f32 v0, $1.500000000e+01;
	v0 =	vld [tilespmem:$0x1FE20];
	v60 =	vmul.f32 v54, v51;
	v61 =	vmul.f32 v54, v50  }
0x35f: {  	v4 =	vmul.f32 v3, v3;
	v13 =	vmul.f32 v3, v1  }
0x360: {  	v5 =	vmul.f32 v58, v58;
	v7 =	vmul.f32 v58, v60  }
0x361: {  	v10 =	vmul.f32 v58, v61;
	v14 =	vmul.f32 v58, v54  }
0x362: {  	v16 =	vmul.f32 v58, v52;
	v20 =	vmul.f32 v58, v51  }
0x363: {  	vm15 =	vne.s32 v2, v0;
	v26 =	vmul.f32 v58, v50;
	v2 =	vmul.f32 v4, v4  }
0x364: {  	v19 =	vmul.f32 v4, v1;
	v22 =	vmul.f32 v4, v3  }
0x365: {  	v33 =	vmul.f32 v5, v7;
	v35 =	vmul.f32 v5, v10  }
0x366: {  	vm0 =	vmand vm15, vm14;
	v37 =	vmul.f32 v5, v14;
	v39 =	vmul.f32 v5, v16;
	v0 =	vpop (erf)  }
0x367: {  	v41 =	vmul.f32 v5, v20;
	v43 =	vmul.f32 v5, v26;
	v53 =	vnsel vm0, $0x0, v0  }
0x368: {  	v62 =	vmul.f32 v5, v59;
	v56 =	vmul.f32 $3.099999620e+01, v53  }
0x369: {  	v57 =	vmul.f32 $4.650000000e+02, v53;
	v12 =	vmul.f32 $4.494999510e+03, v53  }
0x36a: {  	v15 =	vmul.f32 $3.146500390e+04, v53;
	v18 =	vmul.f32 $1.699109530e+05, v53  }
0x36b: {  	v21 =	vmul.f32 $7.362808750e+05, v53;
	v30 =	vmul.f32 $7.888725500e+06, v53  }
0x36c: {  	v31 =	vmul.f32 $2.016005800e+07, v53;
	v32 =	vmul.f32 v56, v1  }
0x36d: {  	v34 =	vmul.f32 v57, v3;
	v36 =	vmul.f32 v12, v13  }
0x36e: {  	v38 =	vmul.f32 v15, v4;
	v40 =	vmul.f32 v18, v19  }
0x36f: {  	v42 =	vmul.f32 v21, v22;
	v47 =	vmul.f32 v30, v2  }
0x370: {  	v8 =	vmul.f32 v33, v32;
	v9 =	vmul.f32 v35, v34  }
0x371: {  	v11 =	vmul.f32 v37, v36;
	v17 =	vmul.f32 v39, v38  }
0x372: {  	v23 =	vmul.f32 v41, v40;
	v24 =	vmul.f32 v43, v42  }
0x373: {  	v29 =	vmul.f32 v62, v47;
	v32 =	vmul.f32 v2, v1  }
0x374: {  	v33 =	vmul.f32 $4.435214800e+07, v53;
	v34 =	vmul.f32 v2, v3  }
0x375: {  	v36 =	vmul.f32 v5, v60;
	v38 =	vmul.f32 v5, v61  }
0x376: {  	v41 =	vmul.f32 $1.411205920e+08, v53;
	v42 =	vmul.f32 v2, v4  }
0x377: {  	v62 =	vmul.f32 v5, v52;
	v35 =	vmul.f32 v31, v32  }
0x378: {  	v37 =	vmul.f32 v33, v34;
	v63 =	vmul.f32 v41, v42  }
0x379: {  	v35 =	vmul.f32 v36, v35  }
0x37a: {  	v36 =	vmul.f32 v38, v37;
	v38 =	vmul.f32 v62, v63;
	v63 =	vld [tilespmem:$0x1FFF0];
	_ =	sdelay $0x1  }
0x37b: {  	v0 =	vmul.f32 v58, v59;
	v62 =	vld [tilespmem:$0x1FDE0]  }
0x37c: {  	v28 =	vmul.f32 v4, v13;
	v27 =	vmul.f32 $2.629574000e+06, v53  }
0x37d: {  	v6 =	vmul.f32 v5, v0  }
0x37e: {  	v45 =	vmul.f32 v5, v58;
	v44 =	vmul.f32 v27, v28  }
0x37f: {  	v6 =	vmul.f32 v6, v53  }
0x380: {  	v25 =	vmul.f32 v45, v44  }
0x381: {  	v45 =	vmul.f32 v2, v22;
	[tilespmem:v63+s10+$0x0] =	vst.idx.msk $0xffff, v6;
	v6 =	vmul.f32 $2.651826400e+08, v53  }
0x382: {  	[tilespmem:v48+s10+$0x0] =	vst.idx.msk $0xffff, v8  }
0x383: {  	[tilespmem:v62+s10+$0x0] =	vst.idx.msk $0xffff, v9;
	v9 =	vmul.f32 v6, v45;
	v62 =	vmul.f32 v5, v50;
	_ =	sdelay $0x1  }
0x384: {  	v9 =	vmul.f32 v62, v9;
	v62 =	vld [tilespmem:$0x1FE30];
	_ =	sdelay $0x5  }
0x385: {  	[tilespmem:v49+s10+$0x0] =	vst.idx.msk $0xffff, v11  }
0x386: {  	[tilespmem:v46+s10+$0x0] =	vst.idx.msk $0xffff, v17;
	v46 =	vld [tilespmem:$0x1FE40]  }
0x387: {  	[tilespmem:v62+s10+$0x0] =	vst.idx.msk $0xffff, v23;
	v62 =	vld [tilespmem:$0x1FFD0]  }
0x388: {  	v55 =	vmul.f32 v2, v2;
	v39 =	vmul.f32 $8.467231200e+07, v53  }
0x389: {  	v40 =	vmul.f32 v2, v13;
	v44 =	vmul.f32 v5, v54  }
0x38a: {  	v63 =	vmul.f32 v2, v28;
	v11 =	vmul.f32 $3.005400320e+08, v53  }
0x38b: {  	v47 =	vmul.f32 v5, v51;
	v43 =	vmul.f32 v39, v40  }
0x38c: {  	v3 =	vmul.f32 v55, v3;
	v23 =	vmul.f32 v11, v63  }
0x38d: {  	v37 =	vmul.f32 v44, v43;
	v43 =	vmul.f32 $2.062532160e+08, v53  }
0x38e: {  	v44 =	vmul.f32 v2, v19;
	[tilespmem:v46+s10+$0x0] =	vst.idx.msk $0xffff, v24;
	v5 =	vmul.f32 v23, v5;
	v23 =	vld [tilespmem:$0x1FE50]  }
0x38f: {  	[tilespmem:v62+s10+$0x0] =	vst.idx.msk $0xffff, v25;
	v25 =	vld [tilespmem:$0x1FE60]  }
0x390: {  	v3 =	vmul.f32 v3, v43;
	v8 =	vmul.f32 v43, v44;
	v43 =	vld [tilespmem:$0x1FE70]  }
0x391: {  	v24 =	vld [tilespmem:$0x1FE80];
	_ =	sdelay $0x4  }
0x392: {  	[tilespmem:v23+s10+$0x0] =	vst.idx.msk $0xffff, v29  }
0x393: {  	[tilespmem:v25+s10+$0x0] =	vst.idx.msk $0xffff, v35  }
0x394: {  	v1 =	vmul.f32 v55, v1;
	v46 =	vld [tilespmem:$0x1FE90];
	[tilespmem:v43+s10+$0x0] =	vst.idx.msk $0xffff, v36  }
0x395: {  	[tilespmem:v24+s10+$0x0] =	vst.idx.msk $0xffff, v37;
	v24 =	vld [tilespmem:$0x1FEA0]  }
0x396: {  	v1 =	vmul.f32 v1, v6;
	v29 =	vld [tilespmem:$0x1FEB0]  }
0x397: {  	v6 =	vmul.f32 v55, v13;
	v36 =	vld [tilespmem:$0x1FEC0]  }
0x398: {  	v1 =	vmul.f32 v1, v7;
	v7 =	vmul.f32 v55, v19;
	v25 =	vld [tilespmem:$0x1FED0]  }
0x399: {  	v6 =	vmul.f32 v6, v41;
	v41 =	vld [tilespmem:$0x1FEE0]  }
0x39a: {  	v7 =	vmul.f32 v7, v33;
	v33 =	vld [tilespmem:$0x1FEF0]  }
0x39b: {  	v8 =	vmul.f32 v47, v8;
	v37 =	vld [tilespmem:$0x1FF00]  }
0x39c: {  	v11 =	vmul.f32 v11, v55;
	[tilespmem:v46+s10+$0x0] =	vst.idx.msk $0xffff, v38  }
0x39d: {  	[tilespmem:v24+s10+$0x0] =	vst.idx.msk $0xffff, v8  }
0x39e: {  	v0 =	vmul.f32 v11, v0;
	[tilespmem:v29+s10+$0x0] =	vst.idx.msk $0xffff, v9  }
0x39f: {  	[tilespmem:v36+s10+$0x0] =	vst.idx.msk $0xffff, v5;
	v5 =	vmul.f32 v7, v20;
	v7 =	vmul.f32 v55, v28  }
0x3a0: {  	v3 =	vmul.f32 v3, v10;
	v6 =	vmul.f32 v6, v14;
	[tilespmem:v25+s10+$0x0] =	vst.idx.msk $0xffff, v0  }
0x3a1: {  	[tilespmem:v41+s10+$0x0] =	vst.idx.msk $0xffff, v1;
	v1 =	vmul.f32 v7, v30;
	v7 =	vmul.f32 v55, v32  }
0x3a2: {  	[tilespmem:v33+s10+$0x0] =	vst.idx.msk $0xffff, v3  }
0x3a3: {  	[tilespmem:v37+s10+$0x0] =	vst.idx.msk $0xffff, v6;
	v6 =	vmul.f32 v7, v21;
	v7 =	vld [tilespmem:$0x1FF10];
	_ =	sdelay $0x1  }
0x3a4: {  	v4 =	vmul.f32 v55, v4  }
0x3a5: {  	v2 =	vmul.f32 v55, v2  }
0x3a6: {  	v4 =	vmul.f32 v4, v39  }
0x3a7: {  	v2 =	vmul.f32 v2, v27  }
0x3a8: {  	v4 =	vmul.f32 v4, v16  }
0x3a9: {  	v2 =	vmul.f32 v2, v59;
	v59 =	vld [tilespmem:$0x1FF20]  }
0x3aa: {  	[tilespmem:v7+s10+$0x0] =	vst.idx.msk $0xffff, v4;
	v4 =	vmul.f32 v6, v60;
	v6 =	vld [tilespmem:$0x1FF30];
	_ =	sdelay $0x1  }
0x3ab: {  	v62 =	vmul.f32 v55, v22;
	_ =	sdelay $0x1  }
0x3ac: {  	v35 =	vmul.f32 v62, v31;
	v3 =	vmul.f32 v55, v34;
	_ =	sdelay $0x1  }
0x3ad: {  	v0 =	vmul.f32 v35, v26;
	v3 =	vmul.f32 v3, v18  }
0x3ae: {  	v1 =	vmul.f32 v1, v58;
	v58 =	vld [tilespmem:$0x1FF40];
	[tilespmem:v59+s10+$0x0] =	vst.idx.msk $0xffff, v5  }
0x3af: {  	[tilespmem:v6+s10+$0x0] =	vst.idx.msk $0xffff, v0;
	v0 =	vmul.f32 v3, v61;
	v61 =	vld [tilespmem:$0x1FF50]  }
0x3b0: {  	v62 =	vld [tilespmem:$0x1FF60]  }
0x3b1: {  	v39 =	vld [tilespmem:$0x1FF70]  }
0x3b2: {  	v46 =	vld [tilespmem:$0x1FF80];
	_ =	sdelay $0x1  }
0x3b3: {  	v5 =	vmul.f32 v55, v40;
	_ =	sdelay $0x1  }
0x3b4: {  	[tilespmem:v58+s10+$0x0] =	vst.idx.msk $0xffff, v1;
	v1 =	vmul.f32 v5, v15;
	v5 =	vmul.f32 v55, v44  }
0x3b5: {  	[tilespmem:v61+s10+$0x0] =	vst.idx.msk $0xffff, v2  }
0x3b6: {  	v1 =	vmul.f32 v1, v54;
	[tilespmem:v62+s10+$0x0] =	vst.idx.msk $0xffff, v4;
	v4 =	vmul.f32 v5, v57  }
0x3b7: {  	[tilespmem:v39+s10+$0x0] =	vst.idx.msk $0xffff, v0  }
0x3b8: {  	[tilespmem:v46+s10+$0x0] =	vst.idx.msk $0xffff, v1;
	v1 =	vmul.f32 v4, v51;
	v4 =	vld [tilespmem:$0x1FF90]  }
0x3b9: {  	v38 =	vld [tilespmem:$0x1FFA0]  }
0x3ba: {  	v3 =	vmul.f32 v55, v42;
	_ =	sdelay $0x1  }
0x3bb: {  	v2 =	vmul.f32 v3, v12  }
0x3bc: {  	v3 =	vmul.f32 v55, v45  }
0x3bd: {  	v0 =	vmul.f32 v2, v52  }
0x3be: {  	v2 =	vmul.f32 v3, v56;
	v3 =	vmul.f32 v55, v63  }
0x3bf: {  	[tilespmem:v4+s10+$0x0] =	vst.idx.msk $0xffff, v0  }
0x3c0: {  	[tilespmem:v38+s10+$0x0] =	vst.idx.msk $0xffff, v1;
	v1 =	vmul.f32 v3, v53;
	v3 =	vld [tilespmem:$0x1FFB0]  }
0x3c1: {  	v43 =	vld [tilespmem:$0x1FFC0];
	_ =	sdelay $0x3  }
0x3c2: {  	p0 =	sne.s32 s14, $0x50  }
.Ltmp2:
0x3c3: {  	v0 =	vmul.f32 v2, v50;
	(pc) =	sbr.rel @p0 .LBB2_6-.Ltmp2, $4  }
0x3c4: {  	v49 =	vld [tilespmem:$0x1FDF0]  }
0x3c5: {  	v47 =	vmov v48;
	v48 =	vld [tilespmem:$0x1FD00];
	[tilespmem:v3+s10+$0x0] =	vst.idx.msk $0xffff, v0  }
0x3c6: {  	s31 =	sadd.s32 $0x40, s15;
	s14 =	sadd.s32 $0x20, s14;
	s15 =	sadd.s32 $0x80, s15;
	v5 =	vld [tilespmem:$0x1FE20];
	[tilespmem:v43+s10+$0x0] =	vst.idx.msk $0xffff, v1  }
0x3c7: {  	v63 =	vld [tilespmem:$0x1FFF0];
	v2 =	vlaneseq.u32;
	[hbm4b:s31+s2] =	stream.linear.scatter [tilespmem:s10], [sflag:$0x2], $0x200, $0x38  }
0x3c8: {  	s13 =	sadd.s32 $0x1, s13  }
0x3c9: {  	_ =	swait.ge [sflag:s11], $0x200;
	p0 =	sne.s32 s13, s4  }
.Ltmp3:
0x3ca: {  	[sflag:s11] =	ssyncset.done $0x0;
	(pc) =	sbr.rel @p0 .LBB2_1-.Ltmp3, $4  }
0x3cb: {  	[sflag:s11] =	ssyncadd.s32 $0xFFFFFE00  }
0x3cc: {  	_ =	swait.ge [sflag:s12], $0x200  }
0x3cd: {  	[sflag:s12] =	ssyncset.done $0x0  }
0x3ce: {  	v1 =	vld [tilespmem:$0x1FE10];
	[sflag:s12] =	ssyncadd.s32 $0xFFFFFE00  }
0x3cf: {  	_ =	sfence.sel $0x180000  }
0x3d0: {  	[bflag:$0x0] =	sbarrier.arrive $0xFFFF  }
0x3d1: {  	p0 =	sne.s32 s0, $0x0;
	_ =	strace $0x90000047  }
0x3d2: {  	s0 =	sadd.s32 @!p0 $0x100000, s1;
	[bflag:$0x2] =	sbarrier.arrive $0xFFFF  }
0x3d3: {  	[sflag:s0] =	ssyncadd.tile.s32 @!p0 $0x1;
	_ =	shalt  }
.Lfunc_end2:
_tile_overlayer_lowered:
.L_overlay_start_2:
0x3d4: {  	(tag) =	ssettag $0x2  }
0x3d5: {  	s0 =	rddreg [dreg:$0x0];
	s2 =	stileid.u32  }
0x3d6: {  	s1 =	rddreg [dreg:$0x1];
	p0 =	sne.s32 s2, $0x0  }
0x3d7: {  	s3 =	rddreg [dreg:$0x2];
	[bflag:$0x3] =	sbarrier.arrive $0xFFFF;
	s2 =	simm.s32 @!p0 $0x1C03  }
0x3d8: {  	[timem:s3], [sflag:s2] =	dma.local @!p0 [hbm:s0], s1  }
0x3d9: {  	s0 =	simm.s32 @!p0 $0x3  }
0x3da: {  	_ =	swait.ge @!p0 [sflag:s0], s1  }
0x3db: {  	s1 =	ssub.s32 @!p0 $0x0, s1;
	[sflag:s0] =	ssyncset.done @!p0 $0x0  }
0x3dc: {  	[sflag:s0] =	ssyncadd.s32 @!p0 s1  }
0x3dd: {  	[bflag:$0x3] =	sbarrier.arrive $0xFFFF  }
0x3de: {  	_ =	shalt  }

</sc_bundles>
